<compile_context>
chip_gen: v7x
topology: tpu7x:2x2x1
jax: 0.10.2.dev20260603
libtpu: 0.0.44.dev20260713+nightly
codegen_flags: <defaults>
</compile_context>

<pallas_src>
import functools

import jax
import jax.numpy as jnp
from jax import lax
from jax.experimental import pallas as pl
from jax.experimental.pallas import tpu as pltpu
from jax.experimental.pallas import tpu_sc as plsc

N = 10000
E = 320000
R = 16
NB = 8
D_IN = 128
DH = 64
DO = 32
NR = N * R

NC = 2
NS = 16
NW = NC * NS
CK = 80
C = E // CK
CPW = 126
PADC = NW * CPW
PADSEG = NR
NSL = N // NS
RSL = NR // NS

_f32 = jnp.float32
_i32 = jnp.int32



def _prep_body(e2_ref, et_ref, g_ref, s_ref, d_ref):
    src = e2_ref[0]
    dst = e2_ref[1]
    t = et_ref[:]
    g_ref[:] = src * R + t
    s_ref[:] = dst * R + t
    d_ref[:] = dst


def _invrep_body(cnt_ref, inv_ref):
    c = cnt_ref[0] + cnt_ref[1]
    inv = 1.0 / jnp.maximum(c, 1.0)
    inv_ref[:] = jnp.broadcast_to(inv, (inv.shape[0], 16))


def _make_lin_body(d_in, d_out):
    def body(h_ref, bf_ref, comp_ref, root_ref, bias_ref, u_ref, xr_ref):
        h = h_ref[:]
        bf = bf_ref[:]
        comp = comp_ref[:]
        for r in range(R):
            w = bf[:, 0:d_out] * comp[r:r + 1, 0:1]
            for b in range(1, NB):
                w = w + bf[:, b * d_out:(b + 1) * d_out] * comp[r:r + 1, b:b + 1]
            u_ref[:, r * d_out:(r + 1) * d_out] = jnp.dot(
                h, w, preferred_element_type=_f32)
        xr_ref[:] = jnp.dot(h, root_ref[:], preferred_element_type=_f32) + bias_ref[:]
    return body


def _mid_body(ap_ref, xr1_ref, bf_ref, comp_ref, root_ref, bias_ref, u_ref, xr_ref):
    h = jnp.maximum(ap_ref[0] + ap_ref[1] + xr1_ref[:], 0.0)
    bf = bf_ref[:]
    comp = comp_ref[:]
    for r in range(R):
        w = bf[:, 0:DO] * comp[r:r + 1, 0:1]
        for b in range(1, NB):
            w = w + bf[:, b * DO:(b + 1) * DO] * comp[r:r + 1, b:b + 1]
        u_ref[:, r * DO:(r + 1) * DO] = jnp.dot(h, w, preferred_element_type=_f32)
    xr_ref[:] = jnp.dot(h, root_ref[:], preferred_element_type=_f32) + bias_ref[:]


def _fin_body(ap_ref, xr2_ref, o_ref):
    o = ap_ref[0] + ap_ref[1] + xr2_ref[:]
    nrm = jnp.sqrt(jnp.sum(o * o, axis=1, keepdims=True))
    o_ref[:] = o / jnp.maximum(nrm, 1e-6)


_BN = 1000


def _tc_lin1(x, bf1, comp1, root1, bias1):
    return pl.pallas_call(
        _make_lin_body(D_IN, DH),
        grid=(N // _BN,),
        in_specs=[
            pl.BlockSpec((_BN, D_IN), lambda i: (i, 0)),
            pl.BlockSpec((D_IN, NB * DH), lambda i: (0, 0)),
            pl.BlockSpec((R, NB), lambda i: (0, 0)),
            pl.BlockSpec((D_IN, DH), lambda i: (0, 0)),
            pl.BlockSpec((1, DH), lambda i: (0, 0)),
        ],
        out_specs=[
            pl.BlockSpec((_BN, R * DH), lambda i: (i, 0)),
            pl.BlockSpec((_BN, DH), lambda i: (i, 0)),
        ],
        out_shape=[
            jax.ShapeDtypeStruct((N, R * DH), _f32),
            jax.ShapeDtypeStruct((N, DH), _f32),
        ],
    )(x, bf1, comp1, root1, bias1)


def _tc_mid(accp1, xr1, bf2, comp2, root2, bias2):
    return pl.pallas_call(
        _mid_body,
        grid=(N // _BN,),
        in_specs=[
            pl.BlockSpec((NC, _BN, DH), lambda i: (0, i, 0)),
            pl.BlockSpec((_BN, DH), lambda i: (i, 0)),
            pl.BlockSpec((DH, NB * DO), lambda i: (0, 0)),
            pl.BlockSpec((R, NB), lambda i: (0, 0)),
            pl.BlockSpec((DH, DO), lambda i: (0, 0)),
            pl.BlockSpec((1, DO), lambda i: (0, 0)),
        ],
        out_specs=[
            pl.BlockSpec((_BN, R * DO), lambda i: (i, 0)),
            pl.BlockSpec((_BN, DO), lambda i: (i, 0)),
        ],
        out_shape=[
            jax.ShapeDtypeStruct((N, R * DO), _f32),
            jax.ShapeDtypeStruct((N, DO), _f32),
        ],
    )(accp1, xr1, bf2, comp2, root2, bias2)


def _tc_fin(accp2, xr2):
    return pl.pallas_call(
        _fin_body,
        grid=(N // _BN,),
        in_specs=[
            pl.BlockSpec((NC, _BN, DO), lambda i: (0, i, 0)),
            pl.BlockSpec((_BN, DO), lambda i: (i, 0)),
        ],
        out_specs=pl.BlockSpec((_BN, DO), lambda i: (i, 0)),
        out_shape=jax.ShapeDtypeStruct((N, DO), _f32),
    )(accp2, xr2)



def _sc_mesh():
    return plsc.VectorSubcoreMesh(core_axis_name="c", subcore_axis_name="s")


def _count_body(s_hbm, cntp, cnt_sh, sidx, ones, zb, sem):
    cc = lax.axis_index("c")
    ss = lax.axis_index("s")
    w = cc * NS + ss

    @pl.loop(0, RSL // 16)
    def _zb(i):
        zb[pl.ds(i * 16, 16)] = jnp.zeros((16,), _f32)

    @pl.loop(0, CK // 16)
    def _ones(i):
        ones[pl.ds(i * 16, 16)] = jnp.full((16,), 1.0, _f32)

    pltpu.sync_copy(zb, cnt_sh.at[pl.ds(ss * RSL, RSL)])
    plsc.subcore_barrier()

    @pl.loop(w, C, step=NW)
    def _chunk(j):
        pltpu.async_copy(s_hbm.at[j], sidx, sem).wait()
        pltpu.sync_copy(ones, cnt_sh.at[sidx], add=True)

    plsc.subcore_barrier()
    pltpu.sync_copy(cnt_sh.at[pl.ds(ss * RSL, RSL)], zb)
    pltpu.sync_copy(zb, cntp.at[pl.ds(cc * NR + ss * RSL, RSL)])


def _sc_count(sarr):
    kern = functools.partial(
        pl.kernel,
        out_type=jax.ShapeDtypeStruct((NC * NR,), _f32),
        mesh=_sc_mesh(),
        compiler_params=pltpu.CompilerParams(use_tc_tiling_on_sc=False),
        scratch_types=[
            pltpu.VMEM_SHARED((NR,), _f32),
            pltpu.VMEM((CK,), _i32),
            pltpu.VMEM((CK,), _f32),
            pltpu.VMEM((RSL,), _f32),
            pltpu.SemaphoreType.DMA,
        ],
    )(_count_body)
    return kern(sarr)


def _make_edge_body(dh):
    def body(u_hbm, inv_hbm, g_hbm, s_hbm, d_hbm, accp,
             acc_sh, giA, siA, diA, scA, scB, rowsA, rowsB, zrow,
             su_a, su_b, ss_a, ss_b):
        cc = lax.axis_index("c")
        ss = lax.axis_index("s")
        w = cc * NS + ss

        @pl.loop(0, NSL)
        def _zero(i):
            for q in range(dh // 16):
                zrow[i, pl.ds(q * 16, 16)] = jnp.zeros((16,), _f32)

        pltpu.sync_copy(zrow, acc_sh.at[pl.ds(ss * NSL, NSL)])

        pltpu.sync_copy(g_hbm.at[pl.ds(w * CPW, CPW)], giA)
        pltpu.sync_copy(s_hbm.at[pl.ds(w * CPW, CPW)], siA)
        pltpu.sync_copy(d_hbm.at[pl.ds(w * CPW, CPW)], diA)
        plsc.subcore_barrier()

        def issue(j, rows_buf, sc_buf, sem_u, sem_s):
            pltpu.async_copy(u_hbm.at[giA.at[j]], rows_buf, sem_u)
            pltpu.async_copy(inv_hbm.at[siA.at[j]], sc_buf, sem_s)

        def drain(rows_buf, sc_buf, sem_u, sem_s):
            pltpu.make_async_copy(u_hbm.at[giA.at[0]], rows_buf, sem_u).wait()
            pltpu.make_async_copy(inv_hbm.at[siA.at[0]], sc_buf, sem_s).wait()

        def process(j, rows_buf, sc_buf, sem_u, sem_s):
            drain(rows_buf, sc_buf, sem_u, sem_s)

            @pl.loop(0, CK, unroll=4)
            def _scale(e):
                sv = sc_buf[e, pl.ds(0, 16)]
                for q in range(dh // 16):
                    v = rows_buf[e, pl.ds(q * 16, 16)]
                    rows_buf[e, pl.ds(q * 16, 16)] = v * sv

            pltpu.sync_copy(rows_buf, acc_sh.at[diA.at[j]], add=True)

        issue(0, rowsA, scA, su_a, ss_a)

        @pl.loop(0, CPW // 2)
        def _pair(i):
            j0 = 2 * i
            j1 = 2 * i + 1
            issue(j1, rowsB, scB, su_b, ss_b)
            process(j0, rowsA, scA, su_a, ss_a)
            issue(jnp.minimum(j1 + 1, CPW - 1), rowsA, scA, su_a, ss_a)
            process(j1, rowsB, scB, su_b, ss_b)

        drain(rowsA, scA, su_a, ss_a)

        plsc.subcore_barrier()
        pltpu.sync_copy(acc_sh.at[pl.ds(ss * NSL, NSL)], zrow)
        pltpu.sync_copy(zrow, accp.at[pl.ds(cc * N + ss * NSL, NSL)])
    return body


def _sc_edge_pass(u, inv, garr, sarr, darr, dh):
    kern = functools.partial(
        pl.kernel,
        out_type=pltpu.HBM((NC * N, dh), _f32),
        mesh=_sc_mesh(),
        compiler_params=pltpu.CompilerParams(use_tc_tiling_on_sc=False),
        scratch_types=[
            pltpu.VMEM_SHARED((N, dh), _f32),
            pltpu.VMEM((CPW, CK), _i32),
            pltpu.VMEM((CPW, CK), _i32),
            pltpu.VMEM((CPW, CK), _i32),
            pltpu.VMEM((CK, 16), _f32),
            pltpu.VMEM((CK, 16), _f32),
            pltpu.VMEM((CK, dh), _f32),
            pltpu.VMEM((CK, dh), _f32),
            pltpu.VMEM((NSL, dh), _f32),
            pltpu.SemaphoreType.DMA,
            pltpu.SemaphoreType.DMA,
            pltpu.SemaphoreType.DMA,
            pltpu.SemaphoreType.DMA,
        ],
    )(_make_edge_body(dh))
    return kern(u, inv, garr, sarr, darr)



def kernel(x, edge_index, edge_type, basis1, comp1, root1, bias1,
           basis2, comp2, root2, bias2):
    e2 = edge_index.reshape(2, C, CK)
    et2 = edge_type.reshape(C, CK)

    garr, sarr, darr = pl.pallas_call(
        _prep_body,
        out_shape=[
            jax.ShapeDtypeStruct((C, CK), _i32),
            jax.ShapeDtypeStruct((C, CK), _i32),
            jax.ShapeDtypeStruct((C, CK), _i32),
        ],
    )(e2, et2)

    pad_i = jnp.zeros((PADC - C, CK), _i32)
    pad_s = jnp.full((PADC - C, CK), PADSEG, _i32)
    garr_p = jnp.concatenate([garr, pad_i], axis=0)
    sarr_p = jnp.concatenate([sarr, pad_s], axis=0)
    darr_p = jnp.concatenate([darr, pad_i], axis=0)

    cntp = _sc_count(sarr)

    invrep = pl.pallas_call(
        _invrep_body,
        grid=(NR // 2000,),
        in_specs=[pl.BlockSpec((NC, 2000, 1), lambda i: (0, i, 0))],
        out_specs=pl.BlockSpec((2000, 16), lambda i: (i, 0)),
        out_shape=jax.ShapeDtypeStruct((NR, 16), _f32),
    )(cntp.reshape(NC, NR, 1))
    invrep = jnp.concatenate([invrep, jnp.zeros((16, 16), _f32)], axis=0)

    bf1 = jnp.transpose(basis1, (1, 0, 2)).reshape(D_IN, NB * DH)
    u1, xr1 = _tc_lin1(x, bf1, comp1, root1, bias1.reshape(1, DH))

    accp1 = _sc_edge_pass(u1.reshape(NR, DH), invrep, garr_p, sarr_p, darr_p, DH)

    bf2 = jnp.transpose(basis2, (1, 0, 2)).reshape(DH, NB * DO)
    u2, xr2 = _tc_mid(accp1.reshape(NC, N, DH), xr1, bf2, comp2, root2,
                      bias2.reshape(1, DO))

    accp2 = _sc_edge_pass(u2.reshape(NR, DO), invrep, garr_p, sarr_p, darr_p, DO)

    return _tc_fin(accp2.reshape(NC, N, DO), xr2)

# --- scband reference (transcript-rebuilt; emitter-appended) ---
"""Pipeline reference for scband-fashion-rgcn-65841848648447 (READ-ONLY COPY).

The authoritative reference and input builder live on the scoring server;
editing this copy changes nothing except your own understanding.
"""

import jax, jax.numpy as jnp
import numpy as np

N = 10000
E = 320000
R = 16
NB = 8
D_IN = 128
D_H = 64
D_OUT = 32


def setup_inputs(seed: int = 0) -> dict:
    key = jax.random.key(seed)
    ks = jax.random.split(key, 12)
    x = jax.random.normal(ks[0], (N, D_IN), dtype=jnp.float32)
    edge_index = jax.random.randint(ks[1], (2, E), 0, N, dtype=jnp.int32)
    edge_type = jax.random.randint(ks[2], (E,), 0, R, dtype=jnp.int32)
    basis1 = jax.random.normal(ks[3], (NB, D_IN, D_H), dtype=jnp.float32) * 0.05
    comp1 = jax.random.normal(ks[4], (R, NB), dtype=jnp.float32) * 0.05
    root1 = jax.random.normal(ks[5], (D_IN, D_H), dtype=jnp.float32) * 0.05
    bias1 = jnp.zeros((D_H,), dtype=jnp.float32)
    basis2 = jax.random.normal(ks[6], (NB, D_H, D_OUT), dtype=jnp.float32) * 0.05
    comp2 = jax.random.normal(ks[7], (R, NB), dtype=jnp.float32) * 0.05
    root2 = jax.random.normal(ks[8], (D_H, D_OUT), dtype=jnp.float32) * 0.05
    bias2 = jnp.zeros((D_OUT,), dtype=jnp.float32)
    return {"x": x, "edge_index": edge_index, "edge_type": edge_type,
            "basis1": basis1, "comp1": comp1, "root1": root1, "bias1": bias1,
            "basis2": basis2, "comp2": comp2, "root2": root2, "bias2": bias2}


def _rgcn_layer(x, edge_index, edge_type, basis, comp, root, bias):
    # PyG RGCNConv with basis decomposition, aggr='mean' per relation.
    # mean aggregation commutes with the linear relation transform, so we
    # compute per-(dst, relation) means first, then apply W_r and sum over r.
    n = x.shape[0]
    src = edge_index[0]
    dst = edge_index[1]
    seg = dst * R + edge_type
    msum = jax.ops.segment_sum(x[src], seg, num_segments=n * R)
    cnt = jax.ops.segment_sum(jnp.ones((src.shape[0],), jnp.float32), seg,
                              num_segments=n * R)
    mean = msum / jnp.maximum(cnt, 1.0)[:, None]
    mean = mean.reshape(n, R, x.shape[1])
    W = jnp.einsum('rb,bio->rio', comp, basis)
    out = jnp.einsum('nri,rio->no', mean, W)
    return out + x @ root + bias


def reference(x, edge_index, edge_type, basis1, comp1, root1, bias1,
              basis2, comp2, root2, bias2):
    h = _rgcn_layer(x, edge_index, edge_type, basis1, comp1, root1, bias1)
    h = jax.nn.relu(h)
    # dropout is identity in eval mode
    h = _rgcn_layer(h, edge_index, edge_type, basis2, comp2, root2, bias2)
    norm = jnp.linalg.norm(h, axis=-1, keepdims=True)
    return h / jnp.maximum(norm, 1e-6)

if __name__ == "__main__":
    import jax
    _d = setup_inputs()
    print(jax.jit(kernel)(*tuple(_d.values())))

</pallas_src>

<mosaic_0001>
#map = affine_map<(d0, d1) -> (0, 0)>
#map1 = affine_map<(d0, d1) -> (0)>
module attributes {stable_mosaic.version = 14 : i64} {
  func.func @_count_body(%arg0: i32, %arg1: i32, %arg2: memref<4000x80xi32, #tpu.memory_space<hbm>>, %arg3: memref<320000xf32, #tpu.memory_space<hbm>>, %arg4: memref<160000xf32, #tpu.memory_space<vmem_shared>>, %arg5: memref<80xi32, #tpu.memory_space<vmem>>, %arg6: memref<80xf32, #tpu.memory_space<vmem>>, %arg7: memref<10000xf32, #tpu.memory_space<vmem>>, %arg8: memref<!tpu.dma_semaphore, #tpu.memory_space<semaphore_mem>>) attributes {dimension_semantics = [#tpu.dimension_semantics<core_parallel>, #tpu.dimension_semantics<subcore_parallel>], iteration_bounds = array<i64: 2, 16>, scalar_prefetch = 0 : i64, scratch_operands = 5 : i64, tpu.core_type = #tpu.core_type<sc_vector_subcore>, window_params = [{transform_indices = #map}, {transform_indices = #map1}]} {
    %mul3A = arith.constant 16 : i32
    %mul3A_0 = arith.muli %arg0, %mul3A : i32
    %add3A = arith.addi %mul3A_0, %arg1 : i32
    %scan3A = arith.constant 0 : i32
    %scan3A_1 = arith.constant 625 : i32
    %scan3A_2 = arith.addi %scan3A, %scan3A_1 : i32
    %scan3A_3 = arith.constant 1 : i32
    scf.for %scan3A_35 = %scan3A to %scan3A_2 step %scan3A_3  : i32 {
      %mul3A_36 = arith.constant 1 : i32
      %mul3A_37 = arith.muli %scan3A_35, %mul3A_36 : i32
      %add3A_38 = arith.constant 0 : i32
      %add3A_39 = arith.addi %add3A_38, %mul3A_37 : i32
      %broadcast_in_dim3A = arith.constant 0.000000e+00 : f32
      %broadcast_in_dim3A_40 = vector.broadcast %broadcast_in_dim3A : f32 to vector<16xf32>
      %mul3A_41 = arith.constant 16 : i32
      %mul3A_42 = arith.muli %add3A_39, %mul3A_41 : i32
      %swap3A = arith.index_cast %mul3A_42 : i32 to index
      %swap3A_43 = tpu.vector_load %arg7[%swap3A] {strides = array<i32>} : memref<10000xf32, #tpu.memory_space<vmem>>, vector<16xf32>,
      %swap3A_44 = vector.shape_cast %swap3A_43 : vector<16xf32> to vector<16xf32>
      %swap3A_45 = vector.shape_cast %broadcast_in_dim3A_40 : vector<16xf32> to vector<16xf32>
      tpu.vector_store %arg7[%swap3A], %swap3A_45 {strides = array<i32>} : memref<10000xf32, #tpu.memory_space<vmem>>, vector<16xf32>,
    }
    %scan3A_4 = arith.constant 625 : i32
    %scan3A_5 = arith.constant 0 : i32
    %scan3A_6 = arith.constant 5 : i32
    %scan3A_7 = arith.addi %scan3A_5, %scan3A_6 : i32
    %scan3A_8 = arith.constant 1 : i32
    scf.for %scan3A_35 = %scan3A_5 to %scan3A_7 step %scan3A_8  : i32 {
      %mul3A_36 = arith.constant 1 : i32
      %mul3A_37 = arith.muli %scan3A_35, %mul3A_36 : i32
      %add3A_38 = arith.constant 0 : i32
      %add3A_39 = arith.addi %add3A_38, %mul3A_37 : i32
      %broadcast_in_dim3A = arith.constant 1.000000e+00 : f32
      %broadcast_in_dim3A_40 = vector.broadcast %broadcast_in_dim3A : f32 to vector<16xf32>
      %mul3A_41 = arith.constant 16 : i32
      %mul3A_42 = arith.muli %add3A_39, %mul3A_41 : i32
      %swap3A = arith.index_cast %mul3A_42 : i32 to index
      %swap3A_43 = tpu.vector_load %arg6[%swap3A] {strides = array<i32>} : memref<80xf32, #tpu.memory_space<vmem>>, vector<16xf32>,
      %swap3A_44 = vector.shape_cast %swap3A_43 : vector<16xf32> to vector<16xf32>
      %swap3A_45 = vector.shape_cast %broadcast_in_dim3A_40 : vector<16xf32> to vector<16xf32>
      tpu.vector_store %arg6[%swap3A], %swap3A_45 {strides = array<i32>} : memref<80xf32, #tpu.memory_space<vmem>>, vector<16xf32>,
    }
    %scan3A_9 = arith.constant 5 : i32
    %mul3A_10 = arith.constant 10000 : i32
    %mul3A_11 = arith.muli %arg1, %mul3A_10 : i32
    "tpu.region"() ({
      %run_scoped3A = tpu.sem_alloc : memref<!tpu.dma_semaphore, #tpu.memory_space<semaphore_mem>>
      %dma_start3A = tpu.memref_slice %arg4[%mul3A_11] : memref<160000xf32, #tpu.memory_space<vmem_shared>> -> memref<10000xf32, #tpu.memory_space<vmem_shared>>
      %dma_start3A_35 = tpu.memref_slice %arg4[%mul3A_11] : memref<160000xf32, #tpu.memory_space<vmem_shared>> -> memref<10000xf32, #tpu.memory_space<vmem_shared>>
      tpu.enqueue_dma source(%arg7 : memref<10000xf32, #tpu.memory_space<vmem>>) target(%dma_start3A_35 : memref<10000xf32, #tpu.memory_space<vmem_shared>>) target_semaphore(%run_scoped3A : memref<!tpu.dma_semaphore, #tpu.memory_space<semaphore_mem>>)
      %dma_wait3A = tpu.memref_slice %arg4[%mul3A_11] : memref<160000xf32, #tpu.memory_space<vmem_shared>> -> memref<10000xf32, #tpu.memory_space<vmem_shared>>
      %dma_wait3A_36 = tpu.memref_slice %arg4[%mul3A_11] : memref<160000xf32, #tpu.memory_space<vmem_shared>> -> memref<10000xf32, #tpu.memory_space<vmem_shared>>
      tpu.wait_dma2 semaphore(%run_scoped3A : memref<!tpu.dma_semaphore, #tpu.memory_space<semaphore_mem>>) src(%arg7 : memref<10000xf32, #tpu.memory_space<vmem>>) dst(%dma_wait3A_36 : memref<10000xf32, #tpu.memory_space<vmem_shared>>)
      tpu.yield
    }) : () -> ()
    %barrier3A = arith.constant 0 : index
    tpu.barrier barrier_id(%barrier3A)
    %sub3A = arith.constant 4000 : i32
    %sub3A_12 = arith.subi %sub3A, %add3A : i32
    %sub3A_13 = arith.constant 32 : i32
    %sub3A_14 = arith.constant 1 : i32
    %sub3A_15 = arith.subi %sub3A_13, %sub3A_14 : i32
    %add3A_16 = arith.addi %sub3A_12, %sub3A_15 : i32
    %div3A = arith.constant 32 : i32
    %div3A_17 = arith.divsi %add3A_16, %div3A : i32
    %while3A = arith.constant 32 : i32
    %while3A_18 = arith.constant 0 : i32
    %while3A_19 = arith.subi %div3A_17, %while3A_18 : i32
    %while3A_20 = arith.addi %while3A_18, %while3A_19 : i32
    %while3A_21 = arith.constant 1 : i32
    %while3A_22 = arith.divsi %while3A_19, %while3A_21 : i32
    %while3A_23 = arith.muli %while3A_22, %while3A_21 : i32
    %while3A_24 = arith.addi %while3A_18, %while3A_23 : i32
    %while3A_25 = arith.constant 1 : i32
    scf.for %while3A_35 = %while3A_18 to %while3A_24 step %while3A_25  : i32 {
      %mul3A_36 = arith.muli %while3A_35, %while3A : i32
      %add3A_37 = arith.addi %add3A, %mul3A_36 : i32
      %dma_start3A = arith.constant 0 : i32
      %dma_start3A_38 = tpu.memref_slice %arg2[%add3A_37, %dma_start3A] : memref<4000x80xi32, #tpu.memory_space<hbm>> -> memref<1x80xi32, #tpu.memory_space<hbm>>
      %dma_start3A_39 = tpu.memref_squeeze %dma_start3A_38 : memref<1x80xi32, #tpu.memory_space<hbm>> -> memref<80xi32, #tpu.memory_space<hbm>>
      %dma_start3A_40 = arith.constant 0 : i32
      %dma_start3A_41 = tpu.memref_slice %arg2[%add3A_37, %dma_start3A_40] : memref<4000x80xi32, #tpu.memory_space<hbm>> -> memref<1x80xi32, #tpu.memory_space<hbm>>
      %dma_start3A_42 = tpu.memref_squeeze %dma_start3A_41 : memref<1x80xi32, #tpu.memory_space<hbm>> -> memref<80xi32, #tpu.memory_space<hbm>>
      tpu.enqueue_dma source(%dma_start3A_42 : memref<80xi32, #tpu.memory_space<hbm>>) target(%arg5 : memref<80xi32, #tpu.memory_space<vmem>>) target_semaphore(%arg8 : memref<!tpu.dma_semaphore, #tpu.memory_space<semaphore_mem>>)
      %dma_wait3A = arith.constant 0 : i32
      %dma_wait3A_43 = tpu.memref_slice %arg2[%add3A_37, %dma_wait3A] : memref<4000x80xi32, #tpu.memory_space<hbm>> -> memref<1x80xi32, #tpu.memory_space<hbm>>
      %dma_wait3A_44 = tpu.memref_squeeze %dma_wait3A_43 : memref<1x80xi32, #tpu.memory_space<hbm>> -> memref<80xi32, #tpu.memory_space<hbm>>
      %dma_wait3A_45 = arith.constant 0 : i32
      %dma_wait3A_46 = tpu.memref_slice %arg2[%add3A_37, %dma_wait3A_45] : memref<4000x80xi32, #tpu.memory_space<hbm>> -> memref<1x80xi32, #tpu.memory_space<hbm>>
      %dma_wait3A_47 = tpu.memref_squeeze %dma_wait3A_46 : memref<1x80xi32, #tpu.memory_space<hbm>> -> memref<80xi32, #tpu.memory_space<hbm>>
      tpu.wait_dma2 semaphore(%arg8 : memref<!tpu.dma_semaphore, #tpu.memory_space<semaphore_mem>>) src(%dma_wait3A_47 : memref<80xi32, #tpu.memory_space<hbm>>) dst(%arg5 : memref<80xi32, #tpu.memory_space<vmem>>)
      "tpu.region"() ({
        %run_scoped3A = tpu.sem_alloc : memref<!tpu.dma_semaphore, #tpu.memory_space<semaphore_mem>>
        %dma_start3A_48 = arith.constant 0 : i32
        %dma_start3A_49 = tpu.memref_slice %arg4[%dma_start3A_48] : memref<160000xf32, #tpu.memory_space<vmem_shared>> -> memref<160000xf32, #tpu.memory_space<vmem_shared>>
        tpu.enqueue_indirect_dma source(%arg6 : memref<80xf32, #tpu.memory_space<vmem>>) target(%dma_start3A_49 : memref<160000xf32, #tpu.memory_space<vmem_shared>>) offsets(%arg5 : memref<80xi32, #tpu.memory_space<vmem>>) semaphore(%run_scoped3A : memref<!tpu.dma_semaphore, #tpu.memory_space<semaphore_mem>>) {add = true}
        %dma_wait3A_50 = arith.constant 0 : i32
        %dma_wait3A_51 = tpu.memref_slice %arg4[%dma_wait3A_50] : memref<160000xf32, #tpu.memory_space<vmem_shared>> -> memref<160000xf32, #tpu.memory_space<vmem_shared>>
        tpu.wait_indirect_dma semaphore(%run_scoped3A : memref<!tpu.dma_semaphore, #tpu.memory_space<semaphore_mem>>) src(%arg6 : memref<80xf32, #tpu.memory_space<vmem>>) dst(%dma_wait3A_51 : memref<160000xf32, #tpu.memory_space<vmem_shared>>)
        tpu.yield
      }) : () -> ()
    }
    %while3A_26 = arith.constant 1 : i32
    scf.for %while3A_35 = %while3A_24 to %while3A_20 step %while3A_26  : i32 {
      %mul3A_36 = arith.muli %while3A_35, %while3A : i32
      %add3A_37 = arith.addi %add3A, %mul3A_36 : i32
      %dma_start3A = arith.constant 0 : i32
      %dma_start3A_38 = tpu.memref_slice %arg2[%add3A_37, %dma_start3A] : memref<4000x80xi32, #tpu.memory_space<hbm>> -> memref<1x80xi32, #tpu.memory_space<hbm>>
      %dma_start3A_39 = tpu.memref_squeeze %dma_start3A_38 : memref<1x80xi32, #tpu.memory_space<hbm>> -> memref<80xi32, #tpu.memory_space<hbm>>
      %dma_start3A_40 = arith.constant 0 : i32
      %dma_start3A_41 = tpu.memref_slice %arg2[%add3A_37, %dma_start3A_40] : memref<4000x80xi32, #tpu.memory_space<hbm>> -> memref<1x80xi32, #tpu.memory_space<hbm>>
      %dma_start3A_42 = tpu.memref_squeeze %dma_start3A_41 : memref<1x80xi32, #tpu.memory_space<hbm>> -> memref<80xi32, #tpu.memory_space<hbm>>
      tpu.enqueue_dma source(%dma_start3A_42 : memref<80xi32, #tpu.memory_space<hbm>>) target(%arg5 : memref<80xi32, #tpu.memory_space<vmem>>) target_semaphore(%arg8 : memref<!tpu.dma_semaphore, #tpu.memory_space<semaphore_mem>>)
      %dma_wait3A = arith.constant 0 : i32
      %dma_wait3A_43 = tpu.memref_slice %arg2[%add3A_37, %dma_wait3A] : memref<4000x80xi32, #tpu.memory_space<hbm>> -> memref<1x80xi32, #tpu.memory_space<hbm>>
      %dma_wait3A_44 = tpu.memref_squeeze %dma_wait3A_43 : memref<1x80xi32, #tpu.memory_space<hbm>> -> memref<80xi32, #tpu.memory_space<hbm>>
      %dma_wait3A_45 = arith.constant 0 : i32
      %dma_wait3A_46 = tpu.memref_slice %arg2[%add3A_37, %dma_wait3A_45] : memref<4000x80xi32, #tpu.memory_space<hbm>> -> memref<1x80xi32, #tpu.memory_space<hbm>>
      %dma_wait3A_47 = tpu.memref_squeeze %dma_wait3A_46 : memref<1x80xi32, #tpu.memory_space<hbm>> -> memref<80xi32, #tpu.memory_space<hbm>>
      tpu.wait_dma2 semaphore(%arg8 : memref<!tpu.dma_semaphore, #tpu.memory_space<semaphore_mem>>) src(%dma_wait3A_47 : memref<80xi32, #tpu.memory_space<hbm>>) dst(%arg5 : memref<80xi32, #tpu.memory_space<vmem>>)
      "tpu.region"() ({
        %run_scoped3A = tpu.sem_alloc : memref<!tpu.dma_semaphore, #tpu.memory_space<semaphore_mem>>
        %dma_start3A_48 = arith.constant 0 : i32
        %dma_start3A_49 = tpu.memref_slice %arg4[%dma_start3A_48] : memref<160000xf32, #tpu.memory_space<vmem_shared>> -> memref<160000xf32, #tpu.memory_space<vmem_shared>>
        tpu.enqueue_indirect_dma source(%arg6 : memref<80xf32, #tpu.memory_space<vmem>>) target(%dma_start3A_49 : memref<160000xf32, #tpu.memory_space<vmem_shared>>) offsets(%arg5 : memref<80xi32, #tpu.memory_space<vmem>>) semaphore(%run_scoped3A : memref<!tpu.dma_semaphore, #tpu.memory_space<semaphore_mem>>) {add = true}
        %dma_wait3A_50 = arith.constant 0 : i32
        %dma_wait3A_51 = tpu.memref_slice %arg4[%dma_wait3A_50] : memref<160000xf32, #tpu.memory_space<vmem_shared>> -> memref<160000xf32, #tpu.memory_space<vmem_shared>>
        tpu.wait_indirect_dma semaphore(%run_scoped3A : memref<!tpu.dma_semaphore, #tpu.memory_space<semaphore_mem>>) src(%arg6 : memref<80xf32, #tpu.memory_space<vmem>>) dst(%dma_wait3A_51 : memref<160000xf32, #tpu.memory_space<vmem_shared>>)
        tpu.yield
      }) : () -> ()
    }
    %barrier3A_27 = arith.constant 0 : index
    tpu.barrier barrier_id(%barrier3A_27)
    %mul3A_28 = arith.constant 10000 : i32
    %mul3A_29 = arith.muli %arg1, %mul3A_28 : i32
    "tpu.region"() ({
      %run_scoped3A = tpu.sem_alloc : memref<!tpu.dma_semaphore, #tpu.memory_space<semaphore_mem>>
      %dma_start3A = tpu.memref_slice %arg4[%mul3A_29] : memref<160000xf32, #tpu.memory_space<vmem_shared>> -> memref<10000xf32, #tpu.memory_space<vmem_shared>>
      %dma_start3A_35 = tpu.memref_slice %arg4[%mul3A_29] : memref<160000xf32, #tpu.memory_space<vmem_shared>> -> memref<10000xf32, #tpu.memory_space<vmem_shared>>
      tpu.enqueue_dma source(%dma_start3A_35 : memref<10000xf32, #tpu.memory_space<vmem_shared>>) target(%arg7 : memref<10000xf32, #tpu.memory_space<vmem>>) target_semaphore(%run_scoped3A : memref<!tpu.dma_semaphore, #tpu.memory_space<semaphore_mem>>)
      %dma_wait3A = tpu.memref_slice %arg4[%mul3A_29] : memref<160000xf32, #tpu.memory_space<vmem_shared>> -> memref<10000xf32, #tpu.memory_space<vmem_shared>>
      %dma_wait3A_36 = tpu.memref_slice %arg4[%mul3A_29] : memref<160000xf32, #tpu.memory_space<vmem_shared>> -> memref<10000xf32, #tpu.memory_space<vmem_shared>>
      tpu.wait_dma2 semaphore(%run_scoped3A : memref<!tpu.dma_semaphore, #tpu.memory_space<semaphore_mem>>) src(%dma_wait3A_36 : memref<10000xf32, #tpu.memory_space<vmem_shared>>) dst(%arg7 : memref<10000xf32, #tpu.memory_space<vmem>>)
      tpu.yield
    }) : () -> ()
    %mul3A_30 = arith.constant 160000 : i32
    %mul3A_31 = arith.muli %arg0, %mul3A_30 : i32
    %mul3A_32 = arith.constant 10000 : i32
    %mul3A_33 = arith.muli %arg1, %mul3A_32 : i32
    %add3A_34 = arith.addi %mul3A_31, %mul3A_33 : i32
    "tpu.region"() ({
      %run_scoped3A = tpu.sem_alloc : memref<!tpu.dma_semaphore, #tpu.memory_space<semaphore_mem>>
      %dma_start3A = tpu.memref_slice %arg3[%add3A_34] : memref<320000xf32, #tpu.memory_space<hbm>> -> memref<10000xf32, #tpu.memory_space<hbm>>
      %dma_start3A_35 = tpu.memref_slice %arg3[%add3A_34] : memref<320000xf32, #tpu.memory_space<hbm>> -> memref<10000xf32, #tpu.memory_space<hbm>>
      tpu.enqueue_dma source(%arg7 : memref<10000xf32, #tpu.memory_space<vmem>>) target(%dma_start3A_35 : memref<10000xf32, #tpu.memory_space<hbm>>) target_semaphore(%run_scoped3A : memref<!tpu.dma_semaphore, #tpu.memory_space<semaphore_mem>>)
      %dma_wait3A = tpu.memref_slice %arg3[%add3A_34] : memref<320000xf32, #tpu.memory_space<hbm>> -> memref<10000xf32, #tpu.memory_space<hbm>>
      %dma_wait3A_36 = tpu.memref_slice %arg3[%add3A_34] : memref<320000xf32, #tpu.memory_space<hbm>> -> memref<10000xf32, #tpu.memory_space<hbm>>
      tpu.wait_dma2 semaphore(%run_scoped3A : memref<!tpu.dma_semaphore, #tpu.memory_space<semaphore_mem>>) src(%arg7 : memref<10000xf32, #tpu.memory_space<vmem>>) dst(%dma_wait3A_36 : memref<10000xf32, #tpu.memory_space<hbm>>)
      tpu.yield
    }) : () -> ()
    return
  }
}

#map = affine_map<(d0, d1) -> (0, 0)>
module attributes {stable_mosaic.version = 14 : i64} {
  func.func @body(%arg0: i32, %arg1: i32, %arg2: memref<160000x64xf32, #tpu.memory_space<hbm>>, %arg3: memref<160016x16xf32, #tpu.memory_space<hbm>>, %arg4: memref<4032x80xi32, #tpu.memory_space<hbm>>, %arg5: memref<4032x80xi32, #tpu.memory_space<hbm>>, %arg6: memref<4032x80xi32, #tpu.memory_space<hbm>>, %arg7: memref<20000x64xf32, #tpu.memory_space<hbm>>, %arg8: memref<10000x64xf32, #tpu.memory_space<vmem_shared>>, %arg9: memref<126x80xi32, #tpu.memory_space<vmem>>, %arg10: memref<126x80xi32, #tpu.memory_space<vmem>>, %arg11: memref<126x80xi32, #tpu.memory_space<vmem>>, %arg12: memref<80x16xf32, #tpu.memory_space<vmem>>, %arg13: memref<80x16xf32, #tpu.memory_space<vmem>>, %arg14: memref<80x64xf32, #tpu.memory_space<vmem>>, %arg15: memref<80x64xf32, #tpu.memory_space<vmem>>, %arg16: memref<625x64xf32, #tpu.memory_space<vmem>>, %arg17: memref<!tpu.dma_semaphore, #tpu.memory_space<semaphore_mem>>, %arg18: memref<!tpu.dma_semaphore, #tpu.memory_space<semaphore_mem>>, %arg19: memref<!tpu.dma_semaphore, #tpu.memory_space<semaphore_mem>>, %arg20: memref<!tpu.dma_semaphore, #tpu.memory_space<semaphore_mem>>) attributes {dimension_semantics = [#tpu.dimension_semantics<core_parallel>, #tpu.dimension_semantics<subcore_parallel>], iteration_bounds = array<i64: 2, 16>, scalar_prefetch = 0 : i64, scratch_operands = 13 : i64, tpu.core_type = #tpu.core_type<sc_vector_subcore>, window_params = [{transform_indices = #map}, {transform_indices = #map}, {transform_indices = #map}, {transform_indices = #map}, {transform_indices = #map}, {transform_indices = #map}]} {
    %mul3A = arith.constant 16 : i32
    %mul3A_0 = arith.muli %arg0, %mul3A : i32
    %add3A = arith.addi %mul3A_0, %arg1 : i32
    %scan3A = arith.constant 0 : i32
    %scan3A_1 = arith.constant 625 : i32
    %scan3A_2 = arith.addi %scan3A, %scan3A_1 : i32
    %scan3A_3 = arith.constant 1 : i32
    scf.for %scan3A_52 = %scan3A to %scan3A_2 step %scan3A_3  : i32 {
      %mul3A_53 = arith.constant 1 : i32
      %mul3A_54 = arith.muli %scan3A_52, %mul3A_53 : i32
      %add3A_55 = arith.constant 0 : i32
      %add3A_56 = arith.addi %add3A_55, %mul3A_54 : i32
      %broadcast_in_dim3A = arith.constant 0.000000e+00 : f32
      %broadcast_in_dim3A_57 = vector.broadcast %broadcast_in_dim3A : f32 to vector<16xf32>
      %swap3A = arith.index_cast %add3A_56 : i32 to index
      %swap3A_58 = arith.constant 0 : index
      %swap3A_59 = tpu.vector_load %arg16[%swap3A, %swap3A_58] {strides = array<i32>} : memref<625x64xf32, #tpu.memory_space<vmem>>, vector<1x16xf32>,
      %swap3A_60 = vector.shape_cast %swap3A_59 : vector<1x16xf32> to vector<16xf32>
      %swap3A_61 = vector.shape_cast %broadcast_in_dim3A_57 : vector<16xf32> to vector<1x16xf32>
      tpu.vector_store %arg16[%swap3A, %swap3A_58], %swap3A_61 {strides = array<i32>} : memref<625x64xf32, #tpu.memory_space<vmem>>, vector<1x16xf32>,
      %broadcast_in_dim3A_62 = arith.constant 0.000000e+00 : f32
      %broadcast_in_dim3A_63 = vector.broadcast %broadcast_in_dim3A_62 : f32 to vector<16xf32>
      %swap3A_64 = arith.index_cast %add3A_56 : i32 to index
      %swap3A_65 = arith.constant 16 : index
      %swap3A_66 = tpu.vector_load %arg16[%swap3A_64, %swap3A_65] {strides = array<i32>} : memref<625x64xf32, #tpu.memory_space<vmem>>, vector<1x16xf32>,
      %swap3A_67 = vector.shape_cast %swap3A_66 : vector<1x16xf32> to vector<16xf32>
      %swap3A_68 = vector.shape_cast %broadcast_in_dim3A_63 : vector<16xf32> to vector<1x16xf32>
      tpu.vector_store %arg16[%swap3A_64, %swap3A_65], %swap3A_68 {strides = array<i32>} : memref<625x64xf32, #tpu.memory_space<vmem>>, vector<1x16xf32>,
      %broadcast_in_dim3A_69 = arith.constant 0.000000e+00 : f32
      %broadcast_in_dim3A_70 = vector.broadcast %broadcast_in_dim3A_69 : f32 to vector<16xf32>
      %swap3A_71 = arith.index_cast %add3A_56 : i32 to index
      %swap3A_72 = arith.constant 32 : index
      %swap3A_73 = tpu.vector_load %arg16[%swap3A_71, %swap3A_72] {strides = array<i32>} : memref<625x64xf32, #tpu.memory_space<vmem>>, vector<1x16xf32>,
      %swap3A_74 = vector.shape_cast %swap3A_73 : vector<1x16xf32> to vector<16xf32>
      %swap3A_75 = vector.shape_cast %broadcast_in_dim3A_70 : vector<16xf32> to vector<1x16xf32>
      tpu.vector_store %arg16[%swap3A_71, %swap3A_72], %swap3A_75 {strides = array<i32>} : memref<625x64xf32, #tpu.memory_space<vmem>>, vector<1x16xf32>,
      %broadcast_in_dim3A_76 = arith.constant 0.000000e+00 : f32
      %broadcast_in_dim3A_77 = vector.broadcast %broadcast_in_dim3A_76 : f32 to vector<16xf32>
      %swap3A_78 = arith.index_cast %add3A_56 : i32 to index
      %swap3A_79 = arith.constant 48 : index
      %swap3A_80 = tpu.vector_load %arg16[%swap3A_78, %swap3A_79] {strides = array<i32>} : memref<625x64xf32, #tpu.memory_space<vmem>>, vector<1x16xf32>,
      %swap3A_81 = vector.shape_cast %swap3A_80 : vector<1x16xf32> to vector<16xf32>
      %swap3A_82 = vector.shape_cast %broadcast_in_dim3A_77 : vector<16xf32> to vector<1x16xf32>
      tpu.vector_store %arg16[%swap3A_78, %swap3A_79], %swap3A_82 {strides = array<i32>} : memref<625x64xf32, #tpu.memory_space<vmem>>, vector<1x16xf32>,
    }
    %scan3A_4 = arith.constant 625 : i32
    %mul3A_5 = arith.constant 625 : i32
    %mul3A_6 = arith.muli %arg1, %mul3A_5 : i32
    "tpu.region"() ({
      %run_scoped3A = tpu.sem_alloc : memref<!tpu.dma_semaphore, #tpu.memory_space<semaphore_mem>>
      %dma_start3A_52 = arith.constant 0 : i32
      %dma_start3A_53 = tpu.memref_slice %arg8[%mul3A_6, %dma_start3A_52] : memref<10000x64xf32, #tpu.memory_space<vmem_shared>> -> memref<625x64xf32, #tpu.memory_space<vmem_shared>>
      %dma_start3A_54 = arith.constant 0 : i32
      %dma_start3A_55 = tpu.memref_slice %arg8[%mul3A_6, %dma_start3A_54] : memref<10000x64xf32, #tpu.memory_space<vmem_shared>> -> memref<625x64xf32, #tpu.memory_space<vmem_shared>>
      tpu.enqueue_dma source(%arg16 : memref<625x64xf32, #tpu.memory_space<vmem>>) target(%dma_start3A_55 : memref<625x64xf32, #tpu.memory_space<vmem_shared>>) target_semaphore(%run_scoped3A : memref<!tpu.dma_semaphore, #tpu.memory_space<semaphore_mem>>)
      %dma_wait3A_56 = arith.constant 0 : i32
      %dma_wait3A_57 = tpu.memref_slice %arg8[%mul3A_6, %dma_wait3A_56] : memref<10000x64xf32, #tpu.memory_space<vmem_shared>> -> memref<625x64xf32, #tpu.memory_space<vmem_shared>>
      %dma_wait3A_58 = arith.constant 0 : i32
      %dma_wait3A_59 = tpu.memref_slice %arg8[%mul3A_6, %dma_wait3A_58] : memref<10000x64xf32, #tpu.memory_space<vmem_shared>> -> memref<625x64xf32, #tpu.memory_space<vmem_shared>>
      tpu.wait_dma2 semaphore(%run_scoped3A : memref<!tpu.dma_semaphore, #tpu.memory_space<semaphore_mem>>) src(%arg16 : memref<625x64xf32, #tpu.memory_space<vmem>>) dst(%dma_wait3A_59 : memref<625x64xf32, #tpu.memory_space<vmem_shared>>)
      tpu.yield
    }) : () -> ()
    %mul3A_7 = arith.constant 126 : i32
    %mul3A_8 = arith.muli %add3A, %mul3A_7 : i32
    "tpu.region"() ({
      %run_scoped3A = tpu.sem_alloc : memref<!tpu.dma_semaphore, #tpu.memory_space<semaphore_mem>>
      %dma_start3A_52 = arith.constant 0 : i32
      %dma_start3A_53 = tpu.memref_slice %arg4[%mul3A_8, %dma_start3A_52] : memref<4032x80xi32, #tpu.memory_space<hbm>> -> memref<126x80xi32, #tpu.memory_space<hbm>>
      %dma_start3A_54 = arith.constant 0 : i32
      %dma_start3A_55 = tpu.memref_slice %arg4[%mul3A_8, %dma_start3A_54] : memref<4032x80xi32, #tpu.memory_space<hbm>> -> memref<126x80xi32, #tpu.memory_space<hbm>>
      tpu.enqueue_dma source(%dma_start3A_55 : memref<126x80xi32, #tpu.memory_space<hbm>>) target(%arg9 : memref<126x80xi32, #tpu.memory_space<vmem>>) target_semaphore(%run_scoped3A : memref<!tpu.dma_semaphore, #tpu.memory_space<semaphore_mem>>)
      %dma_wait3A_56 = arith.constant 0 : i32
      %dma_wait3A_57 = tpu.memref_slice %arg4[%mul3A_8, %dma_wait3A_56] : memref<4032x80xi32, #tpu.memory_space<hbm>> -> memref<126x80xi32, #tpu.memory_space<hbm>>
      %dma_wait3A_58 = arith.constant 0 : i32
      %dma_wait3A_59 = tpu.memref_slice %arg4[%mul3A_8, %dma_wait3A_58] : memref<4032x80xi32, #tpu.memory_space<hbm>> -> memref<126x80xi32, #tpu.memory_space<hbm>>
      tpu.wait_dma2 semaphore(%run_scoped3A : memref<!tpu.dma_semaphore, #tpu.memory_space<semaphore_mem>>) src(%dma_wait3A_59 : memref<126x80xi32, #tpu.memory_space<hbm>>) dst(%arg9 : memref<126x80xi32, #tpu.memory_space<vmem>>)
      tpu.yield
    }) : () -> ()
    %mul3A_9 = arith.constant 126 : i32
    %mul3A_10 = arith.muli %add3A, %mul3A_9 : i32
    "tpu.region"() ({
      %run_scoped3A = tpu.sem_alloc : memref<!tpu.dma_semaphore, #tpu.memory_space<semaphore_mem>>
      %dma_start3A_52 = arith.constant 0 : i32
      %dma_start3A_53 = tpu.memref_slice %arg5[%mul3A_10, %dma_start3A_52] : memref<4032x80xi32, #tpu.memory_space<hbm>> -> memref<126x80xi32, #tpu.memory_space<hbm>>
      %dma_start3A_54 = arith.constant 0 : i32
      %dma_start3A_55 = tpu.memref_slice %arg5[%mul3A_10, %dma_start3A_54] : memref<4032x80xi32, #tpu.memory_space<hbm>> -> memref<126x80xi32, #tpu.memory_space<hbm>>
      tpu.enqueue_dma source(%dma_start3A_55 : memref<126x80xi32, #tpu.memory_space<hbm>>) target(%arg10 : memref<126x80xi32, #tpu.memory_space<vmem>>) target_semaphore(%run_scoped3A : memref<!tpu.dma_semaphore, #tpu.memory_space<semaphore_mem>>)
      %dma_wait3A_56 = arith.constant 0 : i32
      %dma_wait3A_57 = tpu.memref_slice %arg5[%mul3A_10, %dma_wait3A_56] : memref<4032x80xi32, #tpu.memory_space<hbm>> -> memref<126x80xi32, #tpu.memory_space<hbm>>
      %dma_wait3A_58 = arith.constant 0 : i32
      %dma_wait3A_59 = tpu.memref_slice %arg5[%mul3A_10, %dma_wait3A_58] : memref<4032x80xi32, #tpu.memory_space<hbm>> -> memref<126x80xi32, #tpu.memory_space<hbm>>
      tpu.wait_dma2 semaphore(%run_scoped3A : memref<!tpu.dma_semaphore, #tpu.memory_space<semaphore_mem>>) src(%dma_wait3A_59 : memref<126x80xi32, #tpu.memory_space<hbm>>) dst(%arg10 : memref<126x80xi32, #tpu.memory_space<vmem>>)
      tpu.yield
    }) : () -> ()
    %mul3A_11 = arith.constant 126 : i32
    %mul3A_12 = arith.muli %add3A, %mul3A_11 : i32
    "tpu.region"() ({
      %run_scoped3A = tpu.sem_alloc : memref<!tpu.dma_semaphore, #tpu.memory_space<semaphore_mem>>
      %dma_start3A_52 = arith.constant 0 : i32
      %dma_start3A_53 = tpu.memref_slice %arg6[%mul3A_12, %dma_start3A_52] : memref<4032x80xi32, #tpu.memory_space<hbm>> -> memref<126x80xi32, #tpu.memory_space<hbm>>
      %dma_start3A_54 = arith.constant 0 : i32
      %dma_start3A_55 = tpu.memref_slice %arg6[%mul3A_12, %dma_start3A_54] : memref<4032x80xi32, #tpu.memory_space<hbm>> -> memref<126x80xi32, #tpu.memory_space<hbm>>
      tpu.enqueue_dma source(%dma_start3A_55 : memref<126x80xi32, #tpu.memory_space<hbm>>) target(%arg11 : memref<126x80xi32, #tpu.memory_space<vmem>>) target_semaphore(%run_scoped3A : memref<!tpu.dma_semaphore, #tpu.memory_space<semaphore_mem>>)
      %dma_wait3A_56 = arith.constant 0 : i32
      %dma_wait3A_57 = tpu.memref_slice %arg6[%mul3A_12, %dma_wait3A_56] : memref<4032x80xi32, #tpu.memory_space<hbm>> -> memref<126x80xi32, #tpu.memory_space<hbm>>
      %dma_wait3A_58 = arith.constant 0 : i32
      %dma_wait3A_59 = tpu.memref_slice %arg6[%mul3A_12, %dma_wait3A_58] : memref<4032x80xi32, #tpu.memory_space<hbm>> -> memref<126x80xi32, #tpu.memory_space<hbm>>
      tpu.wait_dma2 semaphore(%run_scoped3A : memref<!tpu.dma_semaphore, #tpu.memory_space<semaphore_mem>>) src(%dma_wait3A_59 : memref<126x80xi32, #tpu.memory_space<hbm>>) dst(%arg11 : memref<126x80xi32, #tpu.memory_space<vmem>>)
      tpu.yield
    }) : () -> ()
    %barrier3A = arith.constant 0 : index
    tpu.barrier barrier_id(%barrier3A)
    %dma_start3A = arith.constant 0 : i32
    %dma_start3A_13 = arith.constant 0 : i32
    %dma_start3A_14 = tpu.memref_slice %arg9[%dma_start3A, %dma_start3A_13] : memref<126x80xi32, #tpu.memory_space<vmem>> -> memref<1x80xi32, #tpu.memory_space<vmem>>
    %dma_start3A_15 = tpu.memref_squeeze %dma_start3A_14 : memref<1x80xi32, #tpu.memory_space<vmem>> -> memref<80xi32, #tpu.memory_space<vmem>>
    %dma_start3A_16 = arith.constant 0 : i32
    %dma_start3A_17 = arith.constant 0 : i32
    %dma_start3A_18 = tpu.memref_slice %arg2[%dma_start3A_16, %dma_start3A_17] : memref<160000x64xf32, #tpu.memory_space<hbm>> -> memref<160000x64xf32, #tpu.memory_space<hbm>>
    tpu.enqueue_indirect_dma source(%dma_start3A_18 : memref<160000x64xf32, #tpu.memory_space<hbm>>) target(%arg14 : memref<80x64xf32, #tpu.memory_space<vmem>>) offsets(%dma_start3A_15 : memref<80xi32, #tpu.memory_space<vmem>>) semaphore(%arg17 : memref<!tpu.dma_semaphore, #tpu.memory_space<semaphore_mem>>)
    %dma_start3A_19 = arith.constant 0 : i32
    %dma_start3A_20 = arith.constant 0 : i32
    %dma_start3A_21 = tpu.memref_slice %arg10[%dma_start3A_19, %dma_start3A_20] : memref<126x80xi32, #tpu.memory_space<vmem>> -> memref<1x80xi32, #tpu.memory_space<vmem>>
    %dma_start3A_22 = tpu.memref_squeeze %dma_start3A_21 : memref<1x80xi32, #tpu.memory_space<vmem>> -> memref<80xi32, #tpu.memory_space<vmem>>
    %dma_start3A_23 = arith.constant 0 : i32
    %dma_start3A_24 = arith.constant 0 : i32
    %dma_start3A_25 = tpu.memref_slice %arg3[%dma_start3A_23, %dma_start3A_24] : memref<160016x16xf32, #tpu.memory_space<hbm>> -> memref<160016x16xf32, #tpu.memory_space<hbm>>
    tpu.enqueue_indirect_dma source(%dma_start3A_25 : memref<160016x16xf32, #tpu.memory_space<hbm>>) target(%arg12 : memref<80x16xf32, #tpu.memory_space<vmem>>) offsets(%dma_start3A_22 : memref<80xi32, #tpu.memory_space<vmem>>) semaphore(%arg19 : memref<!tpu.dma_semaphore, #tpu.memory_space<semaphore_mem>>)
    %scan3A_26 = arith.constant 0 : i32
    %scan3A_27 = arith.constant 63 : i32
    %scan3A_28 = arith.addi %scan3A_26, %scan3A_27 : i32
    %scan3A_29 = arith.constant 1 : i32
    scf.for %scan3A_52 = %scan3A_26 to %scan3A_28 step %scan3A_29  : i32 {
      %mul3A_53 = arith.constant 1 : i32
      %mul3A_54 = arith.muli %scan3A_52, %mul3A_53 : i32
      %add3A_55 = arith.constant 0 : i32
      %add3A_56 = arith.addi %add3A_55, %mul3A_54 : i32
      %mul3A_57 = arith.constant 2 : i32
      %mul3A_58 = arith.muli %mul3A_57, %add3A_56 : i32
      %mul3A_59 = arith.constant 2 : i32
      %mul3A_60 = arith.muli %mul3A_59, %add3A_56 : i32
      %add3A_61 = arith.constant 1 : i32
      %add3A_62 = arith.addi %mul3A_60, %add3A_61 : i32
      %dma_start3A_63 = arith.constant 0 : i32
      %dma_start3A_64 = tpu.memref_slice %arg9[%add3A_62, %dma_start3A_63] : memref<126x80xi32, #tpu.memory_space<vmem>> -> memref<1x80xi32, #tpu.memory_space<vmem>>
      %dma_start3A_65 = tpu.memref_squeeze %dma_start3A_64 : memref<1x80xi32, #tpu.memory_space<vmem>> -> memref<80xi32, #tpu.memory_space<vmem>>
      %dma_start3A_66 = arith.constant 0 : i32
      %dma_start3A_67 = arith.constant 0 : i32
      %dma_start3A_68 = tpu.memref_slice %arg2[%dma_start3A_66, %dma_start3A_67] : memref<160000x64xf32, #tpu.memory_space<hbm>> -> memref<160000x64xf32, #tpu.memory_space<hbm>>
      tpu.enqueue_indirect_dma source(%dma_start3A_68 : memref<160000x64xf32, #tpu.memory_space<hbm>>) target(%arg15 : memref<80x64xf32, #tpu.memory_space<vmem>>) offsets(%dma_start3A_65 : memref<80xi32, #tpu.memory_space<vmem>>) semaphore(%arg18 : memref<!tpu.dma_semaphore, #tpu.memory_space<semaphore_mem>>)
      %dma_start3A_69 = arith.constant 0 : i32
      %dma_start3A_70 = tpu.memref_slice %arg10[%add3A_62, %dma_start3A_69] : memref<126x80xi32, #tpu.memory_space<vmem>> -> memref<1x80xi32, #tpu.memory_space<vmem>>
      %dma_start3A_71 = tpu.memref_squeeze %dma_start3A_70 : memref<1x80xi32, #tpu.memory_space<vmem>> -> memref<80xi32, #tpu.memory_space<vmem>>
      %dma_start3A_72 = arith.constant 0 : i32
      %dma_start3A_73 = arith.constant 0 : i32
      %dma_start3A_74 = tpu.memref_slice %arg3[%dma_start3A_72, %dma_start3A_73] : memref<160016x16xf32, #tpu.memory_space<hbm>> -> memref<160016x16xf32, #tpu.memory_space<hbm>>
      tpu.enqueue_indirect_dma source(%dma_start3A_74 : memref<160016x16xf32, #tpu.memory_space<hbm>>) target(%arg13 : memref<80x16xf32, #tpu.memory_space<vmem>>) offsets(%dma_start3A_71 : memref<80xi32, #tpu.memory_space<vmem>>) semaphore(%arg20 : memref<!tpu.dma_semaphore, #tpu.memory_space<semaphore_mem>>)
      %dma_wait3A_75 = arith.constant 0 : i32
      %dma_wait3A_76 = arith.constant 0 : i32
      %dma_wait3A_77 = tpu.memref_slice %arg9[%dma_wait3A_75, %dma_wait3A_76] : memref<126x80xi32, #tpu.memory_space<vmem>> -> memref<1x80xi32, #tpu.memory_space<vmem>>
      %dma_wait3A_78 = tpu.memref_squeeze %dma_wait3A_77 : memref<1x80xi32, #tpu.memory_space<vmem>> -> memref<80xi32, #tpu.memory_space<vmem>>
      %dma_wait3A_79 = arith.constant 0 : i32
      %dma_wait3A_80 = arith.constant 0 : i32
      %dma_wait3A_81 = tpu.memref_slice %arg2[%dma_wait3A_79, %dma_wait3A_80] : memref<160000x64xf32, #tpu.memory_space<hbm>> -> memref<160000x64xf32, #tpu.memory_space<hbm>>
      tpu.wait_indirect_dma semaphore(%arg17 : memref<!tpu.dma_semaphore, #tpu.memory_space<semaphore_mem>>) src(%dma_wait3A_81 : memref<160000x64xf32, #tpu.memory_space<hbm>>) dst(%arg14 : memref<80x64xf32, #tpu.memory_space<vmem>>)
      %dma_wait3A_82 = arith.constant 0 : i32
      %dma_wait3A_83 = arith.constant 0 : i32
      %dma_wait3A_84 = tpu.memref_slice %arg10[%dma_wait3A_82, %dma_wait3A_83] : memref<126x80xi32, #tpu.memory_space<vmem>> -> memref<1x80xi32, #tpu.memory_space<vmem>>
      %dma_wait3A_85 = tpu.memref_squeeze %dma_wait3A_84 : memref<1x80xi32, #tpu.memory_space<vmem>> -> memref<80xi32, #tpu.memory_space<vmem>>
      %dma_wait3A_86 = arith.constant 0 : i32
      %dma_wait3A_87 = arith.constant 0 : i32
      %dma_wait3A_88 = tpu.memref_slice %arg3[%dma_wait3A_86, %dma_wait3A_87] : memref<160016x16xf32, #tpu.memory_space<hbm>> -> memref<160016x16xf32, #tpu.memory_space<hbm>>
      tpu.wait_indirect_dma semaphore(%arg19 : memref<!tpu.dma_semaphore, #tpu.memory_space<semaphore_mem>>) src(%dma_wait3A_88 : memref<160016x16xf32, #tpu.memory_space<hbm>>) dst(%arg12 : memref<80x16xf32, #tpu.memory_space<vmem>>)
      %scan3A_89 = arith.constant 0 : i32
      %scan3A_90 = arith.constant 80 : i32
      %scan3A_91 = arith.addi %scan3A_89, %scan3A_90 : i32
      %scan3A_92 = arith.constant 4 : i32
      scf.for %scan3A_128 = %scan3A_89 to %scan3A_91 step %scan3A_92  : i32 {
        %mul3A_129 = arith.constant 1 : i32
        %mul3A_130 = arith.muli %scan3A_128, %mul3A_129 : i32
        %add3A_131 = arith.constant 0 : i32
        %add3A_132 = arith.addi %add3A_131, %mul3A_130 : i32
        %get3A = arith.index_cast %add3A_132 : i32 to index
        %get3A_133 = arith.constant 0 : index
        %get3A_134 = tpu.vector_load %arg12[%get3A, %get3A_133] {strides = array<i32>} : memref<80x16xf32, #tpu.memory_space<vmem>>, vector<1x16xf32>,
        %get3A_135 = vector.shape_cast %get3A_134 : vector<1x16xf32> to vector<16xf32>
        %get3A_136 = arith.index_cast %add3A_132 : i32 to index
        %get3A_137 = arith.constant 0 : index
        %get3A_138 = tpu.vector_load %arg14[%get3A_136, %get3A_137] {strides = array<i32>} : memref<80x64xf32, #tpu.memory_space<vmem>>, vector<1x16xf32>,
        %get3A_139 = vector.shape_cast %get3A_138 : vector<1x16xf32> to vector<16xf32>
        %mul3A_140 = arith.mulf %get3A_139, %get3A_135 : vector<16xf32>
        %swap3A = arith.index_cast %add3A_132 : i32 to index
        %swap3A_141 = arith.constant 0 : index
        %swap3A_142 = tpu.vector_load %arg14[%swap3A, %swap3A_141] {strides = array<i32>} : memref<80x64xf32, #tpu.memory_space<vmem>>, vector<1x16xf32>,
        %swap3A_143 = vector.shape_cast %swap3A_142 : vector<1x16xf32> to vector<16xf32>
        %swap3A_144 = vector.shape_cast %mul3A_140 : vector<16xf32> to vector<1x16xf32>
        tpu.vector_store %arg14[%swap3A, %swap3A_141], %swap3A_144 {strides = array<i32>} : memref<80x64xf32, #tpu.memory_space<vmem>>, vector<1x16xf32>,
        %get3A_145 = arith.index_cast %add3A_132 : i32 to index
        %get3A_146 = arith.constant 16 : index
        %get3A_147 = tpu.vector_load %arg14[%get3A_145, %get3A_146] {strides = array<i32>} : memref<80x64xf32, #tpu.memory_space<vmem>>, vector<1x16xf32>,
        %get3A_148 = vector.shape_cast %get3A_147 : vector<1x16xf32> to vector<16xf32>
        %mul3A_149 = arith.mulf %get3A_148, %get3A_135 : vector<16xf32>
        %swap3A_150 = arith.index_cast %add3A_132 : i32 to index
        %swap3A_151 = arith.constant 16 : index
        %swap3A_152 = tpu.vector_load %arg14[%swap3A_150, %swap3A_151] {strides = array<i32>} : memref<80x64xf32, #tpu.memory_space<vmem>>, vector<1x16xf32>,
        %swap3A_153 = vector.shape_cast %swap3A_152 : vector<1x16xf32> to vector<16xf32>
        %swap3A_154 = vector.shape_cast %mul3A_149 : vector<16xf32> to vector<1x16xf32>
        tpu.vector_store %arg14[%swap3A_150, %swap3A_151], %swap3A_154 {strides = array<i32>} : memref<80x64xf32, #tpu.memory_space<vmem>>, vector<1x16xf32>,
        %get3A_155 = arith.index_cast %add3A_132 : i32 to index
        %get3A_156 = arith.constant 32 : index
        %get3A_157 = tpu.vector_load %arg14[%get3A_155, %get3A_156] {strides = array<i32>} : memref<80x64xf32, #tpu.memory_space<vmem>>, vector<1x16xf32>,
        %get3A_158 = vector.shape_cast %get3A_157 : vector<1x16xf32> to vector<16xf32>
        %mul3A_159 = arith.mulf %get3A_158, %get3A_135 : vector<16xf32>
        %swap3A_160 = arith.index_cast %add3A_132 : i32 to index
        %swap3A_161 = arith.constant 32 : index
        %swap3A_162 = tpu.vector_load %arg14[%swap3A_160, %swap3A_161] {strides = array<i32>} : memref<80x64xf32, #tpu.memory_space<vmem>>, vector<1x16xf32>,
        %swap3A_163 = vector.shape_cast %swap3A_162 : vector<1x16xf32> to vector<16xf32>
        %swap3A_164 = vector.shape_cast %mul3A_159 : vector<16xf32> to vector<1x16xf32>
        tpu.vector_store %arg14[%swap3A_160, %swap3A_161], %swap3A_164 {strides = array<i32>} : memref<80x64xf32, #tpu.memory_space<vmem>>, vector<1x16xf32>,
        %get3A_165 = arith.index_cast %add3A_132 : i32 to index
        %get3A_166 = arith.constant 48 : index
        %get3A_167 = tpu.vector_load %arg14[%get3A_165, %get3A_166] {strides = array<i32>} : memref<80x64xf32, #tpu.memory_space<vmem>>, vector<1x16xf32>,
        %get3A_168 = vector.shape_cast %get3A_167 : vector<1x16xf32> to vector<16xf32>
        %mul3A_169 = arith.mulf %get3A_168, %get3A_135 : vector<16xf32>
        %swap3A_170 = arith.index_cast %add3A_132 : i32 to index
        %swap3A_171 = arith.constant 48 : index
        %swap3A_172 = tpu.vector_load %arg14[%swap3A_170, %swap3A_171] {strides = array<i32>} : memref<80x64xf32, #tpu.memory_space<vmem>>, vector<1x16xf32>,
        %swap3A_173 = vector.shape_cast %swap3A_172 : vector<1x16xf32> to vector<16xf32>
        %swap3A_174 = vector.shape_cast %mul3A_169 : vector<16xf32> to vector<1x16xf32>
        tpu.vector_store %arg14[%swap3A_170, %swap3A_171], %swap3A_174 {strides = array<i32>} : memref<80x64xf32, #tpu.memory_space<vmem>>, vector<1x16xf32>,
        %scan3A_175 = arith.constant 1 : i32
        %scan3A_176 = arith.addi %scan3A_128, %scan3A_175 : i32
        %mul3A_177 = arith.constant 1 : i32
        %mul3A_178 = arith.muli %scan3A_176, %mul3A_177 : i32
        %add3A_179 = arith.constant 0 : i32
        %add3A_180 = arith.addi %add3A_179, %mul3A_178 : i32
        %get3A_181 = arith.index_cast %add3A_180 : i32 to index
        %get3A_182 = arith.constant 0 : index
        %get3A_183 = tpu.vector_load %arg12[%get3A_181, %get3A_182] {strides = array<i32>} : memref<80x16xf32, #tpu.memory_space<vmem>>, vector<1x16xf32>,
        %get3A_184 = vector.shape_cast %get3A_183 : vector<1x16xf32> to vector<16xf32>
        %get3A_185 = arith.index_cast %add3A_180 : i32 to index
        %get3A_186 = arith.constant 0 : index
        %get3A_187 = tpu.vector_load %arg14[%get3A_185, %get3A_186] {strides = array<i32>} : memref<80x64xf32, #tpu.memory_space<vmem>>, vector<1x16xf32>,
        %get3A_188 = vector.shape_cast %get3A_187 : vector<1x16xf32> to vector<16xf32>
        %mul3A_189 = arith.mulf %get3A_188, %get3A_184 : vector<16xf32>
        %swap3A_190 = arith.index_cast %add3A_180 : i32 to index
        %swap3A_191 = arith.constant 0 : index
        %swap3A_192 = tpu.vector_load %arg14[%swap3A_190, %swap3A_191] {strides = array<i32>} : memref<80x64xf32, #tpu.memory_space<vmem>>, vector<1x16xf32>,
        %swap3A_193 = vector.shape_cast %swap3A_192 : vector<1x16xf32> to vector<16xf32>
        %swap3A_194 = vector.shape_cast %mul3A_189 : vector<16xf32> to vector<1x16xf32>
        tpu.vector_store %arg14[%swap3A_190, %swap3A_191], %swap3A_194 {strides = array<i32>} : memref<80x64xf32, #tpu.memory_space<vmem>>, vector<1x16xf32>,
        %get3A_195 = arith.index_cast %add3A_180 : i32 to index
        %get3A_196 = arith.constant 16 : index
        %get3A_197 = tpu.vector_load %arg14[%get3A_195, %get3A_196] {strides = array<i32>} : memref<80x64xf32, #tpu.memory_space<vmem>>, vector<1x16xf32>,
        %get3A_198 = vector.shape_cast %get3A_197 : vector<1x16xf32> to vector<16xf32>
        %mul3A_199 = arith.mulf %get3A_198, %get3A_184 : vector<16xf32>
        %swap3A_200 = arith.index_cast %add3A_180 : i32 to index
        %swap3A_201 = arith.constant 16 : index
        %swap3A_202 = tpu.vector_load %arg14[%swap3A_200, %swap3A_201] {strides = array<i32>} : memref<80x64xf32, #tpu.memory_space<vmem>>, vector<1x16xf32>,
        %swap3A_203 = vector.shape_cast %swap3A_202 : vector<1x16xf32> to vector<16xf32>
        %swap3A_204 = vector.shape_cast %mul3A_199 : vector<16xf32> to vector<1x16xf32>
        tpu.vector_store %arg14[%swap3A_200, %swap3A_201], %swap3A_204 {strides = array<i32>} : memref<80x64xf32, #tpu.memory_space<vmem>>, vector<1x16xf32>,
        %get3A_205 = arith.index_cast %add3A_180 : i32 to index
        %get3A_206 = arith.constant 32 : index
        %get3A_207 = tpu.vector_load %arg14[%get3A_205, %get3A_206] {strides = array<i32>} : memref<80x64xf32, #tpu.memory_space<vmem>>, vector<1x16xf32>,
        %get3A_208 = vector.shape_cast %get3A_207 : vector<1x16xf32> to vector<16xf32>
        %mul3A_209 = arith.mulf %get3A_208, %get3A_184 : vector<16xf32>
        %swap3A_210 = arith.index_cast %add3A_180 : i32 to index
        %swap3A_211 = arith.constant 32 : index
        %swap3A_212 = tpu.vector_load %arg14[%swap3A_210, %swap3A_211] {strides = array<i32>} : memref<80x64xf32, #tpu.memory_space<vmem>>, vector<1x16xf32>,
        %swap3A_213 = vector.shape_cast %swap3A_212 : vector<1x16xf32> to vector<16xf32>
        %swap3A_214 = vector.shape_cast %mul3A_209 : vector<16xf32> to vector<1x16xf32>
        tpu.vector_store %arg14[%swap3A_210, %swap3A_211], %swap3A_214 {strides = array<i32>} : memref<80x64xf32, #tpu.memory_space<vmem>>, vector<1x16xf32>,
        %get3A_215 = arith.index_cast %add3A_180 : i32 to index
        %get3A_216 = arith.constant 48 : index
        %get3A_217 = tpu.vector_load %arg14[%get3A_215, %get3A_216] {strides = array<i32>} : memref<80x64xf32, #tpu.memory_space<vmem>>, vector<1x16xf32>,
        %get3A_218 = vector.shape_cast %get3A_217 : vector<1x16xf32> to vector<16xf32>
        %mul3A_219 = arith.mulf %get3A_218, %get3A_184 : vector<16xf32>
        %swap3A_220 = arith.index_cast %add3A_180 : i32 to index
        %swap3A_221 = arith.constant 48 : index
        %swap3A_222 = tpu.vector_load %arg14[%swap3A_220, %swap3A_221] {strides = array<i32>} : memref<80x64xf32, #tpu.memory_space<vmem>>, vector<1x16xf32>,
        %swap3A_223 = vector.shape_cast %swap3A_222 : vector<1x16xf32> to vector<16xf32>
        %swap3A_224 = vector.shape_cast %mul3A_219 : vector<16xf32> to vector<1x16xf32>
        tpu.vector_store %arg14[%swap3A_220, %swap3A_221], %swap3A_224 {strides = array<i32>} : memref<80x64xf32, #tpu.memory_space<vmem>>, vector<1x16xf32>,
        %scan3A_225 = arith.constant 2 : i32
        %scan3A_226 = arith.addi %scan3A_128, %scan3A_225 : i32
        %mul3A_227 = arith.constant 1 : i32
        %mul3A_228 = arith.muli %scan3A_226, %mul3A_227 : i32
        %add3A_229 = arith.constant 0 : i32
        %add3A_230 = arith.addi %add3A_229, %mul3A_228 : i32
        %get3A_231 = arith.index_cast %add3A_230 : i32 to index
        %get3A_232 = arith.constant 0 : index
        %get3A_233 = tpu.vector_load %arg12[%get3A_231, %get3A_232] {strides = array<i32>} : memref<80x16xf32, #tpu.memory_space<vmem>>, vector<1x16xf32>,
        %get3A_234 = vector.shape_cast %get3A_233 : vector<1x16xf32> to vector<16xf32>
        %get3A_235 = arith.index_cast %add3A_230 : i32 to index
        %get3A_236 = arith.constant 0 : index
        %get3A_237 = tpu.vector_load %arg14[%get3A_235, %get3A_236] {strides = array<i32>} : memref<80x64xf32, #tpu.memory_space<vmem>>, vector<1x16xf32>,
        %get3A_238 = vector.shape_cast %get3A_237 : vector<1x16xf32> to vector<16xf32>
        %mul3A_239 = arith.mulf %get3A_238, %get3A_234 : vector<16xf32>
        %swap3A_240 = arith.index_cast %add3A_230 : i32 to index
        %swap3A_241 = arith.constant 0 : index
        %swap3A_242 = tpu.vector_load %arg14[%swap3A_240, %swap3A_241] {strides = array<i32>} : memref<80x64xf32, #tpu.memory_space<vmem>>, vector<1x16xf32>,
        %swap3A_243 = vector.shape_cast %swap3A_242 : vector<1x16xf32> to vector<16xf32>
        %swap3A_244 = vector.shape_cast %mul3A_239 : vector<16xf32> to vector<1x16xf32>
        tpu.vector_store %arg14[%swap3A_240, %swap3A_241], %swap3A_244 {strides = array<i32>} : memref<80x64xf32, #tpu.memory_space<vmem>>, vector<1x16xf32>,
        %get3A_245 = arith.index_cast %add3A_230 : i32 to index
        %get3A_246 = arith.constant 16 : index
        %get3A_247 = tpu.vector_load %arg14[%get3A_245, %get3A_246] {strides = array<i32>} : memref<80x64xf32, #tpu.memory_space<vmem>>, vector<1x16xf32>,
        %get3A_248 = vector.shape_cast %get3A_247 : vector<1x16xf32> to vector<16xf32>
        %mul3A_249 = arith.mulf %get3A_248, %get3A_234 : vector<16xf32>
        %swap3A_250 = arith.index_cast %add3A_230 : i32 to index
        %swap3A_251 = arith.constant 16 : index
        %swap3A_252 = tpu.vector_load %arg14[%swap3A_250, %swap3A_251] {strides = array<i32>} : memref<80x64xf32, #tpu.memory_space<vmem>>, vector<1x16xf32>,
        %swap3A_253 = vector.shape_cast %swap3A_252 : vector<1x16xf32> to vector<16xf32>
        %swap3A_254 = vector.shape_cast %mul3A_249 : vector<16xf32> to vector<1x16xf32>
        tpu.vector_store %arg14[%swap3A_250, %swap3A_251], %swap3A_254 {strides = array<i32>} : memref<80x64xf32, #tpu.memory_space<vmem>>, vector<1x16xf32>,
        %get3A_255 = arith.index_cast %add3A_230 : i32 to index
        %get3A_256 = arith.constant 32 : index
        %get3A_257 = tpu.vector_load %arg14[%get3A_255, %get3A_256] {strides = array<i32>} : memref<80x64xf32, #tpu.memory_space<vmem>>, vector<1x16xf32>,
        %get3A_258 = vector.shape_cast %get3A_257 : vector<1x16xf32> to vector<16xf32>
        %mul3A_259 = arith.mulf %get3A_258, %get3A_234 : vector<16xf32>
        %swap3A_260 = arith.index_cast %add3A_230 : i32 to index
        %swap3A_261 = arith.constant 32 : index
        %swap3A_262 = tpu.vector_load %arg14[%swap3A_260, %swap3A_261] {strides = array<i32>} : memref<80x64xf32, #tpu.memory_space<vmem>>, vector<1x16xf32>,
        %swap3A_263 = vector.shape_cast %swap3A_262 : vector<1x16xf32> to vector<16xf32>
        %swap3A_264 = vector.shape_cast %mul3A_259 : vector<16xf32> to vector<1x16xf32>
        tpu.vector_store %arg14[%swap3A_260, %swap3A_261], %swap3A_264 {strides = array<i32>} : memref<80x64xf32, #tpu.memory_space<vmem>>, vector<1x16xf32>,
        %get3A_265 = arith.index_cast %add3A_230 : i32 to index
        %get3A_266 = arith.constant 48 : index
        %get3A_267 = tpu.vector_load %arg14[%get3A_265, %get3A_266] {strides = array<i32>} : memref<80x64xf32, #tpu.memory_space<vmem>>, vector<1x16xf32>,
        %get3A_268 = vector.shape_cast %get3A_267 : vector<1x16xf32> to vector<16xf32>
        %mul3A_269 = arith.mulf %get3A_268, %get3A_234 : vector<16xf32>
        %swap3A_270 = arith.index_cast %add3A_230 : i32 to index
        %swap3A_271 = arith.constant 48 : index
        %swap3A_272 = tpu.vector_load %arg14[%swap3A_270, %swap3A_271] {strides = array<i32>} : memref<80x64xf32, #tpu.memory_space<vmem>>, vector<1x16xf32>,
        %swap3A_273 = vector.shape_cast %swap3A_272 : vector<1x16xf32> to vector<16xf32>
        %swap3A_274 = vector.shape_cast %mul3A_269 : vector<16xf32> to vector<1x16xf32>
        tpu.vector_store %arg14[%swap3A_270, %swap3A_271], %swap3A_274 {strides = array<i32>} : memref<80x64xf32, #tpu.memory_space<vmem>>, vector<1x16xf32>,
        %scan3A_275 = arith.constant 3 : i32
        %scan3A_276 = arith.addi %scan3A_128, %scan3A_275 : i32
        %mul3A_277 = arith.constant 1 : i32
        %mul3A_278 = arith.muli %scan3A_276, %mul3A_277 : i32
        %add3A_279 = arith.constant 0 : i32
        %add3A_280 = arith.addi %add3A_279, %mul3A_278 : i32
        %get3A_281 = arith.index_cast %add3A_280 : i32 to index
        %get3A_282 = arith.constant 0 : index
        %get3A_283 = tpu.vector_load %arg12[%get3A_281, %get3A_282] {strides = array<i32>} : memref<80x16xf32, #tpu.memory_space<vmem>>, vector<1x16xf32>,
        %get3A_284 = vector.shape_cast %get3A_283 : vector<1x16xf32> to vector<16xf32>
        %get3A_285 = arith.index_cast %add3A_280 : i32 to index
        %get3A_286 = arith.constant 0 : index
        %get3A_287 = tpu.vector_load %arg14[%get3A_285, %get3A_286] {strides = array<i32>} : memref<80x64xf32, #tpu.memory_space<vmem>>, vector<1x16xf32>,
        %get3A_288 = vector.shape_cast %get3A_287 : vector<1x16xf32> to vector<16xf32>
        %mul3A_289 = arith.mulf %get3A_288, %get3A_284 : vector<16xf32>
        %swap3A_290 = arith.index_cast %add3A_280 : i32 to index
        %swap3A_291 = arith.constant 0 : index
        %swap3A_292 = tpu.vector_load %arg14[%swap3A_290, %swap3A_291] {strides = array<i32>} : memref<80x64xf32, #tpu.memory_space<vmem>>, vector<1x16xf32>,
        %swap3A_293 = vector.shape_cast %swap3A_292 : vector<1x16xf32> to vector<16xf32>
        %swap3A_294 = vector.shape_cast %mul3A_289 : vector<16xf32> to vector<1x16xf32>
        tpu.vector_store %arg14[%swap3A_290, %swap3A_291], %swap3A_294 {strides = array<i32>} : memref<80x64xf32, #tpu.memory_space<vmem>>, vector<1x16xf32>,
        %get3A_295 = arith.index_cast %add3A_280 : i32 to index
        %get3A_296 = arith.constant 16 : index
        %get3A_297 = tpu.vector_load %arg14[%get3A_295, %get3A_296] {strides = array<i32>} : memref<80x64xf32, #tpu.memory_space<vmem>>, vector<1x16xf32>,
        %get3A_298 = vector.shape_cast %get3A_297 : vector<1x16xf32> to vector<16xf32>
        %mul3A_299 = arith.mulf %get3A_298, %get3A_284 : vector<16xf32>
        %swap3A_300 = arith.index_cast %add3A_280 : i32 to index
        %swap3A_301 = arith.constant 16 : index
        %swap3A_302 = tpu.vector_load %arg14[%swap3A_300, %swap3A_301] {strides = array<i32>} : memref<80x64xf32, #tpu.memory_space<vmem>>, vector<1x16xf32>,
        %swap3A_303 = vector.shape_cast %swap3A_302 : vector<1x16xf32> to vector<16xf32>
        %swap3A_304 = vector.shape_cast %mul3A_299 : vector<16xf32> to vector<1x16xf32>
        tpu.vector_store %arg14[%swap3A_300, %swap3A_301], %swap3A_304 {strides = array<i32>} : memref<80x64xf32, #tpu.memory_space<vmem>>, vector<1x16xf32>,
        %get3A_305 = arith.index_cast %add3A_280 : i32 to index
        %get3A_306 = arith.constant 32 : index
        %get3A_307 = tpu.vector_load %arg14[%get3A_305, %get3A_306] {strides = array<i32>} : memref<80x64xf32, #tpu.memory_space<vmem>>, vector<1x16xf32>,
        %get3A_308 = vector.shape_cast %get3A_307 : vector<1x16xf32> to vector<16xf32>
        %mul3A_309 = arith.mulf %get3A_308, %get3A_284 : vector<16xf32>
        %swap3A_310 = arith.index_cast %add3A_280 : i32 to index
        %swap3A_311 = arith.constant 32 : index
        %swap3A_312 = tpu.vector_load %arg14[%swap3A_310, %swap3A_311] {strides = array<i32>} : memref<80x64xf32, #tpu.memory_space<vmem>>, vector<1x16xf32>,
        %swap3A_313 = vector.shape_cast %swap3A_312 : vector<1x16xf32> to vector<16xf32>
        %swap3A_314 = vector.shape_cast %mul3A_309 : vector<16xf32> to vector<1x16xf32>
        tpu.vector_store %arg14[%swap3A_310, %swap3A_311], %swap3A_314 {strides = array<i32>} : memref<80x64xf32, #tpu.memory_space<vmem>>, vector<1x16xf32>,
        %get3A_315 = arith.index_cast %add3A_280 : i32 to index
        %get3A_316 = arith.constant 48 : index
        %get3A_317 = tpu.vector_load %arg14[%get3A_315, %get3A_316] {strides = array<i32>} : memref<80x64xf32, #tpu.memory_space<vmem>>, vector<1x16xf32>,
        %get3A_318 = vector.shape_cast %get3A_317 : vector<1x16xf32> to vector<16xf32>
        %mul3A_319 = arith.mulf %get3A_318, %get3A_284 : vector<16xf32>
        %swap3A_320 = arith.index_cast %add3A_280 : i32 to index
        %swap3A_321 = arith.constant 48 : index
        %swap3A_322 = tpu.vector_load %arg14[%swap3A_320, %swap3A_321] {strides = array<i32>} : memref<80x64xf32, #tpu.memory_space<vmem>>, vector<1x16xf32>,
        %swap3A_323 = vector.shape_cast %swap3A_322 : vector<1x16xf32> to vector<16xf32>
        %swap3A_324 = vector.shape_cast %mul3A_319 : vector<16xf32> to vector<1x16xf32>
        tpu.vector_store %arg14[%swap3A_320, %swap3A_321], %swap3A_324 {strides = array<i32>} : memref<80x64xf32, #tpu.memory_space<vmem>>, vector<1x16xf32>,
      }
      %scan3A_93 = arith.constant 80 : i32
      "tpu.region"() ({
        %run_scoped3A = tpu.sem_alloc : memref<!tpu.dma_semaphore, #tpu.memory_space<semaphore_mem>>
        %dma_start3A_128 = arith.constant 0 : i32
        %dma_start3A_129 = tpu.memref_slice %arg11[%mul3A_58, %dma_start3A_128] : memref<126x80xi32, #tpu.memory_space<vmem>> -> memref<1x80xi32, #tpu.memory_space<vmem>>
        %dma_start3A_130 = tpu.memref_squeeze %dma_start3A_129 : memref<1x80xi32, #tpu.memory_space<vmem>> -> memref<80xi32, #tpu.memory_space<vmem>>
        %dma_start3A_131 = arith.constant 0 : i32
        %dma_start3A_132 = arith.constant 0 : i32
        %dma_start3A_133 = tpu.memref_slice %arg8[%dma_start3A_131, %dma_start3A_132] : memref<10000x64xf32, #tpu.memory_space<vmem_shared>> -> memref<10000x64xf32, #tpu.memory_space<vmem_shared>>
        tpu.enqueue_indirect_dma source(%arg14 : memref<80x64xf32, #tpu.memory_space<vmem>>) target(%dma_start3A_133 : memref<10000x64xf32, #tpu.memory_space<vmem_shared>>) offsets(%dma_start3A_130 : memref<80xi32, #tpu.memory_space<vmem>>) semaphore(%run_scoped3A : memref<!tpu.dma_semaphore, #tpu.memory_space<semaphore_mem>>) {add = true}
        %dma_wait3A_134 = arith.constant 0 : i32
        %dma_wait3A_135 = tpu.memref_slice %arg11[%mul3A_58, %dma_wait3A_134] : memref<126x80xi32, #tpu.memory_space<vmem>> -> memref<1x80xi32, #tpu.memory_space<vmem>>
        %dma_wait3A_136 = tpu.memref_squeeze %dma_wait3A_135 : memref<1x80xi32, #tpu.memory_space<vmem>> -> memref<80xi32, #tpu.memory_space<vmem>>
        %dma_wait3A_137 = arith.constant 0 : i32
        %dma_wait3A_138 = arith.constant 0 : i32
        %dma_wait3A_139 = tpu.memref_slice %arg8[%dma_wait3A_137, %dma_wait3A_138] : memref<10000x64xf32, #tpu.memory_space<vmem_shared>> -> memref<10000x64xf32, #tpu.memory_space<vmem_shared>>
        tpu.wait_indirect_dma semaphore(%run_scoped3A : memref<!tpu.dma_semaphore, #tpu.memory_space<semaphore_mem>>) src(%arg14 : memref<80x64xf32, #tpu.memory_space<vmem>>) dst(%dma_wait3A_139 : memref<10000x64xf32, #tpu.memory_space<vmem_shared>>)
        tpu.yield
      }) : () -> ()
      %add3A_94 = arith.constant 1 : i32
      %add3A_95 = arith.addi %add3A_62, %add3A_94 : i32
      %min3A = arith.constant 125 : i32
      %min3A_96 = arith.minsi %add3A_95, %min3A : i32
      %dma_start3A_97 = arith.constant 0 : i32
      %dma_start3A_98 = tpu.memref_slice %arg9[%min3A_96, %dma_start3A_97] : memref<126x80xi32, #tpu.memory_space<vmem>> -> memref<1x80xi32, #tpu.memory_space<vmem>>
      %dma_start3A_99 = tpu.memref_squeeze %dma_start3A_98 : memref<1x80xi32, #tpu.memory_space<vmem>> -> memref<80xi32, #tpu.memory_space<vmem>>
      %dma_start3A_100 = arith.constant 0 : i32
      %dma_start3A_101 = arith.constant 0 : i32
      %dma_start3A_102 = tpu.memref_slice %arg2[%dma_start3A_100, %dma_start3A_101] : memref<160000x64xf32, #tpu.memory_space<hbm>> -> memref<160000x64xf32, #tpu.memory_space<hbm>>
      tpu.enqueue_indirect_dma source(%dma_start3A_102 : memref<160000x64xf32, #tpu.memory_space<hbm>>) target(%arg14 : memref<80x64xf32, #tpu.memory_space<vmem>>) offsets(%dma_start3A_99 : memref<80xi32, #tpu.memory_space<vmem>>) semaphore(%arg17 : memref<!tpu.dma_semaphore, #tpu.memory_space<semaphore_mem>>)
      %dma_start3A_103 = arith.constant 0 : i32
      %dma_start3A_104 = tpu.memref_slice %arg10[%min3A_96, %dma_start3A_103] : memref<126x80xi32, #tpu.memory_space<vmem>> -> memref<1x80xi32, #tpu.memory_space<vmem>>
      %dma_start3A_105 = tpu.memref_squeeze %dma_start3A_104 : memref<1x80xi32, #tpu.memory_space<vmem>> -> memref<80xi32, #tpu.memory_space<vmem>>
      %dma_start3A_106 = arith.constant 0 : i32
      %dma_start3A_107 = arith.constant 0 : i32
      %dma_start3A_108 = tpu.memref_slice %arg3[%dma_start3A_106, %dma_start3A_107] : memref<160016x16xf32, #tpu.memory_space<hbm>> -> memref<160016x16xf32, #tpu.memory_space<hbm>>
      tpu.enqueue_indirect_dma source(%dma_start3A_108 : memref<160016x16xf32, #tpu.memory_space<hbm>>) target(%arg12 : memref<80x16xf32, #tpu.memory_space<vmem>>) offsets(%dma_start3A_105 : memref<80xi32, #tpu.memory_space<vmem>>) semaphore(%arg19 : memref<!tpu.dma_semaphore, #tpu.memory_space<semaphore_mem>>)
      %dma_wait3A_109 = arith.constant 0 : i32
      %dma_wait3A_110 = arith.constant 0 : i32
      %dma_wait3A_111 = tpu.memref_slice %arg9[%dma_wait3A_109, %dma_wait3A_110] : memref<126x80xi32, #tpu.memory_space<vmem>> -> memref<1x80xi32, #tpu.memory_space<vmem>>
      %dma_wait3A_112 = tpu.memref_squeeze %dma_wait3A_111 : memref<1x80xi32, #tpu.memory_space<vmem>> -> memref<80xi32, #tpu.memory_space<vmem>>
      %dma_wait3A_113 = arith.constant 0 : i32
      %dma_wait3A_114 = arith.constant 0 : i32
      %dma_wait3A_115 = tpu.memref_slice %arg2[%dma_wait3A_113, %dma_wait3A_114] : memref<160000x64xf32, #tpu.memory_space<hbm>> -> memref<160000x64xf32, #tpu.memory_space<hbm>>
      tpu.wait_indirect_dma semaphore(%arg18 : memref<!tpu.dma_semaphore, #tpu.memory_space<semaphore_mem>>) src(%dma_wait3A_115 : memref<160000x64xf32, #tpu.memory_space<hbm>>) dst(%arg15 : memref<80x64xf32, #tpu.memory_space<vmem>>)
      %dma_wait3A_116 = arith.constant 0 : i32
      %dma_wait3A_117 = arith.constant 0 : i32
      %dma_wait3A_118 = tpu.memref_slice %arg10[%dma_wait3A_116, %dma_wait3A_117] : memref<126x80xi32, #tpu.memory_space<vmem>> -> memref<1x80xi32, #tpu.memory_space<vmem>>
      %dma_wait3A_119 = tpu.memref_squeeze %dma_wait3A_118 : memref<1x80xi32, #tpu.memory_space<vmem>> -> memref<80xi32, #tpu.memory_space<vmem>>
      %dma_wait3A_120 = arith.constant 0 : i32
      %dma_wait3A_121 = arith.constant 0 : i32
      %dma_wait3A_122 = tpu.memref_slice %arg3[%dma_wait3A_120, %dma_wait3A_121] : memref<160016x16xf32, #tpu.memory_space<hbm>> -> memref<160016x16xf32, #tpu.memory_space<hbm>>
      tpu.wait_indirect_dma semaphore(%arg20 : memref<!tpu.dma_semaphore, #tpu.memory_space<semaphore_mem>>) src(%dma_wait3A_122 : memref<160016x16xf32, #tpu.memory_space<hbm>>) dst(%arg13 : memref<80x16xf32, #tpu.memory_space<vmem>>)
      %scan3A_123 = arith.constant 0 : i32
      %scan3A_124 = arith.constant 80 : i32
      %scan3A_125 = arith.addi %scan3A_123, %scan3A_124 : i32
      %scan3A_126 = arith.constant 4 : i32
      scf.for %scan3A_128 = %scan3A_123 to %scan3A_125 step %scan3A_126  : i32 {
        %mul3A_129 = arith.constant 1 : i32
        %mul3A_130 = arith.muli %scan3A_128, %mul3A_129 : i32
        %add3A_131 = arith.constant 0 : i32
        %add3A_132 = arith.addi %add3A_131, %mul3A_130 : i32
        %get3A = arith.index_cast %add3A_132 : i32 to index
        %get3A_133 = arith.constant 0 : index
        %get3A_134 = tpu.vector_load %arg13[%get3A, %get3A_133] {strides = array<i32>} : memref<80x16xf32, #tpu.memory_space<vmem>>, vector<1x16xf32>,
        %get3A_135 = vector.shape_cast %get3A_134 : vector<1x16xf32> to vector<16xf32>
        %get3A_136 = arith.index_cast %add3A_132 : i32 to index
        %get3A_137 = arith.constant 0 : index
        %get3A_138 = tpu.vector_load %arg15[%get3A_136, %get3A_137] {strides = array<i32>} : memref<80x64xf32, #tpu.memory_space<vmem>>, vector<1x16xf32>,
        %get3A_139 = vector.shape_cast %get3A_138 : vector<1x16xf32> to vector<16xf32>
        %mul3A_140 = arith.mulf %get3A_139, %get3A_135 : vector<16xf32>
        %swap3A = arith.index_cast %add3A_132 : i32 to index
        %swap3A_141 = arith.constant 0 : index
        %swap3A_142 = tpu.vector_load %arg15[%swap3A, %swap3A_141] {strides = array<i32>} : memref<80x64xf32, #tpu.memory_space<vmem>>, vector<1x16xf32>,
        %swap3A_143 = vector.shape_cast %swap3A_142 : vector<1x16xf32> to vector<16xf32>
        %swap3A_144 = vector.shape_cast %mul3A_140 : vector<16xf32> to vector<1x16xf32>
        tpu.vector_store %arg15[%swap3A, %swap3A_141], %swap3A_144 {strides = array<i32>} : memref<80x64xf32, #tpu.memory_space<vmem>>, vector<1x16xf32>,
        %get3A_145 = arith.index_cast %add3A_132 : i32 to index
        %get3A_146 = arith.constant 16 : index
        %get3A_147 = tpu.vector_load %arg15[%get3A_145, %get3A_146] {strides = array<i32>} : memref<80x64xf32, #tpu.memory_space<vmem>>, vector<1x16xf32>,
        %get3A_148 = vector.shape_cast %get3A_147 : vector<1x16xf32> to vector<16xf32>
        %mul3A_149 = arith.mulf %get3A_148, %get3A_135 : vector<16xf32>
        %swap3A_150 = arith.index_cast %add3A_132 : i32 to index
        %swap3A_151 = arith.constant 16 : index
        %swap3A_152 = tpu.vector_load %arg15[%swap3A_150, %swap3A_151] {strides = array<i32>} : memref<80x64xf32, #tpu.memory_space<vmem>>, vector<1x16xf32>,
        %swap3A_153 = vector.shape_cast %swap3A_152 : vector<1x16xf32> to vector<16xf32>
        %swap3A_154 = vector.shape_cast %mul3A_149 : vector<16xf32> to vector<1x16xf32>
        tpu.vector_store %arg15[%swap3A_150, %swap3A_151], %swap3A_154 {strides = array<i32>} : memref<80x64xf32, #tpu.memory_space<vmem>>, vector<1x16xf32>,
        %get3A_155 = arith.index_cast %add3A_132 : i32 to index
        %get3A_156 = arith.constant 32 : index
        %get3A_157 = tpu.vector_load %arg15[%get3A_155, %get3A_156] {strides = array<i32>} : memref<80x64xf32, #tpu.memory_space<vmem>>, vector<1x16xf32>,
        %get3A_158 = vector.shape_cast %get3A_157 : vector<1x16xf32> to vector<16xf32>
        %mul3A_159 = arith.mulf %get3A_158, %get3A_135 : vector<16xf32>
        %swap3A_160 = arith.index_cast %add3A_132 : i32 to index
        %swap3A_161 = arith.constant 32 : index
        %swap3A_162 = tpu.vector_load %arg15[%swap3A_160, %swap3A_161] {strides = array<i32>} : memref<80x64xf32, #tpu.memory_space<vmem>>, vector<1x16xf32>,
        %swap3A_163 = vector.shape_cast %swap3A_162 : vector<1x16xf32> to vector<16xf32>
        %swap3A_164 = vector.shape_cast %mul3A_159 : vector<16xf32> to vector<1x16xf32>
        tpu.vector_store %arg15[%swap3A_160, %swap3A_161], %swap3A_164 {strides = array<i32>} : memref<80x64xf32, #tpu.memory_space<vmem>>, vector<1x16xf32>,
        %get3A_165 = arith.index_cast %add3A_132 : i32 to index
        %get3A_166 = arith.constant 48 : index
        %get3A_167 = tpu.vector_load %arg15[%get3A_165, %get3A_166] {strides = array<i32>} : memref<80x64xf32, #tpu.memory_space<vmem>>, vector<1x16xf32>,
        %get3A_168 = vector.shape_cast %get3A_167 : vector<1x16xf32> to vector<16xf32>
        %mul3A_169 = arith.mulf %get3A_168, %get3A_135 : vector<16xf32>
        %swap3A_170 = arith.index_cast %add3A_132 : i32 to index
        %swap3A_171 = arith.constant 48 : index
        %swap3A_172 = tpu.vector_load %arg15[%swap3A_170, %swap3A_171] {strides = array<i32>} : memref<80x64xf32, #tpu.memory_space<vmem>>, vector<1x16xf32>,
        %swap3A_173 = vector.shape_cast %swap3A_172 : vector<1x16xf32> to vector<16xf32>
        %swap3A_174 = vector.shape_cast %mul3A_169 : vector<16xf32> to vector<1x16xf32>
        tpu.vector_store %arg15[%swap3A_170, %swap3A_171], %swap3A_174 {strides = array<i32>} : memref<80x64xf32, #tpu.memory_space<vmem>>, vector<1x16xf32>,
        %scan3A_175 = arith.constant 1 : i32
        %scan3A_176 = arith.addi %scan3A_128, %scan3A_175 : i32
        %mul3A_177 = arith.constant 1 : i32
        %mul3A_178 = arith.muli %scan3A_176, %mul3A_177 : i32
        %add3A_179 = arith.constant 0 : i32
        %add3A_180 = arith.addi %add3A_179, %mul3A_178 : i32
        %get3A_181 = arith.index_cast %add3A_180 : i32 to index
        %get3A_182 = arith.constant 0 : index
        %get3A_183 = tpu.vector_load %arg13[%get3A_181, %get3A_182] {strides = array<i32>} : memref<80x16xf32, #tpu.memory_space<vmem>>, vector<1x16xf32>,
        %get3A_184 = vector.shape_cast %get3A_183 : vector<1x16xf32> to vector<16xf32>
        %get3A_185 = arith.index_cast %add3A_180 : i32 to index
        %get3A_186 = arith.constant 0 : index
        %get3A_187 = tpu.vector_load %arg15[%get3A_185, %get3A_186] {strides = array<i32>} : memref<80x64xf32, #tpu.memory_space<vmem>>, vector<1x16xf32>,
        %get3A_188 = vector.shape_cast %get3A_187 : vector<1x16xf32> to vector<16xf32>
        %mul3A_189 = arith.mulf %get3A_188, %get3A_184 : vector<16xf32>
        %swap3A_190 = arith.index_cast %add3A_180 : i32 to index
        %swap3A_191 = arith.constant 0 : index
        %swap3A_192 = tpu.vector_load %arg15[%swap3A_190, %swap3A_191] {strides = array<i32>} : memref<80x64xf32, #tpu.memory_space<vmem>>, vector<1x16xf32>,
        %swap3A_193 = vector.shape_cast %swap3A_192 : vector<1x16xf32> to vector<16xf32>
        %swap3A_194 = vector.shape_cast %mul3A_189 : vector<16xf32> to vector<1x16xf32>
        tpu.vector_store %arg15[%swap3A_190, %swap3A_191], %swap3A_194 {strides = array<i32>} : memref<80x64xf32, #tpu.memory_space<vmem>>, vector<1x16xf32>,
        %get3A_195 = arith.index_cast %add3A_180 : i32 to index
        %get3A_196 = arith.constant 16 : index
        %get3A_197 = tpu.vector_load %arg15[%get3A_195, %get3A_196] {strides = array<i32>} : memref<80x64xf32, #tpu.memory_space<vmem>>, vector<1x16xf32>,
        %get3A_198 = vector.shape_cast %get3A_197 : vector<1x16xf32> to vector<16xf32>
        %mul3A_199 = arith.mulf %get3A_198, %get3A_184 : vector<16xf32>
        %swap3A_200 = arith.index_cast %add3A_180 : i32 to index
        %swap3A_201 = arith.constant 16 : index
        %swap3A_202 = tpu.vector_load %arg15[%swap3A_200, %swap3A_201] {strides = array<i32>} : memref<80x64xf32, #tpu.memory_space<vmem>>, vector<1x16xf32>,
        %swap3A_203 = vector.shape_cast %swap3A_202 : vector<1x16xf32> to vector<16xf32>
        %swap3A_204 = vector.shape_cast %mul3A_199 : vector<16xf32> to vector<1x16xf32>
        tpu.vector_store %arg15[%swap3A_200, %swap3A_201], %swap3A_204 {strides = array<i32>} : memref<80x64xf32, #tpu.memory_space<vmem>>, vector<1x16xf32>,
        %get3A_205 = arith.index_cast %add3A_180 : i32 to index
        %get3A_206 = arith.constant 32 : index
        %get3A_207 = tpu.vector_load %arg15[%get3A_205, %get3A_206] {strides = array<i32>} : memref<80x64xf32, #tpu.memory_space<vmem>>, vector<1x16xf32>,
        %get3A_208 = vector.shape_cast %get3A_207 : vector<1x16xf32> to vector<16xf32>
        %mul3A_209 = arith.mulf %get3A_208, %get3A_184 : vector<16xf32>
        %swap3A_210 = arith.index_cast %add3A_180 : i32 to index
        %swap3A_211 = arith.constant 32 : index
        %swap3A_212 = tpu.vector_load %arg15[%swap3A_210, %swap3A_211] {strides = array<i32>} : memref<80x64xf32, #tpu.memory_space<vmem>>, vector<1x16xf32>,
        %swap3A_213 = vector.shape_cast %swap3A_212 : vector<1x16xf32> to vector<16xf32>
        %swap3A_214 = vector.shape_cast %mul3A_209 : vector<16xf32> to vector<1x16xf32>
        tpu.vector_store %arg15[%swap3A_210, %swap3A_211], %swap3A_214 {strides = array<i32>} : memref<80x64xf32, #tpu.memory_space<vmem>>, vector<1x16xf32>,
        %get3A_215 = arith.index_cast %add3A_180 : i32 to index
        %get3A_216 = arith.constant 48 : index
        %get3A_217 = tpu.vector_load %arg15[%get3A_215, %get3A_216] {strides = array<i32>} : memref<80x64xf32, #tpu.memory_space<vmem>>, vector<1x16xf32>,
        %get3A_218 = vector.shape_cast %get3A_217 : vector<1x16xf32> to vector<16xf32>
        %mul3A_219 = arith.mulf %get3A_218, %get3A_184 : vector<16xf32>
        %swap3A_220 = arith.index_cast %add3A_180 : i32 to index
        %swap3A_221 = arith.constant 48 : index
        %swap3A_222 = tpu.vector_load %arg15[%swap3A_220, %swap3A_221] {strides = array<i32>} : memref<80x64xf32, #tpu.memory_space<vmem>>, vector<1x16xf32>,
        %swap3A_223 = vector.shape_cast %swap3A_222 : vector<1x16xf32> to vector<16xf32>
        %swap3A_224 = vector.shape_cast %mul3A_219 : vector<16xf32> to vector<1x16xf32>
        tpu.vector_store %arg15[%swap3A_220, %swap3A_221], %swap3A_224 {strides = array<i32>} : memref<80x64xf32, #tpu.memory_space<vmem>>, vector<1x16xf32>,
        %scan3A_225 = arith.constant 2 : i32
        %scan3A_226 = arith.addi %scan3A_128, %scan3A_225 : i32
        %mul3A_227 = arith.constant 1 : i32
        %mul3A_228 = arith.muli %scan3A_226, %mul3A_227 : i32
        %add3A_229 = arith.constant 0 : i32
        %add3A_230 = arith.addi %add3A_229, %mul3A_228 : i32
        %get3A_231 = arith.index_cast %add3A_230 : i32 to index
        %get3A_232 = arith.constant 0 : index
        %get3A_233 = tpu.vector_load %arg13[%get3A_231, %get3A_232] {strides = array<i32>} : memref<80x16xf32, #tpu.memory_space<vmem>>, vector<1x16xf32>,
        %get3A_234 = vector.shape_cast %get3A_233 : vector<1x16xf32> to vector<16xf32>
        %get3A_235 = arith.index_cast %add3A_230 : i32 to index
        %get3A_236 = arith.constant 0 : index
        %get3A_237 = tpu.vector_load %arg15[%get3A_235, %get3A_236] {strides = array<i32>} : memref<80x64xf32, #tpu.memory_space<vmem>>, vector<1x16xf32>,
        %get3A_238 = vector.shape_cast %get3A_237 : vector<1x16xf32> to vector<16xf32>
        %mul3A_239 = arith.mulf %get3A_238, %get3A_234 : vector<16xf32>
        %swap3A_240 = arith.index_cast %add3A_230 : i32 to index
        %swap3A_241 = arith.constant 0 : index
        %swap3A_242 = tpu.vector_load %arg15[%swap3A_240, %swap3A_241] {strides = array<i32>} : memref<80x64xf32, #tpu.memory_space<vmem>>, vector<1x16xf32>,
        %swap3A_243 = vector.shape_cast %swap3A_242 : vector<1x16xf32> to vector<16xf32>
        %swap3A_244 = vector.shape_cast %mul3A_239 : vector<16xf32> to vector<1x16xf32>
        tpu.vector_store %arg15[%swap3A_240, %swap3A_241], %swap3A_244 {strides = array<i32>} : memref<80x64xf32, #tpu.memory_space<vmem>>, vector<1x16xf32>,
        %get3A_245 = arith.index_cast %add3A_230 : i32 to index
        %get3A_246 = arith.constant 16 : index
        %get3A_247 = tpu.vector_load %arg15[%get3A_245, %get3A_246] {strides = array<i32>} : memref<80x64xf32, #tpu.memory_space<vmem>>, vector<1x16xf32>,
        %get3A_248 = vector.shape_cast %get3A_247 : vector<1x16xf32> to vector<16xf32>
        %mul3A_249 = arith.mulf %get3A_248, %get3A_234 : vector<16xf32>
        %swap3A_250 = arith.index_cast %add3A_230 : i32 to index
        %swap3A_251 = arith.constant 16 : index
        %swap3A_252 = tpu.vector_load %arg15[%swap3A_250, %swap3A_251] {strides = array<i32>} : memref<80x64xf32, #tpu.memory_space<vmem>>, vector<1x16xf32>,
        %swap3A_253 = vector.shape_cast %swap3A_252 : vector<1x16xf32> to vector<16xf32>
        %swap3A_254 = vector.shape_cast %mul3A_249 : vector<16xf32> to vector<1x16xf32>
        tpu.vector_store %arg15[%swap3A_250, %swap3A_251], %swap3A_254 {strides = array<i32>} : memref<80x64xf32, #tpu.memory_space<vmem>>, vector<1x16xf32>,
        %get3A_255 = arith.index_cast %add3A_230 : i32 to index
        %get3A_256 = arith.constant 32 : index
        %get3A_257 = tpu.vector_load %arg15[%get3A_255, %get3A_256] {strides = array<i32>} : memref<80x64xf32, #tpu.memory_space<vmem>>, vector<1x16xf32>,
        %get3A_258 = vector.shape_cast %get3A_257 : vector<1x16xf32> to vector<16xf32>
        %mul3A_259 = arith.mulf %get3A_258, %get3A_234 : vector<16xf32>
        %swap3A_260 = arith.index_cast %add3A_230 : i32 to index
        %swap3A_261 = arith.constant 32 : index
        %swap3A_262 = tpu.vector_load %arg15[%swap3A_260, %swap3A_261] {strides = array<i32>} : memref<80x64xf32, #tpu.memory_space<vmem>>, vector<1x16xf32>,
        %swap3A_263 = vector.shape_cast %swap3A_262 : vector<1x16xf32> to vector<16xf32>
        %swap3A_264 = vector.shape_cast %mul3A_259 : vector<16xf32> to vector<1x16xf32>
        tpu.vector_store %arg15[%swap3A_260, %swap3A_261], %swap3A_264 {strides = array<i32>} : memref<80x64xf32, #tpu.memory_space<vmem>>, vector<1x16xf32>,
        %get3A_265 = arith.index_cast %add3A_230 : i32 to index
        %get3A_266 = arith.constant 48 : index
        %get3A_267 = tpu.vector_load %arg15[%get3A_265, %get3A_266] {strides = array<i32>} : memref<80x64xf32, #tpu.memory_space<vmem>>, vector<1x16xf32>,
        %get3A_268 = vector.shape_cast %get3A_267 : vector<1x16xf32> to vector<16xf32>
        %mul3A_269 = arith.mulf %get3A_268, %get3A_234 : vector<16xf32>
        %swap3A_270 = arith.index_cast %add3A_230 : i32 to index
        %swap3A_271 = arith.constant 48 : index
        %swap3A_272 = tpu.vector_load %arg15[%swap3A_270, %swap3A_271] {strides = array<i32>} : memref<80x64xf32, #tpu.memory_space<vmem>>, vector<1x16xf32>,
        %swap3A_273 = vector.shape_cast %swap3A_272 : vector<1x16xf32> to vector<16xf32>
        %swap3A_274 = vector.shape_cast %mul3A_269 : vector<16xf32> to vector<1x16xf32>
        tpu.vector_store %arg15[%swap3A_270, %swap3A_271], %swap3A_274 {strides = array<i32>} : memref<80x64xf32, #tpu.memory_space<vmem>>, vector<1x16xf32>,
        %scan3A_275 = arith.constant 3 : i32
        %scan3A_276 = arith.addi %scan3A_128, %scan3A_275 : i32
        %mul3A_277 = arith.constant 1 : i32
        %mul3A_278 = arith.muli %scan3A_276, %mul3A_277 : i32
        %add3A_279 = arith.constant 0 : i32
        %add3A_280 = arith.addi %add3A_279, %mul3A_278 : i32
        %get3A_281 = arith.index_cast %add3A_280 : i32 to index
        %get3A_282 = arith.constant 0 : index
        %get3A_283 = tpu.vector_load %arg13[%get3A_281, %get3A_282] {strides = array<i32>} : memref<80x16xf32, #tpu.memory_space<vmem>>, vector<1x16xf32>,
        %get3A_284 = vector.shape_cast %get3A_283 : vector<1x16xf32> to vector<16xf32>
        %get3A_285 = arith.index_cast %add3A_280 : i32 to index
        %get3A_286 = arith.constant 0 : index
        %get3A_287 = tpu.vector_load %arg15[%get3A_285, %get3A_286] {strides = array<i32>} : memref<80x64xf32, #tpu.memory_space<vmem>>, vector<1x16xf32>,
        %get3A_288 = vector.shape_cast %get3A_287 : vector<1x16xf32> to vector<16xf32>
        %mul3A_289 = arith.mulf %get3A_288, %get3A_284 : vector<16xf32>
        %swap3A_290 = arith.index_cast %add3A_280 : i32 to index
        %swap3A_291 = arith.constant 0 : index
        %swap3A_292 = tpu.vector_load %arg15[%swap3A_290, %swap3A_291] {strides = array<i32>} : memref<80x64xf32, #tpu.memory_space<vmem>>, vector<1x16xf32>,
        %swap3A_293 = vector.shape_cast %swap3A_292 : vector<1x16xf32> to vector<16xf32>
        %swap3A_294 = vector.shape_cast %mul3A_289 : vector<16xf32> to vector<1x16xf32>
        tpu.vector_store %arg15[%swap3A_290, %swap3A_291], %swap3A_294 {strides = array<i32>} : memref<80x64xf32, #tpu.memory_space<vmem>>, vector<1x16xf32>,
        %get3A_295 = arith.index_cast %add3A_280 : i32 to index
        %get3A_296 = arith.constant 16 : index
        %get3A_297 = tpu.vector_load %arg15[%get3A_295, %get3A_296] {strides = array<i32>} : memref<80x64xf32, #tpu.memory_space<vmem>>, vector<1x16xf32>,
        %get3A_298 = vector.shape_cast %get3A_297 : vector<1x16xf32> to vector<16xf32>
        %mul3A_299 = arith.mulf %get3A_298, %get3A_284 : vector<16xf32>
        %swap3A_300 = arith.index_cast %add3A_280 : i32 to index
        %swap3A_301 = arith.constant 16 : index
        %swap3A_302 = tpu.vector_load %arg15[%swap3A_300, %swap3A_301] {strides = array<i32>} : memref<80x64xf32, #tpu.memory_space<vmem>>, vector<1x16xf32>,
        %swap3A_303 = vector.shape_cast %swap3A_302 : vector<1x16xf32> to vector<16xf32>
        %swap3A_304 = vector.shape_cast %mul3A_299 : vector<16xf32> to vector<1x16xf32>
        tpu.vector_store %arg15[%swap3A_300, %swap3A_301], %swap3A_304 {strides = array<i32>} : memref<80x64xf32, #tpu.memory_space<vmem>>, vector<1x16xf32>,
        %get3A_305 = arith.index_cast %add3A_280 : i32 to index
        %get3A_306 = arith.constant 32 : index
        %get3A_307 = tpu.vector_load %arg15[%get3A_305, %get3A_306] {strides = array<i32>} : memref<80x64xf32, #tpu.memory_space<vmem>>, vector<1x16xf32>,
        %get3A_308 = vector.shape_cast %get3A_307 : vector<1x16xf32> to vector<16xf32>
        %mul3A_309 = arith.mulf %get3A_308, %get3A_284 : vector<16xf32>
        %swap3A_310 = arith.index_cast %add3A_280 : i32 to index
        %swap3A_311 = arith.constant 32 : index
        %swap3A_312 = tpu.vector_load %arg15[%swap3A_310, %swap3A_311] {strides = array<i32>} : memref<80x64xf32, #tpu.memory_space<vmem>>, vector<1x16xf32>,
        %swap3A_313 = vector.shape_cast %swap3A_312 : vector<1x16xf32> to vector<16xf32>
        %swap3A_314 = vector.shape_cast %mul3A_309 : vector<16xf32> to vector<1x16xf32>
        tpu.vector_store %arg15[%swap3A_310, %swap3A_311], %swap3A_314 {strides = array<i32>} : memref<80x64xf32, #tpu.memory_space<vmem>>, vector<1x16xf32>,
        %get3A_315 = arith.index_cast %add3A_280 : i32 to index
        %get3A_316 = arith.constant 48 : index
        %get3A_317 = tpu.vector_load %arg15[%get3A_315, %get3A_316] {strides = array<i32>} : memref<80x64xf32, #tpu.memory_space<vmem>>, vector<1x16xf32>,
        %get3A_318 = vector.shape_cast %get3A_317 : vector<1x16xf32> to vector<16xf32>
        %mul3A_319 = arith.mulf %get3A_318, %get3A_284 : vector<16xf32>
        %swap3A_320 = arith.index_cast %add3A_280 : i32 to index
        %swap3A_321 = arith.constant 48 : index
        %swap3A_322 = tpu.vector_load %arg15[%swap3A_320, %swap3A_321] {strides = array<i32>} : memref<80x64xf32, #tpu.memory_space<vmem>>, vector<1x16xf32>,
        %swap3A_323 = vector.shape_cast %swap3A_322 : vector<1x16xf32> to vector<16xf32>
        %swap3A_324 = vector.shape_cast %mul3A_319 : vector<16xf32> to vector<1x16xf32>
        tpu.vector_store %arg15[%swap3A_320, %swap3A_321], %swap3A_324 {strides = array<i32>} : memref<80x64xf32, #tpu.memory_space<vmem>>, vector<1x16xf32>,
      }
      %scan3A_127 = arith.constant 80 : i32
      "tpu.region"() ({
        %run_scoped3A = tpu.sem_alloc : memref<!tpu.dma_semaphore, #tpu.memory_space<semaphore_mem>>
        %dma_start3A_128 = arith.constant 0 : i32
        %dma_start3A_129 = tpu.memref_slice %arg11[%add3A_62, %dma_start3A_128] : memref<126x80xi32, #tpu.memory_space<vmem>> -> memref<1x80xi32, #tpu.memory_space<vmem>>
        %dma_start3A_130 = tpu.memref_squeeze %dma_start3A_129 : memref<1x80xi32, #tpu.memory_space<vmem>> -> memref<80xi32, #tpu.memory_space<vmem>>
        %dma_start3A_131 = arith.constant 0 : i32
        %dma_start3A_132 = arith.constant 0 : i32
        %dma_start3A_133 = tpu.memref_slice %arg8[%dma_start3A_131, %dma_start3A_132] : memref<10000x64xf32, #tpu.memory_space<vmem_shared>> -> memref<10000x64xf32, #tpu.memory_space<vmem_shared>>
        tpu.enqueue_indirect_dma source(%arg15 : memref<80x64xf32, #tpu.memory_space<vmem>>) target(%dma_start3A_133 : memref<10000x64xf32, #tpu.memory_space<vmem_shared>>) offsets(%dma_start3A_130 : memref<80xi32, #tpu.memory_space<vmem>>) semaphore(%run_scoped3A : memref<!tpu.dma_semaphore, #tpu.memory_space<semaphore_mem>>) {add = true}
        %dma_wait3A_134 = arith.constant 0 : i32
        %dma_wait3A_135 = tpu.memref_slice %arg11[%add3A_62, %dma_wait3A_134] : memref<126x80xi32, #tpu.memory_space<vmem>> -> memref<1x80xi32, #tpu.memory_space<vmem>>
        %dma_wait3A_136 = tpu.memref_squeeze %dma_wait3A_135 : memref<1x80xi32, #tpu.memory_space<vmem>> -> memref<80xi32, #tpu.memory_space<vmem>>
        %dma_wait3A_137 = arith.constant 0 : i32
        %dma_wait3A_138 = arith.constant 0 : i32
        %dma_wait3A_139 = tpu.memref_slice %arg8[%dma_wait3A_137, %dma_wait3A_138] : memref<10000x64xf32, #tpu.memory_space<vmem_shared>> -> memref<10000x64xf32, #tpu.memory_space<vmem_shared>>
        tpu.wait_indirect_dma semaphore(%run_scoped3A : memref<!tpu.dma_semaphore, #tpu.memory_space<semaphore_mem>>) src(%arg15 : memref<80x64xf32, #tpu.memory_space<vmem>>) dst(%dma_wait3A_139 : memref<10000x64xf32, #tpu.memory_space<vmem_shared>>)
        tpu.yield
      }) : () -> ()
    }
    %scan3A_30 = arith.constant 63 : i32
    %dma_wait3A = arith.constant 0 : i32
    %dma_wait3A_31 = arith.constant 0 : i32
    %dma_wait3A_32 = tpu.memref_slice %arg9[%dma_wait3A, %dma_wait3A_31] : memref<126x80xi32, #tpu.memory_space<vmem>> -> memref<1x80xi32, #tpu.memory_space<vmem>>
    %dma_wait3A_33 = tpu.memref_squeeze %dma_wait3A_32 : memref<1x80xi32, #tpu.memory_space<vmem>> -> memref<80xi32, #tpu.memory_space<vmem>>
    %dma_wait3A_34 = arith.constant 0 : i32
    %dma_wait3A_35 = arith.constant 0 : i32
    %dma_wait3A_36 = tpu.memref_slice %arg2[%dma_wait3A_34, %dma_wait3A_35] : memref<160000x64xf32, #tpu.memory_space<hbm>> -> memref<160000x64xf32, #tpu.memory_space<hbm>>
    tpu.wait_indirect_dma semaphore(%arg17 : memref<!tpu.dma_semaphore, #tpu.memory_space<semaphore_mem>>) src(%dma_wait3A_36 : memref<160000x64xf32, #tpu.memory_space<hbm>>) dst(%arg14 : memref<80x64xf32, #tpu.memory_space<vmem>>)
    %dma_wait3A_37 = arith.constant 0 : i32
    %dma_wait3A_38 = arith.constant 0 : i32
    %dma_wait3A_39 = tpu.memref_slice %arg10[%dma_wait3A_37, %dma_wait3A_38] : memref<126x80xi32, #tpu.memory_space<vmem>> -> memref<1x80xi32, #tpu.memory_space<vmem>>
    %dma_wait3A_40 = tpu.memref_squeeze %dma_wait3A_39 : memref<1x80xi32, #tpu.memory_space<vmem>> -> memref<80xi32, #tpu.memory_space<vmem>>
    %dma_wait3A_41 = arith.constant 0 : i32
    %dma_wait3A_42 = arith.constant 0 : i32
    %dma_wait3A_43 = tpu.memref_slice %arg3[%dma_wait3A_41, %dma_wait3A_42] : memref<160016x16xf32, #tpu.memory_space<hbm>> -> memref<160016x16xf32, #tpu.memory_space<hbm>>
    tpu.wait_indirect_dma semaphore(%arg19 : memref<!tpu.dma_semaphore, #tpu.memory_space<semaphore_mem>>) src(%dma_wait3A_43 : memref<160016x16xf32, #tpu.memory_space<hbm>>) dst(%arg12 : memref<80x16xf32, #tpu.memory_space<vmem>>)
    %barrier3A_44 = arith.constant 0 : index
    tpu.barrier barrier_id(%barrier3A_44)
    %mul3A_45 = arith.constant 625 : i32
    %mul3A_46 = arith.muli %arg1, %mul3A_45 : i32
    "tpu.region"() ({
      %run_scoped3A = tpu.sem_alloc : memref<!tpu.dma_semaphore, #tpu.memory_space<semaphore_mem>>
      %dma_start3A_52 = arith.constant 0 : i32
      %dma_start3A_53 = tpu.memref_slice %arg8[%mul3A_46, %dma_start3A_52] : memref<10000x64xf32, #tpu.memory_space<vmem_shared>> -> memref<625x64xf32, #tpu.memory_space<vmem_shared>>
      %dma_start3A_54 = arith.constant 0 : i32
      %dma_start3A_55 = tpu.memref_slice %arg8[%mul3A_46, %dma_start3A_54] : memref<10000x64xf32, #tpu.memory_space<vmem_shared>> -> memref<625x64xf32, #tpu.memory_space<vmem_shared>>
      tpu.enqueue_dma source(%dma_start3A_55 : memref<625x64xf32, #tpu.memory_space<vmem_shared>>) target(%arg16 : memref<625x64xf32, #tpu.memory_space<vmem>>) target_semaphore(%run_scoped3A : memref<!tpu.dma_semaphore, #tpu.memory_space<semaphore_mem>>)
      %dma_wait3A_56 = arith.constant 0 : i32
      %dma_wait3A_57 = tpu.memref_slice %arg8[%mul3A_46, %dma_wait3A_56] : memref<10000x64xf32, #tpu.memory_space<vmem_shared>> -> memref<625x64xf32, #tpu.memory_space<vmem_shared>>
      %dma_wait3A_58 = arith.constant 0 : i32
      %dma_wait3A_59 = tpu.memref_slice %arg8[%mul3A_46, %dma_wait3A_58] : memref<10000x64xf32, #tpu.memory_space<vmem_shared>> -> memref<625x64xf32, #tpu.memory_space<vmem_shared>>
      tpu.wait_dma2 semaphore(%run_scoped3A : memref<!tpu.dma_semaphore, #tpu.memory_space<semaphore_mem>>) src(%dma_wait3A_59 : memref<625x64xf32, #tpu.memory_space<vmem_shared>>) dst(%arg16 : memref<625x64xf32, #tpu.memory_space<vmem>>)
      tpu.yield
    }) : () -> ()
    %mul3A_47 = arith.constant 10000 : i32
    %mul3A_48 = arith.muli %arg0, %mul3A_47 : i32
    %mul3A_49 = arith.constant 625 : i32
    %mul3A_50 = arith.muli %arg1, %mul3A_49 : i32
    %add3A_51 = arith.addi %mul3A_48, %mul3A_50 : i32
    "tpu.region"() ({
      %run_scoped3A = tpu.sem_alloc : memref<!tpu.dma_semaphore, #tpu.memory_space<semaphore_mem>>
      %dma_start3A_52 = arith.constant 0 : i32
      %dma_start3A_53 = tpu.memref_slice %arg7[%add3A_51, %dma_start3A_52] : memref<20000x64xf32, #tpu.memory_space<hbm>> -> memref<625x64xf32, #tpu.memory_space<hbm>>
      %dma_start3A_54 = arith.constant 0 : i32
      %dma_start3A_55 = tpu.memref_slice %arg7[%add3A_51, %dma_start3A_54] : memref<20000x64xf32, #tpu.memory_space<hbm>> -> memref<625x64xf32, #tpu.memory_space<hbm>>
      tpu.enqueue_dma source(%arg16 : memref<625x64xf32, #tpu.memory_space<vmem>>) target(%dma_start3A_55 : memref<625x64xf32, #tpu.memory_space<hbm>>) target_semaphore(%run_scoped3A : memref<!tpu.dma_semaphore, #tpu.memory_space<semaphore_mem>>)
      %dma_wait3A_56 = arith.constant 0 : i32
      %dma_wait3A_57 = tpu.memref_slice %arg7[%add3A_51, %dma_wait3A_56] : memref<20000x64xf32, #tpu.memory_space<hbm>> -> memref<625x64xf32, #tpu.memory_space<hbm>>
      %dma_wait3A_58 = arith.constant 0 : i32
      %dma_wait3A_59 = tpu.memref_slice %arg7[%add3A_51, %dma_wait3A_58] : memref<20000x64xf32, #tpu.memory_space<hbm>> -> memref<625x64xf32, #tpu.memory_space<hbm>>
      tpu.wait_dma2 semaphore(%run_scoped3A : memref<!tpu.dma_semaphore, #tpu.memory_space<semaphore_mem>>) src(%arg16 : memref<625x64xf32, #tpu.memory_space<vmem>>) dst(%dma_wait3A_59 : memref<625x64xf32, #tpu.memory_space<hbm>>)
      tpu.yield
    }) : () -> ()
    return
  }
}

#map = affine_map<(d0, d1) -> (0, 0)>
module attributes {stable_mosaic.version = 14 : i64} {
  func.func @body(%arg0: i32, %arg1: i32, %arg2: memref<160000x32xf32, #tpu.memory_space<hbm>>, %arg3: memref<160016x16xf32, #tpu.memory_space<hbm>>, %arg4: memref<4032x80xi32, #tpu.memory_space<hbm>>, %arg5: memref<4032x80xi32, #tpu.memory_space<hbm>>, %arg6: memref<4032x80xi32, #tpu.memory_space<hbm>>, %arg7: memref<20000x32xf32, #tpu.memory_space<hbm>>, %arg8: memref<10000x32xf32, #tpu.memory_space<vmem_shared>>, %arg9: memref<126x80xi32, #tpu.memory_space<vmem>>, %arg10: memref<126x80xi32, #tpu.memory_space<vmem>>, %arg11: memref<126x80xi32, #tpu.memory_space<vmem>>, %arg12: memref<80x16xf32, #tpu.memory_space<vmem>>, %arg13: memref<80x16xf32, #tpu.memory_space<vmem>>, %arg14: memref<80x32xf32, #tpu.memory_space<vmem>>, %arg15: memref<80x32xf32, #tpu.memory_space<vmem>>, %arg16: memref<625x32xf32, #tpu.memory_space<vmem>>, %arg17: memref<!tpu.dma_semaphore, #tpu.memory_space<semaphore_mem>>, %arg18: memref<!tpu.dma_semaphore, #tpu.memory_space<semaphore_mem>>, %arg19: memref<!tpu.dma_semaphore, #tpu.memory_space<semaphore_mem>>, %arg20: memref<!tpu.dma_semaphore, #tpu.memory_space<semaphore_mem>>) attributes {dimension_semantics = [#tpu.dimension_semantics<core_parallel>, #tpu.dimension_semantics<subcore_parallel>], iteration_bounds = array<i64: 2, 16>, scalar_prefetch = 0 : i64, scratch_operands = 13 : i64, tpu.core_type = #tpu.core_type<sc_vector_subcore>, window_params = [{transform_indices = #map}, {transform_indices = #map}, {transform_indices = #map}, {transform_indices = #map}, {transform_indices = #map}, {transform_indices = #map}]} {
    %mul3A = arith.constant 16 : i32
    %mul3A_0 = arith.muli %arg0, %mul3A : i32
    %add3A = arith.addi %mul3A_0, %arg1 : i32
    %scan3A = arith.constant 0 : i32
    %scan3A_1 = arith.constant 625 : i32
    %scan3A_2 = arith.addi %scan3A, %scan3A_1 : i32
    %scan3A_3 = arith.constant 1 : i32
    scf.for %scan3A_52 = %scan3A to %scan3A_2 step %scan3A_3  : i32 {
      %mul3A_53 = arith.constant 1 : i32
      %mul3A_54 = arith.muli %scan3A_52, %mul3A_53 : i32
      %add3A_55 = arith.constant 0 : i32
      %add3A_56 = arith.addi %add3A_55, %mul3A_54 : i32
      %broadcast_in_dim3A = arith.constant 0.000000e+00 : f32
      %broadcast_in_dim3A_57 = vector.broadcast %broadcast_in_dim3A : f32 to vector<16xf32>
      %swap3A = arith.index_cast %add3A_56 : i32 to index
      %swap3A_58 = arith.constant 0 : index
      %swap3A_59 = tpu.vector_load %arg16[%swap3A, %swap3A_58] {strides = array<i32>} : memref<625x32xf32, #tpu.memory_space<vmem>>, vector<1x16xf32>,
      %swap3A_60 = vector.shape_cast %swap3A_59 : vector<1x16xf32> to vector<16xf32>
      %swap3A_61 = vector.shape_cast %broadcast_in_dim3A_57 : vector<16xf32> to vector<1x16xf32>
      tpu.vector_store %arg16[%swap3A, %swap3A_58], %swap3A_61 {strides = array<i32>} : memref<625x32xf32, #tpu.memory_space<vmem>>, vector<1x16xf32>,
      %broadcast_in_dim3A_62 = arith.constant 0.000000e+00 : f32
      %broadcast_in_dim3A_63 = vector.broadcast %broadcast_in_dim3A_62 : f32 to vector<16xf32>
      %swap3A_64 = arith.index_cast %add3A_56 : i32 to index
      %swap3A_65 = arith.constant 16 : index
      %swap3A_66 = tpu.vector_load %arg16[%swap3A_64, %swap3A_65] {strides = array<i32>} : memref<625x32xf32, #tpu.memory_space<vmem>>, vector<1x16xf32>,
      %swap3A_67 = vector.shape_cast %swap3A_66 : vector<1x16xf32> to vector<16xf32>
      %swap3A_68 = vector.shape_cast %broadcast_in_dim3A_63 : vector<16xf32> to vector<1x16xf32>
      tpu.vector_store %arg16[%swap3A_64, %swap3A_65], %swap3A_68 {strides = array<i32>} : memref<625x32xf32, #tpu.memory_space<vmem>>, vector<1x16xf32>,
    }
    %scan3A_4 = arith.constant 625 : i32
    %mul3A_5 = arith.constant 625 : i32
    %mul3A_6 = arith.muli %arg1, %mul3A_5 : i32
    "tpu.region"() ({
      %run_scoped3A = tpu.sem_alloc : memref<!tpu.dma_semaphore, #tpu.memory_space<semaphore_mem>>
      %dma_start3A_52 = arith.constant 0 : i32
      %dma_start3A_53 = tpu.memref_slice %arg8[%mul3A_6, %dma_start3A_52] : memref<10000x32xf32, #tpu.memory_space<vmem_shared>> -> memref<625x32xf32, #tpu.memory_space<vmem_shared>>
      %dma_start3A_54 = arith.constant 0 : i32
      %dma_start3A_55 = tpu.memref_slice %arg8[%mul3A_6, %dma_start3A_54] : memref<10000x32xf32, #tpu.memory_space<vmem_shared>> -> memref<625x32xf32, #tpu.memory_space<vmem_shared>>
      tpu.enqueue_dma source(%arg16 : memref<625x32xf32, #tpu.memory_space<vmem>>) target(%dma_start3A_55 : memref<625x32xf32, #tpu.memory_space<vmem_shared>>) target_semaphore(%run_scoped3A : memref<!tpu.dma_semaphore, #tpu.memory_space<semaphore_mem>>)
      %dma_wait3A_56 = arith.constant 0 : i32
      %dma_wait3A_57 = tpu.memref_slice %arg8[%mul3A_6, %dma_wait3A_56] : memref<10000x32xf32, #tpu.memory_space<vmem_shared>> -> memref<625x32xf32, #tpu.memory_space<vmem_shared>>
      %dma_wait3A_58 = arith.constant 0 : i32
      %dma_wait3A_59 = tpu.memref_slice %arg8[%mul3A_6, %dma_wait3A_58] : memref<10000x32xf32, #tpu.memory_space<vmem_shared>> -> memref<625x32xf32, #tpu.memory_space<vmem_shared>>
      tpu.wait_dma2 semaphore(%run_scoped3A : memref<!tpu.dma_semaphore, #tpu.memory_space<semaphore_mem>>) src(%arg16 : memref<625x32xf32, #tpu.memory_space<vmem>>) dst(%dma_wait3A_59 : memref<625x32xf32, #tpu.memory_space<vmem_shared>>)
      tpu.yield
    }) : () -> ()
    %mul3A_7 = arith.constant 126 : i32
    %mul3A_8 = arith.muli %add3A, %mul3A_7 : i32
    "tpu.region"() ({
      %run_scoped3A = tpu.sem_alloc : memref<!tpu.dma_semaphore, #tpu.memory_space<semaphore_mem>>
      %dma_start3A_52 = arith.constant 0 : i32
      %dma_start3A_53 = tpu.memref_slice %arg4[%mul3A_8, %dma_start3A_52] : memref<4032x80xi32, #tpu.memory_space<hbm>> -> memref<126x80xi32, #tpu.memory_space<hbm>>
      %dma_start3A_54 = arith.constant 0 : i32
      %dma_start3A_55 = tpu.memref_slice %arg4[%mul3A_8, %dma_start3A_54] : memref<4032x80xi32, #tpu.memory_space<hbm>> -> memref<126x80xi32, #tpu.memory_space<hbm>>
      tpu.enqueue_dma source(%dma_start3A_55 : memref<126x80xi32, #tpu.memory_space<hbm>>) target(%arg9 : memref<126x80xi32, #tpu.memory_space<vmem>>) target_semaphore(%run_scoped3A : memref<!tpu.dma_semaphore, #tpu.memory_space<semaphore_mem>>)
      %dma_wait3A_56 = arith.constant 0 : i32
      %dma_wait3A_57 = tpu.memref_slice %arg4[%mul3A_8, %dma_wait3A_56] : memref<4032x80xi32, #tpu.memory_space<hbm>> -> memref<126x80xi32, #tpu.memory_space<hbm>>
      %dma_wait3A_58 = arith.constant 0 : i32
      %dma_wait3A_59 = tpu.memref_slice %arg4[%mul3A_8, %dma_wait3A_58] : memref<4032x80xi32, #tpu.memory_space<hbm>> -> memref<126x80xi32, #tpu.memory_space<hbm>>
      tpu.wait_dma2 semaphore(%run_scoped3A : memref<!tpu.dma_semaphore, #tpu.memory_space<semaphore_mem>>) src(%dma_wait3A_59 : memref<126x80xi32, #tpu.memory_space<hbm>>) dst(%arg9 : memref<126x80xi32, #tpu.memory_space<vmem>>)
      tpu.yield
    }) : () -> ()
    %mul3A_9 = arith.constant 126 : i32
    %mul3A_10 = arith.muli %add3A, %mul3A_9 : i32
    "tpu.region"() ({
      %run_scoped3A = tpu.sem_alloc : memref<!tpu.dma_semaphore, #tpu.memory_space<semaphore_mem>>
      %dma_start3A_52 = arith.constant 0 : i32
      %dma_start3A_53 = tpu.memref_slice %arg5[%mul3A_10, %dma_start3A_52] : memref<4032x80xi32, #tpu.memory_space<hbm>> -> memref<126x80xi32, #tpu.memory_space<hbm>>
      %dma_start3A_54 = arith.constant 0 : i32
      %dma_start3A_55 = tpu.memref_slice %arg5[%mul3A_10, %dma_start3A_54] : memref<4032x80xi32, #tpu.memory_space<hbm>> -> memref<126x80xi32, #tpu.memory_space<hbm>>
      tpu.enqueue_dma source(%dma_start3A_55 : memref<126x80xi32, #tpu.memory_space<hbm>>) target(%arg10 : memref<126x80xi32, #tpu.memory_space<vmem>>) target_semaphore(%run_scoped3A : memref<!tpu.dma_semaphore, #tpu.memory_space<semaphore_mem>>)
      %dma_wait3A_56 = arith.constant 0 : i32
      %dma_wait3A_57 = tpu.memref_slice %arg5[%mul3A_10, %dma_wait3A_56] : memref<4032x80xi32, #tpu.memory_space<hbm>> -> memref<126x80xi32, #tpu.memory_space<hbm>>
      %dma_wait3A_58 = arith.constant 0 : i32
      %dma_wait3A_59 = tpu.memref_slice %arg5[%mul3A_10, %dma_wait3A_58] : memref<4032x80xi32, #tpu.memory_space<hbm>> -> memref<126x80xi32, #tpu.memory_space<hbm>>
      tpu.wait_dma2 semaphore(%run_scoped3A : memref<!tpu.dma_semaphore, #tpu.memory_space<semaphore_mem>>) src(%dma_wait3A_59 : memref<126x80xi32, #tpu.memory_space<hbm>>) dst(%arg10 : memref<126x80xi32, #tpu.memory_space<vmem>>)
      tpu.yield
    }) : () -> ()
    %mul3A_11 = arith.constant 126 : i32
    %mul3A_12 = arith.muli %add3A, %mul3A_11 : i32
    "tpu.region"() ({
      %run_scoped3A = tpu.sem_alloc : memref<!tpu.dma_semaphore, #tpu.memory_space<semaphore_mem>>
      %dma_start3A_52 = arith.constant 0 : i32
      %dma_start3A_53 = tpu.memref_slice %arg6[%mul3A_12, %dma_start3A_52] : memref<4032x80xi32, #tpu.memory_space<hbm>> -> memref<126x80xi32, #tpu.memory_space<hbm>>
      %dma_start3A_54 = arith.constant 0 : i32
      %dma_start3A_55 = tpu.memref_slice %arg6[%mul3A_12, %dma_start3A_54] : memref<4032x80xi32, #tpu.memory_space<hbm>> -> memref<126x80xi32, #tpu.memory_space<hbm>>
      tpu.enqueue_dma source(%dma_start3A_55 : memref<126x80xi32, #tpu.memory_space<hbm>>) target(%arg11 : memref<126x80xi32, #tpu.memory_space<vmem>>) target_semaphore(%run_scoped3A : memref<!tpu.dma_semaphore, #tpu.memory_space<semaphore_mem>>)
      %dma_wait3A_56 = arith.constant 0 : i32
      %dma_wait3A_57 = tpu.memref_slice %arg6[%mul3A_12, %dma_wait3A_56] : memref<4032x80xi32, #tpu.memory_space<hbm>> -> memref<126x80xi32, #tpu.memory_space<hbm>>
      %dma_wait3A_58 = arith.constant 0 : i32
      %dma_wait3A_59 = tpu.memref_slice %arg6[%mul3A_12, %dma_wait3A_58] : memref<4032x80xi32, #tpu.memory_space<hbm>> -> memref<126x80xi32, #tpu.memory_space<hbm>>
      tpu.wait_dma2 semaphore(%run_scoped3A : memref<!tpu.dma_semaphore, #tpu.memory_space<semaphore_mem>>) src(%dma_wait3A_59 : memref<126x80xi32, #tpu.memory_space<hbm>>) dst(%arg11 : memref<126x80xi32, #tpu.memory_space<vmem>>)
      tpu.yield
    }) : () -> ()
    %barrier3A = arith.constant 0 : index
    tpu.barrier barrier_id(%barrier3A)
    %dma_start3A = arith.constant 0 : i32
    %dma_start3A_13 = arith.constant 0 : i32
    %dma_start3A_14 = tpu.memref_slice %arg9[%dma_start3A, %dma_start3A_13] : memref<126x80xi32, #tpu.memory_space<vmem>> -> memref<1x80xi32, #tpu.memory_space<vmem>>
    %dma_start3A_15 = tpu.memref_squeeze %dma_start3A_14 : memref<1x80xi32, #tpu.memory_space<vmem>> -> memref<80xi32, #tpu.memory_space<vmem>>
    %dma_start3A_16 = arith.constant 0 : i32
    %dma_start3A_17 = arith.constant 0 : i32
    %dma_start3A_18 = tpu.memref_slice %arg2[%dma_start3A_16, %dma_start3A_17] : memref<160000x32xf32, #tpu.memory_space<hbm>> -> memref<160000x32xf32, #tpu.memory_space<hbm>>
    tpu.enqueue_indirect_dma source(%dma_start3A_18 : memref<160000x32xf32, #tpu.memory_space<hbm>>) target(%arg14 : memref<80x32xf32, #tpu.memory_space<vmem>>) offsets(%dma_start3A_15 : memref<80xi32, #tpu.memory_space<vmem>>) semaphore(%arg17 : memref<!tpu.dma_semaphore, #tpu.memory_space<semaphore_mem>>)
    %dma_start3A_19 = arith.constant 0 : i32
    %dma_start3A_20 = arith.constant 0 : i32
    %dma_start3A_21 = tpu.memref_slice %arg10[%dma_start3A_19, %dma_start3A_20] : memref<126x80xi32, #tpu.memory_space<vmem>> -> memref<1x80xi32, #tpu.memory_space<vmem>>
    %dma_start3A_22 = tpu.memref_squeeze %dma_start3A_21 : memref<1x80xi32, #tpu.memory_space<vmem>> -> memref<80xi32, #tpu.memory_space<vmem>>
    %dma_start3A_23 = arith.constant 0 : i32
    %dma_start3A_24 = arith.constant 0 : i32
    %dma_start3A_25 = tpu.memref_slice %arg3[%dma_start3A_23, %dma_start3A_24] : memref<160016x16xf32, #tpu.memory_space<hbm>> -> memref<160016x16xf32, #tpu.memory_space<hbm>>
    tpu.enqueue_indirect_dma source(%dma_start3A_25 : memref<160016x16xf32, #tpu.memory_space<hbm>>) target(%arg12 : memref<80x16xf32, #tpu.memory_space<vmem>>) offsets(%dma_start3A_22 : memref<80xi32, #tpu.memory_space<vmem>>) semaphore(%arg19 : memref<!tpu.dma_semaphore, #tpu.memory_space<semaphore_mem>>)
    %scan3A_26 = arith.constant 0 : i32
    %scan3A_27 = arith.constant 63 : i32
    %scan3A_28 = arith.addi %scan3A_26, %scan3A_27 : i32
    %scan3A_29 = arith.constant 1 : i32
    scf.for %scan3A_52 = %scan3A_26 to %scan3A_28 step %scan3A_29  : i32 {
      %mul3A_53 = arith.constant 1 : i32
      %mul3A_54 = arith.muli %scan3A_52, %mul3A_53 : i32
      %add3A_55 = arith.constant 0 : i32
      %add3A_56 = arith.addi %add3A_55, %mul3A_54 : i32
      %mul3A_57 = arith.constant 2 : i32
      %mul3A_58 = arith.muli %mul3A_57, %add3A_56 : i32
      %mul3A_59 = arith.constant 2 : i32
      %mul3A_60 = arith.muli %mul3A_59, %add3A_56 : i32
      %add3A_61 = arith.constant 1 : i32
      %add3A_62 = arith.addi %mul3A_60, %add3A_61 : i32
      %dma_start3A_63 = arith.constant 0 : i32
      %dma_start3A_64 = tpu.memref_slice %arg9[%add3A_62, %dma_start3A_63] : memref<126x80xi32, #tpu.memory_space<vmem>> -> memref<1x80xi32, #tpu.memory_space<vmem>>
      %dma_start3A_65 = tpu.memref_squeeze %dma_start3A_64 : memref<1x80xi32, #tpu.memory_space<vmem>> -> memref<80xi32, #tpu.memory_space<vmem>>
      %dma_start3A_66 = arith.constant 0 : i32
      %dma_start3A_67 = arith.constant 0 : i32
      %dma_start3A_68 = tpu.memref_slice %arg2[%dma_start3A_66, %dma_start3A_67] : memref<160000x32xf32, #tpu.memory_space<hbm>> -> memref<160000x32xf32, #tpu.memory_space<hbm>>
      tpu.enqueue_indirect_dma source(%dma_start3A_68 : memref<160000x32xf32, #tpu.memory_space<hbm>>) target(%arg15 : memref<80x32xf32, #tpu.memory_space<vmem>>) offsets(%dma_start3A_65 : memref<80xi32, #tpu.memory_space<vmem>>) semaphore(%arg18 : memref<!tpu.dma_semaphore, #tpu.memory_space<semaphore_mem>>)
      %dma_start3A_69 = arith.constant 0 : i32
      %dma_start3A_70 = tpu.memref_slice %arg10[%add3A_62, %dma_start3A_69] : memref<126x80xi32, #tpu.memory_space<vmem>> -> memref<1x80xi32, #tpu.memory_space<vmem>>
      %dma_start3A_71 = tpu.memref_squeeze %dma_start3A_70 : memref<1x80xi32, #tpu.memory_space<vmem>> -> memref<80xi32, #tpu.memory_space<vmem>>
      %dma_start3A_72 = arith.constant 0 : i32
      %dma_start3A_73 = arith.constant 0 : i32
      %dma_start3A_74 = tpu.memref_slice %arg3[%dma_start3A_72, %dma_start3A_73] : memref<160016x16xf32, #tpu.memory_space<hbm>> -> memref<160016x16xf32, #tpu.memory_space<hbm>>
      tpu.enqueue_indirect_dma source(%dma_start3A_74 : memref<160016x16xf32, #tpu.memory_space<hbm>>) target(%arg13 : memref<80x16xf32, #tpu.memory_space<vmem>>) offsets(%dma_start3A_71 : memref<80xi32, #tpu.memory_space<vmem>>) semaphore(%arg20 : memref<!tpu.dma_semaphore, #tpu.memory_space<semaphore_mem>>)
      %dma_wait3A_75 = arith.constant 0 : i32
      %dma_wait3A_76 = arith.constant 0 : i32
      %dma_wait3A_77 = tpu.memref_slice %arg9[%dma_wait3A_75, %dma_wait3A_76] : memref<126x80xi32, #tpu.memory_space<vmem>> -> memref<1x80xi32, #tpu.memory_space<vmem>>
      %dma_wait3A_78 = tpu.memref_squeeze %dma_wait3A_77 : memref<1x80xi32, #tpu.memory_space<vmem>> -> memref<80xi32, #tpu.memory_space<vmem>>
      %dma_wait3A_79 = arith.constant 0 : i32
      %dma_wait3A_80 = arith.constant 0 : i32
      %dma_wait3A_81 = tpu.memref_slice %arg2[%dma_wait3A_79, %dma_wait3A_80] : memref<160000x32xf32, #tpu.memory_space<hbm>> -> memref<160000x32xf32, #tpu.memory_space<hbm>>
      tpu.wait_indirect_dma semaphore(%arg17 : memref<!tpu.dma_semaphore, #tpu.memory_space<semaphore_mem>>) src(%dma_wait3A_81 : memref<160000x32xf32, #tpu.memory_space<hbm>>) dst(%arg14 : memref<80x32xf32, #tpu.memory_space<vmem>>)
      %dma_wait3A_82 = arith.constant 0 : i32
      %dma_wait3A_83 = arith.constant 0 : i32
      %dma_wait3A_84 = tpu.memref_slice %arg10[%dma_wait3A_82, %dma_wait3A_83] : memref<126x80xi32, #tpu.memory_space<vmem>> -> memref<1x80xi32, #tpu.memory_space<vmem>>
      %dma_wait3A_85 = tpu.memref_squeeze %dma_wait3A_84 : memref<1x80xi32, #tpu.memory_space<vmem>> -> memref<80xi32, #tpu.memory_space<vmem>>
      %dma_wait3A_86 = arith.constant 0 : i32
      %dma_wait3A_87 = arith.constant 0 : i32
      %dma_wait3A_88 = tpu.memref_slice %arg3[%dma_wait3A_86, %dma_wait3A_87] : memref<160016x16xf32, #tpu.memory_space<hbm>> -> memref<160016x16xf32, #tpu.memory_space<hbm>>
      tpu.wait_indirect_dma semaphore(%arg19 : memref<!tpu.dma_semaphore, #tpu.memory_space<semaphore_mem>>) src(%dma_wait3A_88 : memref<160016x16xf32, #tpu.memory_space<hbm>>) dst(%arg12 : memref<80x16xf32, #tpu.memory_space<vmem>>)
      %scan3A_89 = arith.constant 0 : i32
      %scan3A_90 = arith.constant 80 : i32
      %scan3A_91 = arith.addi %scan3A_89, %scan3A_90 : i32
      %scan3A_92 = arith.constant 4 : i32
      scf.for %scan3A_128 = %scan3A_89 to %scan3A_91 step %scan3A_92  : i32 {
        %mul3A_129 = arith.constant 1 : i32
        %mul3A_130 = arith.muli %scan3A_128, %mul3A_129 : i32
        %add3A_131 = arith.constant 0 : i32
        %add3A_132 = arith.addi %add3A_131, %mul3A_130 : i32
        %get3A = arith.index_cast %add3A_132 : i32 to index
        %get3A_133 = arith.constant 0 : index
        %get3A_134 = tpu.vector_load %arg12[%get3A, %get3A_133] {strides = array<i32>} : memref<80x16xf32, #tpu.memory_space<vmem>>, vector<1x16xf32>,
        %get3A_135 = vector.shape_cast %get3A_134 : vector<1x16xf32> to vector<16xf32>
        %get3A_136 = arith.index_cast %add3A_132 : i32 to index
        %get3A_137 = arith.constant 0 : index
        %get3A_138 = tpu.vector_load %arg14[%get3A_136, %get3A_137] {strides = array<i32>} : memref<80x32xf32, #tpu.memory_space<vmem>>, vector<1x16xf32>,
        %get3A_139 = vector.shape_cast %get3A_138 : vector<1x16xf32> to vector<16xf32>
        %mul3A_140 = arith.mulf %get3A_139, %get3A_135 : vector<16xf32>
        %swap3A = arith.index_cast %add3A_132 : i32 to index
        %swap3A_141 = arith.constant 0 : index
        %swap3A_142 = tpu.vector_load %arg14[%swap3A, %swap3A_141] {strides = array<i32>} : memref<80x32xf32, #tpu.memory_space<vmem>>, vector<1x16xf32>,
        %swap3A_143 = vector.shape_cast %swap3A_142 : vector<1x16xf32> to vector<16xf32>
        %swap3A_144 = vector.shape_cast %mul3A_140 : vector<16xf32> to vector<1x16xf32>
        tpu.vector_store %arg14[%swap3A, %swap3A_141], %swap3A_144 {strides = array<i32>} : memref<80x32xf32, #tpu.memory_space<vmem>>, vector<1x16xf32>,
        %get3A_145 = arith.index_cast %add3A_132 : i32 to index
        %get3A_146 = arith.constant 16 : index
        %get3A_147 = tpu.vector_load %arg14[%get3A_145, %get3A_146] {strides = array<i32>} : memref<80x32xf32, #tpu.memory_space<vmem>>, vector<1x16xf32>,
        %get3A_148 = vector.shape_cast %get3A_147 : vector<1x16xf32> to vector<16xf32>
        %mul3A_149 = arith.mulf %get3A_148, %get3A_135 : vector<16xf32>
        %swap3A_150 = arith.index_cast %add3A_132 : i32 to index
        %swap3A_151 = arith.constant 16 : index
        %swap3A_152 = tpu.vector_load %arg14[%swap3A_150, %swap3A_151] {strides = array<i32>} : memref<80x32xf32, #tpu.memory_space<vmem>>, vector<1x16xf32>,
        %swap3A_153 = vector.shape_cast %swap3A_152 : vector<1x16xf32> to vector<16xf32>
        %swap3A_154 = vector.shape_cast %mul3A_149 : vector<16xf32> to vector<1x16xf32>
        tpu.vector_store %arg14[%swap3A_150, %swap3A_151], %swap3A_154 {strides = array<i32>} : memref<80x32xf32, #tpu.memory_space<vmem>>, vector<1x16xf32>,
        %scan3A_155 = arith.constant 1 : i32
        %scan3A_156 = arith.addi %scan3A_128, %scan3A_155 : i32
        %mul3A_157 = arith.constant 1 : i32
        %mul3A_158 = arith.muli %scan3A_156, %mul3A_157 : i32
        %add3A_159 = arith.constant 0 : i32
        %add3A_160 = arith.addi %add3A_159, %mul3A_158 : i32
        %get3A_161 = arith.index_cast %add3A_160 : i32 to index
        %get3A_162 = arith.constant 0 : index
        %get3A_163 = tpu.vector_load %arg12[%get3A_161, %get3A_162] {strides = array<i32>} : memref<80x16xf32, #tpu.memory_space<vmem>>, vector<1x16xf32>,
        %get3A_164 = vector.shape_cast %get3A_163 : vector<1x16xf32> to vector<16xf32>
        %get3A_165 = arith.index_cast %add3A_160 : i32 to index
        %get3A_166 = arith.constant 0 : index
        %get3A_167 = tpu.vector_load %arg14[%get3A_165, %get3A_166] {strides = array<i32>} : memref<80x32xf32, #tpu.memory_space<vmem>>, vector<1x16xf32>,
        %get3A_168 = vector.shape_cast %get3A_167 : vector<1x16xf32> to vector<16xf32>
        %mul3A_169 = arith.mulf %get3A_168, %get3A_164 : vector<16xf32>
        %swap3A_170 = arith.index_cast %add3A_160 : i32 to index
        %swap3A_171 = arith.constant 0 : index
        %swap3A_172 = tpu.vector_load %arg14[%swap3A_170, %swap3A_171] {strides = array<i32>} : memref<80x32xf32, #tpu.memory_space<vmem>>, vector<1x16xf32>,
        %swap3A_173 = vector.shape_cast %swap3A_172 : vector<1x16xf32> to vector<16xf32>
        %swap3A_174 = vector.shape_cast %mul3A_169 : vector<16xf32> to vector<1x16xf32>
        tpu.vector_store %arg14[%swap3A_170, %swap3A_171], %swap3A_174 {strides = array<i32>} : memref<80x32xf32, #tpu.memory_space<vmem>>, vector<1x16xf32>,
        %get3A_175 = arith.index_cast %add3A_160 : i32 to index
        %get3A_176 = arith.constant 16 : index
        %get3A_177 = tpu.vector_load %arg14[%get3A_175, %get3A_176] {strides = array<i32>} : memref<80x32xf32, #tpu.memory_space<vmem>>, vector<1x16xf32>,
        %get3A_178 = vector.shape_cast %get3A_177 : vector<1x16xf32> to vector<16xf32>
        %mul3A_179 = arith.mulf %get3A_178, %get3A_164 : vector<16xf32>
        %swap3A_180 = arith.index_cast %add3A_160 : i32 to index
        %swap3A_181 = arith.constant 16 : index
        %swap3A_182 = tpu.vector_load %arg14[%swap3A_180, %swap3A_181] {strides = array<i32>} : memref<80x32xf32, #tpu.memory_space<vmem>>, vector<1x16xf32>,
        %swap3A_183 = vector.shape_cast %swap3A_182 : vector<1x16xf32> to vector<16xf32>
        %swap3A_184 = vector.shape_cast %mul3A_179 : vector<16xf32> to vector<1x16xf32>
        tpu.vector_store %arg14[%swap3A_180, %swap3A_181], %swap3A_184 {strides = array<i32>} : memref<80x32xf32, #tpu.memory_space<vmem>>, vector<1x16xf32>,
        %scan3A_185 = arith.constant 2 : i32
        %scan3A_186 = arith.addi %scan3A_128, %scan3A_185 : i32
        %mul3A_187 = arith.constant 1 : i32
        %mul3A_188 = arith.muli %scan3A_186, %mul3A_187 : i32
        %add3A_189 = arith.constant 0 : i32
        %add3A_190 = arith.addi %add3A_189, %mul3A_188 : i32
        %get3A_191 = arith.index_cast %add3A_190 : i32 to index
        %get3A_192 = arith.constant 0 : index
        %get3A_193 = tpu.vector_load %arg12[%get3A_191, %get3A_192] {strides = array<i32>} : memref<80x16xf32, #tpu.memory_space<vmem>>, vector<1x16xf32>,
        %get3A_194 = vector.shape_cast %get3A_193 : vector<1x16xf32> to vector<16xf32>
        %get3A_195 = arith.index_cast %add3A_190 : i32 to index
        %get3A_196 = arith.constant 0 : index
        %get3A_197 = tpu.vector_load %arg14[%get3A_195, %get3A_196] {strides = array<i32>} : memref<80x32xf32, #tpu.memory_space<vmem>>, vector<1x16xf32>,
        %get3A_198 = vector.shape_cast %get3A_197 : vector<1x16xf32> to vector<16xf32>
        %mul3A_199 = arith.mulf %get3A_198, %get3A_194 : vector<16xf32>
        %swap3A_200 = arith.index_cast %add3A_190 : i32 to index
        %swap3A_201 = arith.constant 0 : index
        %swap3A_202 = tpu.vector_load %arg14[%swap3A_200, %swap3A_201] {strides = array<i32>} : memref<80x32xf32, #tpu.memory_space<vmem>>, vector<1x16xf32>,
        %swap3A_203 = vector.shape_cast %swap3A_202 : vector<1x16xf32> to vector<16xf32>
        %swap3A_204 = vector.shape_cast %mul3A_199 : vector<16xf32> to vector<1x16xf32>
        tpu.vector_store %arg14[%swap3A_200, %swap3A_201], %swap3A_204 {strides = array<i32>} : memref<80x32xf32, #tpu.memory_space<vmem>>, vector<1x16xf32>,
        %get3A_205 = arith.index_cast %add3A_190 : i32 to index
        %get3A_206 = arith.constant 16 : index
        %get3A_207 = tpu.vector_load %arg14[%get3A_205, %get3A_206] {strides = array<i32>} : memref<80x32xf32, #tpu.memory_space<vmem>>, vector<1x16xf32>,
        %get3A_208 = vector.shape_cast %get3A_207 : vector<1x16xf32> to vector<16xf32>
        %mul3A_209 = arith.mulf %get3A_208, %get3A_194 : vector<16xf32>
        %swap3A_210 = arith.index_cast %add3A_190 : i32 to index
        %swap3A_211 = arith.constant 16 : index
        %swap3A_212 = tpu.vector_load %arg14[%swap3A_210, %swap3A_211] {strides = array<i32>} : memref<80x32xf32, #tpu.memory_space<vmem>>, vector<1x16xf32>,
        %swap3A_213 = vector.shape_cast %swap3A_212 : vector<1x16xf32> to vector<16xf32>
        %swap3A_214 = vector.shape_cast %mul3A_209 : vector<16xf32> to vector<1x16xf32>
        tpu.vector_store %arg14[%swap3A_210, %swap3A_211], %swap3A_214 {strides = array<i32>} : memref<80x32xf32, #tpu.memory_space<vmem>>, vector<1x16xf32>,
        %scan3A_215 = arith.constant 3 : i32
        %scan3A_216 = arith.addi %scan3A_128, %scan3A_215 : i32
        %mul3A_217 = arith.constant 1 : i32
        %mul3A_218 = arith.muli %scan3A_216, %mul3A_217 : i32
        %add3A_219 = arith.constant 0 : i32
        %add3A_220 = arith.addi %add3A_219, %mul3A_218 : i32
        %get3A_221 = arith.index_cast %add3A_220 : i32 to index
        %get3A_222 = arith.constant 0 : index
        %get3A_223 = tpu.vector_load %arg12[%get3A_221, %get3A_222] {strides = array<i32>} : memref<80x16xf32, #tpu.memory_space<vmem>>, vector<1x16xf32>,
        %get3A_224 = vector.shape_cast %get3A_223 : vector<1x16xf32> to vector<16xf32>
        %get3A_225 = arith.index_cast %add3A_220 : i32 to index
        %get3A_226 = arith.constant 0 : index
        %get3A_227 = tpu.vector_load %arg14[%get3A_225, %get3A_226] {strides = array<i32>} : memref<80x32xf32, #tpu.memory_space<vmem>>, vector<1x16xf32>,
        %get3A_228 = vector.shape_cast %get3A_227 : vector<1x16xf32> to vector<16xf32>
        %mul3A_229 = arith.mulf %get3A_228, %get3A_224 : vector<16xf32>
        %swap3A_230 = arith.index_cast %add3A_220 : i32 to index
        %swap3A_231 = arith.constant 0 : index
        %swap3A_232 = tpu.vector_load %arg14[%swap3A_230, %swap3A_231] {strides = array<i32>} : memref<80x32xf32, #tpu.memory_space<vmem>>, vector<1x16xf32>,
        %swap3A_233 = vector.shape_cast %swap3A_232 : vector<1x16xf32> to vector<16xf32>
        %swap3A_234 = vector.shape_cast %mul3A_229 : vector<16xf32> to vector<1x16xf32>
        tpu.vector_store %arg14[%swap3A_230, %swap3A_231], %swap3A_234 {strides = array<i32>} : memref<80x32xf32, #tpu.memory_space<vmem>>, vector<1x16xf32>,
        %get3A_235 = arith.index_cast %add3A_220 : i32 to index
        %get3A_236 = arith.constant 16 : index
        %get3A_237 = tpu.vector_load %arg14[%get3A_235, %get3A_236] {strides = array<i32>} : memref<80x32xf32, #tpu.memory_space<vmem>>, vector<1x16xf32>,
        %get3A_238 = vector.shape_cast %get3A_237 : vector<1x16xf32> to vector<16xf32>
        %mul3A_239 = arith.mulf %get3A_238, %get3A_224 : vector<16xf32>
        %swap3A_240 = arith.index_cast %add3A_220 : i32 to index
        %swap3A_241 = arith.constant 16 : index
        %swap3A_242 = tpu.vector_load %arg14[%swap3A_240, %swap3A_241] {strides = array<i32>} : memref<80x32xf32, #tpu.memory_space<vmem>>, vector<1x16xf32>,
        %swap3A_243 = vector.shape_cast %swap3A_242 : vector<1x16xf32> to vector<16xf32>
        %swap3A_244 = vector.shape_cast %mul3A_239 : vector<16xf32> to vector<1x16xf32>
        tpu.vector_store %arg14[%swap3A_240, %swap3A_241], %swap3A_244 {strides = array<i32>} : memref<80x32xf32, #tpu.memory_space<vmem>>, vector<1x16xf32>,
      }
      %scan3A_93 = arith.constant 80 : i32
      "tpu.region"() ({
        %run_scoped3A = tpu.sem_alloc : memref<!tpu.dma_semaphore, #tpu.memory_space<semaphore_mem>>
        %dma_start3A_128 = arith.constant 0 : i32
        %dma_start3A_129 = tpu.memref_slice %arg11[%mul3A_58, %dma_start3A_128] : memref<126x80xi32, #tpu.memory_space<vmem>> -> memref<1x80xi32, #tpu.memory_space<vmem>>
        %dma_start3A_130 = tpu.memref_squeeze %dma_start3A_129 : memref<1x80xi32, #tpu.memory_space<vmem>> -> memref<80xi32, #tpu.memory_space<vmem>>
        %dma_start3A_131 = arith.constant 0 : i32
        %dma_start3A_132 = arith.constant 0 : i32
        %dma_start3A_133 = tpu.memref_slice %arg8[%dma_start3A_131, %dma_start3A_132] : memref<10000x32xf32, #tpu.memory_space<vmem_shared>> -> memref<10000x32xf32, #tpu.memory_space<vmem_shared>>
        tpu.enqueue_indirect_dma source(%arg14 : memref<80x32xf32, #tpu.memory_space<vmem>>) target(%dma_start3A_133 : memref<10000x32xf32, #tpu.memory_space<vmem_shared>>) offsets(%dma_start3A_130 : memref<80xi32, #tpu.memory_space<vmem>>) semaphore(%run_scoped3A : memref<!tpu.dma_semaphore, #tpu.memory_space<semaphore_mem>>) {add = true}
        %dma_wait3A_134 = arith.constant 0 : i32
        %dma_wait3A_135 = tpu.memref_slice %arg11[%mul3A_58, %dma_wait3A_134] : memref<126x80xi32, #tpu.memory_space<vmem>> -> memref<1x80xi32, #tpu.memory_space<vmem>>
        %dma_wait3A_136 = tpu.memref_squeeze %dma_wait3A_135 : memref<1x80xi32, #tpu.memory_space<vmem>> -> memref<80xi32, #tpu.memory_space<vmem>>
        %dma_wait3A_137 = arith.constant 0 : i32
        %dma_wait3A_138 = arith.constant 0 : i32
        %dma_wait3A_139 = tpu.memref_slice %arg8[%dma_wait3A_137, %dma_wait3A_138] : memref<10000x32xf32, #tpu.memory_space<vmem_shared>> -> memref<10000x32xf32, #tpu.memory_space<vmem_shared>>
        tpu.wait_indirect_dma semaphore(%run_scoped3A : memref<!tpu.dma_semaphore, #tpu.memory_space<semaphore_mem>>) src(%arg14 : memref<80x32xf32, #tpu.memory_space<vmem>>) dst(%dma_wait3A_139 : memref<10000x32xf32, #tpu.memory_space<vmem_shared>>)
        tpu.yield
      }) : () -> ()
      %add3A_94 = arith.constant 1 : i32
      %add3A_95 = arith.addi %add3A_62, %add3A_94 : i32
      %min3A = arith.constant 125 : i32
      %min3A_96 = arith.minsi %add3A_95, %min3A : i32
      %dma_start3A_97 = arith.constant 0 : i32
      %dma_start3A_98 = tpu.memref_slice %arg9[%min3A_96, %dma_start3A_97] : memref<126x80xi32, #tpu.memory_space<vmem>> -> memref<1x80xi32, #tpu.memory_space<vmem>>
      %dma_start3A_99 = tpu.memref_squeeze %dma_start3A_98 : memref<1x80xi32, #tpu.memory_space<vmem>> -> memref<80xi32, #tpu.memory_space<vmem>>
      %dma_start3A_100 = arith.constant 0 : i32
      %dma_start3A_101 = arith.constant 0 : i32
      %dma_start3A_102 = tpu.memref_slice %arg2[%dma_start3A_100, %dma_start3A_101] : memref<160000x32xf32, #tpu.memory_space<hbm>> -> memref<160000x32xf32, #tpu.memory_space<hbm>>
      tpu.enqueue_indirect_dma source(%dma_start3A_102 : memref<160000x32xf32, #tpu.memory_space<hbm>>) target(%arg14 : memref<80x32xf32, #tpu.memory_space<vmem>>) offsets(%dma_start3A_99 : memref<80xi32, #tpu.memory_space<vmem>>) semaphore(%arg17 : memref<!tpu.dma_semaphore, #tpu.memory_space<semaphore_mem>>)
      %dma_start3A_103 = arith.constant 0 : i32
      %dma_start3A_104 = tpu.memref_slice %arg10[%min3A_96, %dma_start3A_103] : memref<126x80xi32, #tpu.memory_space<vmem>> -> memref<1x80xi32, #tpu.memory_space<vmem>>
      %dma_start3A_105 = tpu.memref_squeeze %dma_start3A_104 : memref<1x80xi32, #tpu.memory_space<vmem>> -> memref<80xi32, #tpu.memory_space<vmem>>
      %dma_start3A_106 = arith.constant 0 : i32
      %dma_start3A_107 = arith.constant 0 : i32
      %dma_start3A_108 = tpu.memref_slice %arg3[%dma_start3A_106, %dma_start3A_107] : memref<160016x16xf32, #tpu.memory_space<hbm>> -> memref<160016x16xf32, #tpu.memory_space<hbm>>
      tpu.enqueue_indirect_dma source(%dma_start3A_108 : memref<160016x16xf32, #tpu.memory_space<hbm>>) target(%arg12 : memref<80x16xf32, #tpu.memory_space<vmem>>) offsets(%dma_start3A_105 : memref<80xi32, #tpu.memory_space<vmem>>) semaphore(%arg19 : memref<!tpu.dma_semaphore, #tpu.memory_space<semaphore_mem>>)
      %dma_wait3A_109 = arith.constant 0 : i32
      %dma_wait3A_110 = arith.constant 0 : i32
      %dma_wait3A_111 = tpu.memref_slice %arg9[%dma_wait3A_109, %dma_wait3A_110] : memref<126x80xi32, #tpu.memory_space<vmem>> -> memref<1x80xi32, #tpu.memory_space<vmem>>
      %dma_wait3A_112 = tpu.memref_squeeze %dma_wait3A_111 : memref<1x80xi32, #tpu.memory_space<vmem>> -> memref<80xi32, #tpu.memory_space<vmem>>
      %dma_wait3A_113 = arith.constant 0 : i32
      %dma_wait3A_114 = arith.constant 0 : i32
      %dma_wait3A_115 = tpu.memref_slice %arg2[%dma_wait3A_113, %dma_wait3A_114] : memref<160000x32xf32, #tpu.memory_space<hbm>> -> memref<160000x32xf32, #tpu.memory_space<hbm>>
      tpu.wait_indirect_dma semaphore(%arg18 : memref<!tpu.dma_semaphore, #tpu.memory_space<semaphore_mem>>) src(%dma_wait3A_115 : memref<160000x32xf32, #tpu.memory_space<hbm>>) dst(%arg15 : memref<80x32xf32, #tpu.memory_space<vmem>>)
      %dma_wait3A_116 = arith.constant 0 : i32
      %dma_wait3A_117 = arith.constant 0 : i32
      %dma_wait3A_118 = tpu.memref_slice %arg10[%dma_wait3A_116, %dma_wait3A_117] : memref<126x80xi32, #tpu.memory_space<vmem>> -> memref<1x80xi32, #tpu.memory_space<vmem>>
      %dma_wait3A_119 = tpu.memref_squeeze %dma_wait3A_118 : memref<1x80xi32, #tpu.memory_space<vmem>> -> memref<80xi32, #tpu.memory_space<vmem>>
      %dma_wait3A_120 = arith.constant 0 : i32
      %dma_wait3A_121 = arith.constant 0 : i32
      %dma_wait3A_122 = tpu.memref_slice %arg3[%dma_wait3A_120, %dma_wait3A_121] : memref<160016x16xf32, #tpu.memory_space<hbm>> -> memref<160016x16xf32, #tpu.memory_space<hbm>>
      tpu.wait_indirect_dma semaphore(%arg20 : memref<!tpu.dma_semaphore, #tpu.memory_space<semaphore_mem>>) src(%dma_wait3A_122 : memref<160016x16xf32, #tpu.memory_space<hbm>>) dst(%arg13 : memref<80x16xf32, #tpu.memory_space<vmem>>)
      %scan3A_123 = arith.constant 0 : i32
      %scan3A_124 = arith.constant 80 : i32
      %scan3A_125 = arith.addi %scan3A_123, %scan3A_124 : i32
      %scan3A_126 = arith.constant 4 : i32
      scf.for %scan3A_128 = %scan3A_123 to %scan3A_125 step %scan3A_126  : i32 {
        %mul3A_129 = arith.constant 1 : i32
        %mul3A_130 = arith.muli %scan3A_128, %mul3A_129 : i32
        %add3A_131 = arith.constant 0 : i32
        %add3A_132 = arith.addi %add3A_131, %mul3A_130 : i32
        %get3A = arith.index_cast %add3A_132 : i32 to index
        %get3A_133 = arith.constant 0 : index
        %get3A_134 = tpu.vector_load %arg13[%get3A, %get3A_133] {strides = array<i32>} : memref<80x16xf32, #tpu.memory_space<vmem>>, vector<1x16xf32>,
        %get3A_135 = vector.shape_cast %get3A_134 : vector<1x16xf32> to vector<16xf32>
        %get3A_136 = arith.index_cast %add3A_132 : i32 to index
        %get3A_137 = arith.constant 0 : index
        %get3A_138 = tpu.vector_load %arg15[%get3A_136, %get3A_137] {strides = array<i32>} : memref<80x32xf32, #tpu.memory_space<vmem>>, vector<1x16xf32>,
        %get3A_139 = vector.shape_cast %get3A_138 : vector<1x16xf32> to vector<16xf32>
        %mul3A_140 = arith.mulf %get3A_139, %get3A_135 : vector<16xf32>
        %swap3A = arith.index_cast %add3A_132 : i32 to index
        %swap3A_141 = arith.constant 0 : index
        %swap3A_142 = tpu.vector_load %arg15[%swap3A, %swap3A_141] {strides = array<i32>} : memref<80x32xf32, #tpu.memory_space<vmem>>, vector<1x16xf32>,
        %swap3A_143 = vector.shape_cast %swap3A_142 : vector<1x16xf32> to vector<16xf32>
        %swap3A_144 = vector.shape_cast %mul3A_140 : vector<16xf32> to vector<1x16xf32>
        tpu.vector_store %arg15[%swap3A, %swap3A_141], %swap3A_144 {strides = array<i32>} : memref<80x32xf32, #tpu.memory_space<vmem>>, vector<1x16xf32>,
        %get3A_145 = arith.index_cast %add3A_132 : i32 to index
        %get3A_146 = arith.constant 16 : index
        %get3A_147 = tpu.vector_load %arg15[%get3A_145, %get3A_146] {strides = array<i32>} : memref<80x32xf32, #tpu.memory_space<vmem>>, vector<1x16xf32>,
        %get3A_148 = vector.shape_cast %get3A_147 : vector<1x16xf32> to vector<16xf32>
        %mul3A_149 = arith.mulf %get3A_148, %get3A_135 : vector<16xf32>
        %swap3A_150 = arith.index_cast %add3A_132 : i32 to index
        %swap3A_151 = arith.constant 16 : index
        %swap3A_152 = tpu.vector_load %arg15[%swap3A_150, %swap3A_151] {strides = array<i32>} : memref<80x32xf32, #tpu.memory_space<vmem>>, vector<1x16xf32>,
        %swap3A_153 = vector.shape_cast %swap3A_152 : vector<1x16xf32> to vector<16xf32>
        %swap3A_154 = vector.shape_cast %mul3A_149 : vector<16xf32> to vector<1x16xf32>
        tpu.vector_store %arg15[%swap3A_150, %swap3A_151], %swap3A_154 {strides = array<i32>} : memref<80x32xf32, #tpu.memory_space<vmem>>, vector<1x16xf32>,
        %scan3A_155 = arith.constant 1 : i32
        %scan3A_156 = arith.addi %scan3A_128, %scan3A_155 : i32
        %mul3A_157 = arith.constant 1 : i32
        %mul3A_158 = arith.muli %scan3A_156, %mul3A_157 : i32
        %add3A_159 = arith.constant 0 : i32
        %add3A_160 = arith.addi %add3A_159, %mul3A_158 : i32
        %get3A_161 = arith.index_cast %add3A_160 : i32 to index
        %get3A_162 = arith.constant 0 : index
        %get3A_163 = tpu.vector_load %arg13[%get3A_161, %get3A_162] {strides = array<i32>} : memref<80x16xf32, #tpu.memory_space<vmem>>, vector<1x16xf32>,
        %get3A_164 = vector.shape_cast %get3A_163 : vector<1x16xf32> to vector<16xf32>
        %get3A_165 = arith.index_cast %add3A_160 : i32 to index
        %get3A_166 = arith.constant 0 : index
        %get3A_167 = tpu.vector_load %arg15[%get3A_165, %get3A_166] {strides = array<i32>} : memref<80x32xf32, #tpu.memory_space<vmem>>, vector<1x16xf32>,
        %get3A_168 = vector.shape_cast %get3A_167 : vector<1x16xf32> to vector<16xf32>
        %mul3A_169 = arith.mulf %get3A_168, %get3A_164 : vector<16xf32>
        %swap3A_170 = arith.index_cast %add3A_160 : i32 to index
        %swap3A_171 = arith.constant 0 : index
        %swap3A_172 = tpu.vector_load %arg15[%swap3A_170, %swap3A_171] {strides = array<i32>} : memref<80x32xf32, #tpu.memory_space<vmem>>, vector<1x16xf32>,
        %swap3A_173 = vector.shape_cast %swap3A_172 : vector<1x16xf32> to vector<16xf32>
        %swap3A_174 = vector.shape_cast %mul3A_169 : vector<16xf32> to vector<1x16xf32>
        tpu.vector_store %arg15[%swap3A_170, %swap3A_171], %swap3A_174 {strides = array<i32>} : memref<80x32xf32, #tpu.memory_space<vmem>>, vector<1x16xf32>,
        %get3A_175 = arith.index_cast %add3A_160 : i32 to index
        %get3A_176 = arith.constant 16 : index
        %get3A_177 = tpu.vector_load %arg15[%get3A_175, %get3A_176] {strides = array<i32>} : memref<80x32xf32, #tpu.memory_space<vmem>>, vector<1x16xf32>,
        %get3A_178 = vector.shape_cast %get3A_177 : vector<1x16xf32> to vector<16xf32>
        %mul3A_179 = arith.mulf %get3A_178, %get3A_164 : vector<16xf32>
        %swap3A_180 = arith.index_cast %add3A_160 : i32 to index
        %swap3A_181 = arith.constant 16 : index
        %swap3A_182 = tpu.vector_load %arg15[%swap3A_180, %swap3A_181] {strides = array<i32>} : memref<80x32xf32, #tpu.memory_space<vmem>>, vector<1x16xf32>,
        %swap3A_183 = vector.shape_cast %swap3A_182 : vector<1x16xf32> to vector<16xf32>
        %swap3A_184 = vector.shape_cast %mul3A_179 : vector<16xf32> to vector<1x16xf32>
        tpu.vector_store %arg15[%swap3A_180, %swap3A_181], %swap3A_184 {strides = array<i32>} : memref<80x32xf32, #tpu.memory_space<vmem>>, vector<1x16xf32>,
        %scan3A_185 = arith.constant 2 : i32
        %scan3A_186 = arith.addi %scan3A_128, %scan3A_185 : i32
        %mul3A_187 = arith.constant 1 : i32
        %mul3A_188 = arith.muli %scan3A_186, %mul3A_187 : i32
        %add3A_189 = arith.constant 0 : i32
        %add3A_190 = arith.addi %add3A_189, %mul3A_188 : i32
        %get3A_191 = arith.index_cast %add3A_190 : i32 to index
        %get3A_192 = arith.constant 0 : index
        %get3A_193 = tpu.vector_load %arg13[%get3A_191, %get3A_192] {strides = array<i32>} : memref<80x16xf32, #tpu.memory_space<vmem>>, vector<1x16xf32>,
        %get3A_194 = vector.shape_cast %get3A_193 : vector<1x16xf32> to vector<16xf32>
        %get3A_195 = arith.index_cast %add3A_190 : i32 to index
        %get3A_196 = arith.constant 0 : index
        %get3A_197 = tpu.vector_load %arg15[%get3A_195, %get3A_196] {strides = array<i32>} : memref<80x32xf32, #tpu.memory_space<vmem>>, vector<1x16xf32>,
        %get3A_198 = vector.shape_cast %get3A_197 : vector<1x16xf32> to vector<16xf32>
        %mul3A_199 = arith.mulf %get3A_198, %get3A_194 : vector<16xf32>
        %swap3A_200 = arith.index_cast %add3A_190 : i32 to index
        %swap3A_201 = arith.constant 0 : index
        %swap3A_202 = tpu.vector_load %arg15[%swap3A_200, %swap3A_201] {strides = array<i32>} : memref<80x32xf32, #tpu.memory_space<vmem>>, vector<1x16xf32>,
        %swap3A_203 = vector.shape_cast %swap3A_202 : vector<1x16xf32> to vector<16xf32>
        %swap3A_204 = vector.shape_cast %mul3A_199 : vector<16xf32> to vector<1x16xf32>
        tpu.vector_store %arg15[%swap3A_200, %swap3A_201], %swap3A_204 {strides = array<i32>} : memref<80x32xf32, #tpu.memory_space<vmem>>, vector<1x16xf32>,
        %get3A_205 = arith.index_cast %add3A_190 : i32 to index
        %get3A_206 = arith.constant 16 : index
        %get3A_207 = tpu.vector_load %arg15[%get3A_205, %get3A_206] {strides = array<i32>} : memref<80x32xf32, #tpu.memory_space<vmem>>, vector<1x16xf32>,
        %get3A_208 = vector.shape_cast %get3A_207 : vector<1x16xf32> to vector<16xf32>
        %mul3A_209 = arith.mulf %get3A_208, %get3A_194 : vector<16xf32>
        %swap3A_210 = arith.index_cast %add3A_190 : i32 to index
        %swap3A_211 = arith.constant 16 : index
        %swap3A_212 = tpu.vector_load %arg15[%swap3A_210, %swap3A_211] {strides = array<i32>} : memref<80x32xf32, #tpu.memory_space<vmem>>, vector<1x16xf32>,
        %swap3A_213 = vector.shape_cast %swap3A_212 : vector<1x16xf32> to vector<16xf32>
        %swap3A_214 = vector.shape_cast %mul3A_209 : vector<16xf32> to vector<1x16xf32>
        tpu.vector_store %arg15[%swap3A_210, %swap3A_211], %swap3A_214 {strides = array<i32>} : memref<80x32xf32, #tpu.memory_space<vmem>>, vector<1x16xf32>,
        %scan3A_215 = arith.constant 3 : i32
        %scan3A_216 = arith.addi %scan3A_128, %scan3A_215 : i32
        %mul3A_217 = arith.constant 1 : i32
        %mul3A_218 = arith.muli %scan3A_216, %mul3A_217 : i32
        %add3A_219 = arith.constant 0 : i32
        %add3A_220 = arith.addi %add3A_219, %mul3A_218 : i32
        %get3A_221 = arith.index_cast %add3A_220 : i32 to index
        %get3A_222 = arith.constant 0 : index
        %get3A_223 = tpu.vector_load %arg13[%get3A_221, %get3A_222] {strides = array<i32>} : memref<80x16xf32, #tpu.memory_space<vmem>>, vector<1x16xf32>,
        %get3A_224 = vector.shape_cast %get3A_223 : vector<1x16xf32> to vector<16xf32>
        %get3A_225 = arith.index_cast %add3A_220 : i32 to index
        %get3A_226 = arith.constant 0 : index
        %get3A_227 = tpu.vector_load %arg15[%get3A_225, %get3A_226] {strides = array<i32>} : memref<80x32xf32, #tpu.memory_space<vmem>>, vector<1x16xf32>,
        %get3A_228 = vector.shape_cast %get3A_227 : vector<1x16xf32> to vector<16xf32>
        %mul3A_229 = arith.mulf %get3A_228, %get3A_224 : vector<16xf32>
        %swap3A_230 = arith.index_cast %add3A_220 : i32 to index
        %swap3A_231 = arith.constant 0 : index
        %swap3A_232 = tpu.vector_load %arg15[%swap3A_230, %swap3A_231] {strides = array<i32>} : memref<80x32xf32, #tpu.memory_space<vmem>>, vector<1x16xf32>,
        %swap3A_233 = vector.shape_cast %swap3A_232 : vector<1x16xf32> to vector<16xf32>
        %swap3A_234 = vector.shape_cast %mul3A_229 : vector<16xf32> to vector<1x16xf32>
        tpu.vector_store %arg15[%swap3A_230, %swap3A_231], %swap3A_234 {strides = array<i32>} : memref<80x32xf32, #tpu.memory_space<vmem>>, vector<1x16xf32>,
        %get3A_235 = arith.index_cast %add3A_220 : i32 to index
        %get3A_236 = arith.constant 16 : index
        %get3A_237 = tpu.vector_load %arg15[%get3A_235, %get3A_236] {strides = array<i32>} : memref<80x32xf32, #tpu.memory_space<vmem>>, vector<1x16xf32>,
        %get3A_238 = vector.shape_cast %get3A_237 : vector<1x16xf32> to vector<16xf32>
        %mul3A_239 = arith.mulf %get3A_238, %get3A_224 : vector<16xf32>
        %swap3A_240 = arith.index_cast %add3A_220 : i32 to index
        %swap3A_241 = arith.constant 16 : index
        %swap3A_242 = tpu.vector_load %arg15[%swap3A_240, %swap3A_241] {strides = array<i32>} : memref<80x32xf32, #tpu.memory_space<vmem>>, vector<1x16xf32>,
        %swap3A_243 = vector.shape_cast %swap3A_242 : vector<1x16xf32> to vector<16xf32>
        %swap3A_244 = vector.shape_cast %mul3A_239 : vector<16xf32> to vector<1x16xf32>
        tpu.vector_store %arg15[%swap3A_240, %swap3A_241], %swap3A_244 {strides = array<i32>} : memref<80x32xf32, #tpu.memory_space<vmem>>, vector<1x16xf32>,
      }
      %scan3A_127 = arith.constant 80 : i32
      "tpu.region"() ({
        %run_scoped3A = tpu.sem_alloc : memref<!tpu.dma_semaphore, #tpu.memory_space<semaphore_mem>>
        %dma_start3A_128 = arith.constant 0 : i32
        %dma_start3A_129 = tpu.memref_slice %arg11[%add3A_62, %dma_start3A_128] : memref<126x80xi32, #tpu.memory_space<vmem>> -> memref<1x80xi32, #tpu.memory_space<vmem>>
        %dma_start3A_130 = tpu.memref_squeeze %dma_start3A_129 : memref<1x80xi32, #tpu.memory_space<vmem>> -> memref<80xi32, #tpu.memory_space<vmem>>
        %dma_start3A_131 = arith.constant 0 : i32
        %dma_start3A_132 = arith.constant 0 : i32
        %dma_start3A_133 = tpu.memref_slice %arg8[%dma_start3A_131, %dma_start3A_132] : memref<10000x32xf32, #tpu.memory_space<vmem_shared>> -> memref<10000x32xf32, #tpu.memory_space<vmem_shared>>
        tpu.enqueue_indirect_dma source(%arg15 : memref<80x32xf32, #tpu.memory_space<vmem>>) target(%dma_start3A_133 : memref<10000x32xf32, #tpu.memory_space<vmem_shared>>) offsets(%dma_start3A_130 : memref<80xi32, #tpu.memory_space<vmem>>) semaphore(%run_scoped3A : memref<!tpu.dma_semaphore, #tpu.memory_space<semaphore_mem>>) {add = true}
        %dma_wait3A_134 = arith.constant 0 : i32
        %dma_wait3A_135 = tpu.memref_slice %arg11[%add3A_62, %dma_wait3A_134] : memref<126x80xi32, #tpu.memory_space<vmem>> -> memref<1x80xi32, #tpu.memory_space<vmem>>
        %dma_wait3A_136 = tpu.memref_squeeze %dma_wait3A_135 : memref<1x80xi32, #tpu.memory_space<vmem>> -> memref<80xi32, #tpu.memory_space<vmem>>
        %dma_wait3A_137 = arith.constant 0 : i32
        %dma_wait3A_138 = arith.constant 0 : i32
        %dma_wait3A_139 = tpu.memref_slice %arg8[%dma_wait3A_137, %dma_wait3A_138] : memref<10000x32xf32, #tpu.memory_space<vmem_shared>> -> memref<10000x32xf32, #tpu.memory_space<vmem_shared>>
        tpu.wait_indirect_dma semaphore(%run_scoped3A : memref<!tpu.dma_semaphore, #tpu.memory_space<semaphore_mem>>) src(%arg15 : memref<80x32xf32, #tpu.memory_space<vmem>>) dst(%dma_wait3A_139 : memref<10000x32xf32, #tpu.memory_space<vmem_shared>>)
        tpu.yield
      }) : () -> ()
    }
    %scan3A_30 = arith.constant 63 : i32
    %dma_wait3A = arith.constant 0 : i32
    %dma_wait3A_31 = arith.constant 0 : i32
    %dma_wait3A_32 = tpu.memref_slice %arg9[%dma_wait3A, %dma_wait3A_31] : memref<126x80xi32, #tpu.memory_space<vmem>> -> memref<1x80xi32, #tpu.memory_space<vmem>>
    %dma_wait3A_33 = tpu.memref_squeeze %dma_wait3A_32 : memref<1x80xi32, #tpu.memory_space<vmem>> -> memref<80xi32, #tpu.memory_space<vmem>>
    %dma_wait3A_34 = arith.constant 0 : i32
    %dma_wait3A_35 = arith.constant 0 : i32
    %dma_wait3A_36 = tpu.memref_slice %arg2[%dma_wait3A_34, %dma_wait3A_35] : memref<160000x32xf32, #tpu.memory_space<hbm>> -> memref<160000x32xf32, #tpu.memory_space<hbm>>
    tpu.wait_indirect_dma semaphore(%arg17 : memref<!tpu.dma_semaphore, #tpu.memory_space<semaphore_mem>>) src(%dma_wait3A_36 : memref<160000x32xf32, #tpu.memory_space<hbm>>) dst(%arg14 : memref<80x32xf32, #tpu.memory_space<vmem>>)
    %dma_wait3A_37 = arith.constant 0 : i32
    %dma_wait3A_38 = arith.constant 0 : i32
    %dma_wait3A_39 = tpu.memref_slice %arg10[%dma_wait3A_37, %dma_wait3A_38] : memref<126x80xi32, #tpu.memory_space<vmem>> -> memref<1x80xi32, #tpu.memory_space<vmem>>
    %dma_wait3A_40 = tpu.memref_squeeze %dma_wait3A_39 : memref<1x80xi32, #tpu.memory_space<vmem>> -> memref<80xi32, #tpu.memory_space<vmem>>
    %dma_wait3A_41 = arith.constant 0 : i32
    %dma_wait3A_42 = arith.constant 0 : i32
    %dma_wait3A_43 = tpu.memref_slice %arg3[%dma_wait3A_41, %dma_wait3A_42] : memref<160016x16xf32, #tpu.memory_space<hbm>> -> memref<160016x16xf32, #tpu.memory_space<hbm>>
    tpu.wait_indirect_dma semaphore(%arg19 : memref<!tpu.dma_semaphore, #tpu.memory_space<semaphore_mem>>) src(%dma_wait3A_43 : memref<160016x16xf32, #tpu.memory_space<hbm>>) dst(%arg12 : memref<80x16xf32, #tpu.memory_space<vmem>>)
    %barrier3A_44 = arith.constant 0 : index
    tpu.barrier barrier_id(%barrier3A_44)
    %mul3A_45 = arith.constant 625 : i32
    %mul3A_46 = arith.muli %arg1, %mul3A_45 : i32
    "tpu.region"() ({
      %run_scoped3A = tpu.sem_alloc : memref<!tpu.dma_semaphore, #tpu.memory_space<semaphore_mem>>
      %dma_start3A_52 = arith.constant 0 : i32
      %dma_start3A_53 = tpu.memref_slice %arg8[%mul3A_46, %dma_start3A_52] : memref<10000x32xf32, #tpu.memory_space<vmem_shared>> -> memref<625x32xf32, #tpu.memory_space<vmem_shared>>
      %dma_start3A_54 = arith.constant 0 : i32
      %dma_start3A_55 = tpu.memref_slice %arg8[%mul3A_46, %dma_start3A_54] : memref<10000x32xf32, #tpu.memory_space<vmem_shared>> -> memref<625x32xf32, #tpu.memory_space<vmem_shared>>
      tpu.enqueue_dma source(%dma_start3A_55 : memref<625x32xf32, #tpu.memory_space<vmem_shared>>) target(%arg16 : memref<625x32xf32, #tpu.memory_space<vmem>>) target_semaphore(%run_scoped3A : memref<!tpu.dma_semaphore, #tpu.memory_space<semaphore_mem>>)
      %dma_wait3A_56 = arith.constant 0 : i32
      %dma_wait3A_57 = tpu.memref_slice %arg8[%mul3A_46, %dma_wait3A_56] : memref<10000x32xf32, #tpu.memory_space<vmem_shared>> -> memref<625x32xf32, #tpu.memory_space<vmem_shared>>
      %dma_wait3A_58 = arith.constant 0 : i32
      %dma_wait3A_59 = tpu.memref_slice %arg8[%mul3A_46, %dma_wait3A_58] : memref<10000x32xf32, #tpu.memory_space<vmem_shared>> -> memref<625x32xf32, #tpu.memory_space<vmem_shared>>
      tpu.wait_dma2 semaphore(%run_scoped3A : memref<!tpu.dma_semaphore, #tpu.memory_space<semaphore_mem>>) src(%dma_wait3A_59 : memref<625x32xf32, #tpu.memory_space<vmem_shared>>) dst(%arg16 : memref<625x32xf32, #tpu.memory_space<vmem>>)
      tpu.yield
    }) : () -> ()
    %mul3A_47 = arith.constant 10000 : i32
    %mul3A_48 = arith.muli %arg0, %mul3A_47 : i32
    %mul3A_49 = arith.constant 625 : i32
    %mul3A_50 = arith.muli %arg1, %mul3A_49 : i32
    %add3A_51 = arith.addi %mul3A_48, %mul3A_50 : i32
    "tpu.region"() ({
      %run_scoped3A = tpu.sem_alloc : memref<!tpu.dma_semaphore, #tpu.memory_space<semaphore_mem>>
      %dma_start3A_52 = arith.constant 0 : i32
      %dma_start3A_53 = tpu.memref_slice %arg7[%add3A_51, %dma_start3A_52] : memref<20000x32xf32, #tpu.memory_space<hbm>> -> memref<625x32xf32, #tpu.memory_space<hbm>>
      %dma_start3A_54 = arith.constant 0 : i32
      %dma_start3A_55 = tpu.memref_slice %arg7[%add3A_51, %dma_start3A_54] : memref<20000x32xf32, #tpu.memory_space<hbm>> -> memref<625x32xf32, #tpu.memory_space<hbm>>
      tpu.enqueue_dma source(%arg16 : memref<625x32xf32, #tpu.memory_space<vmem>>) target(%dma_start3A_55 : memref<625x32xf32, #tpu.memory_space<hbm>>) target_semaphore(%run_scoped3A : memref<!tpu.dma_semaphore, #tpu.memory_space<semaphore_mem>>)
      %dma_wait3A_56 = arith.constant 0 : i32
      %dma_wait3A_57 = tpu.memref_slice %arg7[%add3A_51, %dma_wait3A_56] : memref<20000x32xf32, #tpu.memory_space<hbm>> -> memref<625x32xf32, #tpu.memory_space<hbm>>
      %dma_wait3A_58 = arith.constant 0 : i32
      %dma_wait3A_59 = tpu.memref_slice %arg7[%add3A_51, %dma_wait3A_58] : memref<20000x32xf32, #tpu.memory_space<hbm>> -> memref<625x32xf32, #tpu.memory_space<hbm>>
      tpu.wait_dma2 semaphore(%run_scoped3A : memref<!tpu.dma_semaphore, #tpu.memory_space<semaphore_mem>>) src(%arg16 : memref<625x32xf32, #tpu.memory_space<vmem>>) dst(%dma_wait3A_59 : memref<625x32xf32, #tpu.memory_space<hbm>>)
      tpu.yield
    }) : () -> ()
    return
  }
}

module attributes {stable_mosaic.version = 14 : i64} {
  func.func @_prep_body(%arg0: memref<2x4000x80xi32, #tpu.memory_space<vmem>>, %arg1: memref<4000x80xi32, #tpu.memory_space<vmem>>, %arg2: memref<4000x80xi32, #tpu.memory_space<vmem>>, %arg3: memref<4000x80xi32, #tpu.memory_space<vmem>>, %arg4: memref<4000x80xi32, #tpu.memory_space<vmem>>) attributes {dimension_semantics = [], scalar_prefetch = 0 : i64, scratch_operands = 0 : i64, tpu.core_type = #tpu.core_type<tc>} {
    %get3A = arith.constant 0 : index
    %get3A_0 = arith.constant 0 : index
    %get3A_1 = arith.constant 0 : index
    %get3A_2 = vector.load %arg0[%get3A, %get3A_0, %get3A_1] : memref<2x4000x80xi32, #tpu.memory_space<vmem>>, vector<1x4000x80xi32>
    %get3A_3 = vector.shape_cast %get3A_2 : vector<1x4000x80xi32> to vector<4000x80xi32>
    %get3A_4 = arith.constant 1 : index
    %get3A_5 = arith.constant 0 : index
    %get3A_6 = arith.constant 0 : index
    %get3A_7 = vector.load %arg0[%get3A_4, %get3A_5, %get3A_6] : memref<2x4000x80xi32, #tpu.memory_space<vmem>>, vector<1x4000x80xi32>
    %get3A_8 = vector.shape_cast %get3A_7 : vector<1x4000x80xi32> to vector<4000x80xi32>
    %get3A_9 = arith.constant 0 : index
    %get3A_10 = arith.constant 0 : index
    %get3A_11 = vector.load %arg1[%get3A_9, %get3A_10] : memref<4000x80xi32, #tpu.memory_space<vmem>>, vector<4000x80xi32>
    %mul3A = arith.constant 16 : i32
    %mul3A_12 = vector.broadcast %mul3A : i32 to vector<4000x80xi32>
    %mul3A_13 = arith.muli %get3A_3, %mul3A_12 : vector<4000x80xi32>
    %add3A = arith.addi %mul3A_13, %get3A_11 : vector<4000x80xi32>
    %swap3A = arith.constant 0 : index
    %swap3A_14 = arith.constant 0 : index
    %swap3A_15 = vector.load %arg2[%swap3A, %swap3A_14] : memref<4000x80xi32, #tpu.memory_space<vmem>>, vector<4000x80xi32>
    tpu.vector_store %arg2[%swap3A, %swap3A_14], %add3A {strides = array<i32>} : memref<4000x80xi32, #tpu.memory_space<vmem>>, vector<4000x80xi32>,
    %mul3A_16 = arith.constant 16 : i32
    %mul3A_17 = vector.broadcast %mul3A_16 : i32 to vector<4000x80xi32>
    %mul3A_18 = arith.muli %get3A_8, %mul3A_17 : vector<4000x80xi32>
    %add3A_19 = arith.addi %mul3A_18, %get3A_11 : vector<4000x80xi32>
    %swap3A_20 = arith.constant 0 : index
    %swap3A_21 = arith.constant 0 : index
    %swap3A_22 = vector.load %arg3[%swap3A_20, %swap3A_21] : memref<4000x80xi32, #tpu.memory_space<vmem>>, vector<4000x80xi32>
    tpu.vector_store %arg3[%swap3A_20, %swap3A_21], %add3A_19 {strides = array<i32>} : memref<4000x80xi32, #tpu.memory_space<vmem>>, vector<4000x80xi32>,
    %swap3A_23 = arith.constant 0 : index
    %swap3A_24 = arith.constant 0 : index
    %swap3A_25 = vector.load %arg4[%swap3A_23, %swap3A_24] : memref<4000x80xi32, #tpu.memory_space<vmem>>, vector<4000x80xi32>
    tpu.vector_store %arg4[%swap3A_23, %swap3A_24], %get3A_8 {strides = array<i32>} : memref<4000x80xi32, #tpu.memory_space<vmem>>, vector<4000x80xi32>,
    return
  }
}

module attributes {stable_mosaic.version = 14 : i64} {
  func.func @body(%arg0: i32, %arg1: memref<1000x128xf32, #tpu.memory_space<vmem>>, %arg2: memref<128x512xf32, #tpu.memory_space<vmem>>, %arg3: memref<16x8xf32, #tpu.memory_space<vmem>>, %arg4: memref<128x64xf32, #tpu.memory_space<vmem>>, %arg5: memref<1x64xf32, #tpu.memory_space<vmem>>, %arg6: memref<1000x1024xf32, #tpu.memory_space<vmem>>, %arg7: memref<1000x64xf32, #tpu.memory_space<vmem>>) attributes {dimension_semantics = [#tpu.dimension_semantics<arbitrary>], iteration_bounds = array<i64: 10>, scalar_prefetch = 0 : i64, scratch_operands = 0 : i64, tpu.core_type = #tpu.core_type<tc>, window_params = [{transform_indices = @transform_0, window_bounds = array<i64: 1000, 128>}, {pipeline_mode = #tpu.pipeline_mode<synchronous>, transform_indices = @transform_1, window_bounds = array<i64: 128, 512>}, {pipeline_mode = #tpu.pipeline_mode<synchronous>, transform_indices = @transform_2, window_bounds = array<i64: 16, 8>}, {pipeline_mode = #tpu.pipeline_mode<synchronous>, transform_indices = @transform_3, window_bounds = array<i64: 128, 64>}, {pipeline_mode = #tpu.pipeline_mode<synchronous>, transform_indices = @transform_4, window_bounds = array<i64: 1, 64>}, {transform_indices = @transform_5, window_bounds = array<i64: 1000, 1024>}, {transform_indices = @transform_6, window_bounds = array<i64: 1000, 64>}]} {
    %get3A = arith.constant 0 : index
    %get3A_0 = arith.constant 0 : index
    %get3A_1 = vector.load %arg1[%get3A, %get3A_0] : memref<1000x128xf32, #tpu.memory_space<vmem>>, vector<1000x128xf32>
    %get3A_2 = arith.constant 0 : index
    %get3A_3 = arith.constant 0 : index
    %get3A_4 = vector.load %arg2[%get3A_2, %get3A_3] : memref<128x512xf32, #tpu.memory_space<vmem>>, vector<128x512xf32>
    %get3A_5 = arith.constant 0 : index
    %get3A_6 = arith.constant 0 : index
    %get3A_7 = vector.load %arg3[%get3A_5, %get3A_6] : memref<16x8xf32, #tpu.memory_space<vmem>>, vector<16x8xf32>
    %slice3A = vector.extract_strided_slice %get3A_4 {offsets = [0, 0], sizes = [128, 64], strides = [1, 1]} : vector<128x512xf32> to vector<128x64xf32>
    %slice3A_8 = vector.extract_strided_slice %get3A_7 {offsets = [0, 0], sizes = [1, 1], strides = [1, 1]} : vector<16x8xf32> to vector<1x1xf32>
    %mul3A = vector.broadcast %slice3A_8 : vector<1x1xf32> to vector<128x64xf32>
    %mul3A_9 = arith.mulf %slice3A, %mul3A : vector<128x64xf32>
    %slice3A_10 = vector.extract_strided_slice %get3A_4 {offsets = [0, 64], sizes = [128, 64], strides = [1, 1]} : vector<128x512xf32> to vector<128x64xf32>
    %slice3A_11 = vector.extract_strided_slice %get3A_7 {offsets = [0, 1], sizes = [1, 1], strides = [1, 1]} : vector<16x8xf32> to vector<1x1xf32>
    %mul3A_12 = vector.broadcast %slice3A_11 : vector<1x1xf32> to vector<128x64xf32>
    %mul3A_13 = arith.mulf %slice3A_10, %mul3A_12 : vector<128x64xf32>
    %add3A = arith.addf %mul3A_9, %mul3A_13 : vector<128x64xf32>
    %slice3A_14 = vector.extract_strided_slice %get3A_4 {offsets = [0, 128], sizes = [128, 64], strides = [1, 1]} : vector<128x512xf32> to vector<128x64xf32>
    %slice3A_15 = vector.extract_strided_slice %get3A_7 {offsets = [0, 2], sizes = [1, 1], strides = [1, 1]} : vector<16x8xf32> to vector<1x1xf32>
    %mul3A_16 = vector.broadcast %slice3A_15 : vector<1x1xf32> to vector<128x64xf32>
    %mul3A_17 = arith.mulf %slice3A_14, %mul3A_16 : vector<128x64xf32>
    %add3A_18 = arith.addf %add3A, %mul3A_17 : vector<128x64xf32>
    %slice3A_19 = vector.extract_strided_slice %get3A_4 {offsets = [0, 192], sizes = [128, 64], strides = [1, 1]} : vector<128x512xf32> to vector<128x64xf32>
    %slice3A_20 = vector.extract_strided_slice %get3A_7 {offsets = [0, 3], sizes = [1, 1], strides = [1, 1]} : vector<16x8xf32> to vector<1x1xf32>
    %mul3A_21 = vector.broadcast %slice3A_20 : vector<1x1xf32> to vector<128x64xf32>
    %mul3A_22 = arith.mulf %slice3A_19, %mul3A_21 : vector<128x64xf32>
    %add3A_23 = arith.addf %add3A_18, %mul3A_22 : vector<128x64xf32>
    %slice3A_24 = vector.extract_strided_slice %get3A_4 {offsets = [0, 256], sizes = [128, 64], strides = [1, 1]} : vector<128x512xf32> to vector<128x64xf32>
    %slice3A_25 = vector.extract_strided_slice %get3A_7 {offsets = [0, 4], sizes = [1, 1], strides = [1, 1]} : vector<16x8xf32> to vector<1x1xf32>
    %mul3A_26 = vector.broadcast %slice3A_25 : vector<1x1xf32> to vector<128x64xf32>
    %mul3A_27 = arith.mulf %slice3A_24, %mul3A_26 : vector<128x64xf32>
    %add3A_28 = arith.addf %add3A_23, %mul3A_27 : vector<128x64xf32>
    %slice3A_29 = vector.extract_strided_slice %get3A_4 {offsets = [0, 320], sizes = [128, 64], strides = [1, 1]} : vector<128x512xf32> to vector<128x64xf32>
    %slice3A_30 = vector.extract_strided_slice %get3A_7 {offsets = [0, 5], sizes = [1, 1], strides = [1, 1]} : vector<16x8xf32> to vector<1x1xf32>
    %mul3A_31 = vector.broadcast %slice3A_30 : vector<1x1xf32> to vector<128x64xf32>
    %mul3A_32 = arith.mulf %slice3A_29, %mul3A_31 : vector<128x64xf32>
    %add3A_33 = arith.addf %add3A_28, %mul3A_32 : vector<128x64xf32>
    %slice3A_34 = vector.extract_strided_slice %get3A_4 {offsets = [0, 384], sizes = [128, 64], strides = [1, 1]} : vector<128x512xf32> to vector<128x64xf32>
    %slice3A_35 = vector.extract_strided_slice %get3A_7 {offsets = [0, 6], sizes = [1, 1], strides = [1, 1]} : vector<16x8xf32> to vector<1x1xf32>
    %mul3A_36 = vector.broadcast %slice3A_35 : vector<1x1xf32> to vector<128x64xf32>
    %mul3A_37 = arith.mulf %slice3A_34, %mul3A_36 : vector<128x64xf32>
    %add3A_38 = arith.addf %add3A_33, %mul3A_37 : vector<128x64xf32>
    %slice3A_39 = vector.extract_strided_slice %get3A_4 {offsets = [0, 448], sizes = [128, 64], strides = [1, 1]} : vector<128x512xf32> to vector<128x64xf32>
    %slice3A_40 = vector.extract_strided_slice %get3A_7 {offsets = [0, 7], sizes = [1, 1], strides = [1, 1]} : vector<16x8xf32> to vector<1x1xf32>
    %mul3A_41 = vector.broadcast %slice3A_40 : vector<1x1xf32> to vector<128x64xf32>
    %mul3A_42 = arith.mulf %slice3A_39, %mul3A_41 : vector<128x64xf32>
    %add3A_43 = arith.addf %add3A_38, %mul3A_42 : vector<128x64xf32>
    %dot_general3A = arith.constant dense<0.000000e+00> : vector<1000x64xf32>
    %dot_general3A_44 = tpu.matmul %get3A_1, %add3A_43, %dot_general3A {dimension_numbers = #tpu.dot_dimension_numbers<[1], [0], [0], [1], [0, 0, 1, 1], [], []>, transpose_lhs_hint = false} : vector<1000x128xf32>, vector<128x64xf32>, vector<1000x64xf32> -> vector<1000x64xf32>
    %swap3A = arith.constant 0 : index
    %swap3A_45 = arith.constant 0 : index
    %swap3A_46 = vector.load %arg6[%swap3A, %swap3A_45] : memref<1000x1024xf32, #tpu.memory_space<vmem>>, vector<1000x64xf32>
    tpu.vector_store %arg6[%swap3A, %swap3A_45], %dot_general3A_44 {strides = array<i32>} : memref<1000x1024xf32, #tpu.memory_space<vmem>>, vector<1000x64xf32>,
    %slice3A_47 = vector.extract_strided_slice %get3A_4 {offsets = [0, 0], sizes = [128, 64], strides = [1, 1]} : vector<128x512xf32> to vector<128x64xf32>
    %slice3A_48 = vector.extract_strided_slice %get3A_7 {offsets = [1, 0], sizes = [1, 1], strides = [1, 1]} : vector<16x8xf32> to vector<1x1xf32>
    %mul3A_49 = vector.broadcast %slice3A_48 : vector<1x1xf32> to vector<128x64xf32>
    %mul3A_50 = arith.mulf %slice3A_47, %mul3A_49 : vector<128x64xf32>
    %slice3A_51 = vector.extract_strided_slice %get3A_4 {offsets = [0, 64], sizes = [128, 64], strides = [1, 1]} : vector<128x512xf32> to vector<128x64xf32>
    %slice3A_52 = vector.extract_strided_slice %get3A_7 {offsets = [1, 1], sizes = [1, 1], strides = [1, 1]} : vector<16x8xf32> to vector<1x1xf32>
    %mul3A_53 = vector.broadcast %slice3A_52 : vector<1x1xf32> to vector<128x64xf32>
    %mul3A_54 = arith.mulf %slice3A_51, %mul3A_53 : vector<128x64xf32>
    %add3A_55 = arith.addf %mul3A_50, %mul3A_54 : vector<128x64xf32>
    %slice3A_56 = vector.extract_strided_slice %get3A_4 {offsets = [0, 128], sizes = [128, 64], strides = [1, 1]} : vector<128x512xf32> to vector<128x64xf32>
    %slice3A_57 = vector.extract_strided_slice %get3A_7 {offsets = [1, 2], sizes = [1, 1], strides = [1, 1]} : vector<16x8xf32> to vector<1x1xf32>
    %mul3A_58 = vector.broadcast %slice3A_57 : vector<1x1xf32> to vector<128x64xf32>
    %mul3A_59 = arith.mulf %slice3A_56, %mul3A_58 : vector<128x64xf32>
    %add3A_60 = arith.addf %add3A_55, %mul3A_59 : vector<128x64xf32>
    %slice3A_61 = vector.extract_strided_slice %get3A_4 {offsets = [0, 192], sizes = [128, 64], strides = [1, 1]} : vector<128x512xf32> to vector<128x64xf32>
    %slice3A_62 = vector.extract_strided_slice %get3A_7 {offsets = [1, 3], sizes = [1, 1], strides = [1, 1]} : vector<16x8xf32> to vector<1x1xf32>
    %mul3A_63 = vector.broadcast %slice3A_62 : vector<1x1xf32> to vector<128x64xf32>
    %mul3A_64 = arith.mulf %slice3A_61, %mul3A_63 : vector<128x64xf32>
    %add3A_65 = arith.addf %add3A_60, %mul3A_64 : vector<128x64xf32>
    %slice3A_66 = vector.extract_strided_slice %get3A_4 {offsets = [0, 256], sizes = [128, 64], strides = [1, 1]} : vector<128x512xf32> to vector<128x64xf32>
    %slice3A_67 = vector.extract_strided_slice %get3A_7 {offsets = [1, 4], sizes = [1, 1], strides = [1, 1]} : vector<16x8xf32> to vector<1x1xf32>
    %mul3A_68 = vector.broadcast %slice3A_67 : vector<1x1xf32> to vector<128x64xf32>
    %mul3A_69 = arith.mulf %slice3A_66, %mul3A_68 : vector<128x64xf32>
    %add3A_70 = arith.addf %add3A_65, %mul3A_69 : vector<128x64xf32>
    %slice3A_71 = vector.extract_strided_slice %get3A_4 {offsets = [0, 320], sizes = [128, 64], strides = [1, 1]} : vector<128x512xf32> to vector<128x64xf32>
    %slice3A_72 = vector.extract_strided_slice %get3A_7 {offsets = [1, 5], sizes = [1, 1], strides = [1, 1]} : vector<16x8xf32> to vector<1x1xf32>
    %mul3A_73 = vector.broadcast %slice3A_72 : vector<1x1xf32> to vector<128x64xf32>
    %mul3A_74 = arith.mulf %slice3A_71, %mul3A_73 : vector<128x64xf32>
    %add3A_75 = arith.addf %add3A_70, %mul3A_74 : vector<128x64xf32>
    %slice3A_76 = vector.extract_strided_slice %get3A_4 {offsets = [0, 384], sizes = [128, 64], strides = [1, 1]} : vector<128x512xf32> to vector<128x64xf32>
    %slice3A_77 = vector.extract_strided_slice %get3A_7 {offsets = [1, 6], sizes = [1, 1], strides = [1, 1]} : vector<16x8xf32> to vector<1x1xf32>
    %mul3A_78 = vector.broadcast %slice3A_77 : vector<1x1xf32> to vector<128x64xf32>
    %mul3A_79 = arith.mulf %slice3A_76, %mul3A_78 : vector<128x64xf32>
    %add3A_80 = arith.addf %add3A_75, %mul3A_79 : vector<128x64xf32>
    %slice3A_81 = vector.extract_strided_slice %get3A_4 {offsets = [0, 448], sizes = [128, 64], strides = [1, 1]} : vector<128x512xf32> to vector<128x64xf32>
    %slice3A_82 = vector.extract_strided_slice %get3A_7 {offsets = [1, 7], sizes = [1, 1], strides = [1, 1]} : vector<16x8xf32> to vector<1x1xf32>
    %mul3A_83 = vector.broadcast %slice3A_82 : vector<1x1xf32> to vector<128x64xf32>
    %mul3A_84 = arith.mulf %slice3A_81, %mul3A_83 : vector<128x64xf32>
    %add3A_85 = arith.addf %add3A_80, %mul3A_84 : vector<128x64xf32>
    %dot_general3A_86 = arith.constant dense<0.000000e+00> : vector<1000x64xf32>
    %dot_general3A_87 = tpu.matmul %get3A_1, %add3A_85, %dot_general3A_86 {dimension_numbers = #tpu.dot_dimension_numbers<[1], [0], [0], [1], [0, 0, 1, 1], [], []>, transpose_lhs_hint = false} : vector<1000x128xf32>, vector<128x64xf32>, vector<1000x64xf32> -> vector<1000x64xf32>
    %swap3A_88 = arith.constant 0 : index
    %swap3A_89 = arith.constant 64 : index
    %swap3A_90 = vector.load %arg6[%swap3A_88, %swap3A_89] : memref<1000x1024xf32, #tpu.memory_space<vmem>>, vector<1000x64xf32>
    tpu.vector_store %arg6[%swap3A_88, %swap3A_89], %dot_general3A_87 {strides = array<i32>} : memref<1000x1024xf32, #tpu.memory_space<vmem>>, vector<1000x64xf32>,
    %slice3A_91 = vector.extract_strided_slice %get3A_4 {offsets = [0, 0], sizes = [128, 64], strides = [1, 1]} : vector<128x512xf32> to vector<128x64xf32>
    %slice3A_92 = vector.extract_strided_slice %get3A_7 {offsets = [2, 0], sizes = [1, 1], strides = [1, 1]} : vector<16x8xf32> to vector<1x1xf32>
    %mul3A_93 = vector.broadcast %slice3A_92 : vector<1x1xf32> to vector<128x64xf32>
    %mul3A_94 = arith.mulf %slice3A_91, %mul3A_93 : vector<128x64xf32>
    %slice3A_95 = vector.extract_strided_slice %get3A_4 {offsets = [0, 64], sizes = [128, 64], strides = [1, 1]} : vector<128x512xf32> to vector<128x64xf32>
    %slice3A_96 = vector.extract_strided_slice %get3A_7 {offsets = [2, 1], sizes = [1, 1], strides = [1, 1]} : vector<16x8xf32> to vector<1x1xf32>
    %mul3A_97 = vector.broadcast %slice3A_96 : vector<1x1xf32> to vector<128x64xf32>
    %mul3A_98 = arith.mulf %slice3A_95, %mul3A_97 : vector<128x64xf32>
    %add3A_99 = arith.addf %mul3A_94, %mul3A_98 : vector<128x64xf32>
    %slice3A_100 = vector.extract_strided_slice %get3A_4 {offsets = [0, 128], sizes = [128, 64], strides = [1, 1]} : vector<128x512xf32> to vector<128x64xf32>
    %slice3A_101 = vector.extract_strided_slice %get3A_7 {offsets = [2, 2], sizes = [1, 1], strides = [1, 1]} : vector<16x8xf32> to vector<1x1xf32>
    %mul3A_102 = vector.broadcast %slice3A_101 : vector<1x1xf32> to vector<128x64xf32>
    %mul3A_103 = arith.mulf %slice3A_100, %mul3A_102 : vector<128x64xf32>
    %add3A_104 = arith.addf %add3A_99, %mul3A_103 : vector<128x64xf32>
    %slice3A_105 = vector.extract_strided_slice %get3A_4 {offsets = [0, 192], sizes = [128, 64], strides = [1, 1]} : vector<128x512xf32> to vector<128x64xf32>
    %slice3A_106 = vector.extract_strided_slice %get3A_7 {offsets = [2, 3], sizes = [1, 1], strides = [1, 1]} : vector<16x8xf32> to vector<1x1xf32>
    %mul3A_107 = vector.broadcast %slice3A_106 : vector<1x1xf32> to vector<128x64xf32>
    %mul3A_108 = arith.mulf %slice3A_105, %mul3A_107 : vector<128x64xf32>
    %add3A_109 = arith.addf %add3A_104, %mul3A_108 : vector<128x64xf32>
    %slice3A_110 = vector.extract_strided_slice %get3A_4 {offsets = [0, 256], sizes = [128, 64], strides = [1, 1]} : vector<128x512xf32> to vector<128x64xf32>
    %slice3A_111 = vector.extract_strided_slice %get3A_7 {offsets = [2, 4], sizes = [1, 1], strides = [1, 1]} : vector<16x8xf32> to vector<1x1xf32>
    %mul3A_112 = vector.broadcast %slice3A_111 : vector<1x1xf32> to vector<128x64xf32>
    %mul3A_113 = arith.mulf %slice3A_110, %mul3A_112 : vector<128x64xf32>
    %add3A_114 = arith.addf %add3A_109, %mul3A_113 : vector<128x64xf32>
    %slice3A_115 = vector.extract_strided_slice %get3A_4 {offsets = [0, 320], sizes = [128, 64], strides = [1, 1]} : vector<128x512xf32> to vector<128x64xf32>
    %slice3A_116 = vector.extract_strided_slice %get3A_7 {offsets = [2, 5], sizes = [1, 1], strides = [1, 1]} : vector<16x8xf32> to vector<1x1xf32>
    %mul3A_117 = vector.broadcast %slice3A_116 : vector<1x1xf32> to vector<128x64xf32>
    %mul3A_118 = arith.mulf %slice3A_115, %mul3A_117 : vector<128x64xf32>
    %add3A_119 = arith.addf %add3A_114, %mul3A_118 : vector<128x64xf32>
    %slice3A_120 = vector.extract_strided_slice %get3A_4 {offsets = [0, 384], sizes = [128, 64], strides = [1, 1]} : vector<128x512xf32> to vector<128x64xf32>
    %slice3A_121 = vector.extract_strided_slice %get3A_7 {offsets = [2, 6], sizes = [1, 1], strides = [1, 1]} : vector<16x8xf32> to vector<1x1xf32>
    %mul3A_122 = vector.broadcast %slice3A_121 : vector<1x1xf32> to vector<128x64xf32>
    %mul3A_123 = arith.mulf %slice3A_120, %mul3A_122 : vector<128x64xf32>
    %add3A_124 = arith.addf %add3A_119, %mul3A_123 : vector<128x64xf32>
    %slice3A_125 = vector.extract_strided_slice %get3A_4 {offsets = [0, 448], sizes = [128, 64], strides = [1, 1]} : vector<128x512xf32> to vector<128x64xf32>
    %slice3A_126 = vector.extract_strided_slice %get3A_7 {offsets = [2, 7], sizes = [1, 1], strides = [1, 1]} : vector<16x8xf32> to vector<1x1xf32>
    %mul3A_127 = vector.broadcast %slice3A_126 : vector<1x1xf32> to vector<128x64xf32>
    %mul3A_128 = arith.mulf %slice3A_125, %mul3A_127 : vector<128x64xf32>
    %add3A_129 = arith.addf %add3A_124, %mul3A_128 : vector<128x64xf32>
    %dot_general3A_130 = arith.constant dense<0.000000e+00> : vector<1000x64xf32>
    %dot_general3A_131 = tpu.matmul %get3A_1, %add3A_129, %dot_general3A_130 {dimension_numbers = #tpu.dot_dimension_numbers<[1], [0], [0], [1], [0, 0, 1, 1], [], []>, transpose_lhs_hint = false} : vector<1000x128xf32>, vector<128x64xf32>, vector<1000x64xf32> -> vector<1000x64xf32>
    %swap3A_132 = arith.constant 0 : index
    %swap3A_133 = arith.constant 128 : index
    %swap3A_134 = vector.load %arg6[%swap3A_132, %swap3A_133] : memref<1000x1024xf32, #tpu.memory_space<vmem>>, vector<1000x64xf32>
    tpu.vector_store %arg6[%swap3A_132, %swap3A_133], %dot_general3A_131 {strides = array<i32>} : memref<1000x1024xf32, #tpu.memory_space<vmem>>, vector<1000x64xf32>,
    %slice3A_135 = vector.extract_strided_slice %get3A_4 {offsets = [0, 0], sizes = [128, 64], strides = [1, 1]} : vector<128x512xf32> to vector<128x64xf32>
    %slice3A_136 = vector.extract_strided_slice %get3A_7 {offsets = [3, 0], sizes = [1, 1], strides = [1, 1]} : vector<16x8xf32> to vector<1x1xf32>
    %mul3A_137 = vector.broadcast %slice3A_136 : vector<1x1xf32> to vector<128x64xf32>
    %mul3A_138 = arith.mulf %slice3A_135, %mul3A_137 : vector<128x64xf32>
    %slice3A_139 = vector.extract_strided_slice %get3A_4 {offsets = [0, 64], sizes = [128, 64], strides = [1, 1]} : vector<128x512xf32> to vector<128x64xf32>
    %slice3A_140 = vector.extract_strided_slice %get3A_7 {offsets = [3, 1], sizes = [1, 1], strides = [1, 1]} : vector<16x8xf32> to vector<1x1xf32>
    %mul3A_141 = vector.broadcast %slice3A_140 : vector<1x1xf32> to vector<128x64xf32>
    %mul3A_142 = arith.mulf %slice3A_139, %mul3A_141 : vector<128x64xf32>
    %add3A_143 = arith.addf %mul3A_138, %mul3A_142 : vector<128x64xf32>
    %slice3A_144 = vector.extract_strided_slice %get3A_4 {offsets = [0, 128], sizes = [128, 64], strides = [1, 1]} : vector<128x512xf32> to vector<128x64xf32>
    %slice3A_145 = vector.extract_strided_slice %get3A_7 {offsets = [3, 2], sizes = [1, 1], strides = [1, 1]} : vector<16x8xf32> to vector<1x1xf32>
    %mul3A_146 = vector.broadcast %slice3A_145 : vector<1x1xf32> to vector<128x64xf32>
    %mul3A_147 = arith.mulf %slice3A_144, %mul3A_146 : vector<128x64xf32>
    %add3A_148 = arith.addf %add3A_143, %mul3A_147 : vector<128x64xf32>
    %slice3A_149 = vector.extract_strided_slice %get3A_4 {offsets = [0, 192], sizes = [128, 64], strides = [1, 1]} : vector<128x512xf32> to vector<128x64xf32>
    %slice3A_150 = vector.extract_strided_slice %get3A_7 {offsets = [3, 3], sizes = [1, 1], strides = [1, 1]} : vector<16x8xf32> to vector<1x1xf32>
    %mul3A_151 = vector.broadcast %slice3A_150 : vector<1x1xf32> to vector<128x64xf32>
    %mul3A_152 = arith.mulf %slice3A_149, %mul3A_151 : vector<128x64xf32>
    %add3A_153 = arith.addf %add3A_148, %mul3A_152 : vector<128x64xf32>
    %slice3A_154 = vector.extract_strided_slice %get3A_4 {offsets = [0, 256], sizes = [128, 64], strides = [1, 1]} : vector<128x512xf32> to vector<128x64xf32>
    %slice3A_155 = vector.extract_strided_slice %get3A_7 {offsets = [3, 4], sizes = [1, 1], strides = [1, 1]} : vector<16x8xf32> to vector<1x1xf32>
    %mul3A_156 = vector.broadcast %slice3A_155 : vector<1x1xf32> to vector<128x64xf32>
    %mul3A_157 = arith.mulf %slice3A_154, %mul3A_156 : vector<128x64xf32>
    %add3A_158 = arith.addf %add3A_153, %mul3A_157 : vector<128x64xf32>
    %slice3A_159 = vector.extract_strided_slice %get3A_4 {offsets = [0, 320], sizes = [128, 64], strides = [1, 1]} : vector<128x512xf32> to vector<128x64xf32>
    %slice3A_160 = vector.extract_strided_slice %get3A_7 {offsets = [3, 5], sizes = [1, 1], strides = [1, 1]} : vector<16x8xf32> to vector<1x1xf32>
    %mul3A_161 = vector.broadcast %slice3A_160 : vector<1x1xf32> to vector<128x64xf32>
    %mul3A_162 = arith.mulf %slice3A_159, %mul3A_161 : vector<128x64xf32>
    %add3A_163 = arith.addf %add3A_158, %mul3A_162 : vector<128x64xf32>
    %slice3A_164 = vector.extract_strided_slice %get3A_4 {offsets = [0, 384], sizes = [128, 64], strides = [1, 1]} : vector<128x512xf32> to vector<128x64xf32>
    %slice3A_165 = vector.extract_strided_slice %get3A_7 {offsets = [3, 6], sizes = [1, 1], strides = [1, 1]} : vector<16x8xf32> to vector<1x1xf32>
    %mul3A_166 = vector.broadcast %slice3A_165 : vector<1x1xf32> to vector<128x64xf32>
    %mul3A_167 = arith.mulf %slice3A_164, %mul3A_166 : vector<128x64xf32>
    %add3A_168 = arith.addf %add3A_163, %mul3A_167 : vector<128x64xf32>
    %slice3A_169 = vector.extract_strided_slice %get3A_4 {offsets = [0, 448], sizes = [128, 64], strides = [1, 1]} : vector<128x512xf32> to vector<128x64xf32>
    %slice3A_170 = vector.extract_strided_slice %get3A_7 {offsets = [3, 7], sizes = [1, 1], strides = [1, 1]} : vector<16x8xf32> to vector<1x1xf32>
    %mul3A_171 = vector.broadcast %slice3A_170 : vector<1x1xf32> to vector<128x64xf32>
    %mul3A_172 = arith.mulf %slice3A_169, %mul3A_171 : vector<128x64xf32>
    %add3A_173 = arith.addf %add3A_168, %mul3A_172 : vector<128x64xf32>
    %dot_general3A_174 = arith.constant dense<0.000000e+00> : vector<1000x64xf32>
    %dot_general3A_175 = tpu.matmul %get3A_1, %add3A_173, %dot_general3A_174 {dimension_numbers = #tpu.dot_dimension_numbers<[1], [0], [0], [1], [0, 0, 1, 1], [], []>, transpose_lhs_hint = false} : vector<1000x128xf32>, vector<128x64xf32>, vector<1000x64xf32> -> vector<1000x64xf32>
    %swap3A_176 = arith.constant 0 : index
    %swap3A_177 = arith.constant 192 : index
    %swap3A_178 = vector.load %arg6[%swap3A_176, %swap3A_177] : memref<1000x1024xf32, #tpu.memory_space<vmem>>, vector<1000x64xf32>
    tpu.vector_store %arg6[%swap3A_176, %swap3A_177], %dot_general3A_175 {strides = array<i32>} : memref<1000x1024xf32, #tpu.memory_space<vmem>>, vector<1000x64xf32>,
    %slice3A_179 = vector.extract_strided_slice %get3A_4 {offsets = [0, 0], sizes = [128, 64], strides = [1, 1]} : vector<128x512xf32> to vector<128x64xf32>
    %slice3A_180 = vector.extract_strided_slice %get3A_7 {offsets = [4, 0], sizes = [1, 1], strides = [1, 1]} : vector<16x8xf32> to vector<1x1xf32>
    %mul3A_181 = vector.broadcast %slice3A_180 : vector<1x1xf32> to vector<128x64xf32>
    %mul3A_182 = arith.mulf %slice3A_179, %mul3A_181 : vector<128x64xf32>
    %slice3A_183 = vector.extract_strided_slice %get3A_4 {offsets = [0, 64], sizes = [128, 64], strides = [1, 1]} : vector<128x512xf32> to vector<128x64xf32>
    %slice3A_184 = vector.extract_strided_slice %get3A_7 {offsets = [4, 1], sizes = [1, 1], strides = [1, 1]} : vector<16x8xf32> to vector<1x1xf32>
    %mul3A_185 = vector.broadcast %slice3A_184 : vector<1x1xf32> to vector<128x64xf32>
    %mul3A_186 = arith.mulf %slice3A_183, %mul3A_185 : vector<128x64xf32>
    %add3A_187 = arith.addf %mul3A_182, %mul3A_186 : vector<128x64xf32>
    %slice3A_188 = vector.extract_strided_slice %get3A_4 {offsets = [0, 128], sizes = [128, 64], strides = [1, 1]} : vector<128x512xf32> to vector<128x64xf32>
    %slice3A_189 = vector.extract_strided_slice %get3A_7 {offsets = [4, 2], sizes = [1, 1], strides = [1, 1]} : vector<16x8xf32> to vector<1x1xf32>
    %mul3A_190 = vector.broadcast %slice3A_189 : vector<1x1xf32> to vector<128x64xf32>
    %mul3A_191 = arith.mulf %slice3A_188, %mul3A_190 : vector<128x64xf32>
    %add3A_192 = arith.addf %add3A_187, %mul3A_191 : vector<128x64xf32>
    %slice3A_193 = vector.extract_strided_slice %get3A_4 {offsets = [0, 192], sizes = [128, 64], strides = [1, 1]} : vector<128x512xf32> to vector<128x64xf32>
    %slice3A_194 = vector.extract_strided_slice %get3A_7 {offsets = [4, 3], sizes = [1, 1], strides = [1, 1]} : vector<16x8xf32> to vector<1x1xf32>
    %mul3A_195 = vector.broadcast %slice3A_194 : vector<1x1xf32> to vector<128x64xf32>
    %mul3A_196 = arith.mulf %slice3A_193, %mul3A_195 : vector<128x64xf32>
    %add3A_197 = arith.addf %add3A_192, %mul3A_196 : vector<128x64xf32>
    %slice3A_198 = vector.extract_strided_slice %get3A_4 {offsets = [0, 256], sizes = [128, 64], strides = [1, 1]} : vector<128x512xf32> to vector<128x64xf32>
    %slice3A_199 = vector.extract_strided_slice %get3A_7 {offsets = [4, 4], sizes = [1, 1], strides = [1, 1]} : vector<16x8xf32> to vector<1x1xf32>
    %mul3A_200 = vector.broadcast %slice3A_199 : vector<1x1xf32> to vector<128x64xf32>
    %mul3A_201 = arith.mulf %slice3A_198, %mul3A_200 : vector<128x64xf32>
    %add3A_202 = arith.addf %add3A_197, %mul3A_201 : vector<128x64xf32>
    %slice3A_203 = vector.extract_strided_slice %get3A_4 {offsets = [0, 320], sizes = [128, 64], strides = [1, 1]} : vector<128x512xf32> to vector<128x64xf32>
    %slice3A_204 = vector.extract_strided_slice %get3A_7 {offsets = [4, 5], sizes = [1, 1], strides = [1, 1]} : vector<16x8xf32> to vector<1x1xf32>
    %mul3A_205 = vector.broadcast %slice3A_204 : vector<1x1xf32> to vector<128x64xf32>
    %mul3A_206 = arith.mulf %slice3A_203, %mul3A_205 : vector<128x64xf32>
    %add3A_207 = arith.addf %add3A_202, %mul3A_206 : vector<128x64xf32>
    %slice3A_208 = vector.extract_strided_slice %get3A_4 {offsets = [0, 384], sizes = [128, 64], strides = [1, 1]} : vector<128x512xf32> to vector<128x64xf32>
    %slice3A_209 = vector.extract_strided_slice %get3A_7 {offsets = [4, 6], sizes = [1, 1], strides = [1, 1]} : vector<16x8xf32> to vector<1x1xf32>
    %mul3A_210 = vector.broadcast %slice3A_209 : vector<1x1xf32> to vector<128x64xf32>
    %mul3A_211 = arith.mulf %slice3A_208, %mul3A_210 : vector<128x64xf32>
    %add3A_212 = arith.addf %add3A_207, %mul3A_211 : vector<128x64xf32>
    %slice3A_213 = vector.extract_strided_slice %get3A_4 {offsets = [0, 448], sizes = [128, 64], strides = [1, 1]} : vector<128x512xf32> to vector<128x64xf32>
    %slice3A_214 = vector.extract_strided_slice %get3A_7 {offsets = [4, 7], sizes = [1, 1], strides = [1, 1]} : vector<16x8xf32> to vector<1x1xf32>
    %mul3A_215 = vector.broadcast %slice3A_214 : vector<1x1xf32> to vector<128x64xf32>
    %mul3A_216 = arith.mulf %slice3A_213, %mul3A_215 : vector<128x64xf32>
    %add3A_217 = arith.addf %add3A_212, %mul3A_216 : vector<128x64xf32>
    %dot_general3A_218 = arith.constant dense<0.000000e+00> : vector<1000x64xf32>
    %dot_general3A_219 = tpu.matmul %get3A_1, %add3A_217, %dot_general3A_218 {dimension_numbers = #tpu.dot_dimension_numbers<[1], [0], [0], [1], [0, 0, 1, 1], [], []>, transpose_lhs_hint = false} : vector<1000x128xf32>, vector<128x64xf32>, vector<1000x64xf32> -> vector<1000x64xf32>
    %swap3A_220 = arith.constant 0 : index
    %swap3A_221 = arith.constant 256 : index
    %swap3A_222 = vector.load %arg6[%swap3A_220, %swap3A_221] : memref<1000x1024xf32, #tpu.memory_space<vmem>>, vector<1000x64xf32>
    tpu.vector_store %arg6[%swap3A_220, %swap3A_221], %dot_general3A_219 {strides = array<i32>} : memref<1000x1024xf32, #tpu.memory_space<vmem>>, vector<1000x64xf32>,
    %slice3A_223 = vector.extract_strided_slice %get3A_4 {offsets = [0, 0], sizes = [128, 64], strides = [1, 1]} : vector<128x512xf32> to vector<128x64xf32>
    %slice3A_224 = vector.extract_strided_slice %get3A_7 {offsets = [5, 0], sizes = [1, 1], strides = [1, 1]} : vector<16x8xf32> to vector<1x1xf32>
    %mul3A_225 = vector.broadcast %slice3A_224 : vector<1x1xf32> to vector<128x64xf32>
    %mul3A_226 = arith.mulf %slice3A_223, %mul3A_225 : vector<128x64xf32>
    %slice3A_227 = vector.extract_strided_slice %get3A_4 {offsets = [0, 64], sizes = [128, 64], strides = [1, 1]} : vector<128x512xf32> to vector<128x64xf32>
    %slice3A_228 = vector.extract_strided_slice %get3A_7 {offsets = [5, 1], sizes = [1, 1], strides = [1, 1]} : vector<16x8xf32> to vector<1x1xf32>
    %mul3A_229 = vector.broadcast %slice3A_228 : vector<1x1xf32> to vector<128x64xf32>
    %mul3A_230 = arith.mulf %slice3A_227, %mul3A_229 : vector<128x64xf32>
    %add3A_231 = arith.addf %mul3A_226, %mul3A_230 : vector<128x64xf32>
    %slice3A_232 = vector.extract_strided_slice %get3A_4 {offsets = [0, 128], sizes = [128, 64], strides = [1, 1]} : vector<128x512xf32> to vector<128x64xf32>
    %slice3A_233 = vector.extract_strided_slice %get3A_7 {offsets = [5, 2], sizes = [1, 1], strides = [1, 1]} : vector<16x8xf32> to vector<1x1xf32>
    %mul3A_234 = vector.broadcast %slice3A_233 : vector<1x1xf32> to vector<128x64xf32>
    %mul3A_235 = arith.mulf %slice3A_232, %mul3A_234 : vector<128x64xf32>
    %add3A_236 = arith.addf %add3A_231, %mul3A_235 : vector<128x64xf32>
    %slice3A_237 = vector.extract_strided_slice %get3A_4 {offsets = [0, 192], sizes = [128, 64], strides = [1, 1]} : vector<128x512xf32> to vector<128x64xf32>
    %slice3A_238 = vector.extract_strided_slice %get3A_7 {offsets = [5, 3], sizes = [1, 1], strides = [1, 1]} : vector<16x8xf32> to vector<1x1xf32>
    %mul3A_239 = vector.broadcast %slice3A_238 : vector<1x1xf32> to vector<128x64xf32>
    %mul3A_240 = arith.mulf %slice3A_237, %mul3A_239 : vector<128x64xf32>
    %add3A_241 = arith.addf %add3A_236, %mul3A_240 : vector<128x64xf32>
    %slice3A_242 = vector.extract_strided_slice %get3A_4 {offsets = [0, 256], sizes = [128, 64], strides = [1, 1]} : vector<128x512xf32> to vector<128x64xf32>
    %slice3A_243 = vector.extract_strided_slice %get3A_7 {offsets = [5, 4], sizes = [1, 1], strides = [1, 1]} : vector<16x8xf32> to vector<1x1xf32>
    %mul3A_244 = vector.broadcast %slice3A_243 : vector<1x1xf32> to vector<128x64xf32>
    %mul3A_245 = arith.mulf %slice3A_242, %mul3A_244 : vector<128x64xf32>
    %add3A_246 = arith.addf %add3A_241, %mul3A_245 : vector<128x64xf32>
    %slice3A_247 = vector.extract_strided_slice %get3A_4 {offsets = [0, 320], sizes = [128, 64], strides = [1, 1]} : vector<128x512xf32> to vector<128x64xf32>
    %slice3A_248 = vector.extract_strided_slice %get3A_7 {offsets = [5, 5], sizes = [1, 1], strides = [1, 1]} : vector<16x8xf32> to vector<1x1xf32>
    %mul3A_249 = vector.broadcast %slice3A_248 : vector<1x1xf32> to vector<128x64xf32>
    %mul3A_250 = arith.mulf %slice3A_247, %mul3A_249 : vector<128x64xf32>
    %add3A_251 = arith.addf %add3A_246, %mul3A_250 : vector<128x64xf32>
    %slice3A_252 = vector.extract_strided_slice %get3A_4 {offsets = [0, 384], sizes = [128, 64], strides = [1, 1]} : vector<128x512xf32> to vector<128x64xf32>
    %slice3A_253 = vector.extract_strided_slice %get3A_7 {offsets = [5, 6], sizes = [1, 1], strides = [1, 1]} : vector<16x8xf32> to vector<1x1xf32>
    %mul3A_254 = vector.broadcast %slice3A_253 : vector<1x1xf32> to vector<128x64xf32>
    %mul3A_255 = arith.mulf %slice3A_252, %mul3A_254 : vector<128x64xf32>
    %add3A_256 = arith.addf %add3A_251, %mul3A_255 : vector<128x64xf32>
    %slice3A_257 = vector.extract_strided_slice %get3A_4 {offsets = [0, 448], sizes = [128, 64], strides = [1, 1]} : vector<128x512xf32> to vector<128x64xf32>
    %slice3A_258 = vector.extract_strided_slice %get3A_7 {offsets = [5, 7], sizes = [1, 1], strides = [1, 1]} : vector<16x8xf32> to vector<1x1xf32>
    %mul3A_259 = vector.broadcast %slice3A_258 : vector<1x1xf32> to vector<128x64xf32>
    %mul3A_260 = arith.mulf %slice3A_257, %mul3A_259 : vector<128x64xf32>
    %add3A_261 = arith.addf %add3A_256, %mul3A_260 : vector<128x64xf32>
    %dot_general3A_262 = arith.constant dense<0.000000e+00> : vector<1000x64xf32>
    %dot_general3A_263 = tpu.matmul %get3A_1, %add3A_261, %dot_general3A_262 {dimension_numbers = #tpu.dot_dimension_numbers<[1], [0], [0], [1], [0, 0, 1, 1], [], []>, transpose_lhs_hint = false} : vector<1000x128xf32>, vector<128x64xf32>, vector<1000x64xf32> -> vector<1000x64xf32>
    %swap3A_264 = arith.constant 0 : index
    %swap3A_265 = arith.constant 320 : index
    %swap3A_266 = vector.load %arg6[%swap3A_264, %swap3A_265] : memref<1000x1024xf32, #tpu.memory_space<vmem>>, vector<1000x64xf32>
    tpu.vector_store %arg6[%swap3A_264, %swap3A_265], %dot_general3A_263 {strides = array<i32>} : memref<1000x1024xf32, #tpu.memory_space<vmem>>, vector<1000x64xf32>,
    %slice3A_267 = vector.extract_strided_slice %get3A_4 {offsets = [0, 0], sizes = [128, 64], strides = [1, 1]} : vector<128x512xf32> to vector<128x64xf32>
    %slice3A_268 = vector.extract_strided_slice %get3A_7 {offsets = [6, 0], sizes = [1, 1], strides = [1, 1]} : vector<16x8xf32> to vector<1x1xf32>
    %mul3A_269 = vector.broadcast %slice3A_268 : vector<1x1xf32> to vector<128x64xf32>
    %mul3A_270 = arith.mulf %slice3A_267, %mul3A_269 : vector<128x64xf32>
    %slice3A_271 = vector.extract_strided_slice %get3A_4 {offsets = [0, 64], sizes = [128, 64], strides = [1, 1]} : vector<128x512xf32> to vector<128x64xf32>
    %slice3A_272 = vector.extract_strided_slice %get3A_7 {offsets = [6, 1], sizes = [1, 1], strides = [1, 1]} : vector<16x8xf32> to vector<1x1xf32>
    %mul3A_273 = vector.broadcast %slice3A_272 : vector<1x1xf32> to vector<128x64xf32>
    %mul3A_274 = arith.mulf %slice3A_271, %mul3A_273 : vector<128x64xf32>
    %add3A_275 = arith.addf %mul3A_270, %mul3A_274 : vector<128x64xf32>
    %slice3A_276 = vector.extract_strided_slice %get3A_4 {offsets = [0, 128], sizes = [128, 64], strides = [1, 1]} : vector<128x512xf32> to vector<128x64xf32>
    %slice3A_277 = vector.extract_strided_slice %get3A_7 {offsets = [6, 2], sizes = [1, 1], strides = [1, 1]} : vector<16x8xf32> to vector<1x1xf32>
    %mul3A_278 = vector.broadcast %slice3A_277 : vector<1x1xf32> to vector<128x64xf32>
    %mul3A_279 = arith.mulf %slice3A_276, %mul3A_278 : vector<128x64xf32>
    %add3A_280 = arith.addf %add3A_275, %mul3A_279 : vector<128x64xf32>
    %slice3A_281 = vector.extract_strided_slice %get3A_4 {offsets = [0, 192], sizes = [128, 64], strides = [1, 1]} : vector<128x512xf32> to vector<128x64xf32>
    %slice3A_282 = vector.extract_strided_slice %get3A_7 {offsets = [6, 3], sizes = [1, 1], strides = [1, 1]} : vector<16x8xf32> to vector<1x1xf32>
    %mul3A_283 = vector.broadcast %slice3A_282 : vector<1x1xf32> to vector<128x64xf32>
    %mul3A_284 = arith.mulf %slice3A_281, %mul3A_283 : vector<128x64xf32>
    %add3A_285 = arith.addf %add3A_280, %mul3A_284 : vector<128x64xf32>
    %slice3A_286 = vector.extract_strided_slice %get3A_4 {offsets = [0, 256], sizes = [128, 64], strides = [1, 1]} : vector<128x512xf32> to vector<128x64xf32>
    %slice3A_287 = vector.extract_strided_slice %get3A_7 {offsets = [6, 4], sizes = [1, 1], strides = [1, 1]} : vector<16x8xf32> to vector<1x1xf32>
    %mul3A_288 = vector.broadcast %slice3A_287 : vector<1x1xf32> to vector<128x64xf32>
    %mul3A_289 = arith.mulf %slice3A_286, %mul3A_288 : vector<128x64xf32>
    %add3A_290 = arith.addf %add3A_285, %mul3A_289 : vector<128x64xf32>
    %slice3A_291 = vector.extract_strided_slice %get3A_4 {offsets = [0, 320], sizes = [128, 64], strides = [1, 1]} : vector<128x512xf32> to vector<128x64xf32>
    %slice3A_292 = vector.extract_strided_slice %get3A_7 {offsets = [6, 5], sizes = [1, 1], strides = [1, 1]} : vector<16x8xf32> to vector<1x1xf32>
    %mul3A_293 = vector.broadcast %slice3A_292 : vector<1x1xf32> to vector<128x64xf32>
    %mul3A_294 = arith.mulf %slice3A_291, %mul3A_293 : vector<128x64xf32>
    %add3A_295 = arith.addf %add3A_290, %mul3A_294 : vector<128x64xf32>
    %slice3A_296 = vector.extract_strided_slice %get3A_4 {offsets = [0, 384], sizes = [128, 64], strides = [1, 1]} : vector<128x512xf32> to vector<128x64xf32>
    %slice3A_297 = vector.extract_strided_slice %get3A_7 {offsets = [6, 6], sizes = [1, 1], strides = [1, 1]} : vector<16x8xf32> to vector<1x1xf32>
    %mul3A_298 = vector.broadcast %slice3A_297 : vector<1x1xf32> to vector<128x64xf32>
    %mul3A_299 = arith.mulf %slice3A_296, %mul3A_298 : vector<128x64xf32>
    %add3A_300 = arith.addf %add3A_295, %mul3A_299 : vector<128x64xf32>
    %slice3A_301 = vector.extract_strided_slice %get3A_4 {offsets = [0, 448], sizes = [128, 64], strides = [1, 1]} : vector<128x512xf32> to vector<128x64xf32>
    %slice3A_302 = vector.extract_strided_slice %get3A_7 {offsets = [6, 7], sizes = [1, 1], strides = [1, 1]} : vector<16x8xf32> to vector<1x1xf32>
    %mul3A_303 = vector.broadcast %slice3A_302 : vector<1x1xf32> to vector<128x64xf32>
    %mul3A_304 = arith.mulf %slice3A_301, %mul3A_303 : vector<128x64xf32>
    %add3A_305 = arith.addf %add3A_300, %mul3A_304 : vector<128x64xf32>
    %dot_general3A_306 = arith.constant dense<0.000000e+00> : vector<1000x64xf32>
    %dot_general3A_307 = tpu.matmul %get3A_1, %add3A_305, %dot_general3A_306 {dimension_numbers = #tpu.dot_dimension_numbers<[1], [0], [0], [1], [0, 0, 1, 1], [], []>, transpose_lhs_hint = false} : vector<1000x128xf32>, vector<128x64xf32>, vector<1000x64xf32> -> vector<1000x64xf32>
    %swap3A_308 = arith.constant 0 : index
    %swap3A_309 = arith.constant 384 : index
    %swap3A_310 = vector.load %arg6[%swap3A_308, %swap3A_309] : memref<1000x1024xf32, #tpu.memory_space<vmem>>, vector<1000x64xf32>
    tpu.vector_store %arg6[%swap3A_308, %swap3A_309], %dot_general3A_307 {strides = array<i32>} : memref<1000x1024xf32, #tpu.memory_space<vmem>>, vector<1000x64xf32>,
    %slice3A_311 = vector.extract_strided_slice %get3A_4 {offsets = [0, 0], sizes = [128, 64], strides = [1, 1]} : vector<128x512xf32> to vector<128x64xf32>
    %slice3A_312 = vector.extract_strided_slice %get3A_7 {offsets = [7, 0], sizes = [1, 1], strides = [1, 1]} : vector<16x8xf32> to vector<1x1xf32>
    %mul3A_313 = vector.broadcast %slice3A_312 : vector<1x1xf32> to vector<128x64xf32>
    %mul3A_314 = arith.mulf %slice3A_311, %mul3A_313 : vector<128x64xf32>
    %slice3A_315 = vector.extract_strided_slice %get3A_4 {offsets = [0, 64], sizes = [128, 64], strides = [1, 1]} : vector<128x512xf32> to vector<128x64xf32>
    %slice3A_316 = vector.extract_strided_slice %get3A_7 {offsets = [7, 1], sizes = [1, 1], strides = [1, 1]} : vector<16x8xf32> to vector<1x1xf32>
    %mul3A_317 = vector.broadcast %slice3A_316 : vector<1x1xf32> to vector<128x64xf32>
    %mul3A_318 = arith.mulf %slice3A_315, %mul3A_317 : vector<128x64xf32>
    %add3A_319 = arith.addf %mul3A_314, %mul3A_318 : vector<128x64xf32>
    %slice3A_320 = vector.extract_strided_slice %get3A_4 {offsets = [0, 128], sizes = [128, 64], strides = [1, 1]} : vector<128x512xf32> to vector<128x64xf32>
    %slice3A_321 = vector.extract_strided_slice %get3A_7 {offsets = [7, 2], sizes = [1, 1], strides = [1, 1]} : vector<16x8xf32> to vector<1x1xf32>
    %mul3A_322 = vector.broadcast %slice3A_321 : vector<1x1xf32> to vector<128x64xf32>
    %mul3A_323 = arith.mulf %slice3A_320, %mul3A_322 : vector<128x64xf32>
    %add3A_324 = arith.addf %add3A_319, %mul3A_323 : vector<128x64xf32>
    %slice3A_325 = vector.extract_strided_slice %get3A_4 {offsets = [0, 192], sizes = [128, 64], strides = [1, 1]} : vector<128x512xf32> to vector<128x64xf32>
    %slice3A_326 = vector.extract_strided_slice %get3A_7 {offsets = [7, 3], sizes = [1, 1], strides = [1, 1]} : vector<16x8xf32> to vector<1x1xf32>
    %mul3A_327 = vector.broadcast %slice3A_326 : vector<1x1xf32> to vector<128x64xf32>
    %mul3A_328 = arith.mulf %slice3A_325, %mul3A_327 : vector<128x64xf32>
    %add3A_329 = arith.addf %add3A_324, %mul3A_328 : vector<128x64xf32>
    %slice3A_330 = vector.extract_strided_slice %get3A_4 {offsets = [0, 256], sizes = [128, 64], strides = [1, 1]} : vector<128x512xf32> to vector<128x64xf32>
    %slice3A_331 = vector.extract_strided_slice %get3A_7 {offsets = [7, 4], sizes = [1, 1], strides = [1, 1]} : vector<16x8xf32> to vector<1x1xf32>
    %mul3A_332 = vector.broadcast %slice3A_331 : vector<1x1xf32> to vector<128x64xf32>
    %mul3A_333 = arith.mulf %slice3A_330, %mul3A_332 : vector<128x64xf32>
    %add3A_334 = arith.addf %add3A_329, %mul3A_333 : vector<128x64xf32>
    %slice3A_335 = vector.extract_strided_slice %get3A_4 {offsets = [0, 320], sizes = [128, 64], strides = [1, 1]} : vector<128x512xf32> to vector<128x64xf32>
    %slice3A_336 = vector.extract_strided_slice %get3A_7 {offsets = [7, 5], sizes = [1, 1], strides = [1, 1]} : vector<16x8xf32> to vector<1x1xf32>
    %mul3A_337 = vector.broadcast %slice3A_336 : vector<1x1xf32> to vector<128x64xf32>
    %mul3A_338 = arith.mulf %slice3A_335, %mul3A_337 : vector<128x64xf32>
    %add3A_339 = arith.addf %add3A_334, %mul3A_338 : vector<128x64xf32>
    %slice3A_340 = vector.extract_strided_slice %get3A_4 {offsets = [0, 384], sizes = [128, 64], strides = [1, 1]} : vector<128x512xf32> to vector<128x64xf32>
    %slice3A_341 = vector.extract_strided_slice %get3A_7 {offsets = [7, 6], sizes = [1, 1], strides = [1, 1]} : vector<16x8xf32> to vector<1x1xf32>
    %mul3A_342 = vector.broadcast %slice3A_341 : vector<1x1xf32> to vector<128x64xf32>
    %mul3A_343 = arith.mulf %slice3A_340, %mul3A_342 : vector<128x64xf32>
    %add3A_344 = arith.addf %add3A_339, %mul3A_343 : vector<128x64xf32>
    %slice3A_345 = vector.extract_strided_slice %get3A_4 {offsets = [0, 448], sizes = [128, 64], strides = [1, 1]} : vector<128x512xf32> to vector<128x64xf32>
    %slice3A_346 = vector.extract_strided_slice %get3A_7 {offsets = [7, 7], sizes = [1, 1], strides = [1, 1]} : vector<16x8xf32> to vector<1x1xf32>
    %mul3A_347 = vector.broadcast %slice3A_346 : vector<1x1xf32> to vector<128x64xf32>
    %mul3A_348 = arith.mulf %slice3A_345, %mul3A_347 : vector<128x64xf32>
    %add3A_349 = arith.addf %add3A_344, %mul3A_348 : vector<128x64xf32>
    %dot_general3A_350 = arith.constant dense<0.000000e+00> : vector<1000x64xf32>
    %dot_general3A_351 = tpu.matmul %get3A_1, %add3A_349, %dot_general3A_350 {dimension_numbers = #tpu.dot_dimension_numbers<[1], [0], [0], [1], [0, 0, 1, 1], [], []>, transpose_lhs_hint = false} : vector<1000x128xf32>, vector<128x64xf32>, vector<1000x64xf32> -> vector<1000x64xf32>
    %swap3A_352 = arith.constant 0 : index
    %swap3A_353 = arith.constant 448 : index
    %swap3A_354 = vector.load %arg6[%swap3A_352, %swap3A_353] : memref<1000x1024xf32, #tpu.memory_space<vmem>>, vector<1000x64xf32>
    tpu.vector_store %arg6[%swap3A_352, %swap3A_353], %dot_general3A_351 {strides = array<i32>} : memref<1000x1024xf32, #tpu.memory_space<vmem>>, vector<1000x64xf32>,
    %slice3A_355 = vector.extract_strided_slice %get3A_4 {offsets = [0, 0], sizes = [128, 64], strides = [1, 1]} : vector<128x512xf32> to vector<128x64xf32>
    %slice3A_356 = vector.extract_strided_slice %get3A_7 {offsets = [8, 0], sizes = [1, 1], strides = [1, 1]} : vector<16x8xf32> to vector<1x1xf32>
    %mul3A_357 = vector.broadcast %slice3A_356 : vector<1x1xf32> to vector<128x64xf32>
    %mul3A_358 = arith.mulf %slice3A_355, %mul3A_357 : vector<128x64xf32>
    %slice3A_359 = vector.extract_strided_slice %get3A_4 {offsets = [0, 64], sizes = [128, 64], strides = [1, 1]} : vector<128x512xf32> to vector<128x64xf32>
    %slice3A_360 = vector.extract_strided_slice %get3A_7 {offsets = [8, 1], sizes = [1, 1], strides = [1, 1]} : vector<16x8xf32> to vector<1x1xf32>
    %mul3A_361 = vector.broadcast %slice3A_360 : vector<1x1xf32> to vector<128x64xf32>
    %mul3A_362 = arith.mulf %slice3A_359, %mul3A_361 : vector<128x64xf32>
    %add3A_363 = arith.addf %mul3A_358, %mul3A_362 : vector<128x64xf32>
    %slice3A_364 = vector.extract_strided_slice %get3A_4 {offsets = [0, 128], sizes = [128, 64], strides = [1, 1]} : vector<128x512xf32> to vector<128x64xf32>
    %slice3A_365 = vector.extract_strided_slice %get3A_7 {offsets = [8, 2], sizes = [1, 1], strides = [1, 1]} : vector<16x8xf32> to vector<1x1xf32>
    %mul3A_366 = vector.broadcast %slice3A_365 : vector<1x1xf32> to vector<128x64xf32>
    %mul3A_367 = arith.mulf %slice3A_364, %mul3A_366 : vector<128x64xf32>
    %add3A_368 = arith.addf %add3A_363, %mul3A_367 : vector<128x64xf32>
    %slice3A_369 = vector.extract_strided_slice %get3A_4 {offsets = [0, 192], sizes = [128, 64], strides = [1, 1]} : vector<128x512xf32> to vector<128x64xf32>
    %slice3A_370 = vector.extract_strided_slice %get3A_7 {offsets = [8, 3], sizes = [1, 1], strides = [1, 1]} : vector<16x8xf32> to vector<1x1xf32>
    %mul3A_371 = vector.broadcast %slice3A_370 : vector<1x1xf32> to vector<128x64xf32>
    %mul3A_372 = arith.mulf %slice3A_369, %mul3A_371 : vector<128x64xf32>
    %add3A_373 = arith.addf %add3A_368, %mul3A_372 : vector<128x64xf32>
    %slice3A_374 = vector.extract_strided_slice %get3A_4 {offsets = [0, 256], sizes = [128, 64], strides = [1, 1]} : vector<128x512xf32> to vector<128x64xf32>
    %slice3A_375 = vector.extract_strided_slice %get3A_7 {offsets = [8, 4], sizes = [1, 1], strides = [1, 1]} : vector<16x8xf32> to vector<1x1xf32>
    %mul3A_376 = vector.broadcast %slice3A_375 : vector<1x1xf32> to vector<128x64xf32>
    %mul3A_377 = arith.mulf %slice3A_374, %mul3A_376 : vector<128x64xf32>
    %add3A_378 = arith.addf %add3A_373, %mul3A_377 : vector<128x64xf32>
    %slice3A_379 = vector.extract_strided_slice %get3A_4 {offsets = [0, 320], sizes = [128, 64], strides = [1, 1]} : vector<128x512xf32> to vector<128x64xf32>
    %slice3A_380 = vector.extract_strided_slice %get3A_7 {offsets = [8, 5], sizes = [1, 1], strides = [1, 1]} : vector<16x8xf32> to vector<1x1xf32>
    %mul3A_381 = vector.broadcast %slice3A_380 : vector<1x1xf32> to vector<128x64xf32>
    %mul3A_382 = arith.mulf %slice3A_379, %mul3A_381 : vector<128x64xf32>
    %add3A_383 = arith.addf %add3A_378, %mul3A_382 : vector<128x64xf32>
    %slice3A_384 = vector.extract_strided_slice %get3A_4 {offsets = [0, 384], sizes = [128, 64], strides = [1, 1]} : vector<128x512xf32> to vector<128x64xf32>
    %slice3A_385 = vector.extract_strided_slice %get3A_7 {offsets = [8, 6], sizes = [1, 1], strides = [1, 1]} : vector<16x8xf32> to vector<1x1xf32>
    %mul3A_386 = vector.broadcast %slice3A_385 : vector<1x1xf32> to vector<128x64xf32>
    %mul3A_387 = arith.mulf %slice3A_384, %mul3A_386 : vector<128x64xf32>
    %add3A_388 = arith.addf %add3A_383, %mul3A_387 : vector<128x64xf32>
    %slice3A_389 = vector.extract_strided_slice %get3A_4 {offsets = [0, 448], sizes = [128, 64], strides = [1, 1]} : vector<128x512xf32> to vector<128x64xf32>
    %slice3A_390 = vector.extract_strided_slice %get3A_7 {offsets = [8, 7], sizes = [1, 1], strides = [1, 1]} : vector<16x8xf32> to vector<1x1xf32>
    %mul3A_391 = vector.broadcast %slice3A_390 : vector<1x1xf32> to vector<128x64xf32>
    %mul3A_392 = arith.mulf %slice3A_389, %mul3A_391 : vector<128x64xf32>
    %add3A_393 = arith.addf %add3A_388, %mul3A_392 : vector<128x64xf32>
    %dot_general3A_394 = arith.constant dense<0.000000e+00> : vector<1000x64xf32>
    %dot_general3A_395 = tpu.matmul %get3A_1, %add3A_393, %dot_general3A_394 {dimension_numbers = #tpu.dot_dimension_numbers<[1], [0], [0], [1], [0, 0, 1, 1], [], []>, transpose_lhs_hint = false} : vector<1000x128xf32>, vector<128x64xf32>, vector<1000x64xf32> -> vector<1000x64xf32>
    %swap3A_396 = arith.constant 0 : index
    %swap3A_397 = arith.constant 512 : index
    %swap3A_398 = vector.load %arg6[%swap3A_396, %swap3A_397] : memref<1000x1024xf32, #tpu.memory_space<vmem>>, vector<1000x64xf32>
    tpu.vector_store %arg6[%swap3A_396, %swap3A_397], %dot_general3A_395 {strides = array<i32>} : memref<1000x1024xf32, #tpu.memory_space<vmem>>, vector<1000x64xf32>,
    %slice3A_399 = vector.extract_strided_slice %get3A_4 {offsets = [0, 0], sizes = [128, 64], strides = [1, 1]} : vector<128x512xf32> to vector<128x64xf32>
    %slice3A_400 = vector.extract_strided_slice %get3A_7 {offsets = [9, 0], sizes = [1, 1], strides = [1, 1]} : vector<16x8xf32> to vector<1x1xf32>
    %mul3A_401 = vector.broadcast %slice3A_400 : vector<1x1xf32> to vector<128x64xf32>
    %mul3A_402 = arith.mulf %slice3A_399, %mul3A_401 : vector<128x64xf32>
    %slice3A_403 = vector.extract_strided_slice %get3A_4 {offsets = [0, 64], sizes = [128, 64], strides = [1, 1]} : vector<128x512xf32> to vector<128x64xf32>
    %slice3A_404 = vector.extract_strided_slice %get3A_7 {offsets = [9, 1], sizes = [1, 1], strides = [1, 1]} : vector<16x8xf32> to vector<1x1xf32>
    %mul3A_405 = vector.broadcast %slice3A_404 : vector<1x1xf32> to vector<128x64xf32>
    %mul3A_406 = arith.mulf %slice3A_403, %mul3A_405 : vector<128x64xf32>
    %add3A_407 = arith.addf %mul3A_402, %mul3A_406 : vector<128x64xf32>
    %slice3A_408 = vector.extract_strided_slice %get3A_4 {offsets = [0, 128], sizes = [128, 64], strides = [1, 1]} : vector<128x512xf32> to vector<128x64xf32>
    %slice3A_409 = vector.extract_strided_slice %get3A_7 {offsets = [9, 2], sizes = [1, 1], strides = [1, 1]} : vector<16x8xf32> to vector<1x1xf32>
    %mul3A_410 = vector.broadcast %slice3A_409 : vector<1x1xf32> to vector<128x64xf32>
    %mul3A_411 = arith.mulf %slice3A_408, %mul3A_410 : vector<128x64xf32>
    %add3A_412 = arith.addf %add3A_407, %mul3A_411 : vector<128x64xf32>
    %slice3A_413 = vector.extract_strided_slice %get3A_4 {offsets = [0, 192], sizes = [128, 64], strides = [1, 1]} : vector<128x512xf32> to vector<128x64xf32>
    %slice3A_414 = vector.extract_strided_slice %get3A_7 {offsets = [9, 3], sizes = [1, 1], strides = [1, 1]} : vector<16x8xf32> to vector<1x1xf32>
    %mul3A_415 = vector.broadcast %slice3A_414 : vector<1x1xf32> to vector<128x64xf32>
    %mul3A_416 = arith.mulf %slice3A_413, %mul3A_415 : vector<128x64xf32>
    %add3A_417 = arith.addf %add3A_412, %mul3A_416 : vector<128x64xf32>
    %slice3A_418 = vector.extract_strided_slice %get3A_4 {offsets = [0, 256], sizes = [128, 64], strides = [1, 1]} : vector<128x512xf32> to vector<128x64xf32>
    %slice3A_419 = vector.extract_strided_slice %get3A_7 {offsets = [9, 4], sizes = [1, 1], strides = [1, 1]} : vector<16x8xf32> to vector<1x1xf32>
    %mul3A_420 = vector.broadcast %slice3A_419 : vector<1x1xf32> to vector<128x64xf32>
    %mul3A_421 = arith.mulf %slice3A_418, %mul3A_420 : vector<128x64xf32>
    %add3A_422 = arith.addf %add3A_417, %mul3A_421 : vector<128x64xf32>
    %slice3A_423 = vector.extract_strided_slice %get3A_4 {offsets = [0, 320], sizes = [128, 64], strides = [1, 1]} : vector<128x512xf32> to vector<128x64xf32>
    %slice3A_424 = vector.extract_strided_slice %get3A_7 {offsets = [9, 5], sizes = [1, 1], strides = [1, 1]} : vector<16x8xf32> to vector<1x1xf32>
    %mul3A_425 = vector.broadcast %slice3A_424 : vector<1x1xf32> to vector<128x64xf32>
    %mul3A_426 = arith.mulf %slice3A_423, %mul3A_425 : vector<128x64xf32>
    %add3A_427 = arith.addf %add3A_422, %mul3A_426 : vector<128x64xf32>
    %slice3A_428 = vector.extract_strided_slice %get3A_4 {offsets = [0, 384], sizes = [128, 64], strides = [1, 1]} : vector<128x512xf32> to vector<128x64xf32>
    %slice3A_429 = vector.extract_strided_slice %get3A_7 {offsets = [9, 6], sizes = [1, 1], strides = [1, 1]} : vector<16x8xf32> to vector<1x1xf32>
    %mul3A_430 = vector.broadcast %slice3A_429 : vector<1x1xf32> to vector<128x64xf32>
    %mul3A_431 = arith.mulf %slice3A_428, %mul3A_430 : vector<128x64xf32>
    %add3A_432 = arith.addf %add3A_427, %mul3A_431 : vector<128x64xf32>
    %slice3A_433 = vector.extract_strided_slice %get3A_4 {offsets = [0, 448], sizes = [128, 64], strides = [1, 1]} : vector<128x512xf32> to vector<128x64xf32>
    %slice3A_434 = vector.extract_strided_slice %get3A_7 {offsets = [9, 7], sizes = [1, 1], strides = [1, 1]} : vector<16x8xf32> to vector<1x1xf32>
    %mul3A_435 = vector.broadcast %slice3A_434 : vector<1x1xf32> to vector<128x64xf32>
    %mul3A_436 = arith.mulf %slice3A_433, %mul3A_435 : vector<128x64xf32>
    %add3A_437 = arith.addf %add3A_432, %mul3A_436 : vector<128x64xf32>
    %dot_general3A_438 = arith.constant dense<0.000000e+00> : vector<1000x64xf32>
    %dot_general3A_439 = tpu.matmul %get3A_1, %add3A_437, %dot_general3A_438 {dimension_numbers = #tpu.dot_dimension_numbers<[1], [0], [0], [1], [0, 0, 1, 1], [], []>, transpose_lhs_hint = false} : vector<1000x128xf32>, vector<128x64xf32>, vector<1000x64xf32> -> vector<1000x64xf32>
    %swap3A_440 = arith.constant 0 : index
    %swap3A_441 = arith.constant 576 : index
    %swap3A_442 = vector.load %arg6[%swap3A_440, %swap3A_441] : memref<1000x1024xf32, #tpu.memory_space<vmem>>, vector<1000x64xf32>
    tpu.vector_store %arg6[%swap3A_440, %swap3A_441], %dot_general3A_439 {strides = array<i32>} : memref<1000x1024xf32, #tpu.memory_space<vmem>>, vector<1000x64xf32>,
    %slice3A_443 = vector.extract_strided_slice %get3A_4 {offsets = [0, 0], sizes = [128, 64], strides = [1, 1]} : vector<128x512xf32> to vector<128x64xf32>
    %slice3A_444 = vector.extract_strided_slice %get3A_7 {offsets = [10, 0], sizes = [1, 1], strides = [1, 1]} : vector<16x8xf32> to vector<1x1xf32>
    %mul3A_445 = vector.broadcast %slice3A_444 : vector<1x1xf32> to vector<128x64xf32>
    %mul3A_446 = arith.mulf %slice3A_443, %mul3A_445 : vector<128x64xf32>
    %slice3A_447 = vector.extract_strided_slice %get3A_4 {offsets = [0, 64], sizes = [128, 64], strides = [1, 1]} : vector<128x512xf32> to vector<128x64xf32>
    %slice3A_448 = vector.extract_strided_slice %get3A_7 {offsets = [10, 1], sizes = [1, 1], strides = [1, 1]} : vector<16x8xf32> to vector<1x1xf32>
    %mul3A_449 = vector.broadcast %slice3A_448 : vector<1x1xf32> to vector<128x64xf32>
    %mul3A_450 = arith.mulf %slice3A_447, %mul3A_449 : vector<128x64xf32>
    %add3A_451 = arith.addf %mul3A_446, %mul3A_450 : vector<128x64xf32>
    %slice3A_452 = vector.extract_strided_slice %get3A_4 {offsets = [0, 128], sizes = [128, 64], strides = [1, 1]} : vector<128x512xf32> to vector<128x64xf32>
    %slice3A_453 = vector.extract_strided_slice %get3A_7 {offsets = [10, 2], sizes = [1, 1], strides = [1, 1]} : vector<16x8xf32> to vector<1x1xf32>
    %mul3A_454 = vector.broadcast %slice3A_453 : vector<1x1xf32> to vector<128x64xf32>
    %mul3A_455 = arith.mulf %slice3A_452, %mul3A_454 : vector<128x64xf32>
    %add3A_456 = arith.addf %add3A_451, %mul3A_455 : vector<128x64xf32>
    %slice3A_457 = vector.extract_strided_slice %get3A_4 {offsets = [0, 192], sizes = [128, 64], strides = [1, 1]} : vector<128x512xf32> to vector<128x64xf32>
    %slice3A_458 = vector.extract_strided_slice %get3A_7 {offsets = [10, 3], sizes = [1, 1], strides = [1, 1]} : vector<16x8xf32> to vector<1x1xf32>
    %mul3A_459 = vector.broadcast %slice3A_458 : vector<1x1xf32> to vector<128x64xf32>
    %mul3A_460 = arith.mulf %slice3A_457, %mul3A_459 : vector<128x64xf32>
    %add3A_461 = arith.addf %add3A_456, %mul3A_460 : vector<128x64xf32>
    %slice3A_462 = vector.extract_strided_slice %get3A_4 {offsets = [0, 256], sizes = [128, 64], strides = [1, 1]} : vector<128x512xf32> to vector<128x64xf32>
    %slice3A_463 = vector.extract_strided_slice %get3A_7 {offsets = [10, 4], sizes = [1, 1], strides = [1, 1]} : vector<16x8xf32> to vector<1x1xf32>
    %mul3A_464 = vector.broadcast %slice3A_463 : vector<1x1xf32> to vector<128x64xf32>
    %mul3A_465 = arith.mulf %slice3A_462, %mul3A_464 : vector<128x64xf32>
    %add3A_466 = arith.addf %add3A_461, %mul3A_465 : vector<128x64xf32>
    %slice3A_467 = vector.extract_strided_slice %get3A_4 {offsets = [0, 320], sizes = [128, 64], strides = [1, 1]} : vector<128x512xf32> to vector<128x64xf32>
    %slice3A_468 = vector.extract_strided_slice %get3A_7 {offsets = [10, 5], sizes = [1, 1], strides = [1, 1]} : vector<16x8xf32> to vector<1x1xf32>
    %mul3A_469 = vector.broadcast %slice3A_468 : vector<1x1xf32> to vector<128x64xf32>
    %mul3A_470 = arith.mulf %slice3A_467, %mul3A_469 : vector<128x64xf32>
    %add3A_471 = arith.addf %add3A_466, %mul3A_470 : vector<128x64xf32>
    %slice3A_472 = vector.extract_strided_slice %get3A_4 {offsets = [0, 384], sizes = [128, 64], strides = [1, 1]} : vector<128x512xf32> to vector<128x64xf32>
    %slice3A_473 = vector.extract_strided_slice %get3A_7 {offsets = [10, 6], sizes = [1, 1], strides = [1, 1]} : vector<16x8xf32> to vector<1x1xf32>
    %mul3A_474 = vector.broadcast %slice3A_473 : vector<1x1xf32> to vector<128x64xf32>
    %mul3A_475 = arith.mulf %slice3A_472, %mul3A_474 : vector<128x64xf32>
    %add3A_476 = arith.addf %add3A_471, %mul3A_475 : vector<128x64xf32>
    %slice3A_477 = vector.extract_strided_slice %get3A_4 {offsets = [0, 448], sizes = [128, 64], strides = [1, 1]} : vector<128x512xf32> to vector<128x64xf32>
    %slice3A_478 = vector.extract_strided_slice %get3A_7 {offsets = [10, 7], sizes = [1, 1], strides = [1, 1]} : vector<16x8xf32> to vector<1x1xf32>
    %mul3A_479 = vector.broadcast %slice3A_478 : vector<1x1xf32> to vector<128x64xf32>
    %mul3A_480 = arith.mulf %slice3A_477, %mul3A_479 : vector<128x64xf32>
    %add3A_481 = arith.addf %add3A_476, %mul3A_480 : vector<128x64xf32>
    %dot_general3A_482 = arith.constant dense<0.000000e+00> : vector<1000x64xf32>
    %dot_general3A_483 = tpu.matmul %get3A_1, %add3A_481, %dot_general3A_482 {dimension_numbers = #tpu.dot_dimension_numbers<[1], [0], [0], [1], [0, 0, 1, 1], [], []>, transpose_lhs_hint = false} : vector<1000x128xf32>, vector<128x64xf32>, vector<1000x64xf32> -> vector<1000x64xf32>
    %swap3A_484 = arith.constant 0 : index
    %swap3A_485 = arith.constant 640 : index
    %swap3A_486 = vector.load %arg6[%swap3A_484, %swap3A_485] : memref<1000x1024xf32, #tpu.memory_space<vmem>>, vector<1000x64xf32>
    tpu.vector_store %arg6[%swap3A_484, %swap3A_485], %dot_general3A_483 {strides = array<i32>} : memref<1000x1024xf32, #tpu.memory_space<vmem>>, vector<1000x64xf32>,
    %slice3A_487 = vector.extract_strided_slice %get3A_4 {offsets = [0, 0], sizes = [128, 64], strides = [1, 1]} : vector<128x512xf32> to vector<128x64xf32>
    %slice3A_488 = vector.extract_strided_slice %get3A_7 {offsets = [11, 0], sizes = [1, 1], strides = [1, 1]} : vector<16x8xf32> to vector<1x1xf32>
    %mul3A_489 = vector.broadcast %slice3A_488 : vector<1x1xf32> to vector<128x64xf32>
    %mul3A_490 = arith.mulf %slice3A_487, %mul3A_489 : vector<128x64xf32>
    %slice3A_491 = vector.extract_strided_slice %get3A_4 {offsets = [0, 64], sizes = [128, 64], strides = [1, 1]} : vector<128x512xf32> to vector<128x64xf32>
    %slice3A_492 = vector.extract_strided_slice %get3A_7 {offsets = [11, 1], sizes = [1, 1], strides = [1, 1]} : vector<16x8xf32> to vector<1x1xf32>
    %mul3A_493 = vector.broadcast %slice3A_492 : vector<1x1xf32> to vector<128x64xf32>
    %mul3A_494 = arith.mulf %slice3A_491, %mul3A_493 : vector<128x64xf32>
    %add3A_495 = arith.addf %mul3A_490, %mul3A_494 : vector<128x64xf32>
    %slice3A_496 = vector.extract_strided_slice %get3A_4 {offsets = [0, 128], sizes = [128, 64], strides = [1, 1]} : vector<128x512xf32> to vector<128x64xf32>
    %slice3A_497 = vector.extract_strided_slice %get3A_7 {offsets = [11, 2], sizes = [1, 1], strides = [1, 1]} : vector<16x8xf32> to vector<1x1xf32>
    %mul3A_498 = vector.broadcast %slice3A_497 : vector<1x1xf32> to vector<128x64xf32>
    %mul3A_499 = arith.mulf %slice3A_496, %mul3A_498 : vector<128x64xf32>
    %add3A_500 = arith.addf %add3A_495, %mul3A_499 : vector<128x64xf32>
    %slice3A_501 = vector.extract_strided_slice %get3A_4 {offsets = [0, 192], sizes = [128, 64], strides = [1, 1]} : vector<128x512xf32> to vector<128x64xf32>
    %slice3A_502 = vector.extract_strided_slice %get3A_7 {offsets = [11, 3], sizes = [1, 1], strides = [1, 1]} : vector<16x8xf32> to vector<1x1xf32>
    %mul3A_503 = vector.broadcast %slice3A_502 : vector<1x1xf32> to vector<128x64xf32>
    %mul3A_504 = arith.mulf %slice3A_501, %mul3A_503 : vector<128x64xf32>
    %add3A_505 = arith.addf %add3A_500, %mul3A_504 : vector<128x64xf32>
    %slice3A_506 = vector.extract_strided_slice %get3A_4 {offsets = [0, 256], sizes = [128, 64], strides = [1, 1]} : vector<128x512xf32> to vector<128x64xf32>
    %slice3A_507 = vector.extract_strided_slice %get3A_7 {offsets = [11, 4], sizes = [1, 1], strides = [1, 1]} : vector<16x8xf32> to vector<1x1xf32>
    %mul3A_508 = vector.broadcast %slice3A_507 : vector<1x1xf32> to vector<128x64xf32>
    %mul3A_509 = arith.mulf %slice3A_506, %mul3A_508 : vector<128x64xf32>
    %add3A_510 = arith.addf %add3A_505, %mul3A_509 : vector<128x64xf32>
    %slice3A_511 = vector.extract_strided_slice %get3A_4 {offsets = [0, 320], sizes = [128, 64], strides = [1, 1]} : vector<128x512xf32> to vector<128x64xf32>
    %slice3A_512 = vector.extract_strided_slice %get3A_7 {offsets = [11, 5], sizes = [1, 1], strides = [1, 1]} : vector<16x8xf32> to vector<1x1xf32>
    %mul3A_513 = vector.broadcast %slice3A_512 : vector<1x1xf32> to vector<128x64xf32>
    %mul3A_514 = arith.mulf %slice3A_511, %mul3A_513 : vector<128x64xf32>
    %add3A_515 = arith.addf %add3A_510, %mul3A_514 : vector<128x64xf32>
    %slice3A_516 = vector.extract_strided_slice %get3A_4 {offsets = [0, 384], sizes = [128, 64], strides = [1, 1]} : vector<128x512xf32> to vector<128x64xf32>
    %slice3A_517 = vector.extract_strided_slice %get3A_7 {offsets = [11, 6], sizes = [1, 1], strides = [1, 1]} : vector<16x8xf32> to vector<1x1xf32>
    %mul3A_518 = vector.broadcast %slice3A_517 : vector<1x1xf32> to vector<128x64xf32>
    %mul3A_519 = arith.mulf %slice3A_516, %mul3A_518 : vector<128x64xf32>
    %add3A_520 = arith.addf %add3A_515, %mul3A_519 : vector<128x64xf32>
    %slice3A_521 = vector.extract_strided_slice %get3A_4 {offsets = [0, 448], sizes = [128, 64], strides = [1, 1]} : vector<128x512xf32> to vector<128x64xf32>
    %slice3A_522 = vector.extract_strided_slice %get3A_7 {offsets = [11, 7], sizes = [1, 1], strides = [1, 1]} : vector<16x8xf32> to vector<1x1xf32>
    %mul3A_523 = vector.broadcast %slice3A_522 : vector<1x1xf32> to vector<128x64xf32>
    %mul3A_524 = arith.mulf %slice3A_521, %mul3A_523 : vector<128x64xf32>
    %add3A_525 = arith.addf %add3A_520, %mul3A_524 : vector<128x64xf32>
    %dot_general3A_526 = arith.constant dense<0.000000e+00> : vector<1000x64xf32>
    %dot_general3A_527 = tpu.matmul %get3A_1, %add3A_525, %dot_general3A_526 {dimension_numbers = #tpu.dot_dimension_numbers<[1], [0], [0], [1], [0, 0, 1, 1], [], []>, transpose_lhs_hint = false} : vector<1000x128xf32>, vector<128x64xf32>, vector<1000x64xf32> -> vector<1000x64xf32>
    %swap3A_528 = arith.constant 0 : index
    %swap3A_529 = arith.constant 704 : index
    %swap3A_530 = vector.load %arg6[%swap3A_528, %swap3A_529] : memref<1000x1024xf32, #tpu.memory_space<vmem>>, vector<1000x64xf32>
    tpu.vector_store %arg6[%swap3A_528, %swap3A_529], %dot_general3A_527 {strides = array<i32>} : memref<1000x1024xf32, #tpu.memory_space<vmem>>, vector<1000x64xf32>,
    %slice3A_531 = vector.extract_strided_slice %get3A_4 {offsets = [0, 0], sizes = [128, 64], strides = [1, 1]} : vector<128x512xf32> to vector<128x64xf32>
    %slice3A_532 = vector.extract_strided_slice %get3A_7 {offsets = [12, 0], sizes = [1, 1], strides = [1, 1]} : vector<16x8xf32> to vector<1x1xf32>
    %mul3A_533 = vector.broadcast %slice3A_532 : vector<1x1xf32> to vector<128x64xf32>
    %mul3A_534 = arith.mulf %slice3A_531, %mul3A_533 : vector<128x64xf32>
    %slice3A_535 = vector.extract_strided_slice %get3A_4 {offsets = [0, 64], sizes = [128, 64], strides = [1, 1]} : vector<128x512xf32> to vector<128x64xf32>
    %slice3A_536 = vector.extract_strided_slice %get3A_7 {offsets = [12, 1], sizes = [1, 1], strides = [1, 1]} : vector<16x8xf32> to vector<1x1xf32>
    %mul3A_537 = vector.broadcast %slice3A_536 : vector<1x1xf32> to vector<128x64xf32>
    %mul3A_538 = arith.mulf %slice3A_535, %mul3A_537 : vector<128x64xf32>
    %add3A_539 = arith.addf %mul3A_534, %mul3A_538 : vector<128x64xf32>
    %slice3A_540 = vector.extract_strided_slice %get3A_4 {offsets = [0, 128], sizes = [128, 64], strides = [1, 1]} : vector<128x512xf32> to vector<128x64xf32>
    %slice3A_541 = vector.extract_strided_slice %get3A_7 {offsets = [12, 2], sizes = [1, 1], strides = [1, 1]} : vector<16x8xf32> to vector<1x1xf32>
    %mul3A_542 = vector.broadcast %slice3A_541 : vector<1x1xf32> to vector<128x64xf32>
    %mul3A_543 = arith.mulf %slice3A_540, %mul3A_542 : vector<128x64xf32>
    %add3A_544 = arith.addf %add3A_539, %mul3A_543 : vector<128x64xf32>
    %slice3A_545 = vector.extract_strided_slice %get3A_4 {offsets = [0, 192], sizes = [128, 64], strides = [1, 1]} : vector<128x512xf32> to vector<128x64xf32>
    %slice3A_546 = vector.extract_strided_slice %get3A_7 {offsets = [12, 3], sizes = [1, 1], strides = [1, 1]} : vector<16x8xf32> to vector<1x1xf32>
    %mul3A_547 = vector.broadcast %slice3A_546 : vector<1x1xf32> to vector<128x64xf32>
    %mul3A_548 = arith.mulf %slice3A_545, %mul3A_547 : vector<128x64xf32>
    %add3A_549 = arith.addf %add3A_544, %mul3A_548 : vector<128x64xf32>
    %slice3A_550 = vector.extract_strided_slice %get3A_4 {offsets = [0, 256], sizes = [128, 64], strides = [1, 1]} : vector<128x512xf32> to vector<128x64xf32>
    %slice3A_551 = vector.extract_strided_slice %get3A_7 {offsets = [12, 4], sizes = [1, 1], strides = [1, 1]} : vector<16x8xf32> to vector<1x1xf32>
    %mul3A_552 = vector.broadcast %slice3A_551 : vector<1x1xf32> to vector<128x64xf32>
    %mul3A_553 = arith.mulf %slice3A_550, %mul3A_552 : vector<128x64xf32>
    %add3A_554 = arith.addf %add3A_549, %mul3A_553 : vector<128x64xf32>
    %slice3A_555 = vector.extract_strided_slice %get3A_4 {offsets = [0, 320], sizes = [128, 64], strides = [1, 1]} : vector<128x512xf32> to vector<128x64xf32>
    %slice3A_556 = vector.extract_strided_slice %get3A_7 {offsets = [12, 5], sizes = [1, 1], strides = [1, 1]} : vector<16x8xf32> to vector<1x1xf32>
    %mul3A_557 = vector.broadcast %slice3A_556 : vector<1x1xf32> to vector<128x64xf32>
    %mul3A_558 = arith.mulf %slice3A_555, %mul3A_557 : vector<128x64xf32>
    %add3A_559 = arith.addf %add3A_554, %mul3A_558 : vector<128x64xf32>
    %slice3A_560 = vector.extract_strided_slice %get3A_4 {offsets = [0, 384], sizes = [128, 64], strides = [1, 1]} : vector<128x512xf32> to vector<128x64xf32>
    %slice3A_561 = vector.extract_strided_slice %get3A_7 {offsets = [12, 6], sizes = [1, 1], strides = [1, 1]} : vector<16x8xf32> to vector<1x1xf32>
    %mul3A_562 = vector.broadcast %slice3A_561 : vector<1x1xf32> to vector<128x64xf32>
    %mul3A_563 = arith.mulf %slice3A_560, %mul3A_562 : vector<128x64xf32>
    %add3A_564 = arith.addf %add3A_559, %mul3A_563 : vector<128x64xf32>
    %slice3A_565 = vector.extract_strided_slice %get3A_4 {offsets = [0, 448], sizes = [128, 64], strides = [1, 1]} : vector<128x512xf32> to vector<128x64xf32>
    %slice3A_566 = vector.extract_strided_slice %get3A_7 {offsets = [12, 7], sizes = [1, 1], strides = [1, 1]} : vector<16x8xf32> to vector<1x1xf32>
    %mul3A_567 = vector.broadcast %slice3A_566 : vector<1x1xf32> to vector<128x64xf32>
    %mul3A_568 = arith.mulf %slice3A_565, %mul3A_567 : vector<128x64xf32>
    %add3A_569 = arith.addf %add3A_564, %mul3A_568 : vector<128x64xf32>
    %dot_general3A_570 = arith.constant dense<0.000000e+00> : vector<1000x64xf32>
    %dot_general3A_571 = tpu.matmul %get3A_1, %add3A_569, %dot_general3A_570 {dimension_numbers = #tpu.dot_dimension_numbers<[1], [0], [0], [1], [0, 0, 1, 1], [], []>, transpose_lhs_hint = false} : vector<1000x128xf32>, vector<128x64xf32>, vector<1000x64xf32> -> vector<1000x64xf32>
    %swap3A_572 = arith.constant 0 : index
    %swap3A_573 = arith.constant 768 : index
    %swap3A_574 = vector.load %arg6[%swap3A_572, %swap3A_573] : memref<1000x1024xf32, #tpu.memory_space<vmem>>, vector<1000x64xf32>
    tpu.vector_store %arg6[%swap3A_572, %swap3A_573], %dot_general3A_571 {strides = array<i32>} : memref<1000x1024xf32, #tpu.memory_space<vmem>>, vector<1000x64xf32>,
    %slice3A_575 = vector.extract_strided_slice %get3A_4 {offsets = [0, 0], sizes = [128, 64], strides = [1, 1]} : vector<128x512xf32> to vector<128x64xf32>
    %slice3A_576 = vector.extract_strided_slice %get3A_7 {offsets = [13, 0], sizes = [1, 1], strides = [1, 1]} : vector<16x8xf32> to vector<1x1xf32>
    %mul3A_577 = vector.broadcast %slice3A_576 : vector<1x1xf32> to vector<128x64xf32>
    %mul3A_578 = arith.mulf %slice3A_575, %mul3A_577 : vector<128x64xf32>
    %slice3A_579 = vector.extract_strided_slice %get3A_4 {offsets = [0, 64], sizes = [128, 64], strides = [1, 1]} : vector<128x512xf32> to vector<128x64xf32>
    %slice3A_580 = vector.extract_strided_slice %get3A_7 {offsets = [13, 1], sizes = [1, 1], strides = [1, 1]} : vector<16x8xf32> to vector<1x1xf32>
    %mul3A_581 = vector.broadcast %slice3A_580 : vector<1x1xf32> to vector<128x64xf32>
    %mul3A_582 = arith.mulf %slice3A_579, %mul3A_581 : vector<128x64xf32>
    %add3A_583 = arith.addf %mul3A_578, %mul3A_582 : vector<128x64xf32>
    %slice3A_584 = vector.extract_strided_slice %get3A_4 {offsets = [0, 128], sizes = [128, 64], strides = [1, 1]} : vector<128x512xf32> to vector<128x64xf32>
    %slice3A_585 = vector.extract_strided_slice %get3A_7 {offsets = [13, 2], sizes = [1, 1], strides = [1, 1]} : vector<16x8xf32> to vector<1x1xf32>
    %mul3A_586 = vector.broadcast %slice3A_585 : vector<1x1xf32> to vector<128x64xf32>
    %mul3A_587 = arith.mulf %slice3A_584, %mul3A_586 : vector<128x64xf32>
    %add3A_588 = arith.addf %add3A_583, %mul3A_587 : vector<128x64xf32>
    %slice3A_589 = vector.extract_strided_slice %get3A_4 {offsets = [0, 192], sizes = [128, 64], strides = [1, 1]} : vector<128x512xf32> to vector<128x64xf32>
    %slice3A_590 = vector.extract_strided_slice %get3A_7 {offsets = [13, 3], sizes = [1, 1], strides = [1, 1]} : vector<16x8xf32> to vector<1x1xf32>
    %mul3A_591 = vector.broadcast %slice3A_590 : vector<1x1xf32> to vector<128x64xf32>
    %mul3A_592 = arith.mulf %slice3A_589, %mul3A_591 : vector<128x64xf32>
    %add3A_593 = arith.addf %add3A_588, %mul3A_592 : vector<128x64xf32>
    %slice3A_594 = vector.extract_strided_slice %get3A_4 {offsets = [0, 256], sizes = [128, 64], strides = [1, 1]} : vector<128x512xf32> to vector<128x64xf32>
    %slice3A_595 = vector.extract_strided_slice %get3A_7 {offsets = [13, 4], sizes = [1, 1], strides = [1, 1]} : vector<16x8xf32> to vector<1x1xf32>
    %mul3A_596 = vector.broadcast %slice3A_595 : vector<1x1xf32> to vector<128x64xf32>
    %mul3A_597 = arith.mulf %slice3A_594, %mul3A_596 : vector<128x64xf32>
    %add3A_598 = arith.addf %add3A_593, %mul3A_597 : vector<128x64xf32>
    %slice3A_599 = vector.extract_strided_slice %get3A_4 {offsets = [0, 320], sizes = [128, 64], strides = [1, 1]} : vector<128x512xf32> to vector<128x64xf32>
    %slice3A_600 = vector.extract_strided_slice %get3A_7 {offsets = [13, 5], sizes = [1, 1], strides = [1, 1]} : vector<16x8xf32> to vector<1x1xf32>
    %mul3A_601 = vector.broadcast %slice3A_600 : vector<1x1xf32> to vector<128x64xf32>
    %mul3A_602 = arith.mulf %slice3A_599, %mul3A_601 : vector<128x64xf32>
    %add3A_603 = arith.addf %add3A_598, %mul3A_602 : vector<128x64xf32>
    %slice3A_604 = vector.extract_strided_slice %get3A_4 {offsets = [0, 384], sizes = [128, 64], strides = [1, 1]} : vector<128x512xf32> to vector<128x64xf32>
    %slice3A_605 = vector.extract_strided_slice %get3A_7 {offsets = [13, 6], sizes = [1, 1], strides = [1, 1]} : vector<16x8xf32> to vector<1x1xf32>
    %mul3A_606 = vector.broadcast %slice3A_605 : vector<1x1xf32> to vector<128x64xf32>
    %mul3A_607 = arith.mulf %slice3A_604, %mul3A_606 : vector<128x64xf32>
    %add3A_608 = arith.addf %add3A_603, %mul3A_607 : vector<128x64xf32>
    %slice3A_609 = vector.extract_strided_slice %get3A_4 {offsets = [0, 448], sizes = [128, 64], strides = [1, 1]} : vector<128x512xf32> to vector<128x64xf32>
    %slice3A_610 = vector.extract_strided_slice %get3A_7 {offsets = [13, 7], sizes = [1, 1], strides = [1, 1]} : vector<16x8xf32> to vector<1x1xf32>
    %mul3A_611 = vector.broadcast %slice3A_610 : vector<1x1xf32> to vector<128x64xf32>
    %mul3A_612 = arith.mulf %slice3A_609, %mul3A_611 : vector<128x64xf32>
    %add3A_613 = arith.addf %add3A_608, %mul3A_612 : vector<128x64xf32>
    %dot_general3A_614 = arith.constant dense<0.000000e+00> : vector<1000x64xf32>
    %dot_general3A_615 = tpu.matmul %get3A_1, %add3A_613, %dot_general3A_614 {dimension_numbers = #tpu.dot_dimension_numbers<[1], [0], [0], [1], [0, 0, 1, 1], [], []>, transpose_lhs_hint = false} : vector<1000x128xf32>, vector<128x64xf32>, vector<1000x64xf32> -> vector<1000x64xf32>
    %swap3A_616 = arith.constant 0 : index
    %swap3A_617 = arith.constant 832 : index
    %swap3A_618 = vector.load %arg6[%swap3A_616, %swap3A_617] : memref<1000x1024xf32, #tpu.memory_space<vmem>>, vector<1000x64xf32>
    tpu.vector_store %arg6[%swap3A_616, %swap3A_617], %dot_general3A_615 {strides = array<i32>} : memref<1000x1024xf32, #tpu.memory_space<vmem>>, vector<1000x64xf32>,
    %slice3A_619 = vector.extract_strided_slice %get3A_4 {offsets = [0, 0], sizes = [128, 64], strides = [1, 1]} : vector<128x512xf32> to vector<128x64xf32>
    %slice3A_620 = vector.extract_strided_slice %get3A_7 {offsets = [14, 0], sizes = [1, 1], strides = [1, 1]} : vector<16x8xf32> to vector<1x1xf32>
    %mul3A_621 = vector.broadcast %slice3A_620 : vector<1x1xf32> to vector<128x64xf32>
    %mul3A_622 = arith.mulf %slice3A_619, %mul3A_621 : vector<128x64xf32>
    %slice3A_623 = vector.extract_strided_slice %get3A_4 {offsets = [0, 64], sizes = [128, 64], strides = [1, 1]} : vector<128x512xf32> to vector<128x64xf32>
    %slice3A_624 = vector.extract_strided_slice %get3A_7 {offsets = [14, 1], sizes = [1, 1], strides = [1, 1]} : vector<16x8xf32> to vector<1x1xf32>
    %mul3A_625 = vector.broadcast %slice3A_624 : vector<1x1xf32> to vector<128x64xf32>
    %mul3A_626 = arith.mulf %slice3A_623, %mul3A_625 : vector<128x64xf32>
    %add3A_627 = arith.addf %mul3A_622, %mul3A_626 : vector<128x64xf32>
    %slice3A_628 = vector.extract_strided_slice %get3A_4 {offsets = [0, 128], sizes = [128, 64], strides = [1, 1]} : vector<128x512xf32> to vector<128x64xf32>
    %slice3A_629 = vector.extract_strided_slice %get3A_7 {offsets = [14, 2], sizes = [1, 1], strides = [1, 1]} : vector<16x8xf32> to vector<1x1xf32>
    %mul3A_630 = vector.broadcast %slice3A_629 : vector<1x1xf32> to vector<128x64xf32>
    %mul3A_631 = arith.mulf %slice3A_628, %mul3A_630 : vector<128x64xf32>
    %add3A_632 = arith.addf %add3A_627, %mul3A_631 : vector<128x64xf32>
    %slice3A_633 = vector.extract_strided_slice %get3A_4 {offsets = [0, 192], sizes = [128, 64], strides = [1, 1]} : vector<128x512xf32> to vector<128x64xf32>
    %slice3A_634 = vector.extract_strided_slice %get3A_7 {offsets = [14, 3], sizes = [1, 1], strides = [1, 1]} : vector<16x8xf32> to vector<1x1xf32>
    %mul3A_635 = vector.broadcast %slice3A_634 : vector<1x1xf32> to vector<128x64xf32>
    %mul3A_636 = arith.mulf %slice3A_633, %mul3A_635 : vector<128x64xf32>
    %add3A_637 = arith.addf %add3A_632, %mul3A_636 : vector<128x64xf32>
    %slice3A_638 = vector.extract_strided_slice %get3A_4 {offsets = [0, 256], sizes = [128, 64], strides = [1, 1]} : vector<128x512xf32> to vector<128x64xf32>
    %slice3A_639 = vector.extract_strided_slice %get3A_7 {offsets = [14, 4], sizes = [1, 1], strides = [1, 1]} : vector<16x8xf32> to vector<1x1xf32>
    %mul3A_640 = vector.broadcast %slice3A_639 : vector<1x1xf32> to vector<128x64xf32>
    %mul3A_641 = arith.mulf %slice3A_638, %mul3A_640 : vector<128x64xf32>
    %add3A_642 = arith.addf %add3A_637, %mul3A_641 : vector<128x64xf32>
    %slice3A_643 = vector.extract_strided_slice %get3A_4 {offsets = [0, 320], sizes = [128, 64], strides = [1, 1]} : vector<128x512xf32> to vector<128x64xf32>
    %slice3A_644 = vector.extract_strided_slice %get3A_7 {offsets = [14, 5], sizes = [1, 1], strides = [1, 1]} : vector<16x8xf32> to vector<1x1xf32>
    %mul3A_645 = vector.broadcast %slice3A_644 : vector<1x1xf32> to vector<128x64xf32>
    %mul3A_646 = arith.mulf %slice3A_643, %mul3A_645 : vector<128x64xf32>
    %add3A_647 = arith.addf %add3A_642, %mul3A_646 : vector<128x64xf32>
    %slice3A_648 = vector.extract_strided_slice %get3A_4 {offsets = [0, 384], sizes = [128, 64], strides = [1, 1]} : vector<128x512xf32> to vector<128x64xf32>
    %slice3A_649 = vector.extract_strided_slice %get3A_7 {offsets = [14, 6], sizes = [1, 1], strides = [1, 1]} : vector<16x8xf32> to vector<1x1xf32>
    %mul3A_650 = vector.broadcast %slice3A_649 : vector<1x1xf32> to vector<128x64xf32>
    %mul3A_651 = arith.mulf %slice3A_648, %mul3A_650 : vector<128x64xf32>
    %add3A_652 = arith.addf %add3A_647, %mul3A_651 : vector<128x64xf32>
    %slice3A_653 = vector.extract_strided_slice %get3A_4 {offsets = [0, 448], sizes = [128, 64], strides = [1, 1]} : vector<128x512xf32> to vector<128x64xf32>
    %slice3A_654 = vector.extract_strided_slice %get3A_7 {offsets = [14, 7], sizes = [1, 1], strides = [1, 1]} : vector<16x8xf32> to vector<1x1xf32>
    %mul3A_655 = vector.broadcast %slice3A_654 : vector<1x1xf32> to vector<128x64xf32>
    %mul3A_656 = arith.mulf %slice3A_653, %mul3A_655 : vector<128x64xf32>
    %add3A_657 = arith.addf %add3A_652, %mul3A_656 : vector<128x64xf32>
    %dot_general3A_658 = arith.constant dense<0.000000e+00> : vector<1000x64xf32>
    %dot_general3A_659 = tpu.matmul %get3A_1, %add3A_657, %dot_general3A_658 {dimension_numbers = #tpu.dot_dimension_numbers<[1], [0], [0], [1], [0, 0, 1, 1], [], []>, transpose_lhs_hint = false} : vector<1000x128xf32>, vector<128x64xf32>, vector<1000x64xf32> -> vector<1000x64xf32>
    %swap3A_660 = arith.constant 0 : index
    %swap3A_661 = arith.constant 896 : index
    %swap3A_662 = vector.load %arg6[%swap3A_660, %swap3A_661] : memref<1000x1024xf32, #tpu.memory_space<vmem>>, vector<1000x64xf32>
    tpu.vector_store %arg6[%swap3A_660, %swap3A_661], %dot_general3A_659 {strides = array<i32>} : memref<1000x1024xf32, #tpu.memory_space<vmem>>, vector<1000x64xf32>,
    %slice3A_663 = vector.extract_strided_slice %get3A_4 {offsets = [0, 0], sizes = [128, 64], strides = [1, 1]} : vector<128x512xf32> to vector<128x64xf32>
    %slice3A_664 = vector.extract_strided_slice %get3A_7 {offsets = [15, 0], sizes = [1, 1], strides = [1, 1]} : vector<16x8xf32> to vector<1x1xf32>
    %mul3A_665 = vector.broadcast %slice3A_664 : vector<1x1xf32> to vector<128x64xf32>
    %mul3A_666 = arith.mulf %slice3A_663, %mul3A_665 : vector<128x64xf32>
    %slice3A_667 = vector.extract_strided_slice %get3A_4 {offsets = [0, 64], sizes = [128, 64], strides = [1, 1]} : vector<128x512xf32> to vector<128x64xf32>
    %slice3A_668 = vector.extract_strided_slice %get3A_7 {offsets = [15, 1], sizes = [1, 1], strides = [1, 1]} : vector<16x8xf32> to vector<1x1xf32>
    %mul3A_669 = vector.broadcast %slice3A_668 : vector<1x1xf32> to vector<128x64xf32>
    %mul3A_670 = arith.mulf %slice3A_667, %mul3A_669 : vector<128x64xf32>
    %add3A_671 = arith.addf %mul3A_666, %mul3A_670 : vector<128x64xf32>
    %slice3A_672 = vector.extract_strided_slice %get3A_4 {offsets = [0, 128], sizes = [128, 64], strides = [1, 1]} : vector<128x512xf32> to vector<128x64xf32>
    %slice3A_673 = vector.extract_strided_slice %get3A_7 {offsets = [15, 2], sizes = [1, 1], strides = [1, 1]} : vector<16x8xf32> to vector<1x1xf32>
    %mul3A_674 = vector.broadcast %slice3A_673 : vector<1x1xf32> to vector<128x64xf32>
    %mul3A_675 = arith.mulf %slice3A_672, %mul3A_674 : vector<128x64xf32>
    %add3A_676 = arith.addf %add3A_671, %mul3A_675 : vector<128x64xf32>
    %slice3A_677 = vector.extract_strided_slice %get3A_4 {offsets = [0, 192], sizes = [128, 64], strides = [1, 1]} : vector<128x512xf32> to vector<128x64xf32>
    %slice3A_678 = vector.extract_strided_slice %get3A_7 {offsets = [15, 3], sizes = [1, 1], strides = [1, 1]} : vector<16x8xf32> to vector<1x1xf32>
    %mul3A_679 = vector.broadcast %slice3A_678 : vector<1x1xf32> to vector<128x64xf32>
    %mul3A_680 = arith.mulf %slice3A_677, %mul3A_679 : vector<128x64xf32>
    %add3A_681 = arith.addf %add3A_676, %mul3A_680 : vector<128x64xf32>
    %slice3A_682 = vector.extract_strided_slice %get3A_4 {offsets = [0, 256], sizes = [128, 64], strides = [1, 1]} : vector<128x512xf32> to vector<128x64xf32>
    %slice3A_683 = vector.extract_strided_slice %get3A_7 {offsets = [15, 4], sizes = [1, 1], strides = [1, 1]} : vector<16x8xf32> to vector<1x1xf32>
    %mul3A_684 = vector.broadcast %slice3A_683 : vector<1x1xf32> to vector<128x64xf32>
    %mul3A_685 = arith.mulf %slice3A_682, %mul3A_684 : vector<128x64xf32>
    %add3A_686 = arith.addf %add3A_681, %mul3A_685 : vector<128x64xf32>
    %slice3A_687 = vector.extract_strided_slice %get3A_4 {offsets = [0, 320], sizes = [128, 64], strides = [1, 1]} : vector<128x512xf32> to vector<128x64xf32>
    %slice3A_688 = vector.extract_strided_slice %get3A_7 {offsets = [15, 5], sizes = [1, 1], strides = [1, 1]} : vector<16x8xf32> to vector<1x1xf32>
    %mul3A_689 = vector.broadcast %slice3A_688 : vector<1x1xf32> to vector<128x64xf32>
    %mul3A_690 = arith.mulf %slice3A_687, %mul3A_689 : vector<128x64xf32>
    %add3A_691 = arith.addf %add3A_686, %mul3A_690 : vector<128x64xf32>
    %slice3A_692 = vector.extract_strided_slice %get3A_4 {offsets = [0, 384], sizes = [128, 64], strides = [1, 1]} : vector<128x512xf32> to vector<128x64xf32>
    %slice3A_693 = vector.extract_strided_slice %get3A_7 {offsets = [15, 6], sizes = [1, 1], strides = [1, 1]} : vector<16x8xf32> to vector<1x1xf32>
    %mul3A_694 = vector.broadcast %slice3A_693 : vector<1x1xf32> to vector<128x64xf32>
    %mul3A_695 = arith.mulf %slice3A_692, %mul3A_694 : vector<128x64xf32>
    %add3A_696 = arith.addf %add3A_691, %mul3A_695 : vector<128x64xf32>
    %slice3A_697 = vector.extract_strided_slice %get3A_4 {offsets = [0, 448], sizes = [128, 64], strides = [1, 1]} : vector<128x512xf32> to vector<128x64xf32>
    %slice3A_698 = vector.extract_strided_slice %get3A_7 {offsets = [15, 7], sizes = [1, 1], strides = [1, 1]} : vector<16x8xf32> to vector<1x1xf32>
    %mul3A_699 = vector.broadcast %slice3A_698 : vector<1x1xf32> to vector<128x64xf32>
    %mul3A_700 = arith.mulf %slice3A_697, %mul3A_699 : vector<128x64xf32>
    %add3A_701 = arith.addf %add3A_696, %mul3A_700 : vector<128x64xf32>
    %dot_general3A_702 = arith.constant dense<0.000000e+00> : vector<1000x64xf32>
    %dot_general3A_703 = tpu.matmul %get3A_1, %add3A_701, %dot_general3A_702 {dimension_numbers = #tpu.dot_dimension_numbers<[1], [0], [0], [1], [0, 0, 1, 1], [], []>, transpose_lhs_hint = false} : vector<1000x128xf32>, vector<128x64xf32>, vector<1000x64xf32> -> vector<1000x64xf32>
    %swap3A_704 = arith.constant 0 : index
    %swap3A_705 = arith.constant 960 : index
    %swap3A_706 = vector.load %arg6[%swap3A_704, %swap3A_705] : memref<1000x1024xf32, #tpu.memory_space<vmem>>, vector<1000x64xf32>
    tpu.vector_store %arg6[%swap3A_704, %swap3A_705], %dot_general3A_703 {strides = array<i32>} : memref<1000x1024xf32, #tpu.memory_space<vmem>>, vector<1000x64xf32>,
    %get3A_707 = arith.constant 0 : index
    %get3A_708 = arith.constant 0 : index
    %get3A_709 = vector.load %arg4[%get3A_707, %get3A_708] : memref<128x64xf32, #tpu.memory_space<vmem>>, vector<128x64xf32>
    %dot_general3A_710 = arith.constant dense<0.000000e+00> : vector<1000x64xf32>
    %dot_general3A_711 = tpu.matmul %get3A_1, %get3A_709, %dot_general3A_710 {dimension_numbers = #tpu.dot_dimension_numbers<[1], [0], [0], [1], [0, 0, 1, 1], [], []>, transpose_lhs_hint = false} : vector<1000x128xf32>, vector<128x64xf32>, vector<1000x64xf32> -> vector<1000x64xf32>
    %get3A_712 = arith.constant 0 : index
    %get3A_713 = arith.constant 0 : index
    %get3A_714 = vector.load %arg5[%get3A_712, %get3A_713] : memref<1x64xf32, #tpu.memory_space<vmem>>, vector<1x64xf32>
    %add3A_715 = vector.broadcast %get3A_714 : vector<1x64xf32> to vector<1000x64xf32>
    %add3A_716 = arith.addf %dot_general3A_711, %add3A_715 : vector<1000x64xf32>
    %swap3A_717 = arith.constant 0 : index
    %swap3A_718 = arith.constant 0 : index
    %swap3A_719 = vector.load %arg7[%swap3A_717, %swap3A_718] : memref<1000x64xf32, #tpu.memory_space<vmem>>, vector<1000x64xf32>
    tpu.vector_store %arg7[%swap3A_717, %swap3A_718], %add3A_716 {strides = array<i32>} : memref<1000x64xf32, #tpu.memory_space<vmem>>, vector<1000x64xf32>,
    return
  }
  func.func @transform_0(%arg0: i32) -> (i32, i32) {
    %c0_i32 = arith.constant 0 : i32
    %c0_i32_0 = arith.constant 0 : i32
    return %arg0, %c0_i32 : i32, i32
  }
  func.func @transform_1(%arg0: i32) -> (i32, i32) {
    %c0_i32 = arith.constant 0 : i32
    %c0_i32_0 = arith.constant 0 : i32
    %c0_i32_1 = arith.constant 0 : i32
    return %c0_i32, %c0_i32_0 : i32, i32
  }
  func.func @transform_2(%arg0: i32) -> (i32, i32) {
    %c0_i32 = arith.constant 0 : i32
    %c0_i32_0 = arith.constant 0 : i32
    %c0_i32_1 = arith.constant 0 : i32
    return %c0_i32, %c0_i32_0 : i32, i32
  }
  func.func @transform_3(%arg0: i32) -> (i32, i32) {
    %c0_i32 = arith.constant 0 : i32
    %c0_i32_0 = arith.constant 0 : i32
    %c0_i32_1 = arith.constant 0 : i32
    return %c0_i32, %c0_i32_0 : i32, i32
  }
  func.func @transform_4(%arg0: i32) -> (i32, i32) {
    %c0_i32 = arith.constant 0 : i32
    %c0_i32_0 = arith.constant 0 : i32
    %c0_i32_1 = arith.constant 0 : i32
    return %c0_i32, %c0_i32_0 : i32, i32
  }
  func.func @transform_5(%arg0: i32) -> (i32, i32) {
    %c0_i32 = arith.constant 0 : i32
    %c0_i32_0 = arith.constant 0 : i32
    return %arg0, %c0_i32 : i32, i32
  }
  func.func @transform_6(%arg0: i32) -> (i32, i32) {
    %c0_i32 = arith.constant 0 : i32
    %c0_i32_0 = arith.constant 0 : i32
    return %arg0, %c0_i32 : i32, i32
  }
}

module attributes {stable_mosaic.version = 14 : i64} {
  func.func @_invrep_body(%arg0: i32, %arg1: memref<2x2000x1xf32, #tpu.memory_space<vmem>>, %arg2: memref<2000x16xf32, #tpu.memory_space<vmem>>) attributes {dimension_semantics = [#tpu.dimension_semantics<arbitrary>], iteration_bounds = array<i64: 80>, scalar_prefetch = 0 : i64, scratch_operands = 0 : i64, tpu.core_type = #tpu.core_type<tc>, window_params = [{transform_indices = @transform_0, window_bounds = array<i64: 2, 2000, 1>}, {transform_indices = @transform_1, window_bounds = array<i64: 2000, 16>}]} {
    %get3A = arith.constant 0 : index
    %get3A_0 = arith.constant 0 : index
    %get3A_1 = arith.constant 0 : index
    %get3A_2 = vector.load %arg1[%get3A, %get3A_0, %get3A_1] : memref<2x2000x1xf32, #tpu.memory_space<vmem>>, vector<1x2000x1xf32>
    %get3A_3 = vector.shape_cast %get3A_2 : vector<1x2000x1xf32> to vector<2000x1xf32>
    %get3A_4 = arith.constant 1 : index
    %get3A_5 = arith.constant 0 : index
    %get3A_6 = arith.constant 0 : index
    %get3A_7 = vector.load %arg1[%get3A_4, %get3A_5, %get3A_6] : memref<2x2000x1xf32, #tpu.memory_space<vmem>>, vector<1x2000x1xf32>
    %get3A_8 = vector.shape_cast %get3A_7 : vector<1x2000x1xf32> to vector<2000x1xf32>
    %add3A = arith.addf %get3A_3, %get3A_8 : vector<2000x1xf32>
    %max3A = arith.constant 1.000000e+00 : f32
    %max3A_9 = vector.broadcast %max3A : f32 to vector<2000x1xf32>
    %max3A_10 = arith.maximumf %add3A, %max3A_9 : vector<2000x1xf32>
    %div3A = arith.constant 1.000000e+00 : f32
    %div3A_11 = vector.broadcast %div3A : f32 to vector<2000x1xf32>
    %div3A_12 = arith.divf %div3A_11, %max3A_10 : vector<2000x1xf32>
    %broadcast_in_dim3A = vector.shape_cast %div3A_12 : vector<2000x1xf32> to vector<2000x1xf32>
    %broadcast_in_dim3A_13 = vector.broadcast %broadcast_in_dim3A : vector<2000x1xf32> to vector<2000x16xf32>
    %swap3A = arith.constant 0 : index
    %swap3A_14 = arith.constant 0 : index
    %swap3A_15 = vector.load %arg2[%swap3A, %swap3A_14] : memref<2000x16xf32, #tpu.memory_space<vmem>>, vector<2000x16xf32>
    tpu.vector_store %arg2[%swap3A, %swap3A_14], %broadcast_in_dim3A_13 {strides = array<i32>} : memref<2000x16xf32, #tpu.memory_space<vmem>>, vector<2000x16xf32>,
    return
  }
  func.func @transform_0(%arg0: i32) -> (i32, i32, i32) {
    %c0_i32 = arith.constant 0 : i32
    %c0_i32_0 = arith.constant 0 : i32
    %c0_i32_1 = arith.constant 0 : i32
    return %c0_i32, %arg0, %c0_i32_0 : i32, i32, i32
  }
  func.func @transform_1(%arg0: i32) -> (i32, i32) {
    %c0_i32 = arith.constant 0 : i32
    %c0_i32_0 = arith.constant 0 : i32
    return %arg0, %c0_i32 : i32, i32
  }
}

module attributes {stable_mosaic.version = 14 : i64} {
  func.func @_mid_body(%arg0: i32, %arg1: memref<2x1000x64xf32, #tpu.memory_space<vmem>>, %arg2: memref<1000x64xf32, #tpu.memory_space<vmem>>, %arg3: memref<64x256xf32, #tpu.memory_space<vmem>>, %arg4: memref<16x8xf32, #tpu.memory_space<vmem>>, %arg5: memref<64x32xf32, #tpu.memory_space<vmem>>, %arg6: memref<1x32xf32, #tpu.memory_space<vmem>>, %arg7: memref<1000x512xf32, #tpu.memory_space<vmem>>, %arg8: memref<1000x32xf32, #tpu.memory_space<vmem>>) attributes {dimension_semantics = [#tpu.dimension_semantics<arbitrary>], iteration_bounds = array<i64: 10>, scalar_prefetch = 0 : i64, scratch_operands = 0 : i64, tpu.core_type = #tpu.core_type<tc>, window_params = [{transform_indices = @transform_0, window_bounds = array<i64: 2, 1000, 64>}, {transform_indices = @transform_1, window_bounds = array<i64: 1000, 64>}, {pipeline_mode = #tpu.pipeline_mode<synchronous>, transform_indices = @transform_2, window_bounds = array<i64: 64, 256>}, {pipeline_mode = #tpu.pipeline_mode<synchronous>, transform_indices = @transform_3, window_bounds = array<i64: 16, 8>}, {pipeline_mode = #tpu.pipeline_mode<synchronous>, transform_indices = @transform_4, window_bounds = array<i64: 64, 32>}, {pipeline_mode = #tpu.pipeline_mode<synchronous>, transform_indices = @transform_5, window_bounds = array<i64: 1, 32>}, {transform_indices = @transform_6, window_bounds = array<i64: 1000, 512>}, {transform_indices = @transform_7, window_bounds = array<i64: 1000, 32>}]} {
    %get3A = arith.constant 0 : index
    %get3A_0 = arith.constant 0 : index
    %get3A_1 = arith.constant 0 : index
    %get3A_2 = vector.load %arg1[%get3A, %get3A_0, %get3A_1] : memref<2x1000x64xf32, #tpu.memory_space<vmem>>, vector<1x1000x64xf32>
    %get3A_3 = vector.shape_cast %get3A_2 : vector<1x1000x64xf32> to vector<1000x64xf32>
    %get3A_4 = arith.constant 1 : index
    %get3A_5 = arith.constant 0 : index
    %get3A_6 = arith.constant 0 : index
    %get3A_7 = vector.load %arg1[%get3A_4, %get3A_5, %get3A_6] : memref<2x1000x64xf32, #tpu.memory_space<vmem>>, vector<1x1000x64xf32>
    %get3A_8 = vector.shape_cast %get3A_7 : vector<1x1000x64xf32> to vector<1000x64xf32>
    %add3A = arith.addf %get3A_3, %get3A_8 : vector<1000x64xf32>
    %get3A_9 = arith.constant 0 : index
    %get3A_10 = arith.constant 0 : index
    %get3A_11 = vector.load %arg2[%get3A_9, %get3A_10] : memref<1000x64xf32, #tpu.memory_space<vmem>>, vector<1000x64xf32>
    %add3A_12 = arith.addf %add3A, %get3A_11 : vector<1000x64xf32>
    %max3A = arith.constant 0.000000e+00 : f32
    %max3A_13 = vector.broadcast %max3A : f32 to vector<1000x64xf32>
    %max3A_14 = arith.maximumf %add3A_12, %max3A_13 : vector<1000x64xf32>
    %get3A_15 = arith.constant 0 : index
    %get3A_16 = arith.constant 0 : index
    %get3A_17 = vector.load %arg3[%get3A_15, %get3A_16] : memref<64x256xf32, #tpu.memory_space<vmem>>, vector<64x256xf32>
    %get3A_18 = arith.constant 0 : index
    %get3A_19 = arith.constant 0 : index
    %get3A_20 = vector.load %arg4[%get3A_18, %get3A_19] : memref<16x8xf32, #tpu.memory_space<vmem>>, vector<16x8xf32>
    %slice3A = vector.extract_strided_slice %get3A_17 {offsets = [0, 0], sizes = [64, 32], strides = [1, 1]} : vector<64x256xf32> to vector<64x32xf32>
    %slice3A_21 = vector.extract_strided_slice %get3A_20 {offsets = [0, 0], sizes = [1, 1], strides = [1, 1]} : vector<16x8xf32> to vector<1x1xf32>
    %mul3A = vector.broadcast %slice3A_21 : vector<1x1xf32> to vector<64x32xf32>
    %mul3A_22 = arith.mulf %slice3A, %mul3A : vector<64x32xf32>
    %slice3A_23 = vector.extract_strided_slice %get3A_17 {offsets = [0, 32], sizes = [64, 32], strides = [1, 1]} : vector<64x256xf32> to vector<64x32xf32>
    %slice3A_24 = vector.extract_strided_slice %get3A_20 {offsets = [0, 1], sizes = [1, 1], strides = [1, 1]} : vector<16x8xf32> to vector<1x1xf32>
    %mul3A_25 = vector.broadcast %slice3A_24 : vector<1x1xf32> to vector<64x32xf32>
    %mul3A_26 = arith.mulf %slice3A_23, %mul3A_25 : vector<64x32xf32>
    %add3A_27 = arith.addf %mul3A_22, %mul3A_26 : vector<64x32xf32>
    %slice3A_28 = vector.extract_strided_slice %get3A_17 {offsets = [0, 64], sizes = [64, 32], strides = [1, 1]} : vector<64x256xf32> to vector<64x32xf32>
    %slice3A_29 = vector.extract_strided_slice %get3A_20 {offsets = [0, 2], sizes = [1, 1], strides = [1, 1]} : vector<16x8xf32> to vector<1x1xf32>
    %mul3A_30 = vector.broadcast %slice3A_29 : vector<1x1xf32> to vector<64x32xf32>
    %mul3A_31 = arith.mulf %slice3A_28, %mul3A_30 : vector<64x32xf32>
    %add3A_32 = arith.addf %add3A_27, %mul3A_31 : vector<64x32xf32>
    %slice3A_33 = vector.extract_strided_slice %get3A_17 {offsets = [0, 96], sizes = [64, 32], strides = [1, 1]} : vector<64x256xf32> to vector<64x32xf32>
    %slice3A_34 = vector.extract_strided_slice %get3A_20 {offsets = [0, 3], sizes = [1, 1], strides = [1, 1]} : vector<16x8xf32> to vector<1x1xf32>
    %mul3A_35 = vector.broadcast %slice3A_34 : vector<1x1xf32> to vector<64x32xf32>
    %mul3A_36 = arith.mulf %slice3A_33, %mul3A_35 : vector<64x32xf32>
    %add3A_37 = arith.addf %add3A_32, %mul3A_36 : vector<64x32xf32>
    %slice3A_38 = vector.extract_strided_slice %get3A_17 {offsets = [0, 128], sizes = [64, 32], strides = [1, 1]} : vector<64x256xf32> to vector<64x32xf32>
    %slice3A_39 = vector.extract_strided_slice %get3A_20 {offsets = [0, 4], sizes = [1, 1], strides = [1, 1]} : vector<16x8xf32> to vector<1x1xf32>
    %mul3A_40 = vector.broadcast %slice3A_39 : vector<1x1xf32> to vector<64x32xf32>
    %mul3A_41 = arith.mulf %slice3A_38, %mul3A_40 : vector<64x32xf32>
    %add3A_42 = arith.addf %add3A_37, %mul3A_41 : vector<64x32xf32>
    %slice3A_43 = vector.extract_strided_slice %get3A_17 {offsets = [0, 160], sizes = [64, 32], strides = [1, 1]} : vector<64x256xf32> to vector<64x32xf32>
    %slice3A_44 = vector.extract_strided_slice %get3A_20 {offsets = [0, 5], sizes = [1, 1], strides = [1, 1]} : vector<16x8xf32> to vector<1x1xf32>
    %mul3A_45 = vector.broadcast %slice3A_44 : vector<1x1xf32> to vector<64x32xf32>
    %mul3A_46 = arith.mulf %slice3A_43, %mul3A_45 : vector<64x32xf32>
    %add3A_47 = arith.addf %add3A_42, %mul3A_46 : vector<64x32xf32>
    %slice3A_48 = vector.extract_strided_slice %get3A_17 {offsets = [0, 192], sizes = [64, 32], strides = [1, 1]} : vector<64x256xf32> to vector<64x32xf32>
    %slice3A_49 = vector.extract_strided_slice %get3A_20 {offsets = [0, 6], sizes = [1, 1], strides = [1, 1]} : vector<16x8xf32> to vector<1x1xf32>
    %mul3A_50 = vector.broadcast %slice3A_49 : vector<1x1xf32> to vector<64x32xf32>
    %mul3A_51 = arith.mulf %slice3A_48, %mul3A_50 : vector<64x32xf32>
    %add3A_52 = arith.addf %add3A_47, %mul3A_51 : vector<64x32xf32>
    %slice3A_53 = vector.extract_strided_slice %get3A_17 {offsets = [0, 224], sizes = [64, 32], strides = [1, 1]} : vector<64x256xf32> to vector<64x32xf32>
    %slice3A_54 = vector.extract_strided_slice %get3A_20 {offsets = [0, 7], sizes = [1, 1], strides = [1, 1]} : vector<16x8xf32> to vector<1x1xf32>
    %mul3A_55 = vector.broadcast %slice3A_54 : vector<1x1xf32> to vector<64x32xf32>
    %mul3A_56 = arith.mulf %slice3A_53, %mul3A_55 : vector<64x32xf32>
    %add3A_57 = arith.addf %add3A_52, %mul3A_56 : vector<64x32xf32>
    %dot_general3A = arith.constant dense<0.000000e+00> : vector<1000x32xf32>
    %dot_general3A_58 = tpu.matmul %max3A_14, %add3A_57, %dot_general3A {dimension_numbers = #tpu.dot_dimension_numbers<[1], [0], [0], [1], [0, 0, 1, 1], [], []>, transpose_lhs_hint = false} : vector<1000x64xf32>, vector<64x32xf32>, vector<1000x32xf32> -> vector<1000x32xf32>
    %swap3A = arith.constant 0 : index
    %swap3A_59 = arith.constant 0 : index
    %swap3A_60 = vector.load %arg7[%swap3A, %swap3A_59] : memref<1000x512xf32, #tpu.memory_space<vmem>>, vector<1000x32xf32>
    tpu.vector_store %arg7[%swap3A, %swap3A_59], %dot_general3A_58 {strides = array<i32>} : memref<1000x512xf32, #tpu.memory_space<vmem>>, vector<1000x32xf32>,
    %slice3A_61 = vector.extract_strided_slice %get3A_17 {offsets = [0, 0], sizes = [64, 32], strides = [1, 1]} : vector<64x256xf32> to vector<64x32xf32>
    %slice3A_62 = vector.extract_strided_slice %get3A_20 {offsets = [1, 0], sizes = [1, 1], strides = [1, 1]} : vector<16x8xf32> to vector<1x1xf32>
    %mul3A_63 = vector.broadcast %slice3A_62 : vector<1x1xf32> to vector<64x32xf32>
    %mul3A_64 = arith.mulf %slice3A_61, %mul3A_63 : vector<64x32xf32>
    %slice3A_65 = vector.extract_strided_slice %get3A_17 {offsets = [0, 32], sizes = [64, 32], strides = [1, 1]} : vector<64x256xf32> to vector<64x32xf32>
    %slice3A_66 = vector.extract_strided_slice %get3A_20 {offsets = [1, 1], sizes = [1, 1], strides = [1, 1]} : vector<16x8xf32> to vector<1x1xf32>
    %mul3A_67 = vector.broadcast %slice3A_66 : vector<1x1xf32> to vector<64x32xf32>
    %mul3A_68 = arith.mulf %slice3A_65, %mul3A_67 : vector<64x32xf32>
    %add3A_69 = arith.addf %mul3A_64, %mul3A_68 : vector<64x32xf32>
    %slice3A_70 = vector.extract_strided_slice %get3A_17 {offsets = [0, 64], sizes = [64, 32], strides = [1, 1]} : vector<64x256xf32> to vector<64x32xf32>
    %slice3A_71 = vector.extract_strided_slice %get3A_20 {offsets = [1, 2], sizes = [1, 1], strides = [1, 1]} : vector<16x8xf32> to vector<1x1xf32>
    %mul3A_72 = vector.broadcast %slice3A_71 : vector<1x1xf32> to vector<64x32xf32>
    %mul3A_73 = arith.mulf %slice3A_70, %mul3A_72 : vector<64x32xf32>
    %add3A_74 = arith.addf %add3A_69, %mul3A_73 : vector<64x32xf32>
    %slice3A_75 = vector.extract_strided_slice %get3A_17 {offsets = [0, 96], sizes = [64, 32], strides = [1, 1]} : vector<64x256xf32> to vector<64x32xf32>
    %slice3A_76 = vector.extract_strided_slice %get3A_20 {offsets = [1, 3], sizes = [1, 1], strides = [1, 1]} : vector<16x8xf32> to vector<1x1xf32>
    %mul3A_77 = vector.broadcast %slice3A_76 : vector<1x1xf32> to vector<64x32xf32>
    %mul3A_78 = arith.mulf %slice3A_75, %mul3A_77 : vector<64x32xf32>
    %add3A_79 = arith.addf %add3A_74, %mul3A_78 : vector<64x32xf32>
    %slice3A_80 = vector.extract_strided_slice %get3A_17 {offsets = [0, 128], sizes = [64, 32], strides = [1, 1]} : vector<64x256xf32> to vector<64x32xf32>
    %slice3A_81 = vector.extract_strided_slice %get3A_20 {offsets = [1, 4], sizes = [1, 1], strides = [1, 1]} : vector<16x8xf32> to vector<1x1xf32>
    %mul3A_82 = vector.broadcast %slice3A_81 : vector<1x1xf32> to vector<64x32xf32>
    %mul3A_83 = arith.mulf %slice3A_80, %mul3A_82 : vector<64x32xf32>
    %add3A_84 = arith.addf %add3A_79, %mul3A_83 : vector<64x32xf32>
    %slice3A_85 = vector.extract_strided_slice %get3A_17 {offsets = [0, 160], sizes = [64, 32], strides = [1, 1]} : vector<64x256xf32> to vector<64x32xf32>
    %slice3A_86 = vector.extract_strided_slice %get3A_20 {offsets = [1, 5], sizes = [1, 1], strides = [1, 1]} : vector<16x8xf32> to vector<1x1xf32>
    %mul3A_87 = vector.broadcast %slice3A_86 : vector<1x1xf32> to vector<64x32xf32>
    %mul3A_88 = arith.mulf %slice3A_85, %mul3A_87 : vector<64x32xf32>
    %add3A_89 = arith.addf %add3A_84, %mul3A_88 : vector<64x32xf32>
    %slice3A_90 = vector.extract_strided_slice %get3A_17 {offsets = [0, 192], sizes = [64, 32], strides = [1, 1]} : vector<64x256xf32> to vector<64x32xf32>
    %slice3A_91 = vector.extract_strided_slice %get3A_20 {offsets = [1, 6], sizes = [1, 1], strides = [1, 1]} : vector<16x8xf32> to vector<1x1xf32>
    %mul3A_92 = vector.broadcast %slice3A_91 : vector<1x1xf32> to vector<64x32xf32>
    %mul3A_93 = arith.mulf %slice3A_90, %mul3A_92 : vector<64x32xf32>
    %add3A_94 = arith.addf %add3A_89, %mul3A_93 : vector<64x32xf32>
    %slice3A_95 = vector.extract_strided_slice %get3A_17 {offsets = [0, 224], sizes = [64, 32], strides = [1, 1]} : vector<64x256xf32> to vector<64x32xf32>
    %slice3A_96 = vector.extract_strided_slice %get3A_20 {offsets = [1, 7], sizes = [1, 1], strides = [1, 1]} : vector<16x8xf32> to vector<1x1xf32>
    %mul3A_97 = vector.broadcast %slice3A_96 : vector<1x1xf32> to vector<64x32xf32>
    %mul3A_98 = arith.mulf %slice3A_95, %mul3A_97 : vector<64x32xf32>
    %add3A_99 = arith.addf %add3A_94, %mul3A_98 : vector<64x32xf32>
    %dot_general3A_100 = arith.constant dense<0.000000e+00> : vector<1000x32xf32>
    %dot_general3A_101 = tpu.matmul %max3A_14, %add3A_99, %dot_general3A_100 {dimension_numbers = #tpu.dot_dimension_numbers<[1], [0], [0], [1], [0, 0, 1, 1], [], []>, transpose_lhs_hint = false} : vector<1000x64xf32>, vector<64x32xf32>, vector<1000x32xf32> -> vector<1000x32xf32>
    %swap3A_102 = arith.constant 0 : index
    %swap3A_103 = arith.constant 32 : index
    %swap3A_104 = vector.load %arg7[%swap3A_102, %swap3A_103] : memref<1000x512xf32, #tpu.memory_space<vmem>>, vector<1000x32xf32>
    tpu.vector_store %arg7[%swap3A_102, %swap3A_103], %dot_general3A_101 {strides = array<i32>} : memref<1000x512xf32, #tpu.memory_space<vmem>>, vector<1000x32xf32>,
    %slice3A_105 = vector.extract_strided_slice %get3A_17 {offsets = [0, 0], sizes = [64, 32], strides = [1, 1]} : vector<64x256xf32> to vector<64x32xf32>
    %slice3A_106 = vector.extract_strided_slice %get3A_20 {offsets = [2, 0], sizes = [1, 1], strides = [1, 1]} : vector<16x8xf32> to vector<1x1xf32>
    %mul3A_107 = vector.broadcast %slice3A_106 : vector<1x1xf32> to vector<64x32xf32>
    %mul3A_108 = arith.mulf %slice3A_105, %mul3A_107 : vector<64x32xf32>
    %slice3A_109 = vector.extract_strided_slice %get3A_17 {offsets = [0, 32], sizes = [64, 32], strides = [1, 1]} : vector<64x256xf32> to vector<64x32xf32>
    %slice3A_110 = vector.extract_strided_slice %get3A_20 {offsets = [2, 1], sizes = [1, 1], strides = [1, 1]} : vector<16x8xf32> to vector<1x1xf32>
    %mul3A_111 = vector.broadcast %slice3A_110 : vector<1x1xf32> to vector<64x32xf32>
    %mul3A_112 = arith.mulf %slice3A_109, %mul3A_111 : vector<64x32xf32>
    %add3A_113 = arith.addf %mul3A_108, %mul3A_112 : vector<64x32xf32>
    %slice3A_114 = vector.extract_strided_slice %get3A_17 {offsets = [0, 64], sizes = [64, 32], strides = [1, 1]} : vector<64x256xf32> to vector<64x32xf32>
    %slice3A_115 = vector.extract_strided_slice %get3A_20 {offsets = [2, 2], sizes = [1, 1], strides = [1, 1]} : vector<16x8xf32> to vector<1x1xf32>
    %mul3A_116 = vector.broadcast %slice3A_115 : vector<1x1xf32> to vector<64x32xf32>
    %mul3A_117 = arith.mulf %slice3A_114, %mul3A_116 : vector<64x32xf32>
    %add3A_118 = arith.addf %add3A_113, %mul3A_117 : vector<64x32xf32>
    %slice3A_119 = vector.extract_strided_slice %get3A_17 {offsets = [0, 96], sizes = [64, 32], strides = [1, 1]} : vector<64x256xf32> to vector<64x32xf32>
    %slice3A_120 = vector.extract_strided_slice %get3A_20 {offsets = [2, 3], sizes = [1, 1], strides = [1, 1]} : vector<16x8xf32> to vector<1x1xf32>
    %mul3A_121 = vector.broadcast %slice3A_120 : vector<1x1xf32> to vector<64x32xf32>
    %mul3A_122 = arith.mulf %slice3A_119, %mul3A_121 : vector<64x32xf32>
    %add3A_123 = arith.addf %add3A_118, %mul3A_122 : vector<64x32xf32>
    %slice3A_124 = vector.extract_strided_slice %get3A_17 {offsets = [0, 128], sizes = [64, 32], strides = [1, 1]} : vector<64x256xf32> to vector<64x32xf32>
    %slice3A_125 = vector.extract_strided_slice %get3A_20 {offsets = [2, 4], sizes = [1, 1], strides = [1, 1]} : vector<16x8xf32> to vector<1x1xf32>
    %mul3A_126 = vector.broadcast %slice3A_125 : vector<1x1xf32> to vector<64x32xf32>
    %mul3A_127 = arith.mulf %slice3A_124, %mul3A_126 : vector<64x32xf32>
    %add3A_128 = arith.addf %add3A_123, %mul3A_127 : vector<64x32xf32>
    %slice3A_129 = vector.extract_strided_slice %get3A_17 {offsets = [0, 160], sizes = [64, 32], strides = [1, 1]} : vector<64x256xf32> to vector<64x32xf32>
    %slice3A_130 = vector.extract_strided_slice %get3A_20 {offsets = [2, 5], sizes = [1, 1], strides = [1, 1]} : vector<16x8xf32> to vector<1x1xf32>
    %mul3A_131 = vector.broadcast %slice3A_130 : vector<1x1xf32> to vector<64x32xf32>
    %mul3A_132 = arith.mulf %slice3A_129, %mul3A_131 : vector<64x32xf32>
    %add3A_133 = arith.addf %add3A_128, %mul3A_132 : vector<64x32xf32>
    %slice3A_134 = vector.extract_strided_slice %get3A_17 {offsets = [0, 192], sizes = [64, 32], strides = [1, 1]} : vector<64x256xf32> to vector<64x32xf32>
    %slice3A_135 = vector.extract_strided_slice %get3A_20 {offsets = [2, 6], sizes = [1, 1], strides = [1, 1]} : vector<16x8xf32> to vector<1x1xf32>
    %mul3A_136 = vector.broadcast %slice3A_135 : vector<1x1xf32> to vector<64x32xf32>
    %mul3A_137 = arith.mulf %slice3A_134, %mul3A_136 : vector<64x32xf32>
    %add3A_138 = arith.addf %add3A_133, %mul3A_137 : vector<64x32xf32>
    %slice3A_139 = vector.extract_strided_slice %get3A_17 {offsets = [0, 224], sizes = [64, 32], strides = [1, 1]} : vector<64x256xf32> to vector<64x32xf32>
    %slice3A_140 = vector.extract_strided_slice %get3A_20 {offsets = [2, 7], sizes = [1, 1], strides = [1, 1]} : vector<16x8xf32> to vector<1x1xf32>
    %mul3A_141 = vector.broadcast %slice3A_140 : vector<1x1xf32> to vector<64x32xf32>
    %mul3A_142 = arith.mulf %slice3A_139, %mul3A_141 : vector<64x32xf32>
    %add3A_143 = arith.addf %add3A_138, %mul3A_142 : vector<64x32xf32>
    %dot_general3A_144 = arith.constant dense<0.000000e+00> : vector<1000x32xf32>
    %dot_general3A_145 = tpu.matmul %max3A_14, %add3A_143, %dot_general3A_144 {dimension_numbers = #tpu.dot_dimension_numbers<[1], [0], [0], [1], [0, 0, 1, 1], [], []>, transpose_lhs_hint = false} : vector<1000x64xf32>, vector<64x32xf32>, vector<1000x32xf32> -> vector<1000x32xf32>
    %swap3A_146 = arith.constant 0 : index
    %swap3A_147 = arith.constant 64 : index
    %swap3A_148 = vector.load %arg7[%swap3A_146, %swap3A_147] : memref<1000x512xf32, #tpu.memory_space<vmem>>, vector<1000x32xf32>
    tpu.vector_store %arg7[%swap3A_146, %swap3A_147], %dot_general3A_145 {strides = array<i32>} : memref<1000x512xf32, #tpu.memory_space<vmem>>, vector<1000x32xf32>,
    %slice3A_149 = vector.extract_strided_slice %get3A_17 {offsets = [0, 0], sizes = [64, 32], strides = [1, 1]} : vector<64x256xf32> to vector<64x32xf32>
    %slice3A_150 = vector.extract_strided_slice %get3A_20 {offsets = [3, 0], sizes = [1, 1], strides = [1, 1]} : vector<16x8xf32> to vector<1x1xf32>
    %mul3A_151 = vector.broadcast %slice3A_150 : vector<1x1xf32> to vector<64x32xf32>
    %mul3A_152 = arith.mulf %slice3A_149, %mul3A_151 : vector<64x32xf32>
    %slice3A_153 = vector.extract_strided_slice %get3A_17 {offsets = [0, 32], sizes = [64, 32], strides = [1, 1]} : vector<64x256xf32> to vector<64x32xf32>
    %slice3A_154 = vector.extract_strided_slice %get3A_20 {offsets = [3, 1], sizes = [1, 1], strides = [1, 1]} : vector<16x8xf32> to vector<1x1xf32>
    %mul3A_155 = vector.broadcast %slice3A_154 : vector<1x1xf32> to vector<64x32xf32>
    %mul3A_156 = arith.mulf %slice3A_153, %mul3A_155 : vector<64x32xf32>
    %add3A_157 = arith.addf %mul3A_152, %mul3A_156 : vector<64x32xf32>
    %slice3A_158 = vector.extract_strided_slice %get3A_17 {offsets = [0, 64], sizes = [64, 32], strides = [1, 1]} : vector<64x256xf32> to vector<64x32xf32>
    %slice3A_159 = vector.extract_strided_slice %get3A_20 {offsets = [3, 2], sizes = [1, 1], strides = [1, 1]} : vector<16x8xf32> to vector<1x1xf32>
    %mul3A_160 = vector.broadcast %slice3A_159 : vector<1x1xf32> to vector<64x32xf32>
    %mul3A_161 = arith.mulf %slice3A_158, %mul3A_160 : vector<64x32xf32>
    %add3A_162 = arith.addf %add3A_157, %mul3A_161 : vector<64x32xf32>
    %slice3A_163 = vector.extract_strided_slice %get3A_17 {offsets = [0, 96], sizes = [64, 32], strides = [1, 1]} : vector<64x256xf32> to vector<64x32xf32>
    %slice3A_164 = vector.extract_strided_slice %get3A_20 {offsets = [3, 3], sizes = [1, 1], strides = [1, 1]} : vector<16x8xf32> to vector<1x1xf32>
    %mul3A_165 = vector.broadcast %slice3A_164 : vector<1x1xf32> to vector<64x32xf32>
    %mul3A_166 = arith.mulf %slice3A_163, %mul3A_165 : vector<64x32xf32>
    %add3A_167 = arith.addf %add3A_162, %mul3A_166 : vector<64x32xf32>
    %slice3A_168 = vector.extract_strided_slice %get3A_17 {offsets = [0, 128], sizes = [64, 32], strides = [1, 1]} : vector<64x256xf32> to vector<64x32xf32>
    %slice3A_169 = vector.extract_strided_slice %get3A_20 {offsets = [3, 4], sizes = [1, 1], strides = [1, 1]} : vector<16x8xf32> to vector<1x1xf32>
    %mul3A_170 = vector.broadcast %slice3A_169 : vector<1x1xf32> to vector<64x32xf32>
    %mul3A_171 = arith.mulf %slice3A_168, %mul3A_170 : vector<64x32xf32>
    %add3A_172 = arith.addf %add3A_167, %mul3A_171 : vector<64x32xf32>
    %slice3A_173 = vector.extract_strided_slice %get3A_17 {offsets = [0, 160], sizes = [64, 32], strides = [1, 1]} : vector<64x256xf32> to vector<64x32xf32>
    %slice3A_174 = vector.extract_strided_slice %get3A_20 {offsets = [3, 5], sizes = [1, 1], strides = [1, 1]} : vector<16x8xf32> to vector<1x1xf32>
    %mul3A_175 = vector.broadcast %slice3A_174 : vector<1x1xf32> to vector<64x32xf32>
    %mul3A_176 = arith.mulf %slice3A_173, %mul3A_175 : vector<64x32xf32>
    %add3A_177 = arith.addf %add3A_172, %mul3A_176 : vector<64x32xf32>
    %slice3A_178 = vector.extract_strided_slice %get3A_17 {offsets = [0, 192], sizes = [64, 32], strides = [1, 1]} : vector<64x256xf32> to vector<64x32xf32>
    %slice3A_179 = vector.extract_strided_slice %get3A_20 {offsets = [3, 6], sizes = [1, 1], strides = [1, 1]} : vector<16x8xf32> to vector<1x1xf32>
    %mul3A_180 = vector.broadcast %slice3A_179 : vector<1x1xf32> to vector<64x32xf32>
    %mul3A_181 = arith.mulf %slice3A_178, %mul3A_180 : vector<64x32xf32>
    %add3A_182 = arith.addf %add3A_177, %mul3A_181 : vector<64x32xf32>
    %slice3A_183 = vector.extract_strided_slice %get3A_17 {offsets = [0, 224], sizes = [64, 32], strides = [1, 1]} : vector<64x256xf32> to vector<64x32xf32>
    %slice3A_184 = vector.extract_strided_slice %get3A_20 {offsets = [3, 7], sizes = [1, 1], strides = [1, 1]} : vector<16x8xf32> to vector<1x1xf32>
    %mul3A_185 = vector.broadcast %slice3A_184 : vector<1x1xf32> to vector<64x32xf32>
    %mul3A_186 = arith.mulf %slice3A_183, %mul3A_185 : vector<64x32xf32>
    %add3A_187 = arith.addf %add3A_182, %mul3A_186 : vector<64x32xf32>
    %dot_general3A_188 = arith.constant dense<0.000000e+00> : vector<1000x32xf32>
    %dot_general3A_189 = tpu.matmul %max3A_14, %add3A_187, %dot_general3A_188 {dimension_numbers = #tpu.dot_dimension_numbers<[1], [0], [0], [1], [0, 0, 1, 1], [], []>, transpose_lhs_hint = false} : vector<1000x64xf32>, vector<64x32xf32>, vector<1000x32xf32> -> vector<1000x32xf32>
    %swap3A_190 = arith.constant 0 : index
    %swap3A_191 = arith.constant 96 : index
    %swap3A_192 = vector.load %arg7[%swap3A_190, %swap3A_191] : memref<1000x512xf32, #tpu.memory_space<vmem>>, vector<1000x32xf32>
    tpu.vector_store %arg7[%swap3A_190, %swap3A_191], %dot_general3A_189 {strides = array<i32>} : memref<1000x512xf32, #tpu.memory_space<vmem>>, vector<1000x32xf32>,
    %slice3A_193 = vector.extract_strided_slice %get3A_17 {offsets = [0, 0], sizes = [64, 32], strides = [1, 1]} : vector<64x256xf32> to vector<64x32xf32>
    %slice3A_194 = vector.extract_strided_slice %get3A_20 {offsets = [4, 0], sizes = [1, 1], strides = [1, 1]} : vector<16x8xf32> to vector<1x1xf32>
    %mul3A_195 = vector.broadcast %slice3A_194 : vector<1x1xf32> to vector<64x32xf32>
    %mul3A_196 = arith.mulf %slice3A_193, %mul3A_195 : vector<64x32xf32>
    %slice3A_197 = vector.extract_strided_slice %get3A_17 {offsets = [0, 32], sizes = [64, 32], strides = [1, 1]} : vector<64x256xf32> to vector<64x32xf32>
    %slice3A_198 = vector.extract_strided_slice %get3A_20 {offsets = [4, 1], sizes = [1, 1], strides = [1, 1]} : vector<16x8xf32> to vector<1x1xf32>
    %mul3A_199 = vector.broadcast %slice3A_198 : vector<1x1xf32> to vector<64x32xf32>
    %mul3A_200 = arith.mulf %slice3A_197, %mul3A_199 : vector<64x32xf32>
    %add3A_201 = arith.addf %mul3A_196, %mul3A_200 : vector<64x32xf32>
    %slice3A_202 = vector.extract_strided_slice %get3A_17 {offsets = [0, 64], sizes = [64, 32], strides = [1, 1]} : vector<64x256xf32> to vector<64x32xf32>
    %slice3A_203 = vector.extract_strided_slice %get3A_20 {offsets = [4, 2], sizes = [1, 1], strides = [1, 1]} : vector<16x8xf32> to vector<1x1xf32>
    %mul3A_204 = vector.broadcast %slice3A_203 : vector<1x1xf32> to vector<64x32xf32>
    %mul3A_205 = arith.mulf %slice3A_202, %mul3A_204 : vector<64x32xf32>
    %add3A_206 = arith.addf %add3A_201, %mul3A_205 : vector<64x32xf32>
    %slice3A_207 = vector.extract_strided_slice %get3A_17 {offsets = [0, 96], sizes = [64, 32], strides = [1, 1]} : vector<64x256xf32> to vector<64x32xf32>
    %slice3A_208 = vector.extract_strided_slice %get3A_20 {offsets = [4, 3], sizes = [1, 1], strides = [1, 1]} : vector<16x8xf32> to vector<1x1xf32>
    %mul3A_209 = vector.broadcast %slice3A_208 : vector<1x1xf32> to vector<64x32xf32>
    %mul3A_210 = arith.mulf %slice3A_207, %mul3A_209 : vector<64x32xf32>
    %add3A_211 = arith.addf %add3A_206, %mul3A_210 : vector<64x32xf32>
    %slice3A_212 = vector.extract_strided_slice %get3A_17 {offsets = [0, 128], sizes = [64, 32], strides = [1, 1]} : vector<64x256xf32> to vector<64x32xf32>
    %slice3A_213 = vector.extract_strided_slice %get3A_20 {offsets = [4, 4], sizes = [1, 1], strides = [1, 1]} : vector<16x8xf32> to vector<1x1xf32>
    %mul3A_214 = vector.broadcast %slice3A_213 : vector<1x1xf32> to vector<64x32xf32>
    %mul3A_215 = arith.mulf %slice3A_212, %mul3A_214 : vector<64x32xf32>
    %add3A_216 = arith.addf %add3A_211, %mul3A_215 : vector<64x32xf32>
    %slice3A_217 = vector.extract_strided_slice %get3A_17 {offsets = [0, 160], sizes = [64, 32], strides = [1, 1]} : vector<64x256xf32> to vector<64x32xf32>
    %slice3A_218 = vector.extract_strided_slice %get3A_20 {offsets = [4, 5], sizes = [1, 1], strides = [1, 1]} : vector<16x8xf32> to vector<1x1xf32>
    %mul3A_219 = vector.broadcast %slice3A_218 : vector<1x1xf32> to vector<64x32xf32>
    %mul3A_220 = arith.mulf %slice3A_217, %mul3A_219 : vector<64x32xf32>
    %add3A_221 = arith.addf %add3A_216, %mul3A_220 : vector<64x32xf32>
    %slice3A_222 = vector.extract_strided_slice %get3A_17 {offsets = [0, 192], sizes = [64, 32], strides = [1, 1]} : vector<64x256xf32> to vector<64x32xf32>
    %slice3A_223 = vector.extract_strided_slice %get3A_20 {offsets = [4, 6], sizes = [1, 1], strides = [1, 1]} : vector<16x8xf32> to vector<1x1xf32>
    %mul3A_224 = vector.broadcast %slice3A_223 : vector<1x1xf32> to vector<64x32xf32>
    %mul3A_225 = arith.mulf %slice3A_222, %mul3A_224 : vector<64x32xf32>
    %add3A_226 = arith.addf %add3A_221, %mul3A_225 : vector<64x32xf32>
    %slice3A_227 = vector.extract_strided_slice %get3A_17 {offsets = [0, 224], sizes = [64, 32], strides = [1, 1]} : vector<64x256xf32> to vector<64x32xf32>
    %slice3A_228 = vector.extract_strided_slice %get3A_20 {offsets = [4, 7], sizes = [1, 1], strides = [1, 1]} : vector<16x8xf32> to vector<1x1xf32>
    %mul3A_229 = vector.broadcast %slice3A_228 : vector<1x1xf32> to vector<64x32xf32>
    %mul3A_230 = arith.mulf %slice3A_227, %mul3A_229 : vector<64x32xf32>
    %add3A_231 = arith.addf %add3A_226, %mul3A_230 : vector<64x32xf32>
    %dot_general3A_232 = arith.constant dense<0.000000e+00> : vector<1000x32xf32>
    %dot_general3A_233 = tpu.matmul %max3A_14, %add3A_231, %dot_general3A_232 {dimension_numbers = #tpu.dot_dimension_numbers<[1], [0], [0], [1], [0, 0, 1, 1], [], []>, transpose_lhs_hint = false} : vector<1000x64xf32>, vector<64x32xf32>, vector<1000x32xf32> -> vector<1000x32xf32>
    %swap3A_234 = arith.constant 0 : index
    %swap3A_235 = arith.constant 128 : index
    %swap3A_236 = vector.load %arg7[%swap3A_234, %swap3A_235] : memref<1000x512xf32, #tpu.memory_space<vmem>>, vector<1000x32xf32>
    tpu.vector_store %arg7[%swap3A_234, %swap3A_235], %dot_general3A_233 {strides = array<i32>} : memref<1000x512xf32, #tpu.memory_space<vmem>>, vector<1000x32xf32>,
    %slice3A_237 = vector.extract_strided_slice %get3A_17 {offsets = [0, 0], sizes = [64, 32], strides = [1, 1]} : vector<64x256xf32> to vector<64x32xf32>
    %slice3A_238 = vector.extract_strided_slice %get3A_20 {offsets = [5, 0], sizes = [1, 1], strides = [1, 1]} : vector<16x8xf32> to vector<1x1xf32>
    %mul3A_239 = vector.broadcast %slice3A_238 : vector<1x1xf32> to vector<64x32xf32>
    %mul3A_240 = arith.mulf %slice3A_237, %mul3A_239 : vector<64x32xf32>
    %slice3A_241 = vector.extract_strided_slice %get3A_17 {offsets = [0, 32], sizes = [64, 32], strides = [1, 1]} : vector<64x256xf32> to vector<64x32xf32>
    %slice3A_242 = vector.extract_strided_slice %get3A_20 {offsets = [5, 1], sizes = [1, 1], strides = [1, 1]} : vector<16x8xf32> to vector<1x1xf32>
    %mul3A_243 = vector.broadcast %slice3A_242 : vector<1x1xf32> to vector<64x32xf32>
    %mul3A_244 = arith.mulf %slice3A_241, %mul3A_243 : vector<64x32xf32>
    %add3A_245 = arith.addf %mul3A_240, %mul3A_244 : vector<64x32xf32>
    %slice3A_246 = vector.extract_strided_slice %get3A_17 {offsets = [0, 64], sizes = [64, 32], strides = [1, 1]} : vector<64x256xf32> to vector<64x32xf32>
    %slice3A_247 = vector.extract_strided_slice %get3A_20 {offsets = [5, 2], sizes = [1, 1], strides = [1, 1]} : vector<16x8xf32> to vector<1x1xf32>
    %mul3A_248 = vector.broadcast %slice3A_247 : vector<1x1xf32> to vector<64x32xf32>
    %mul3A_249 = arith.mulf %slice3A_246, %mul3A_248 : vector<64x32xf32>
    %add3A_250 = arith.addf %add3A_245, %mul3A_249 : vector<64x32xf32>
    %slice3A_251 = vector.extract_strided_slice %get3A_17 {offsets = [0, 96], sizes = [64, 32], strides = [1, 1]} : vector<64x256xf32> to vector<64x32xf32>
    %slice3A_252 = vector.extract_strided_slice %get3A_20 {offsets = [5, 3], sizes = [1, 1], strides = [1, 1]} : vector<16x8xf32> to vector<1x1xf32>
    %mul3A_253 = vector.broadcast %slice3A_252 : vector<1x1xf32> to vector<64x32xf32>
    %mul3A_254 = arith.mulf %slice3A_251, %mul3A_253 : vector<64x32xf32>
    %add3A_255 = arith.addf %add3A_250, %mul3A_254 : vector<64x32xf32>
    %slice3A_256 = vector.extract_strided_slice %get3A_17 {offsets = [0, 128], sizes = [64, 32], strides = [1, 1]} : vector<64x256xf32> to vector<64x32xf32>
    %slice3A_257 = vector.extract_strided_slice %get3A_20 {offsets = [5, 4], sizes = [1, 1], strides = [1, 1]} : vector<16x8xf32> to vector<1x1xf32>
    %mul3A_258 = vector.broadcast %slice3A_257 : vector<1x1xf32> to vector<64x32xf32>
    %mul3A_259 = arith.mulf %slice3A_256, %mul3A_258 : vector<64x32xf32>
    %add3A_260 = arith.addf %add3A_255, %mul3A_259 : vector<64x32xf32>
    %slice3A_261 = vector.extract_strided_slice %get3A_17 {offsets = [0, 160], sizes = [64, 32], strides = [1, 1]} : vector<64x256xf32> to vector<64x32xf32>
    %slice3A_262 = vector.extract_strided_slice %get3A_20 {offsets = [5, 5], sizes = [1, 1], strides = [1, 1]} : vector<16x8xf32> to vector<1x1xf32>
    %mul3A_263 = vector.broadcast %slice3A_262 : vector<1x1xf32> to vector<64x32xf32>
    %mul3A_264 = arith.mulf %slice3A_261, %mul3A_263 : vector<64x32xf32>
    %add3A_265 = arith.addf %add3A_260, %mul3A_264 : vector<64x32xf32>
    %slice3A_266 = vector.extract_strided_slice %get3A_17 {offsets = [0, 192], sizes = [64, 32], strides = [1, 1]} : vector<64x256xf32> to vector<64x32xf32>
    %slice3A_267 = vector.extract_strided_slice %get3A_20 {offsets = [5, 6], sizes = [1, 1], strides = [1, 1]} : vector<16x8xf32> to vector<1x1xf32>
    %mul3A_268 = vector.broadcast %slice3A_267 : vector<1x1xf32> to vector<64x32xf32>
    %mul3A_269 = arith.mulf %slice3A_266, %mul3A_268 : vector<64x32xf32>
    %add3A_270 = arith.addf %add3A_265, %mul3A_269 : vector<64x32xf32>
    %slice3A_271 = vector.extract_strided_slice %get3A_17 {offsets = [0, 224], sizes = [64, 32], strides = [1, 1]} : vector<64x256xf32> to vector<64x32xf32>
    %slice3A_272 = vector.extract_strided_slice %get3A_20 {offsets = [5, 7], sizes = [1, 1], strides = [1, 1]} : vector<16x8xf32> to vector<1x1xf32>
    %mul3A_273 = vector.broadcast %slice3A_272 : vector<1x1xf32> to vector<64x32xf32>
    %mul3A_274 = arith.mulf %slice3A_271, %mul3A_273 : vector<64x32xf32>
    %add3A_275 = arith.addf %add3A_270, %mul3A_274 : vector<64x32xf32>
    %dot_general3A_276 = arith.constant dense<0.000000e+00> : vector<1000x32xf32>
    %dot_general3A_277 = tpu.matmul %max3A_14, %add3A_275, %dot_general3A_276 {dimension_numbers = #tpu.dot_dimension_numbers<[1], [0], [0], [1], [0, 0, 1, 1], [], []>, transpose_lhs_hint = false} : vector<1000x64xf32>, vector<64x32xf32>, vector<1000x32xf32> -> vector<1000x32xf32>
    %swap3A_278 = arith.constant 0 : index
    %swap3A_279 = arith.constant 160 : index
    %swap3A_280 = vector.load %arg7[%swap3A_278, %swap3A_279] : memref<1000x512xf32, #tpu.memory_space<vmem>>, vector<1000x32xf32>
    tpu.vector_store %arg7[%swap3A_278, %swap3A_279], %dot_general3A_277 {strides = array<i32>} : memref<1000x512xf32, #tpu.memory_space<vmem>>, vector<1000x32xf32>,
    %slice3A_281 = vector.extract_strided_slice %get3A_17 {offsets = [0, 0], sizes = [64, 32], strides = [1, 1]} : vector<64x256xf32> to vector<64x32xf32>
    %slice3A_282 = vector.extract_strided_slice %get3A_20 {offsets = [6, 0], sizes = [1, 1], strides = [1, 1]} : vector<16x8xf32> to vector<1x1xf32>
    %mul3A_283 = vector.broadcast %slice3A_282 : vector<1x1xf32> to vector<64x32xf32>
    %mul3A_284 = arith.mulf %slice3A_281, %mul3A_283 : vector<64x32xf32>
    %slice3A_285 = vector.extract_strided_slice %get3A_17 {offsets = [0, 32], sizes = [64, 32], strides = [1, 1]} : vector<64x256xf32> to vector<64x32xf32>
    %slice3A_286 = vector.extract_strided_slice %get3A_20 {offsets = [6, 1], sizes = [1, 1], strides = [1, 1]} : vector<16x8xf32> to vector<1x1xf32>
    %mul3A_287 = vector.broadcast %slice3A_286 : vector<1x1xf32> to vector<64x32xf32>
    %mul3A_288 = arith.mulf %slice3A_285, %mul3A_287 : vector<64x32xf32>
    %add3A_289 = arith.addf %mul3A_284, %mul3A_288 : vector<64x32xf32>
    %slice3A_290 = vector.extract_strided_slice %get3A_17 {offsets = [0, 64], sizes = [64, 32], strides = [1, 1]} : vector<64x256xf32> to vector<64x32xf32>
    %slice3A_291 = vector.extract_strided_slice %get3A_20 {offsets = [6, 2], sizes = [1, 1], strides = [1, 1]} : vector<16x8xf32> to vector<1x1xf32>
    %mul3A_292 = vector.broadcast %slice3A_291 : vector<1x1xf32> to vector<64x32xf32>
    %mul3A_293 = arith.mulf %slice3A_290, %mul3A_292 : vector<64x32xf32>
    %add3A_294 = arith.addf %add3A_289, %mul3A_293 : vector<64x32xf32>
    %slice3A_295 = vector.extract_strided_slice %get3A_17 {offsets = [0, 96], sizes = [64, 32], strides = [1, 1]} : vector<64x256xf32> to vector<64x32xf32>
    %slice3A_296 = vector.extract_strided_slice %get3A_20 {offsets = [6, 3], sizes = [1, 1], strides = [1, 1]} : vector<16x8xf32> to vector<1x1xf32>
    %mul3A_297 = vector.broadcast %slice3A_296 : vector<1x1xf32> to vector<64x32xf32>
    %mul3A_298 = arith.mulf %slice3A_295, %mul3A_297 : vector<64x32xf32>
    %add3A_299 = arith.addf %add3A_294, %mul3A_298 : vector<64x32xf32>
    %slice3A_300 = vector.extract_strided_slice %get3A_17 {offsets = [0, 128], sizes = [64, 32], strides = [1, 1]} : vector<64x256xf32> to vector<64x32xf32>
    %slice3A_301 = vector.extract_strided_slice %get3A_20 {offsets = [6, 4], sizes = [1, 1], strides = [1, 1]} : vector<16x8xf32> to vector<1x1xf32>
    %mul3A_302 = vector.broadcast %slice3A_301 : vector<1x1xf32> to vector<64x32xf32>
    %mul3A_303 = arith.mulf %slice3A_300, %mul3A_302 : vector<64x32xf32>
    %add3A_304 = arith.addf %add3A_299, %mul3A_303 : vector<64x32xf32>
    %slice3A_305 = vector.extract_strided_slice %get3A_17 {offsets = [0, 160], sizes = [64, 32], strides = [1, 1]} : vector<64x256xf32> to vector<64x32xf32>
    %slice3A_306 = vector.extract_strided_slice %get3A_20 {offsets = [6, 5], sizes = [1, 1], strides = [1, 1]} : vector<16x8xf32> to vector<1x1xf32>
    %mul3A_307 = vector.broadcast %slice3A_306 : vector<1x1xf32> to vector<64x32xf32>
    %mul3A_308 = arith.mulf %slice3A_305, %mul3A_307 : vector<64x32xf32>
    %add3A_309 = arith.addf %add3A_304, %mul3A_308 : vector<64x32xf32>
    %slice3A_310 = vector.extract_strided_slice %get3A_17 {offsets = [0, 192], sizes = [64, 32], strides = [1, 1]} : vector<64x256xf32> to vector<64x32xf32>
    %slice3A_311 = vector.extract_strided_slice %get3A_20 {offsets = [6, 6], sizes = [1, 1], strides = [1, 1]} : vector<16x8xf32> to vector<1x1xf32>
    %mul3A_312 = vector.broadcast %slice3A_311 : vector<1x1xf32> to vector<64x32xf32>
    %mul3A_313 = arith.mulf %slice3A_310, %mul3A_312 : vector<64x32xf32>
    %add3A_314 = arith.addf %add3A_309, %mul3A_313 : vector<64x32xf32>
    %slice3A_315 = vector.extract_strided_slice %get3A_17 {offsets = [0, 224], sizes = [64, 32], strides = [1, 1]} : vector<64x256xf32> to vector<64x32xf32>
    %slice3A_316 = vector.extract_strided_slice %get3A_20 {offsets = [6, 7], sizes = [1, 1], strides = [1, 1]} : vector<16x8xf32> to vector<1x1xf32>
    %mul3A_317 = vector.broadcast %slice3A_316 : vector<1x1xf32> to vector<64x32xf32>
    %mul3A_318 = arith.mulf %slice3A_315, %mul3A_317 : vector<64x32xf32>
    %add3A_319 = arith.addf %add3A_314, %mul3A_318 : vector<64x32xf32>
    %dot_general3A_320 = arith.constant dense<0.000000e+00> : vector<1000x32xf32>
    %dot_general3A_321 = tpu.matmul %max3A_14, %add3A_319, %dot_general3A_320 {dimension_numbers = #tpu.dot_dimension_numbers<[1], [0], [0], [1], [0, 0, 1, 1], [], []>, transpose_lhs_hint = false} : vector<1000x64xf32>, vector<64x32xf32>, vector<1000x32xf32> -> vector<1000x32xf32>
    %swap3A_322 = arith.constant 0 : index
    %swap3A_323 = arith.constant 192 : index
    %swap3A_324 = vector.load %arg7[%swap3A_322, %swap3A_323] : memref<1000x512xf32, #tpu.memory_space<vmem>>, vector<1000x32xf32>
    tpu.vector_store %arg7[%swap3A_322, %swap3A_323], %dot_general3A_321 {strides = array<i32>} : memref<1000x512xf32, #tpu.memory_space<vmem>>, vector<1000x32xf32>,
    %slice3A_325 = vector.extract_strided_slice %get3A_17 {offsets = [0, 0], sizes = [64, 32], strides = [1, 1]} : vector<64x256xf32> to vector<64x32xf32>
    %slice3A_326 = vector.extract_strided_slice %get3A_20 {offsets = [7, 0], sizes = [1, 1], strides = [1, 1]} : vector<16x8xf32> to vector<1x1xf32>
    %mul3A_327 = vector.broadcast %slice3A_326 : vector<1x1xf32> to vector<64x32xf32>
    %mul3A_328 = arith.mulf %slice3A_325, %mul3A_327 : vector<64x32xf32>
    %slice3A_329 = vector.extract_strided_slice %get3A_17 {offsets = [0, 32], sizes = [64, 32], strides = [1, 1]} : vector<64x256xf32> to vector<64x32xf32>
    %slice3A_330 = vector.extract_strided_slice %get3A_20 {offsets = [7, 1], sizes = [1, 1], strides = [1, 1]} : vector<16x8xf32> to vector<1x1xf32>
    %mul3A_331 = vector.broadcast %slice3A_330 : vector<1x1xf32> to vector<64x32xf32>
    %mul3A_332 = arith.mulf %slice3A_329, %mul3A_331 : vector<64x32xf32>
    %add3A_333 = arith.addf %mul3A_328, %mul3A_332 : vector<64x32xf32>
    %slice3A_334 = vector.extract_strided_slice %get3A_17 {offsets = [0, 64], sizes = [64, 32], strides = [1, 1]} : vector<64x256xf32> to vector<64x32xf32>
    %slice3A_335 = vector.extract_strided_slice %get3A_20 {offsets = [7, 2], sizes = [1, 1], strides = [1, 1]} : vector<16x8xf32> to vector<1x1xf32>
    %mul3A_336 = vector.broadcast %slice3A_335 : vector<1x1xf32> to vector<64x32xf32>
    %mul3A_337 = arith.mulf %slice3A_334, %mul3A_336 : vector<64x32xf32>
    %add3A_338 = arith.addf %add3A_333, %mul3A_337 : vector<64x32xf32>
    %slice3A_339 = vector.extract_strided_slice %get3A_17 {offsets = [0, 96], sizes = [64, 32], strides = [1, 1]} : vector<64x256xf32> to vector<64x32xf32>
    %slice3A_340 = vector.extract_strided_slice %get3A_20 {offsets = [7, 3], sizes = [1, 1], strides = [1, 1]} : vector<16x8xf32> to vector<1x1xf32>
    %mul3A_341 = vector.broadcast %slice3A_340 : vector<1x1xf32> to vector<64x32xf32>
    %mul3A_342 = arith.mulf %slice3A_339, %mul3A_341 : vector<64x32xf32>
    %add3A_343 = arith.addf %add3A_338, %mul3A_342 : vector<64x32xf32>
    %slice3A_344 = vector.extract_strided_slice %get3A_17 {offsets = [0, 128], sizes = [64, 32], strides = [1, 1]} : vector<64x256xf32> to vector<64x32xf32>
    %slice3A_345 = vector.extract_strided_slice %get3A_20 {offsets = [7, 4], sizes = [1, 1], strides = [1, 1]} : vector<16x8xf32> to vector<1x1xf32>
    %mul3A_346 = vector.broadcast %slice3A_345 : vector<1x1xf32> to vector<64x32xf32>
    %mul3A_347 = arith.mulf %slice3A_344, %mul3A_346 : vector<64x32xf32>
    %add3A_348 = arith.addf %add3A_343, %mul3A_347 : vector<64x32xf32>
    %slice3A_349 = vector.extract_strided_slice %get3A_17 {offsets = [0, 160], sizes = [64, 32], strides = [1, 1]} : vector<64x256xf32> to vector<64x32xf32>
    %slice3A_350 = vector.extract_strided_slice %get3A_20 {offsets = [7, 5], sizes = [1, 1], strides = [1, 1]} : vector<16x8xf32> to vector<1x1xf32>
    %mul3A_351 = vector.broadcast %slice3A_350 : vector<1x1xf32> to vector<64x32xf32>
    %mul3A_352 = arith.mulf %slice3A_349, %mul3A_351 : vector<64x32xf32>
    %add3A_353 = arith.addf %add3A_348, %mul3A_352 : vector<64x32xf32>
    %slice3A_354 = vector.extract_strided_slice %get3A_17 {offsets = [0, 192], sizes = [64, 32], strides = [1, 1]} : vector<64x256xf32> to vector<64x32xf32>
    %slice3A_355 = vector.extract_strided_slice %get3A_20 {offsets = [7, 6], sizes = [1, 1], strides = [1, 1]} : vector<16x8xf32> to vector<1x1xf32>
    %mul3A_356 = vector.broadcast %slice3A_355 : vector<1x1xf32> to vector<64x32xf32>
    %mul3A_357 = arith.mulf %slice3A_354, %mul3A_356 : vector<64x32xf32>
    %add3A_358 = arith.addf %add3A_353, %mul3A_357 : vector<64x32xf32>
    %slice3A_359 = vector.extract_strided_slice %get3A_17 {offsets = [0, 224], sizes = [64, 32], strides = [1, 1]} : vector<64x256xf32> to vector<64x32xf32>
    %slice3A_360 = vector.extract_strided_slice %get3A_20 {offsets = [7, 7], sizes = [1, 1], strides = [1, 1]} : vector<16x8xf32> to vector<1x1xf32>
    %mul3A_361 = vector.broadcast %slice3A_360 : vector<1x1xf32> to vector<64x32xf32>
    %mul3A_362 = arith.mulf %slice3A_359, %mul3A_361 : vector<64x32xf32>
    %add3A_363 = arith.addf %add3A_358, %mul3A_362 : vector<64x32xf32>
    %dot_general3A_364 = arith.constant dense<0.000000e+00> : vector<1000x32xf32>
    %dot_general3A_365 = tpu.matmul %max3A_14, %add3A_363, %dot_general3A_364 {dimension_numbers = #tpu.dot_dimension_numbers<[1], [0], [0], [1], [0, 0, 1, 1], [], []>, transpose_lhs_hint = false} : vector<1000x64xf32>, vector<64x32xf32>, vector<1000x32xf32> -> vector<1000x32xf32>
    %swap3A_366 = arith.constant 0 : index
    %swap3A_367 = arith.constant 224 : index
    %swap3A_368 = vector.load %arg7[%swap3A_366, %swap3A_367] : memref<1000x512xf32, #tpu.memory_space<vmem>>, vector<1000x32xf32>
    tpu.vector_store %arg7[%swap3A_366, %swap3A_367], %dot_general3A_365 {strides = array<i32>} : memref<1000x512xf32, #tpu.memory_space<vmem>>, vector<1000x32xf32>,
    %slice3A_369 = vector.extract_strided_slice %get3A_17 {offsets = [0, 0], sizes = [64, 32], strides = [1, 1]} : vector<64x256xf32> to vector<64x32xf32>
    %slice3A_370 = vector.extract_strided_slice %get3A_20 {offsets = [8, 0], sizes = [1, 1], strides = [1, 1]} : vector<16x8xf32> to vector<1x1xf32>
    %mul3A_371 = vector.broadcast %slice3A_370 : vector<1x1xf32> to vector<64x32xf32>
    %mul3A_372 = arith.mulf %slice3A_369, %mul3A_371 : vector<64x32xf32>
    %slice3A_373 = vector.extract_strided_slice %get3A_17 {offsets = [0, 32], sizes = [64, 32], strides = [1, 1]} : vector<64x256xf32> to vector<64x32xf32>
    %slice3A_374 = vector.extract_strided_slice %get3A_20 {offsets = [8, 1], sizes = [1, 1], strides = [1, 1]} : vector<16x8xf32> to vector<1x1xf32>
    %mul3A_375 = vector.broadcast %slice3A_374 : vector<1x1xf32> to vector<64x32xf32>
    %mul3A_376 = arith.mulf %slice3A_373, %mul3A_375 : vector<64x32xf32>
    %add3A_377 = arith.addf %mul3A_372, %mul3A_376 : vector<64x32xf32>
    %slice3A_378 = vector.extract_strided_slice %get3A_17 {offsets = [0, 64], sizes = [64, 32], strides = [1, 1]} : vector<64x256xf32> to vector<64x32xf32>
    %slice3A_379 = vector.extract_strided_slice %get3A_20 {offsets = [8, 2], sizes = [1, 1], strides = [1, 1]} : vector<16x8xf32> to vector<1x1xf32>
    %mul3A_380 = vector.broadcast %slice3A_379 : vector<1x1xf32> to vector<64x32xf32>
    %mul3A_381 = arith.mulf %slice3A_378, %mul3A_380 : vector<64x32xf32>
    %add3A_382 = arith.addf %add3A_377, %mul3A_381 : vector<64x32xf32>
    %slice3A_383 = vector.extract_strided_slice %get3A_17 {offsets = [0, 96], sizes = [64, 32], strides = [1, 1]} : vector<64x256xf32> to vector<64x32xf32>
    %slice3A_384 = vector.extract_strided_slice %get3A_20 {offsets = [8, 3], sizes = [1, 1], strides = [1, 1]} : vector<16x8xf32> to vector<1x1xf32>
    %mul3A_385 = vector.broadcast %slice3A_384 : vector<1x1xf32> to vector<64x32xf32>
    %mul3A_386 = arith.mulf %slice3A_383, %mul3A_385 : vector<64x32xf32>
    %add3A_387 = arith.addf %add3A_382, %mul3A_386 : vector<64x32xf32>
    %slice3A_388 = vector.extract_strided_slice %get3A_17 {offsets = [0, 128], sizes = [64, 32], strides = [1, 1]} : vector<64x256xf32> to vector<64x32xf32>
    %slice3A_389 = vector.extract_strided_slice %get3A_20 {offsets = [8, 4], sizes = [1, 1], strides = [1, 1]} : vector<16x8xf32> to vector<1x1xf32>
    %mul3A_390 = vector.broadcast %slice3A_389 : vector<1x1xf32> to vector<64x32xf32>
    %mul3A_391 = arith.mulf %slice3A_388, %mul3A_390 : vector<64x32xf32>
    %add3A_392 = arith.addf %add3A_387, %mul3A_391 : vector<64x32xf32>
    %slice3A_393 = vector.extract_strided_slice %get3A_17 {offsets = [0, 160], sizes = [64, 32], strides = [1, 1]} : vector<64x256xf32> to vector<64x32xf32>
    %slice3A_394 = vector.extract_strided_slice %get3A_20 {offsets = [8, 5], sizes = [1, 1], strides = [1, 1]} : vector<16x8xf32> to vector<1x1xf32>
    %mul3A_395 = vector.broadcast %slice3A_394 : vector<1x1xf32> to vector<64x32xf32>
    %mul3A_396 = arith.mulf %slice3A_393, %mul3A_395 : vector<64x32xf32>
    %add3A_397 = arith.addf %add3A_392, %mul3A_396 : vector<64x32xf32>
    %slice3A_398 = vector.extract_strided_slice %get3A_17 {offsets = [0, 192], sizes = [64, 32], strides = [1, 1]} : vector<64x256xf32> to vector<64x32xf32>
    %slice3A_399 = vector.extract_strided_slice %get3A_20 {offsets = [8, 6], sizes = [1, 1], strides = [1, 1]} : vector<16x8xf32> to vector<1x1xf32>
    %mul3A_400 = vector.broadcast %slice3A_399 : vector<1x1xf32> to vector<64x32xf32>
    %mul3A_401 = arith.mulf %slice3A_398, %mul3A_400 : vector<64x32xf32>
    %add3A_402 = arith.addf %add3A_397, %mul3A_401 : vector<64x32xf32>
    %slice3A_403 = vector.extract_strided_slice %get3A_17 {offsets = [0, 224], sizes = [64, 32], strides = [1, 1]} : vector<64x256xf32> to vector<64x32xf32>
    %slice3A_404 = vector.extract_strided_slice %get3A_20 {offsets = [8, 7], sizes = [1, 1], strides = [1, 1]} : vector<16x8xf32> to vector<1x1xf32>
    %mul3A_405 = vector.broadcast %slice3A_404 : vector<1x1xf32> to vector<64x32xf32>
    %mul3A_406 = arith.mulf %slice3A_403, %mul3A_405 : vector<64x32xf32>
    %add3A_407 = arith.addf %add3A_402, %mul3A_406 : vector<64x32xf32>
    %dot_general3A_408 = arith.constant dense<0.000000e+00> : vector<1000x32xf32>
    %dot_general3A_409 = tpu.matmul %max3A_14, %add3A_407, %dot_general3A_408 {dimension_numbers = #tpu.dot_dimension_numbers<[1], [0], [0], [1], [0, 0, 1, 1], [], []>, transpose_lhs_hint = false} : vector<1000x64xf32>, vector<64x32xf32>, vector<1000x32xf32> -> vector<1000x32xf32>
    %swap3A_410 = arith.constant 0 : index
    %swap3A_411 = arith.constant 256 : index
    %swap3A_412 = vector.load %arg7[%swap3A_410, %swap3A_411] : memref<1000x512xf32, #tpu.memory_space<vmem>>, vector<1000x32xf32>
    tpu.vector_store %arg7[%swap3A_410, %swap3A_411], %dot_general3A_409 {strides = array<i32>} : memref<1000x512xf32, #tpu.memory_space<vmem>>, vector<1000x32xf32>,
    %slice3A_413 = vector.extract_strided_slice %get3A_17 {offsets = [0, 0], sizes = [64, 32], strides = [1, 1]} : vector<64x256xf32> to vector<64x32xf32>
    %slice3A_414 = vector.extract_strided_slice %get3A_20 {offsets = [9, 0], sizes = [1, 1], strides = [1, 1]} : vector<16x8xf32> to vector<1x1xf32>
    %mul3A_415 = vector.broadcast %slice3A_414 : vector<1x1xf32> to vector<64x32xf32>
    %mul3A_416 = arith.mulf %slice3A_413, %mul3A_415 : vector<64x32xf32>
    %slice3A_417 = vector.extract_strided_slice %get3A_17 {offsets = [0, 32], sizes = [64, 32], strides = [1, 1]} : vector<64x256xf32> to vector<64x32xf32>
    %slice3A_418 = vector.extract_strided_slice %get3A_20 {offsets = [9, 1], sizes = [1, 1], strides = [1, 1]} : vector<16x8xf32> to vector<1x1xf32>
    %mul3A_419 = vector.broadcast %slice3A_418 : vector<1x1xf32> to vector<64x32xf32>
    %mul3A_420 = arith.mulf %slice3A_417, %mul3A_419 : vector<64x32xf32>
    %add3A_421 = arith.addf %mul3A_416, %mul3A_420 : vector<64x32xf32>
    %slice3A_422 = vector.extract_strided_slice %get3A_17 {offsets = [0, 64], sizes = [64, 32], strides = [1, 1]} : vector<64x256xf32> to vector<64x32xf32>
    %slice3A_423 = vector.extract_strided_slice %get3A_20 {offsets = [9, 2], sizes = [1, 1], strides = [1, 1]} : vector<16x8xf32> to vector<1x1xf32>
    %mul3A_424 = vector.broadcast %slice3A_423 : vector<1x1xf32> to vector<64x32xf32>
    %mul3A_425 = arith.mulf %slice3A_422, %mul3A_424 : vector<64x32xf32>
    %add3A_426 = arith.addf %add3A_421, %mul3A_425 : vector<64x32xf32>
    %slice3A_427 = vector.extract_strided_slice %get3A_17 {offsets = [0, 96], sizes = [64, 32], strides = [1, 1]} : vector<64x256xf32> to vector<64x32xf32>
    %slice3A_428 = vector.extract_strided_slice %get3A_20 {offsets = [9, 3], sizes = [1, 1], strides = [1, 1]} : vector<16x8xf32> to vector<1x1xf32>
    %mul3A_429 = vector.broadcast %slice3A_428 : vector<1x1xf32> to vector<64x32xf32>
    %mul3A_430 = arith.mulf %slice3A_427, %mul3A_429 : vector<64x32xf32>
    %add3A_431 = arith.addf %add3A_426, %mul3A_430 : vector<64x32xf32>
    %slice3A_432 = vector.extract_strided_slice %get3A_17 {offsets = [0, 128], sizes = [64, 32], strides = [1, 1]} : vector<64x256xf32> to vector<64x32xf32>
    %slice3A_433 = vector.extract_strided_slice %get3A_20 {offsets = [9, 4], sizes = [1, 1], strides = [1, 1]} : vector<16x8xf32> to vector<1x1xf32>
    %mul3A_434 = vector.broadcast %slice3A_433 : vector<1x1xf32> to vector<64x32xf32>
    %mul3A_435 = arith.mulf %slice3A_432, %mul3A_434 : vector<64x32xf32>
    %add3A_436 = arith.addf %add3A_431, %mul3A_435 : vector<64x32xf32>
    %slice3A_437 = vector.extract_strided_slice %get3A_17 {offsets = [0, 160], sizes = [64, 32], strides = [1, 1]} : vector<64x256xf32> to vector<64x32xf32>
    %slice3A_438 = vector.extract_strided_slice %get3A_20 {offsets = [9, 5], sizes = [1, 1], strides = [1, 1]} : vector<16x8xf32> to vector<1x1xf32>
    %mul3A_439 = vector.broadcast %slice3A_438 : vector<1x1xf32> to vector<64x32xf32>
    %mul3A_440 = arith.mulf %slice3A_437, %mul3A_439 : vector<64x32xf32>
    %add3A_441 = arith.addf %add3A_436, %mul3A_440 : vector<64x32xf32>
    %slice3A_442 = vector.extract_strided_slice %get3A_17 {offsets = [0, 192], sizes = [64, 32], strides = [1, 1]} : vector<64x256xf32> to vector<64x32xf32>
    %slice3A_443 = vector.extract_strided_slice %get3A_20 {offsets = [9, 6], sizes = [1, 1], strides = [1, 1]} : vector<16x8xf32> to vector<1x1xf32>
    %mul3A_444 = vector.broadcast %slice3A_443 : vector<1x1xf32> to vector<64x32xf32>
    %mul3A_445 = arith.mulf %slice3A_442, %mul3A_444 : vector<64x32xf32>
    %add3A_446 = arith.addf %add3A_441, %mul3A_445 : vector<64x32xf32>
    %slice3A_447 = vector.extract_strided_slice %get3A_17 {offsets = [0, 224], sizes = [64, 32], strides = [1, 1]} : vector<64x256xf32> to vector<64x32xf32>
    %slice3A_448 = vector.extract_strided_slice %get3A_20 {offsets = [9, 7], sizes = [1, 1], strides = [1, 1]} : vector<16x8xf32> to vector<1x1xf32>
    %mul3A_449 = vector.broadcast %slice3A_448 : vector<1x1xf32> to vector<64x32xf32>
    %mul3A_450 = arith.mulf %slice3A_447, %mul3A_449 : vector<64x32xf32>
    %add3A_451 = arith.addf %add3A_446, %mul3A_450 : vector<64x32xf32>
    %dot_general3A_452 = arith.constant dense<0.000000e+00> : vector<1000x32xf32>
    %dot_general3A_453 = tpu.matmul %max3A_14, %add3A_451, %dot_general3A_452 {dimension_numbers = #tpu.dot_dimension_numbers<[1], [0], [0], [1], [0, 0, 1, 1], [], []>, transpose_lhs_hint = false} : vector<1000x64xf32>, vector<64x32xf32>, vector<1000x32xf32> -> vector<1000x32xf32>
    %swap3A_454 = arith.constant 0 : index
    %swap3A_455 = arith.constant 288 : index
    %swap3A_456 = vector.load %arg7[%swap3A_454, %swap3A_455] : memref<1000x512xf32, #tpu.memory_space<vmem>>, vector<1000x32xf32>
    tpu.vector_store %arg7[%swap3A_454, %swap3A_455], %dot_general3A_453 {strides = array<i32>} : memref<1000x512xf32, #tpu.memory_space<vmem>>, vector<1000x32xf32>,
    %slice3A_457 = vector.extract_strided_slice %get3A_17 {offsets = [0, 0], sizes = [64, 32], strides = [1, 1]} : vector<64x256xf32> to vector<64x32xf32>
    %slice3A_458 = vector.extract_strided_slice %get3A_20 {offsets = [10, 0], sizes = [1, 1], strides = [1, 1]} : vector<16x8xf32> to vector<1x1xf32>
    %mul3A_459 = vector.broadcast %slice3A_458 : vector<1x1xf32> to vector<64x32xf32>
    %mul3A_460 = arith.mulf %slice3A_457, %mul3A_459 : vector<64x32xf32>
    %slice3A_461 = vector.extract_strided_slice %get3A_17 {offsets = [0, 32], sizes = [64, 32], strides = [1, 1]} : vector<64x256xf32> to vector<64x32xf32>
    %slice3A_462 = vector.extract_strided_slice %get3A_20 {offsets = [10, 1], sizes = [1, 1], strides = [1, 1]} : vector<16x8xf32> to vector<1x1xf32>
    %mul3A_463 = vector.broadcast %slice3A_462 : vector<1x1xf32> to vector<64x32xf32>
    %mul3A_464 = arith.mulf %slice3A_461, %mul3A_463 : vector<64x32xf32>
    %add3A_465 = arith.addf %mul3A_460, %mul3A_464 : vector<64x32xf32>
    %slice3A_466 = vector.extract_strided_slice %get3A_17 {offsets = [0, 64], sizes = [64, 32], strides = [1, 1]} : vector<64x256xf32> to vector<64x32xf32>
    %slice3A_467 = vector.extract_strided_slice %get3A_20 {offsets = [10, 2], sizes = [1, 1], strides = [1, 1]} : vector<16x8xf32> to vector<1x1xf32>
    %mul3A_468 = vector.broadcast %slice3A_467 : vector<1x1xf32> to vector<64x32xf32>
    %mul3A_469 = arith.mulf %slice3A_466, %mul3A_468 : vector<64x32xf32>
    %add3A_470 = arith.addf %add3A_465, %mul3A_469 : vector<64x32xf32>
    %slice3A_471 = vector.extract_strided_slice %get3A_17 {offsets = [0, 96], sizes = [64, 32], strides = [1, 1]} : vector<64x256xf32> to vector<64x32xf32>
    %slice3A_472 = vector.extract_strided_slice %get3A_20 {offsets = [10, 3], sizes = [1, 1], strides = [1, 1]} : vector<16x8xf32> to vector<1x1xf32>
    %mul3A_473 = vector.broadcast %slice3A_472 : vector<1x1xf32> to vector<64x32xf32>
    %mul3A_474 = arith.mulf %slice3A_471, %mul3A_473 : vector<64x32xf32>
    %add3A_475 = arith.addf %add3A_470, %mul3A_474 : vector<64x32xf32>
    %slice3A_476 = vector.extract_strided_slice %get3A_17 {offsets = [0, 128], sizes = [64, 32], strides = [1, 1]} : vector<64x256xf32> to vector<64x32xf32>
    %slice3A_477 = vector.extract_strided_slice %get3A_20 {offsets = [10, 4], sizes = [1, 1], strides = [1, 1]} : vector<16x8xf32> to vector<1x1xf32>
    %mul3A_478 = vector.broadcast %slice3A_477 : vector<1x1xf32> to vector<64x32xf32>
    %mul3A_479 = arith.mulf %slice3A_476, %mul3A_478 : vector<64x32xf32>
    %add3A_480 = arith.addf %add3A_475, %mul3A_479 : vector<64x32xf32>
    %slice3A_481 = vector.extract_strided_slice %get3A_17 {offsets = [0, 160], sizes = [64, 32], strides = [1, 1]} : vector<64x256xf32> to vector<64x32xf32>
    %slice3A_482 = vector.extract_strided_slice %get3A_20 {offsets = [10, 5], sizes = [1, 1], strides = [1, 1]} : vector<16x8xf32> to vector<1x1xf32>
    %mul3A_483 = vector.broadcast %slice3A_482 : vector<1x1xf32> to vector<64x32xf32>
    %mul3A_484 = arith.mulf %slice3A_481, %mul3A_483 : vector<64x32xf32>
    %add3A_485 = arith.addf %add3A_480, %mul3A_484 : vector<64x32xf32>
    %slice3A_486 = vector.extract_strided_slice %get3A_17 {offsets = [0, 192], sizes = [64, 32], strides = [1, 1]} : vector<64x256xf32> to vector<64x32xf32>
    %slice3A_487 = vector.extract_strided_slice %get3A_20 {offsets = [10, 6], sizes = [1, 1], strides = [1, 1]} : vector<16x8xf32> to vector<1x1xf32>
    %mul3A_488 = vector.broadcast %slice3A_487 : vector<1x1xf32> to vector<64x32xf32>
    %mul3A_489 = arith.mulf %slice3A_486, %mul3A_488 : vector<64x32xf32>
    %add3A_490 = arith.addf %add3A_485, %mul3A_489 : vector<64x32xf32>
    %slice3A_491 = vector.extract_strided_slice %get3A_17 {offsets = [0, 224], sizes = [64, 32], strides = [1, 1]} : vector<64x256xf32> to vector<64x32xf32>
    %slice3A_492 = vector.extract_strided_slice %get3A_20 {offsets = [10, 7], sizes = [1, 1], strides = [1, 1]} : vector<16x8xf32> to vector<1x1xf32>
    %mul3A_493 = vector.broadcast %slice3A_492 : vector<1x1xf32> to vector<64x32xf32>
    %mul3A_494 = arith.mulf %slice3A_491, %mul3A_493 : vector<64x32xf32>
    %add3A_495 = arith.addf %add3A_490, %mul3A_494 : vector<64x32xf32>
    %dot_general3A_496 = arith.constant dense<0.000000e+00> : vector<1000x32xf32>
    %dot_general3A_497 = tpu.matmul %max3A_14, %add3A_495, %dot_general3A_496 {dimension_numbers = #tpu.dot_dimension_numbers<[1], [0], [0], [1], [0, 0, 1, 1], [], []>, transpose_lhs_hint = false} : vector<1000x64xf32>, vector<64x32xf32>, vector<1000x32xf32> -> vector<1000x32xf32>
    %swap3A_498 = arith.constant 0 : index
    %swap3A_499 = arith.constant 320 : index
    %swap3A_500 = vector.load %arg7[%swap3A_498, %swap3A_499] : memref<1000x512xf32, #tpu.memory_space<vmem>>, vector<1000x32xf32>
    tpu.vector_store %arg7[%swap3A_498, %swap3A_499], %dot_general3A_497 {strides = array<i32>} : memref<1000x512xf32, #tpu.memory_space<vmem>>, vector<1000x32xf32>,
    %slice3A_501 = vector.extract_strided_slice %get3A_17 {offsets = [0, 0], sizes = [64, 32], strides = [1, 1]} : vector<64x256xf32> to vector<64x32xf32>
    %slice3A_502 = vector.extract_strided_slice %get3A_20 {offsets = [11, 0], sizes = [1, 1], strides = [1, 1]} : vector<16x8xf32> to vector<1x1xf32>
    %mul3A_503 = vector.broadcast %slice3A_502 : vector<1x1xf32> to vector<64x32xf32>
    %mul3A_504 = arith.mulf %slice3A_501, %mul3A_503 : vector<64x32xf32>
    %slice3A_505 = vector.extract_strided_slice %get3A_17 {offsets = [0, 32], sizes = [64, 32], strides = [1, 1]} : vector<64x256xf32> to vector<64x32xf32>
    %slice3A_506 = vector.extract_strided_slice %get3A_20 {offsets = [11, 1], sizes = [1, 1], strides = [1, 1]} : vector<16x8xf32> to vector<1x1xf32>
    %mul3A_507 = vector.broadcast %slice3A_506 : vector<1x1xf32> to vector<64x32xf32>
    %mul3A_508 = arith.mulf %slice3A_505, %mul3A_507 : vector<64x32xf32>
    %add3A_509 = arith.addf %mul3A_504, %mul3A_508 : vector<64x32xf32>
    %slice3A_510 = vector.extract_strided_slice %get3A_17 {offsets = [0, 64], sizes = [64, 32], strides = [1, 1]} : vector<64x256xf32> to vector<64x32xf32>
    %slice3A_511 = vector.extract_strided_slice %get3A_20 {offsets = [11, 2], sizes = [1, 1], strides = [1, 1]} : vector<16x8xf32> to vector<1x1xf32>
    %mul3A_512 = vector.broadcast %slice3A_511 : vector<1x1xf32> to vector<64x32xf32>
    %mul3A_513 = arith.mulf %slice3A_510, %mul3A_512 : vector<64x32xf32>
    %add3A_514 = arith.addf %add3A_509, %mul3A_513 : vector<64x32xf32>
    %slice3A_515 = vector.extract_strided_slice %get3A_17 {offsets = [0, 96], sizes = [64, 32], strides = [1, 1]} : vector<64x256xf32> to vector<64x32xf32>
    %slice3A_516 = vector.extract_strided_slice %get3A_20 {offsets = [11, 3], sizes = [1, 1], strides = [1, 1]} : vector<16x8xf32> to vector<1x1xf32>
    %mul3A_517 = vector.broadcast %slice3A_516 : vector<1x1xf32> to vector<64x32xf32>
    %mul3A_518 = arith.mulf %slice3A_515, %mul3A_517 : vector<64x32xf32>
    %add3A_519 = arith.addf %add3A_514, %mul3A_518 : vector<64x32xf32>
    %slice3A_520 = vector.extract_strided_slice %get3A_17 {offsets = [0, 128], sizes = [64, 32], strides = [1, 1]} : vector<64x256xf32> to vector<64x32xf32>
    %slice3A_521 = vector.extract_strided_slice %get3A_20 {offsets = [11, 4], sizes = [1, 1], strides = [1, 1]} : vector<16x8xf32> to vector<1x1xf32>
    %mul3A_522 = vector.broadcast %slice3A_521 : vector<1x1xf32> to vector<64x32xf32>
    %mul3A_523 = arith.mulf %slice3A_520, %mul3A_522 : vector<64x32xf32>
    %add3A_524 = arith.addf %add3A_519, %mul3A_523 : vector<64x32xf32>
    %slice3A_525 = vector.extract_strided_slice %get3A_17 {offsets = [0, 160], sizes = [64, 32], strides = [1, 1]} : vector<64x256xf32> to vector<64x32xf32>
    %slice3A_526 = vector.extract_strided_slice %get3A_20 {offsets = [11, 5], sizes = [1, 1], strides = [1, 1]} : vector<16x8xf32> to vector<1x1xf32>
    %mul3A_527 = vector.broadcast %slice3A_526 : vector<1x1xf32> to vector<64x32xf32>
    %mul3A_528 = arith.mulf %slice3A_525, %mul3A_527 : vector<64x32xf32>
    %add3A_529 = arith.addf %add3A_524, %mul3A_528 : vector<64x32xf32>
    %slice3A_530 = vector.extract_strided_slice %get3A_17 {offsets = [0, 192], sizes = [64, 32], strides = [1, 1]} : vector<64x256xf32> to vector<64x32xf32>
    %slice3A_531 = vector.extract_strided_slice %get3A_20 {offsets = [11, 6], sizes = [1, 1], strides = [1, 1]} : vector<16x8xf32> to vector<1x1xf32>
    %mul3A_532 = vector.broadcast %slice3A_531 : vector<1x1xf32> to vector<64x32xf32>
    %mul3A_533 = arith.mulf %slice3A_530, %mul3A_532 : vector<64x32xf32>
    %add3A_534 = arith.addf %add3A_529, %mul3A_533 : vector<64x32xf32>
    %slice3A_535 = vector.extract_strided_slice %get3A_17 {offsets = [0, 224], sizes = [64, 32], strides = [1, 1]} : vector<64x256xf32> to vector<64x32xf32>
    %slice3A_536 = vector.extract_strided_slice %get3A_20 {offsets = [11, 7], sizes = [1, 1], strides = [1, 1]} : vector<16x8xf32> to vector<1x1xf32>
    %mul3A_537 = vector.broadcast %slice3A_536 : vector<1x1xf32> to vector<64x32xf32>
    %mul3A_538 = arith.mulf %slice3A_535, %mul3A_537 : vector<64x32xf32>
    %add3A_539 = arith.addf %add3A_534, %mul3A_538 : vector<64x32xf32>
    %dot_general3A_540 = arith.constant dense<0.000000e+00> : vector<1000x32xf32>
    %dot_general3A_541 = tpu.matmul %max3A_14, %add3A_539, %dot_general3A_540 {dimension_numbers = #tpu.dot_dimension_numbers<[1], [0], [0], [1], [0, 0, 1, 1], [], []>, transpose_lhs_hint = false} : vector<1000x64xf32>, vector<64x32xf32>, vector<1000x32xf32> -> vector<1000x32xf32>
    %swap3A_542 = arith.constant 0 : index
    %swap3A_543 = arith.constant 352 : index
    %swap3A_544 = vector.load %arg7[%swap3A_542, %swap3A_543] : memref<1000x512xf32, #tpu.memory_space<vmem>>, vector<1000x32xf32>
    tpu.vector_store %arg7[%swap3A_542, %swap3A_543], %dot_general3A_541 {strides = array<i32>} : memref<1000x512xf32, #tpu.memory_space<vmem>>, vector<1000x32xf32>,
    %slice3A_545 = vector.extract_strided_slice %get3A_17 {offsets = [0, 0], sizes = [64, 32], strides = [1, 1]} : vector<64x256xf32> to vector<64x32xf32>
    %slice3A_546 = vector.extract_strided_slice %get3A_20 {offsets = [12, 0], sizes = [1, 1], strides = [1, 1]} : vector<16x8xf32> to vector<1x1xf32>
    %mul3A_547 = vector.broadcast %slice3A_546 : vector<1x1xf32> to vector<64x32xf32>
    %mul3A_548 = arith.mulf %slice3A_545, %mul3A_547 : vector<64x32xf32>
    %slice3A_549 = vector.extract_strided_slice %get3A_17 {offsets = [0, 32], sizes = [64, 32], strides = [1, 1]} : vector<64x256xf32> to vector<64x32xf32>
    %slice3A_550 = vector.extract_strided_slice %get3A_20 {offsets = [12, 1], sizes = [1, 1], strides = [1, 1]} : vector<16x8xf32> to vector<1x1xf32>
    %mul3A_551 = vector.broadcast %slice3A_550 : vector<1x1xf32> to vector<64x32xf32>
    %mul3A_552 = arith.mulf %slice3A_549, %mul3A_551 : vector<64x32xf32>
    %add3A_553 = arith.addf %mul3A_548, %mul3A_552 : vector<64x32xf32>
    %slice3A_554 = vector.extract_strided_slice %get3A_17 {offsets = [0, 64], sizes = [64, 32], strides = [1, 1]} : vector<64x256xf32> to vector<64x32xf32>
    %slice3A_555 = vector.extract_strided_slice %get3A_20 {offsets = [12, 2], sizes = [1, 1], strides = [1, 1]} : vector<16x8xf32> to vector<1x1xf32>
    %mul3A_556 = vector.broadcast %slice3A_555 : vector<1x1xf32> to vector<64x32xf32>
    %mul3A_557 = arith.mulf %slice3A_554, %mul3A_556 : vector<64x32xf32>
    %add3A_558 = arith.addf %add3A_553, %mul3A_557 : vector<64x32xf32>
    %slice3A_559 = vector.extract_strided_slice %get3A_17 {offsets = [0, 96], sizes = [64, 32], strides = [1, 1]} : vector<64x256xf32> to vector<64x32xf32>
    %slice3A_560 = vector.extract_strided_slice %get3A_20 {offsets = [12, 3], sizes = [1, 1], strides = [1, 1]} : vector<16x8xf32> to vector<1x1xf32>
    %mul3A_561 = vector.broadcast %slice3A_560 : vector<1x1xf32> to vector<64x32xf32>
    %mul3A_562 = arith.mulf %slice3A_559, %mul3A_561 : vector<64x32xf32>
    %add3A_563 = arith.addf %add3A_558, %mul3A_562 : vector<64x32xf32>
    %slice3A_564 = vector.extract_strided_slice %get3A_17 {offsets = [0, 128], sizes = [64, 32], strides = [1, 1]} : vector<64x256xf32> to vector<64x32xf32>
    %slice3A_565 = vector.extract_strided_slice %get3A_20 {offsets = [12, 4], sizes = [1, 1], strides = [1, 1]} : vector<16x8xf32> to vector<1x1xf32>
    %mul3A_566 = vector.broadcast %slice3A_565 : vector<1x1xf32> to vector<64x32xf32>
    %mul3A_567 = arith.mulf %slice3A_564, %mul3A_566 : vector<64x32xf32>
    %add3A_568 = arith.addf %add3A_563, %mul3A_567 : vector<64x32xf32>
    %slice3A_569 = vector.extract_strided_slice %get3A_17 {offsets = [0, 160], sizes = [64, 32], strides = [1, 1]} : vector<64x256xf32> to vector<64x32xf32>
    %slice3A_570 = vector.extract_strided_slice %get3A_20 {offsets = [12, 5], sizes = [1, 1], strides = [1, 1]} : vector<16x8xf32> to vector<1x1xf32>
    %mul3A_571 = vector.broadcast %slice3A_570 : vector<1x1xf32> to vector<64x32xf32>
    %mul3A_572 = arith.mulf %slice3A_569, %mul3A_571 : vector<64x32xf32>
    %add3A_573 = arith.addf %add3A_568, %mul3A_572 : vector<64x32xf32>
    %slice3A_574 = vector.extract_strided_slice %get3A_17 {offsets = [0, 192], sizes = [64, 32], strides = [1, 1]} : vector<64x256xf32> to vector<64x32xf32>
    %slice3A_575 = vector.extract_strided_slice %get3A_20 {offsets = [12, 6], sizes = [1, 1], strides = [1, 1]} : vector<16x8xf32> to vector<1x1xf32>
    %mul3A_576 = vector.broadcast %slice3A_575 : vector<1x1xf32> to vector<64x32xf32>
    %mul3A_577 = arith.mulf %slice3A_574, %mul3A_576 : vector<64x32xf32>
    %add3A_578 = arith.addf %add3A_573, %mul3A_577 : vector<64x32xf32>
    %slice3A_579 = vector.extract_strided_slice %get3A_17 {offsets = [0, 224], sizes = [64, 32], strides = [1, 1]} : vector<64x256xf32> to vector<64x32xf32>
    %slice3A_580 = vector.extract_strided_slice %get3A_20 {offsets = [12, 7], sizes = [1, 1], strides = [1, 1]} : vector<16x8xf32> to vector<1x1xf32>
    %mul3A_581 = vector.broadcast %slice3A_580 : vector<1x1xf32> to vector<64x32xf32>
    %mul3A_582 = arith.mulf %slice3A_579, %mul3A_581 : vector<64x32xf32>
    %add3A_583 = arith.addf %add3A_578, %mul3A_582 : vector<64x32xf32>
    %dot_general3A_584 = arith.constant dense<0.000000e+00> : vector<1000x32xf32>
    %dot_general3A_585 = tpu.matmul %max3A_14, %add3A_583, %dot_general3A_584 {dimension_numbers = #tpu.dot_dimension_numbers<[1], [0], [0], [1], [0, 0, 1, 1], [], []>, transpose_lhs_hint = false} : vector<1000x64xf32>, vector<64x32xf32>, vector<1000x32xf32> -> vector<1000x32xf32>
    %swap3A_586 = arith.constant 0 : index
    %swap3A_587 = arith.constant 384 : index
    %swap3A_588 = vector.load %arg7[%swap3A_586, %swap3A_587] : memref<1000x512xf32, #tpu.memory_space<vmem>>, vector<1000x32xf32>
    tpu.vector_store %arg7[%swap3A_586, %swap3A_587], %dot_general3A_585 {strides = array<i32>} : memref<1000x512xf32, #tpu.memory_space<vmem>>, vector<1000x32xf32>,
    %slice3A_589 = vector.extract_strided_slice %get3A_17 {offsets = [0, 0], sizes = [64, 32], strides = [1, 1]} : vector<64x256xf32> to vector<64x32xf32>
    %slice3A_590 = vector.extract_strided_slice %get3A_20 {offsets = [13, 0], sizes = [1, 1], strides = [1, 1]} : vector<16x8xf32> to vector<1x1xf32>
    %mul3A_591 = vector.broadcast %slice3A_590 : vector<1x1xf32> to vector<64x32xf32>
    %mul3A_592 = arith.mulf %slice3A_589, %mul3A_591 : vector<64x32xf32>
    %slice3A_593 = vector.extract_strided_slice %get3A_17 {offsets = [0, 32], sizes = [64, 32], strides = [1, 1]} : vector<64x256xf32> to vector<64x32xf32>
    %slice3A_594 = vector.extract_strided_slice %get3A_20 {offsets = [13, 1], sizes = [1, 1], strides = [1, 1]} : vector<16x8xf32> to vector<1x1xf32>
    %mul3A_595 = vector.broadcast %slice3A_594 : vector<1x1xf32> to vector<64x32xf32>
    %mul3A_596 = arith.mulf %slice3A_593, %mul3A_595 : vector<64x32xf32>
    %add3A_597 = arith.addf %mul3A_592, %mul3A_596 : vector<64x32xf32>
    %slice3A_598 = vector.extract_strided_slice %get3A_17 {offsets = [0, 64], sizes = [64, 32], strides = [1, 1]} : vector<64x256xf32> to vector<64x32xf32>
    %slice3A_599 = vector.extract_strided_slice %get3A_20 {offsets = [13, 2], sizes = [1, 1], strides = [1, 1]} : vector<16x8xf32> to vector<1x1xf32>
    %mul3A_600 = vector.broadcast %slice3A_599 : vector<1x1xf32> to vector<64x32xf32>
    %mul3A_601 = arith.mulf %slice3A_598, %mul3A_600 : vector<64x32xf32>
    %add3A_602 = arith.addf %add3A_597, %mul3A_601 : vector<64x32xf32>
    %slice3A_603 = vector.extract_strided_slice %get3A_17 {offsets = [0, 96], sizes = [64, 32], strides = [1, 1]} : vector<64x256xf32> to vector<64x32xf32>
    %slice3A_604 = vector.extract_strided_slice %get3A_20 {offsets = [13, 3], sizes = [1, 1], strides = [1, 1]} : vector<16x8xf32> to vector<1x1xf32>
    %mul3A_605 = vector.broadcast %slice3A_604 : vector<1x1xf32> to vector<64x32xf32>
    %mul3A_606 = arith.mulf %slice3A_603, %mul3A_605 : vector<64x32xf32>
    %add3A_607 = arith.addf %add3A_602, %mul3A_606 : vector<64x32xf32>
    %slice3A_608 = vector.extract_strided_slice %get3A_17 {offsets = [0, 128], sizes = [64, 32], strides = [1, 1]} : vector<64x256xf32> to vector<64x32xf32>
    %slice3A_609 = vector.extract_strided_slice %get3A_20 {offsets = [13, 4], sizes = [1, 1], strides = [1, 1]} : vector<16x8xf32> to vector<1x1xf32>
    %mul3A_610 = vector.broadcast %slice3A_609 : vector<1x1xf32> to vector<64x32xf32>
    %mul3A_611 = arith.mulf %slice3A_608, %mul3A_610 : vector<64x32xf32>
    %add3A_612 = arith.addf %add3A_607, %mul3A_611 : vector<64x32xf32>
    %slice3A_613 = vector.extract_strided_slice %get3A_17 {offsets = [0, 160], sizes = [64, 32], strides = [1, 1]} : vector<64x256xf32> to vector<64x32xf32>
    %slice3A_614 = vector.extract_strided_slice %get3A_20 {offsets = [13, 5], sizes = [1, 1], strides = [1, 1]} : vector<16x8xf32> to vector<1x1xf32>
    %mul3A_615 = vector.broadcast %slice3A_614 : vector<1x1xf32> to vector<64x32xf32>
    %mul3A_616 = arith.mulf %slice3A_613, %mul3A_615 : vector<64x32xf32>
    %add3A_617 = arith.addf %add3A_612, %mul3A_616 : vector<64x32xf32>
    %slice3A_618 = vector.extract_strided_slice %get3A_17 {offsets = [0, 192], sizes = [64, 32], strides = [1, 1]} : vector<64x256xf32> to vector<64x32xf32>
    %slice3A_619 = vector.extract_strided_slice %get3A_20 {offsets = [13, 6], sizes = [1, 1], strides = [1, 1]} : vector<16x8xf32> to vector<1x1xf32>
    %mul3A_620 = vector.broadcast %slice3A_619 : vector<1x1xf32> to vector<64x32xf32>
    %mul3A_621 = arith.mulf %slice3A_618, %mul3A_620 : vector<64x32xf32>
    %add3A_622 = arith.addf %add3A_617, %mul3A_621 : vector<64x32xf32>
    %slice3A_623 = vector.extract_strided_slice %get3A_17 {offsets = [0, 224], sizes = [64, 32], strides = [1, 1]} : vector<64x256xf32> to vector<64x32xf32>
    %slice3A_624 = vector.extract_strided_slice %get3A_20 {offsets = [13, 7], sizes = [1, 1], strides = [1, 1]} : vector<16x8xf32> to vector<1x1xf32>
    %mul3A_625 = vector.broadcast %slice3A_624 : vector<1x1xf32> to vector<64x32xf32>
    %mul3A_626 = arith.mulf %slice3A_623, %mul3A_625 : vector<64x32xf32>
    %add3A_627 = arith.addf %add3A_622, %mul3A_626 : vector<64x32xf32>
    %dot_general3A_628 = arith.constant dense<0.000000e+00> : vector<1000x32xf32>
    %dot_general3A_629 = tpu.matmul %max3A_14, %add3A_627, %dot_general3A_628 {dimension_numbers = #tpu.dot_dimension_numbers<[1], [0], [0], [1], [0, 0, 1, 1], [], []>, transpose_lhs_hint = false} : vector<1000x64xf32>, vector<64x32xf32>, vector<1000x32xf32> -> vector<1000x32xf32>
    %swap3A_630 = arith.constant 0 : index
    %swap3A_631 = arith.constant 416 : index
    %swap3A_632 = vector.load %arg7[%swap3A_630, %swap3A_631] : memref<1000x512xf32, #tpu.memory_space<vmem>>, vector<1000x32xf32>
    tpu.vector_store %arg7[%swap3A_630, %swap3A_631], %dot_general3A_629 {strides = array<i32>} : memref<1000x512xf32, #tpu.memory_space<vmem>>, vector<1000x32xf32>,
    %slice3A_633 = vector.extract_strided_slice %get3A_17 {offsets = [0, 0], sizes = [64, 32], strides = [1, 1]} : vector<64x256xf32> to vector<64x32xf32>
    %slice3A_634 = vector.extract_strided_slice %get3A_20 {offsets = [14, 0], sizes = [1, 1], strides = [1, 1]} : vector<16x8xf32> to vector<1x1xf32>
    %mul3A_635 = vector.broadcast %slice3A_634 : vector<1x1xf32> to vector<64x32xf32>
    %mul3A_636 = arith.mulf %slice3A_633, %mul3A_635 : vector<64x32xf32>
    %slice3A_637 = vector.extract_strided_slice %get3A_17 {offsets = [0, 32], sizes = [64, 32], strides = [1, 1]} : vector<64x256xf32> to vector<64x32xf32>
    %slice3A_638 = vector.extract_strided_slice %get3A_20 {offsets = [14, 1], sizes = [1, 1], strides = [1, 1]} : vector<16x8xf32> to vector<1x1xf32>
    %mul3A_639 = vector.broadcast %slice3A_638 : vector<1x1xf32> to vector<64x32xf32>
    %mul3A_640 = arith.mulf %slice3A_637, %mul3A_639 : vector<64x32xf32>
    %add3A_641 = arith.addf %mul3A_636, %mul3A_640 : vector<64x32xf32>
    %slice3A_642 = vector.extract_strided_slice %get3A_17 {offsets = [0, 64], sizes = [64, 32], strides = [1, 1]} : vector<64x256xf32> to vector<64x32xf32>
    %slice3A_643 = vector.extract_strided_slice %get3A_20 {offsets = [14, 2], sizes = [1, 1], strides = [1, 1]} : vector<16x8xf32> to vector<1x1xf32>
    %mul3A_644 = vector.broadcast %slice3A_643 : vector<1x1xf32> to vector<64x32xf32>
    %mul3A_645 = arith.mulf %slice3A_642, %mul3A_644 : vector<64x32xf32>
    %add3A_646 = arith.addf %add3A_641, %mul3A_645 : vector<64x32xf32>
    %slice3A_647 = vector.extract_strided_slice %get3A_17 {offsets = [0, 96], sizes = [64, 32], strides = [1, 1]} : vector<64x256xf32> to vector<64x32xf32>
    %slice3A_648 = vector.extract_strided_slice %get3A_20 {offsets = [14, 3], sizes = [1, 1], strides = [1, 1]} : vector<16x8xf32> to vector<1x1xf32>
    %mul3A_649 = vector.broadcast %slice3A_648 : vector<1x1xf32> to vector<64x32xf32>
    %mul3A_650 = arith.mulf %slice3A_647, %mul3A_649 : vector<64x32xf32>
    %add3A_651 = arith.addf %add3A_646, %mul3A_650 : vector<64x32xf32>
    %slice3A_652 = vector.extract_strided_slice %get3A_17 {offsets = [0, 128], sizes = [64, 32], strides = [1, 1]} : vector<64x256xf32> to vector<64x32xf32>
    %slice3A_653 = vector.extract_strided_slice %get3A_20 {offsets = [14, 4], sizes = [1, 1], strides = [1, 1]} : vector<16x8xf32> to vector<1x1xf32>
    %mul3A_654 = vector.broadcast %slice3A_653 : vector<1x1xf32> to vector<64x32xf32>
    %mul3A_655 = arith.mulf %slice3A_652, %mul3A_654 : vector<64x32xf32>
    %add3A_656 = arith.addf %add3A_651, %mul3A_655 : vector<64x32xf32>
    %slice3A_657 = vector.extract_strided_slice %get3A_17 {offsets = [0, 160], sizes = [64, 32], strides = [1, 1]} : vector<64x256xf32> to vector<64x32xf32>
    %slice3A_658 = vector.extract_strided_slice %get3A_20 {offsets = [14, 5], sizes = [1, 1], strides = [1, 1]} : vector<16x8xf32> to vector<1x1xf32>
    %mul3A_659 = vector.broadcast %slice3A_658 : vector<1x1xf32> to vector<64x32xf32>
    %mul3A_660 = arith.mulf %slice3A_657, %mul3A_659 : vector<64x32xf32>
    %add3A_661 = arith.addf %add3A_656, %mul3A_660 : vector<64x32xf32>
    %slice3A_662 = vector.extract_strided_slice %get3A_17 {offsets = [0, 192], sizes = [64, 32], strides = [1, 1]} : vector<64x256xf32> to vector<64x32xf32>
    %slice3A_663 = vector.extract_strided_slice %get3A_20 {offsets = [14, 6], sizes = [1, 1], strides = [1, 1]} : vector<16x8xf32> to vector<1x1xf32>
    %mul3A_664 = vector.broadcast %slice3A_663 : vector<1x1xf32> to vector<64x32xf32>
    %mul3A_665 = arith.mulf %slice3A_662, %mul3A_664 : vector<64x32xf32>
    %add3A_666 = arith.addf %add3A_661, %mul3A_665 : vector<64x32xf32>
    %slice3A_667 = vector.extract_strided_slice %get3A_17 {offsets = [0, 224], sizes = [64, 32], strides = [1, 1]} : vector<64x256xf32> to vector<64x32xf32>
    %slice3A_668 = vector.extract_strided_slice %get3A_20 {offsets = [14, 7], sizes = [1, 1], strides = [1, 1]} : vector<16x8xf32> to vector<1x1xf32>
    %mul3A_669 = vector.broadcast %slice3A_668 : vector<1x1xf32> to vector<64x32xf32>
    %mul3A_670 = arith.mulf %slice3A_667, %mul3A_669 : vector<64x32xf32>
    %add3A_671 = arith.addf %add3A_666, %mul3A_670 : vector<64x32xf32>
    %dot_general3A_672 = arith.constant dense<0.000000e+00> : vector<1000x32xf32>
    %dot_general3A_673 = tpu.matmul %max3A_14, %add3A_671, %dot_general3A_672 {dimension_numbers = #tpu.dot_dimension_numbers<[1], [0], [0], [1], [0, 0, 1, 1], [], []>, transpose_lhs_hint = false} : vector<1000x64xf32>, vector<64x32xf32>, vector<1000x32xf32> -> vector<1000x32xf32>
    %swap3A_674 = arith.constant 0 : index
    %swap3A_675 = arith.constant 448 : index
    %swap3A_676 = vector.load %arg7[%swap3A_674, %swap3A_675] : memref<1000x512xf32, #tpu.memory_space<vmem>>, vector<1000x32xf32>
    tpu.vector_store %arg7[%swap3A_674, %swap3A_675], %dot_general3A_673 {strides = array<i32>} : memref<1000x512xf32, #tpu.memory_space<vmem>>, vector<1000x32xf32>,
    %slice3A_677 = vector.extract_strided_slice %get3A_17 {offsets = [0, 0], sizes = [64, 32], strides = [1, 1]} : vector<64x256xf32> to vector<64x32xf32>
    %slice3A_678 = vector.extract_strided_slice %get3A_20 {offsets = [15, 0], sizes = [1, 1], strides = [1, 1]} : vector<16x8xf32> to vector<1x1xf32>
    %mul3A_679 = vector.broadcast %slice3A_678 : vector<1x1xf32> to vector<64x32xf32>
    %mul3A_680 = arith.mulf %slice3A_677, %mul3A_679 : vector<64x32xf32>
    %slice3A_681 = vector.extract_strided_slice %get3A_17 {offsets = [0, 32], sizes = [64, 32], strides = [1, 1]} : vector<64x256xf32> to vector<64x32xf32>
    %slice3A_682 = vector.extract_strided_slice %get3A_20 {offsets = [15, 1], sizes = [1, 1], strides = [1, 1]} : vector<16x8xf32> to vector<1x1xf32>
    %mul3A_683 = vector.broadcast %slice3A_682 : vector<1x1xf32> to vector<64x32xf32>
    %mul3A_684 = arith.mulf %slice3A_681, %mul3A_683 : vector<64x32xf32>
    %add3A_685 = arith.addf %mul3A_680, %mul3A_684 : vector<64x32xf32>
    %slice3A_686 = vector.extract_strided_slice %get3A_17 {offsets = [0, 64], sizes = [64, 32], strides = [1, 1]} : vector<64x256xf32> to vector<64x32xf32>
    %slice3A_687 = vector.extract_strided_slice %get3A_20 {offsets = [15, 2], sizes = [1, 1], strides = [1, 1]} : vector<16x8xf32> to vector<1x1xf32>
    %mul3A_688 = vector.broadcast %slice3A_687 : vector<1x1xf32> to vector<64x32xf32>
    %mul3A_689 = arith.mulf %slice3A_686, %mul3A_688 : vector<64x32xf32>
    %add3A_690 = arith.addf %add3A_685, %mul3A_689 : vector<64x32xf32>
    %slice3A_691 = vector.extract_strided_slice %get3A_17 {offsets = [0, 96], sizes = [64, 32], strides = [1, 1]} : vector<64x256xf32> to vector<64x32xf32>
    %slice3A_692 = vector.extract_strided_slice %get3A_20 {offsets = [15, 3], sizes = [1, 1], strides = [1, 1]} : vector<16x8xf32> to vector<1x1xf32>
    %mul3A_693 = vector.broadcast %slice3A_692 : vector<1x1xf32> to vector<64x32xf32>
    %mul3A_694 = arith.mulf %slice3A_691, %mul3A_693 : vector<64x32xf32>
    %add3A_695 = arith.addf %add3A_690, %mul3A_694 : vector<64x32xf32>
    %slice3A_696 = vector.extract_strided_slice %get3A_17 {offsets = [0, 128], sizes = [64, 32], strides = [1, 1]} : vector<64x256xf32> to vector<64x32xf32>
    %slice3A_697 = vector.extract_strided_slice %get3A_20 {offsets = [15, 4], sizes = [1, 1], strides = [1, 1]} : vector<16x8xf32> to vector<1x1xf32>
    %mul3A_698 = vector.broadcast %slice3A_697 : vector<1x1xf32> to vector<64x32xf32>
    %mul3A_699 = arith.mulf %slice3A_696, %mul3A_698 : vector<64x32xf32>
    %add3A_700 = arith.addf %add3A_695, %mul3A_699 : vector<64x32xf32>
    %slice3A_701 = vector.extract_strided_slice %get3A_17 {offsets = [0, 160], sizes = [64, 32], strides = [1, 1]} : vector<64x256xf32> to vector<64x32xf32>
    %slice3A_702 = vector.extract_strided_slice %get3A_20 {offsets = [15, 5], sizes = [1, 1], strides = [1, 1]} : vector<16x8xf32> to vector<1x1xf32>
    %mul3A_703 = vector.broadcast %slice3A_702 : vector<1x1xf32> to vector<64x32xf32>
    %mul3A_704 = arith.mulf %slice3A_701, %mul3A_703 : vector<64x32xf32>
    %add3A_705 = arith.addf %add3A_700, %mul3A_704 : vector<64x32xf32>
    %slice3A_706 = vector.extract_strided_slice %get3A_17 {offsets = [0, 192], sizes = [64, 32], strides = [1, 1]} : vector<64x256xf32> to vector<64x32xf32>
    %slice3A_707 = vector.extract_strided_slice %get3A_20 {offsets = [15, 6], sizes = [1, 1], strides = [1, 1]} : vector<16x8xf32> to vector<1x1xf32>
    %mul3A_708 = vector.broadcast %slice3A_707 : vector<1x1xf32> to vector<64x32xf32>
    %mul3A_709 = arith.mulf %slice3A_706, %mul3A_708 : vector<64x32xf32>
    %add3A_710 = arith.addf %add3A_705, %mul3A_709 : vector<64x32xf32>
    %slice3A_711 = vector.extract_strided_slice %get3A_17 {offsets = [0, 224], sizes = [64, 32], strides = [1, 1]} : vector<64x256xf32> to vector<64x32xf32>
    %slice3A_712 = vector.extract_strided_slice %get3A_20 {offsets = [15, 7], sizes = [1, 1], strides = [1, 1]} : vector<16x8xf32> to vector<1x1xf32>
    %mul3A_713 = vector.broadcast %slice3A_712 : vector<1x1xf32> to vector<64x32xf32>
    %mul3A_714 = arith.mulf %slice3A_711, %mul3A_713 : vector<64x32xf32>
    %add3A_715 = arith.addf %add3A_710, %mul3A_714 : vector<64x32xf32>
    %dot_general3A_716 = arith.constant dense<0.000000e+00> : vector<1000x32xf32>
    %dot_general3A_717 = tpu.matmul %max3A_14, %add3A_715, %dot_general3A_716 {dimension_numbers = #tpu.dot_dimension_numbers<[1], [0], [0], [1], [0, 0, 1, 1], [], []>, transpose_lhs_hint = false} : vector<1000x64xf32>, vector<64x32xf32>, vector<1000x32xf32> -> vector<1000x32xf32>
    %swap3A_718 = arith.constant 0 : index
    %swap3A_719 = arith.constant 480 : index
    %swap3A_720 = vector.load %arg7[%swap3A_718, %swap3A_719] : memref<1000x512xf32, #tpu.memory_space<vmem>>, vector<1000x32xf32>
    tpu.vector_store %arg7[%swap3A_718, %swap3A_719], %dot_general3A_717 {strides = array<i32>} : memref<1000x512xf32, #tpu.memory_space<vmem>>, vector<1000x32xf32>,
    %get3A_721 = arith.constant 0 : index
    %get3A_722 = arith.constant 0 : index
    %get3A_723 = vector.load %arg5[%get3A_721, %get3A_722] : memref<64x32xf32, #tpu.memory_space<vmem>>, vector<64x32xf32>
    %dot_general3A_724 = arith.constant dense<0.000000e+00> : vector<1000x32xf32>
    %dot_general3A_725 = tpu.matmul %max3A_14, %get3A_723, %dot_general3A_724 {dimension_numbers = #tpu.dot_dimension_numbers<[1], [0], [0], [1], [0, 0, 1, 1], [], []>, transpose_lhs_hint = false} : vector<1000x64xf32>, vector<64x32xf32>, vector<1000x32xf32> -> vector<1000x32xf32>
    %get3A_726 = arith.constant 0 : index
    %get3A_727 = arith.constant 0 : index
    %get3A_728 = vector.load %arg6[%get3A_726, %get3A_727] : memref<1x32xf32, #tpu.memory_space<vmem>>, vector<1x32xf32>
    %add3A_729 = vector.broadcast %get3A_728 : vector<1x32xf32> to vector<1000x32xf32>
    %add3A_730 = arith.addf %dot_general3A_725, %add3A_729 : vector<1000x32xf32>
    %swap3A_731 = arith.constant 0 : index
    %swap3A_732 = arith.constant 0 : index
    %swap3A_733 = vector.load %arg8[%swap3A_731, %swap3A_732] : memref<1000x32xf32, #tpu.memory_space<vmem>>, vector<1000x32xf32>
    tpu.vector_store %arg8[%swap3A_731, %swap3A_732], %add3A_730 {strides = array<i32>} : memref<1000x32xf32, #tpu.memory_space<vmem>>, vector<1000x32xf32>,
    return
  }
  func.func @transform_0(%arg0: i32) -> (i32, i32, i32) {
    %c0_i32 = arith.constant 0 : i32
    %c0_i32_0 = arith.constant 0 : i32
    %c0_i32_1 = arith.constant 0 : i32
    return %c0_i32, %arg0, %c0_i32_0 : i32, i32, i32
  }
  func.func @transform_1(%arg0: i32) -> (i32, i32) {
    %c0_i32 = arith.constant 0 : i32
    %c0_i32_0 = arith.constant 0 : i32
    return %arg0, %c0_i32 : i32, i32
  }
  func.func @transform_2(%arg0: i32) -> (i32, i32) {
    %c0_i32 = arith.constant 0 : i32
    %c0_i32_0 = arith.constant 0 : i32
    %c0_i32_1 = arith.constant 0 : i32
    return %c0_i32, %c0_i32_0 : i32, i32
  }
  func.func @transform_3(%arg0: i32) -> (i32, i32) {
    %c0_i32 = arith.constant 0 : i32
    %c0_i32_0 = arith.constant 0 : i32
    %c0_i32_1 = arith.constant 0 : i32
    return %c0_i32, %c0_i32_0 : i32, i32
  }
  func.func @transform_4(%arg0: i32) -> (i32, i32) {
    %c0_i32 = arith.constant 0 : i32
    %c0_i32_0 = arith.constant 0 : i32
    %c0_i32_1 = arith.constant 0 : i32
    return %c0_i32, %c0_i32_0 : i32, i32
  }
  func.func @transform_5(%arg0: i32) -> (i32, i32) {
    %c0_i32 = arith.constant 0 : i32
    %c0_i32_0 = arith.constant 0 : i32
    %c0_i32_1 = arith.constant 0 : i32
    return %c0_i32, %c0_i32_0 : i32, i32
  }
  func.func @transform_6(%arg0: i32) -> (i32, i32) {
    %c0_i32 = arith.constant 0 : i32
    %c0_i32_0 = arith.constant 0 : i32
    return %arg0, %c0_i32 : i32, i32
  }
  func.func @transform_7(%arg0: i32) -> (i32, i32) {
    %c0_i32 = arith.constant 0 : i32
    %c0_i32_0 = arith.constant 0 : i32
    return %arg0, %c0_i32 : i32, i32
  }
}

module attributes {stable_mosaic.version = 14 : i64} {
  func.func @_fin_body(%arg0: i32, %arg1: memref<2x1000x32xf32, #tpu.memory_space<vmem>>, %arg2: memref<1000x32xf32, #tpu.memory_space<vmem>>, %arg3: memref<1000x32xf32, #tpu.memory_space<vmem>>) attributes {dimension_semantics = [#tpu.dimension_semantics<arbitrary>], iteration_bounds = array<i64: 10>, scalar_prefetch = 0 : i64, scratch_operands = 0 : i64, tpu.core_type = #tpu.core_type<tc>, window_params = [{transform_indices = @transform_0, window_bounds = array<i64: 2, 1000, 32>}, {transform_indices = @transform_1, window_bounds = array<i64: 1000, 32>}, {transform_indices = @transform_2, window_bounds = array<i64: 1000, 32>}]} {
    %get3A = arith.constant 0 : index
    %get3A_0 = arith.constant 0 : index
    %get3A_1 = arith.constant 0 : index
    %get3A_2 = vector.load %arg1[%get3A, %get3A_0, %get3A_1] : memref<2x1000x32xf32, #tpu.memory_space<vmem>>, vector<1x1000x32xf32>
    %get3A_3 = vector.shape_cast %get3A_2 : vector<1x1000x32xf32> to vector<1000x32xf32>
    %get3A_4 = arith.constant 1 : index
    %get3A_5 = arith.constant 0 : index
    %get3A_6 = arith.constant 0 : index
    %get3A_7 = vector.load %arg1[%get3A_4, %get3A_5, %get3A_6] : memref<2x1000x32xf32, #tpu.memory_space<vmem>>, vector<1x1000x32xf32>
    %get3A_8 = vector.shape_cast %get3A_7 : vector<1x1000x32xf32> to vector<1000x32xf32>
    %add3A = arith.addf %get3A_3, %get3A_8 : vector<1000x32xf32>
    %get3A_9 = arith.constant 0 : index
    %get3A_10 = arith.constant 0 : index
    %get3A_11 = vector.load %arg2[%get3A_9, %get3A_10] : memref<1000x32xf32, #tpu.memory_space<vmem>>, vector<1000x32xf32>
    %add3A_12 = arith.addf %add3A, %get3A_11 : vector<1000x32xf32>
    %mul3A = arith.mulf %add3A_12, %add3A_12 : vector<1000x32xf32>
    %reduce_sum3A = arith.constant dense<0.000000e+00> : vector<1000xf32>
    %reduce_sum3A_13 = vector.multi_reduction <add>, %mul3A, %reduce_sum3A [1] : vector<1000x32xf32> to vector<1000xf32>
    %broadcast_in_dim3A = vector.shape_cast %reduce_sum3A_13 : vector<1000xf32> to vector<1000x1xf32>
    %sqrt3A = math.sqrt %broadcast_in_dim3A : vector<1000x1xf32>
    %max3A = arith.constant 9.99999997E-7 : f32
    %max3A_14 = vector.broadcast %max3A : f32 to vector<1000x1xf32>
    %max3A_15 = arith.maximumf %sqrt3A, %max3A_14 : vector<1000x1xf32>
    %div3A = vector.broadcast %max3A_15 : vector<1000x1xf32> to vector<1000x32xf32>
    %div3A_16 = arith.divf %add3A_12, %div3A : vector<1000x32xf32>
    %swap3A = arith.constant 0 : index
    %swap3A_17 = arith.constant 0 : index
    %swap3A_18 = vector.load %arg3[%swap3A, %swap3A_17] : memref<1000x32xf32, #tpu.memory_space<vmem>>, vector<1000x32xf32>
    tpu.vector_store %arg3[%swap3A, %swap3A_17], %div3A_16 {strides = array<i32>} : memref<1000x32xf32, #tpu.memory_space<vmem>>, vector<1000x32xf32>,
    return
  }
  func.func @transform_0(%arg0: i32) -> (i32, i32, i32) {
    %c0_i32 = arith.constant 0 : i32
    %c0_i32_0 = arith.constant 0 : i32
    %c0_i32_1 = arith.constant 0 : i32
    return %c0_i32, %arg0, %c0_i32_0 : i32, i32, i32
  }
  func.func @transform_1(%arg0: i32) -> (i32, i32) {
    %c0_i32 = arith.constant 0 : i32
    %c0_i32_0 = arith.constant 0 : i32
    return %arg0, %c0_i32 : i32, i32
  }
  func.func @transform_2(%arg0: i32) -> (i32, i32) {
    %c0_i32 = arith.constant 0 : i32
    %c0_i32_0 = arith.constant 0 : i32
    return %arg0, %c0_i32 : i32, i32
  }
}

</mosaic_0001>

<sc_bundles>
// kernel: kernel.10.cloned.1.call-start
scs
__scs_entry_jumppad:
0x0: {  	(pc) =	sbr.rel $0x88, $3  }
0x1: {  	(tag) =	ssettag $0x0;
	lr =	simm.s32 $0x1  }
0x2: {  	[smem:$0x3F96] =	sst lr;
	_ =	strace $0xD0000000  }
0x3: {  	_ = 	snop  }
0x4: {  	_ = 	snop  }
0x5: {  	_ = 	snop  }
0x6: {  	_ = 	snop  }
0x7: {  	_ = 	snop  }
__scs_overlays_trampoline_lowered:
0x8: {  	[smem:$0x3FA5] =	sst s0  }
0x9: {  	[smem:$0x3FA6] =	sst s1  }
0xa: {  	[smem:$0x3FA7] =	sst s2  }
0xb: {  	[smem:$0x3FA8] =	sst s3  }
0xc: {  	[smem:$0x3FA9] =	sst s4  }
0xd: {  	[smem:$0x3FAA] =	sst s5  }
0xe: {  	[smem:$0x3FAB] =	sst s6  }
0xf: {  	[smem:$0x3FAC] =	sst s7  }
0x10: {  	[smem:$0x3FAD] =	sst s8  }
0x11: {  	[smem:$0x3FAE] =	sst s9;
	s0 =	simm.s32 @!p0 $0x0  }
0x12: {  	s1 =	sld [smem:$0x3F94];
	s0 =	simm.s32 @p0 $0x1  }
0x13: {  	[smem:$0x3FAF] =	sst s0;
	s0 =	simm.s32 @!p1 $0x0  }
0x14: {  	s2 =	sld [smem:$0x3F93];
	s0 =	simm.s32 @p1 $0x1  }
0x15: {  	[smem:$0x3FB0] =	sst s0;
	s0 =	simm.s32 @!p2 $0x0  }
0x16: {  	s3 =	sld [smem:$0x3FDB];
	s0 =	simm.s32 @p2 $0x1  }
0x17: {  	s4 =	simm.s32 $0x1BF5;
	[smem:$0x3FB2] =	sst s0  }
0x18: {  	s0 =	sld [smem:$0x3F95];
	_ =	swait.ge [sflag:s4], $0x0  }
0x19: {  	s7 =	sld [smem:$0x3F96]  }
0x1a: {  	s8 =	sadd.s32 $0xFFFFE003, lr  }
0x1b: {  	s9 =	sadd.s32 $0xFFFFFEF7, lr;
	s5 =	simm.s32 $0xFFFFFFFF;
	p2 =	slt.u32 s8, $0xFFFFF086  }
0x1c: {  	p1 =	slt.u32 s9, $0xF7A;
	s5 =	simm.s32 @!p2 $0x0  }
0x1d: {  	s5 =	simm.s32 @p1 $0x1;
	p0 =	seq.s32 s7, s2  }
0x1e: {  	s7 =	smul.u32 @!p0 $0xF7A, s2;
	p2 =	seq.s32 @!p0 s5, $0x0  }
0x1f: {  	s9 =	smul.u32 $0xF7A, s1;
	s8 =	simm.s32 @!p0 $0x1BF5;
	p2 =	por !p2, p0  }
0x20: {  	[sflag:s8] =	ssyncset.s32 @!p0 $0xFFFFF086;
	s6 =	sadd.s32 @!p0 s3, s7;
	s7 =	simm.s32 @!p0 $0x108  }
0x21: {  	s3 =	sadd.s32 s3, s9;
	s6 =	sadd.s32 @!p0 $0x88, s6;
	s7 =	simm.s32 @p2 $0x1082  }
0x22: {  	[simem:s7], [sflag:s8] =	dma.local @!p0 [hbm:s6], $0xF7A  }
0x23: {  	s9 =	sor.u32 $0xD0000000, s2;
	s6 =	simm.s32 $0x108;
	_ =	swait.ge @!p0 [sflag:s8], $0x0  }
0x24: {  	s3 =	sadd.s32 $0x88, s3;
	s6 =	simm.s32 @!p1 $0x1082;
	[sflag:s4] =	ssyncset.s32 $0xFFFFF086  }
0x25: {  	[simem:s6], [sflag:s4] =	dma.local [hbm:s3], $0xF7A  }
0x26: {  	[smem:$0x3F96] =	sst s1;
	(tag) =	ssettag s2;
	_ =	strace s9  }
0x27: {  	s1 =	sld [smem:$0x3FA6]  }
0x28: {  	s2 =	sld [smem:$0x3FA7]  }
0x29: {  	s4 =	sld [smem:$0x3FA9]  }
0x2a: {  	p0 =	seq.s32 s5, $0x0;
	s5 =	sld [smem:$0x3FAA]  }
0x2b: {  	s6 =	sld [smem:$0x3FAB]  }
0x2c: {  	s7 =	sld [smem:$0x3FAC]  }
0x2d: {  	s3 =	simm.s32 $0x108;
	s8 =	sld [smem:$0x3FAD]  }
0x2e: {  	s3 =	simm.s32 @!p0 $0x1082;
	s9 =	sld [smem:$0x3FAE]  }
0x2f: {  	lr =	sadd.s32 s0, s3;
	s0 =	sld [smem:$0x3FA5]  }
0x30: {  	s3 =	sld [smem:$0x3FA8]  }
0x31: {  	[smem:$0x3FB1] =	sst s10  }
0x32: {  	s10 =	sld [smem:$0x3FAF];
	_ =	sdelay $0x3  }
0x33: {  	p0 =	seq.s32 s10, $0x1;
	s10 =	sld [smem:$0x3FB1];
	_ =	sdelay $0x3  }
0x34: {  	[smem:$0x3FB1] =	sst s10  }
0x35: {  	s10 =	sld [smem:$0x3FB0];
	_ =	sdelay $0x3  }
0x36: {  	p1 =	seq.s32 s10, $0x1;
	s10 =	sld [smem:$0x3FB1];
	_ =	sdelay $0x3  }
0x37: {  	[smem:$0x3FB1] =	sst s10  }
0x38: {  	s10 =	sld [smem:$0x3FB2]  }
0x39: {  	_ = 	snop;
	(pc) =	sbr.ind lr, $3  }
0x3a: {  	_ = 	snop  }
0x3b: {  	_ = 	snop  }
0x3c: {  	p2 =	seq.s32 s10, $0x1;
	s10 =	sld [smem:$0x3FB1]  }
0x3d: {  	_ =	shalt  }
0x3e: {  	_ =	shalt  }
0x3f: {  	_ =	shalt  }
0x40: {  	_ =	shalt  }
0x41: {  	_ =	shalt  }
0x42: {  	_ =	shalt  }
0x43: {  	_ =	shalt  }
0x44: {  	_ =	shalt  }
0x45: {  	_ =	shalt  }
0x46: {  	_ =	shalt  }
0x47: {  	_ =	shalt  }
0x48: {  	_ =	shalt  }
0x49: {  	_ =	shalt  }
0x4a: {  	_ =	shalt  }
0x4b: {  	_ =	shalt  }
0x4c: {  	_ =	shalt  }
0x4d: {  	_ =	shalt  }
0x4e: {  	_ =	shalt  }
0x4f: {  	_ =	shalt  }
0x50: {  	_ =	shalt  }
0x51: {  	_ =	shalt  }
0x52: {  	_ =	shalt  }
0x53: {  	_ =	shalt  }
0x54: {  	_ =	shalt  }
0x55: {  	_ =	shalt  }
0x56: {  	_ =	shalt  }
0x57: {  	_ =	shalt  }
0x58: {  	_ =	shalt  }
0x59: {  	_ =	shalt  }
0x5a: {  	_ =	shalt  }
0x5b: {  	_ =	shalt  }
0x5c: {  	_ =	shalt  }
0x5d: {  	_ =	shalt  }
0x5e: {  	_ =	shalt  }
0x5f: {  	_ =	shalt  }
0x60: {  	_ =	shalt  }
0x61: {  	_ =	shalt  }
0x62: {  	_ =	shalt  }
0x63: {  	_ =	shalt  }
0x64: {  	_ =	shalt  }
0x65: {  	_ =	shalt  }
0x66: {  	_ =	shalt  }
0x67: {  	_ =	shalt  }
0x68: {  	_ =	shalt  }
0x69: {  	_ =	shalt  }
0x6a: {  	_ =	shalt  }
0x6b: {  	_ =	shalt  }
0x6c: {  	_ =	shalt  }
0x6d: {  	_ =	shalt  }
0x6e: {  	_ =	shalt  }
0x6f: {  	_ =	shalt  }
0x70: {  	_ =	shalt  }
0x71: {  	_ =	shalt  }
0x72: {  	_ =	shalt  }
0x73: {  	_ =	shalt  }
0x74: {  	_ =	shalt  }
0x75: {  	_ =	shalt  }
0x76: {  	_ =	shalt  }
0x77: {  	_ =	shalt  }
0x78: {  	_ =	shalt  }
0x79: {  	_ =	shalt  }
0x7a: {  	_ =	shalt  }
0x7b: {  	_ =	shalt  }
0x7c: {  	_ =	shalt  }
0x7d: {  	_ =	shalt  }
0x7e: {  	_ =	shalt  }
0x7f: {  	_ =	shalt  }
0x80: {  	_ =	shalt  }
0x81: {  	_ =	shalt  }
0x82: {  	_ =	shalt  }
0x83: {  	_ =	shalt  }
0x84: {  	_ =	shalt  }
0x85: {  	_ =	shalt  }
0x86: {  	_ =	shalt  }
0x87: {  	_ =	shalt  }
.Lfunc_end0:
.L_simem_size_0:
called_computation.1_lowered:
.L_overlay_start_0:
0x88: {  	s2 =	sld [smem:$0x3FD9]  }
0x89: {  	s3 =	sld [smem:$0x3FFE];
	_ =	sdelay $0x1  }
0x8a: {  	s1 =	srdreg.scid  }
0x8b: {  	s0 =	sand.u32 $0x1, s1  }
0x8c: {  	s16 =	sshll.u32 s0, $0xA;
	s2 =	sadd.s32 s3, s2  }
0x8d: {  	s2 =	sadd.s32 s2, s16  }
0x8e: {  	[smem:$0x3FBD] =	sst s2  }
0x8f: {  	_ = 	snop  }
0x90: {  	(tm) =	ssettm $0x1  }
0x91: {  	s17 =	sld [smem:$0x3FFB];
	_ =	sdelay $0x3  }
0x92: {  	_ =	strace s17  }
0x93: {  	s2 =	sld [smem:$0x3FFC];
	_ =	sdelay $0x3  }
0x94: {  	_ =	strace s2  }
0x95: {  	s2 =	sld [smem:$0x3FFD];
	_ =	sdelay $0x3  }
0x96: {  	_ =	strace s2  }
0x97: {  	_ =	strace $0x8FFFFFFF  }
0x98: {  	s18 =	sld [smem:$0x3FDB];
	_ =	sdelay $0x1  }
0x99: {  	s19 =	simm.s32 $_scs_section_size  }
0x9a: {  	s4 =	simm.s32 $_size__tile_overlayer_lowered;
	s5 =	simm.s32 $_tile_overlayer_lowered  }
0x9b: {  	s22 =	simm.s32 $0x1BFF;
	s21 =	sshll.u32 s5, $0x1;
	s2 =	sadd.s32 s19, s18  }
0x9c: {  	s6 =	simm.s32 $0x0;
	s20 =	sshll.u32 s4, $0x1;
	s4 =	sadd.s32 s21, s2  }
0x9d: {  	[timem:s6], [sflag:s22] =	dma.local [hbm:s4], s20  }
0x9e: {  	_ =	swait.ge [sflag:s22], s20  }
0x9f: {  	s3 =	ssub.s32 $0x0, s20;
	[sflag:s22] =	ssyncset.done $0x0  }
0xa0: {  	[sflag:s22] =	ssyncadd.s32 s3;
	_ =	sdelay $0x1  }
0xa1: {  	s23 =	simm.s32 $0x1B8B  }
0xa2: {  	_ =	swait.ge [sflag:s23], $0x1  }
0xa3: {  	[sflag:s23] =	ssyncset.done $0x0  }
0xa4: {  	s25 =	simm.s32 $0x1B8E;
	s24 =	sld [smem:$0x3FFE];
	[sflag:s23] =	ssyncadd.s32 $0xFFFFFFFF  }
0xa5: {  	s26 =	simm.s32 $execute0_lowered;
	[smem:$0x3FD2] =	sst s25  }
0xa6: {  	s4 =	sshll.u32 s26, $0x1;
	_ =	strace $0x80000046;
	[dreg:$0x1] =	wrdreg $0xFFFFFFFF  }
0xa7: {  	s28 =	simm.s32 $_size_execute0_lowered;
	s2 =	sadd.s32 s2, s4;
	[dreg:$0x0] =	wrdreg $0x0  }
0xa8: {  	s4 =	sshll.u32 s28, $0x1;
	[dreg:$0x2] =	wrdreg s2  }
0xa9: {  	[dreg:$0x3] =	wrdreg s4  }
0xaa: {  	[dreg:$0x4] =	wrdreg $0xC0  }
0xab: {  	_ =	task [dreg:s6], $0x5FFFF  }
0xac: {  	[dreg:$0x1] =	wrdreg $0xFFFFFFFF  }
0xad: {  	[dreg:$0x0] =	wrdreg $0x60  }
0xae: {  	[dreg:$0x2] =	wrdreg s24  }
0xaf: {  	[dreg:$0x3] =	wrdreg $0x0  }
0xb0: {  	[dreg:$0x4] =	wrdreg $0xA  }
0xb1: {  	_ =	task.clear_ibuf [dreg:s6], $0x5FFFF;
	_ =	strace $0x90000046  }
0xb2: {  	s29 =	simm.s32 $0xA;
	_ =	strace $0x80000048  }
0xb3: {  	_ =	swait.ge [sflag:s29], $0x1  }
0xb4: {  	[sflag:s29] =	ssyncadd.s32 $0xFFFFFFFF  }
0xb5: {  	_ =	strace $0x90000048  }
0xb6: {  	_ =	sfence  }
0xb7: {  	s30 =	sld [smem:$0x0];
	_ =	sdelay $0x2  }
0xb8: {  	s31 =	sshll.u32 s1, $0xD;
	s1 =	sshrl.u32 s1, $0x2  }
0xb9: {  	s3 =	sand.u32 $0x4000, s31;
	s1 =	sadd.s32 s1, s30  }
0xba: {  	s0 =	sor.u32 s3, s0;
	s1 =	sshll.u32 s1, $0x11  }
0xbb: {  	s0 =	sor.u32 s1, s0  }
0xbc: {  	s0 =	sadd.s32 $0x8F2B, s0  }
0xbd: {  	[sflag:s0] =	ssyncadd.remote.s32 $0x1  }
0xbe: {  	_ =	sfence.sel $0xFFFF  }
0xbf: {  	[dreg:$0x0] =	wrdreg $0xFFFFFFFF;
	(pc) =	sbr.abs _section_cstart, $3  }
0xc0: {  	[dreg:$0x1] =	wrdreg $0xFFFFFFFF  }
0xc1: {  	_ =	task.clear_ibuf [dreg:s6], $0x2FFFF;
	_ =	strace $0x9FFFFFFF  }
0xc2: {  	(tm) =	ssettm $0x7FFFFFFF  }
0xc3: {  	_ =	shalt  }
tec
execute0_lowered:
.L_overlay_start_1:
0x0: {  	(tag) =	ssettag $0x1  }
0x1: {  	s4 =	rddreg [dreg:$0x0]  }
0x2: {  	s2 =	rddreg [dreg:$0x1]  }
0x3: {  	s0 =	rddreg [dreg:$0x2]  }
0x4: {  	s5 =	srdreg.scid;
	s1 =	stileid.u32  }
0x5: {  	s3 =	simm.s32 $0x0;
	s11 =	simm.s32 $0x1;
	s6 =	smul.u32 $0x2710, s1  }
0x6: {  	s12 =	simm.s32 $0x50;
	s5 =	sand.u32 $0x1, s5;
	s10 =	smul.u32 $0xA, s1  }
0x7: {  	s13 =	simm.s32 $0x2760;
	s14 =	simm.s32 $0x0;
	s7 =	smul.u32 $0x27100, s5  }
0x8: {  	[smem:$0x7FF] =	sst s3;
	s8 =	smul.u32 $0xA0, s5;
	s5 =	ssub.s32 $0x2, s5  }
0x9: {  	_ =	strace $0x80000047;
	s9 =	sshrl.u32 s5, $0x1;
	s7 =	sadd.s32 s6, s7  }
0xa: {  	s8 =	sadd.s32 s8, s4;
	s9 =	ssub.s32 s5, s9;
	s7 =	sshrl.u32 s7, $0x3  }
0xb: {  	s31 =	sadd.s32 s10, s8;
	s8 =	simm.s32 $0x27B0;
	s10 =	simm.s32 $0x2710  }
0xc: {  	s7 =	sadd.s32 s7, s4;
	s4 =	sadd.s32 s6, s2;
	s6 =	smax.u32 s9, $0x1  }
0xd: {  	v0 =	vimm.f32 $0.0e+00;
	v1 =	vimm.f32 $1.000000000e+00;
	s9 =	simm.s32 $0x2;
	s5 =	sadd.s32 $0xD800, s7;
	s7 =	sadd.s32 $0x3A00, s31  }
.LBB2_1:
0xe: {  	s15 =	simm.s32 $0x40;
	s16 =	simm.s32 $0x0  }
.LBB2_2:
0xf: {  	p0 =	sne.s32 s15, $0x9C00;
	[tilespmem:s16+$0x27B0] =	vst v0;
	s16 =	smov.u32 s15;
	s15 =	sadd.s32 $0x40, s15  }
.Ltmp0:
0x10: {  	(pc) =	sbr.rel @p0 .LBB2_2-.Ltmp0, $2  }
0x11: {  	_ =	sdelay $0x2  }
0x12: {  	s16 =	sshra.s32 s16, $0x2  }
0x13: {  	[tilespmem:s16+$0x27B0] =	vst v0  }
0x14: {  	[tilespmem:$0x2760] =	vst v1  }
0x15: {  	[tilespmem:$0x2770] =	vst v1  }
0x16: {  	[tilespmem:$0x2780] =	vst v1  }
0x17: {  	[tilespmem:$0x2790] =	vst v1  }
0x18: {  	[tilespmem:$0x27A0] =	vst v1  }
0x19: {  	[spmem:s4] =	stream.linear.scatter [tilespmem:s8], [sflag:$0x2], $0x2710, $0x38;
	[tilespmem:$0x4EC0] =	vst v63  }
0x1a: {  	_ =	swait.ge [sflag:s9], $0x2710  }
0x1b: {  	[sflag:s9] =	ssyncset.done $0x0  }
0x1c: {  	[sflag:s9] =	ssyncadd.s32 $0xFFFFD8F0  }
0x1d: {  	s15 =	sadd.s32 $0x0, s7;
	[bflag:$0x0] =	sbarrier.arrive $0xFFFF  }
0x1e: {  	[tilespmem:s10], [sflag:$0x1] =	stream.linear.gather [hbm4b:s15+s3], $0x50, $0x38;
	[tilespmem:$0x4EC0] =	vst v63  }
0x1f: {  	_ =	swait.ge [sflag:s11], $0x50  }
0x20: {  	[sflag:s11] =	ssyncset.done $0x0  }
0x21: {  	[sflag:s11] =	ssyncadd.s32 $0xFFFFFFB0  }
0x22: {  	[spmem:s2] =	stream.indirect.scatter.add.f32 [tilespmem:s13], [sflag:$0x2], $0x1, s10, s12, $0xb8;
	[tilespmem:$0x4EC0] =	vst v63  }
0x23: {  	_ =	swait.ge [sflag:s9], $0x50  }
0x24: {  	s16 =	simm.s32 $0x280;
	s15 =	simm.s32 $0x140;
	[sflag:s9] =	ssyncset.done $0x0  }
.LBB2_4:
0x25: {  	s17 =	sadd.s32 s15, s7  }
0x26: {  	[sflag:s9] =	ssyncadd.s32 $0xFFFFFFB0;
	s15 =	smov.u32 s16;
	s18 =	sadd.s32 $0x140, s16  }
0x27: {  	[tilespmem:s10], [sflag:$0x1] =	stream.linear.gather [hbm4b:s17+s3], $0x50, $0x38;
	[tilespmem:$0x4EC0] =	vst v63  }
0x28: {  	p0 =	sne.s32 s16, $0x9B00;
	_ =	swait.ge [sflag:s11], $0x50  }
.Ltmp1:
0x29: {  	[sflag:s11] =	ssyncset.done $0x0;
	(pc) =	sbr.rel @p0 .LBB2_4-.Ltmp1, $4  }
0x2a: {  	[sflag:s11] =	ssyncadd.s32 $0xFFFFFFB0  }
0x2b: {  	[spmem:s2] =	stream.indirect.scatter.add.f32 [tilespmem:s13], [sflag:$0x2], $0x1, s10, s12, $0xb8;
	[tilespmem:$0x4EC0] =	vst v63  }
0x2c: {  	_ =	swait.ge [sflag:s9], $0x50  }
0x2d: {  	s16 =	smov.u32 s18;
	[sflag:s9] =	ssyncset.done $0x0  }
0x2e: {  	s15 =	sadd.s32 s15, s7;
	[sflag:s9] =	ssyncadd.s32 $0xFFFFFFB0  }
0x2f: {  	[tilespmem:s10], [sflag:$0x1] =	stream.linear.gather [hbm4b:s15+s3], $0x50, $0x38;
	[tilespmem:$0x4EC0] =	vst v63  }
0x30: {  	_ =	swait.ge [sflag:s11], $0x50  }
0x31: {  	[sflag:s11] =	ssyncset.done $0x0  }
0x32: {  	[sflag:s11] =	ssyncadd.s32 $0xFFFFFFB0  }
0x33: {  	[spmem:s2] =	stream.indirect.scatter.add.f32 [tilespmem:s13], [sflag:$0x2], $0x1, s10, s12, $0xb8;
	[tilespmem:$0x4EC0] =	vst v63  }
0x34: {  	_ =	swait.ge [sflag:s9], $0x50  }
0x35: {  	[sflag:s9] =	ssyncset.done $0x0  }
0x36: {  	[sflag:s9] =	ssyncadd.s32 $0xFFFFFFB0  }
0x37: {  	[bflag:$0x0] =	sbarrier.arrive $0xFFFF  }
0x38: {  	[tilespmem:s8], [sflag:$0x2] =	stream.linear.gather [spmem:s4], $0x2710, $0x38;
	[tilespmem:$0x4EC0] =	vst v63  }
0x39: {  	s14 =	sadd.s32 $0x1, s14;
	_ =	swait.ge [sflag:s9], $0x2710  }
0x3a: {  	p0 =	sne.s32 s14, s6;
	[sflag:s9] =	ssyncset.done $0x0  }
.Ltmp2:
0x3b: {  	[sflag:s9] =	ssyncadd.s32 $0xFFFFD8F0;
	(pc) =	sbr.rel @p0 .LBB2_1-.Ltmp2, $4  }
0x3c: {  	[hbm4b:s5+s3] =	stream.linear.scatter [tilespmem:s8], [sflag:$0x2], $0x2710, $0x38;
	[tilespmem:$0x4EC0] =	vst v63  }
0x3d: {  	_ =	swait.ge [sflag:s9], $0x2710  }
0x3e: {  	[sflag:s9] =	ssyncset.done $0x0  }
0x3f: {  	[sflag:s9] =	ssyncadd.s32 $0xFFFFD8F0  }
0x40: {  	_ =	sfence.sel $0x180000  }
0x41: {  	[bflag:$0x0] =	sbarrier.arrive $0xFFFF  }
0x42: {  	p0 =	sne.s32 s1, $0x0;
	_ =	strace $0x90000047  }
0x43: {  	s0 =	sadd.s32 @!p0 $0x100000, s0;
	[bflag:$0x2] =	sbarrier.arrive $0xFFFF  }
0x44: {  	[sflag:s0] =	ssyncadd.tile.s32 @!p0 $0x1;
	_ =	shalt  }
.Lfunc_end2:
_tile_overlayer_lowered:
.L_overlay_start_2:
0x45: {  	(tag) =	ssettag $0x2  }
0x46: {  	s0 =	rddreg [dreg:$0x0];
	s2 =	stileid.u32  }
0x47: {  	s1 =	rddreg [dreg:$0x1];
	p0 =	sne.s32 s2, $0x0  }
0x48: {  	s3 =	rddreg [dreg:$0x2];
	[bflag:$0x3] =	sbarrier.arrive $0xFFFF;
	s2 =	simm.s32 @!p0 $0x1C02  }
0x49: {  	[timem:s3], [sflag:s2] =	dma.local @!p0 [hbm:s0], s1  }
0x4a: {  	s0 =	simm.s32 @!p0 $0x2  }
0x4b: {  	_ =	swait.ge @!p0 [sflag:s0], s1  }
0x4c: {  	s1 =	ssub.s32 @!p0 $0x0, s1;
	[sflag:s0] =	ssyncset.done @!p0 $0x0  }
0x4d: {  	[sflag:s0] =	ssyncadd.s32 @!p0 s1  }
0x4e: {  	[bflag:$0x3] =	sbarrier.arrive $0xFFFF  }
0x4f: {  	_ =	shalt  }

// kernel: kernel.13.cloned.1.call-start
scs
__scs_entry_jumppad:
0x0: {  	(pc) =	sbr.rel $0x88, $3  }
0x1: {  	(tag) =	ssettag $0x0;
	lr =	simm.s32 $0x1  }
0x2: {  	[smem:$0x3F96] =	sst lr;
	_ =	strace $0xD0000000  }
0x3: {  	_ = 	snop  }
0x4: {  	_ = 	snop  }
0x5: {  	_ = 	snop  }
0x6: {  	_ = 	snop  }
0x7: {  	_ = 	snop  }
__scs_overlays_trampoline_lowered:
0x8: {  	[smem:$0x3FA5] =	sst s0  }
0x9: {  	[smem:$0x3FA6] =	sst s1  }
0xa: {  	[smem:$0x3FA7] =	sst s2  }
0xb: {  	[smem:$0x3FA8] =	sst s3  }
0xc: {  	[smem:$0x3FA9] =	sst s4  }
0xd: {  	[smem:$0x3FAA] =	sst s5  }
0xe: {  	[smem:$0x3FAB] =	sst s6  }
0xf: {  	[smem:$0x3FAC] =	sst s7  }
0x10: {  	[smem:$0x3FAD] =	sst s8  }
0x11: {  	[smem:$0x3FAE] =	sst s9;
	s0 =	simm.s32 @!p0 $0x0  }
0x12: {  	s1 =	sld [smem:$0x3F94];
	s0 =	simm.s32 @p0 $0x1  }
0x13: {  	[smem:$0x3FAF] =	sst s0;
	s0 =	simm.s32 @!p1 $0x0  }
0x14: {  	s2 =	sld [smem:$0x3F93];
	s0 =	simm.s32 @p1 $0x1  }
0x15: {  	[smem:$0x3FB0] =	sst s0;
	s0 =	simm.s32 @!p2 $0x0  }
0x16: {  	s3 =	sld [smem:$0x3FDB];
	s0 =	simm.s32 @p2 $0x1  }
0x17: {  	s4 =	simm.s32 $0x1BF5;
	[smem:$0x3FB2] =	sst s0  }
0x18: {  	s0 =	sld [smem:$0x3F95];
	_ =	swait.ge [sflag:s4], $0x0  }
0x19: {  	s7 =	sld [smem:$0x3F96]  }
0x1a: {  	s8 =	sadd.s32 $0xFFFFE003, lr  }
0x1b: {  	s9 =	sadd.s32 $0xFFFFFEF7, lr;
	s5 =	simm.s32 $0xFFFFFFFF;
	p2 =	slt.u32 s8, $0xFFFFF086  }
0x1c: {  	p1 =	slt.u32 s9, $0xF7A;
	s5 =	simm.s32 @!p2 $0x0  }
0x1d: {  	s5 =	simm.s32 @p1 $0x1;
	p0 =	seq.s32 s7, s2  }
0x1e: {  	s7 =	smul.u32 @!p0 $0xF7A, s2;
	p2 =	seq.s32 @!p0 s5, $0x0  }
0x1f: {  	s9 =	smul.u32 $0xF7A, s1;
	s8 =	simm.s32 @!p0 $0x1BF5;
	p2 =	por !p2, p0  }
0x20: {  	[sflag:s8] =	ssyncset.s32 @!p0 $0xFFFFF086;
	s6 =	sadd.s32 @!p0 s3, s7;
	s7 =	simm.s32 @!p0 $0x108  }
0x21: {  	s3 =	sadd.s32 s3, s9;
	s6 =	sadd.s32 @!p0 $0x88, s6;
	s7 =	simm.s32 @p2 $0x1082  }
0x22: {  	[simem:s7], [sflag:s8] =	dma.local @!p0 [hbm:s6], $0xF7A  }
0x23: {  	s9 =	sor.u32 $0xD0000000, s2;
	s6 =	simm.s32 $0x108;
	_ =	swait.ge @!p0 [sflag:s8], $0x0  }
0x24: {  	s3 =	sadd.s32 $0x88, s3;
	s6 =	simm.s32 @!p1 $0x1082;
	[sflag:s4] =	ssyncset.s32 $0xFFFFF086  }
0x25: {  	[simem:s6], [sflag:s4] =	dma.local [hbm:s3], $0xF7A  }
0x26: {  	[smem:$0x3F96] =	sst s1;
	(tag) =	ssettag s2;
	_ =	strace s9  }
0x27: {  	s1 =	sld [smem:$0x3FA6]  }
0x28: {  	s2 =	sld [smem:$0x3FA7]  }
0x29: {  	s4 =	sld [smem:$0x3FA9]  }
0x2a: {  	p0 =	seq.s32 s5, $0x0;
	s5 =	sld [smem:$0x3FAA]  }
0x2b: {  	s6 =	sld [smem:$0x3FAB]  }
0x2c: {  	s7 =	sld [smem:$0x3FAC]  }
0x2d: {  	s3 =	simm.s32 $0x108;
	s8 =	sld [smem:$0x3FAD]  }
0x2e: {  	s3 =	simm.s32 @!p0 $0x1082;
	s9 =	sld [smem:$0x3FAE]  }
0x2f: {  	lr =	sadd.s32 s0, s3;
	s0 =	sld [smem:$0x3FA5]  }
0x30: {  	s3 =	sld [smem:$0x3FA8]  }
0x31: {  	[smem:$0x3FB1] =	sst s10  }
0x32: {  	s10 =	sld [smem:$0x3FAF];
	_ =	sdelay $0x3  }
0x33: {  	p0 =	seq.s32 s10, $0x1;
	s10 =	sld [smem:$0x3FB1];
	_ =	sdelay $0x3  }
0x34: {  	[smem:$0x3FB1] =	sst s10  }
0x35: {  	s10 =	sld [smem:$0x3FB0];
	_ =	sdelay $0x3  }
0x36: {  	p1 =	seq.s32 s10, $0x1;
	s10 =	sld [smem:$0x3FB1];
	_ =	sdelay $0x3  }
0x37: {  	[smem:$0x3FB1] =	sst s10  }
0x38: {  	s10 =	sld [smem:$0x3FB2]  }
0x39: {  	_ = 	snop;
	(pc) =	sbr.ind lr, $3  }
0x3a: {  	_ = 	snop  }
0x3b: {  	_ = 	snop  }
0x3c: {  	p2 =	seq.s32 s10, $0x1;
	s10 =	sld [smem:$0x3FB1]  }
0x3d: {  	_ =	shalt  }
0x3e: {  	_ =	shalt  }
0x3f: {  	_ =	shalt  }
0x40: {  	_ =	shalt  }
0x41: {  	_ =	shalt  }
0x42: {  	_ =	shalt  }
0x43: {  	_ =	shalt  }
0x44: {  	_ =	shalt  }
0x45: {  	_ =	shalt  }
0x46: {  	_ =	shalt  }
0x47: {  	_ =	shalt  }
0x48: {  	_ =	shalt  }
0x49: {  	_ =	shalt  }
0x4a: {  	_ =	shalt  }
0x4b: {  	_ =	shalt  }
0x4c: {  	_ =	shalt  }
0x4d: {  	_ =	shalt  }
0x4e: {  	_ =	shalt  }
0x4f: {  	_ =	shalt  }
0x50: {  	_ =	shalt  }
0x51: {  	_ =	shalt  }
0x52: {  	_ =	shalt  }
0x53: {  	_ =	shalt  }
0x54: {  	_ =	shalt  }
0x55: {  	_ =	shalt  }
0x56: {  	_ =	shalt  }
0x57: {  	_ =	shalt  }
0x58: {  	_ =	shalt  }
0x59: {  	_ =	shalt  }
0x5a: {  	_ =	shalt  }
0x5b: {  	_ =	shalt  }
0x5c: {  	_ =	shalt  }
0x5d: {  	_ =	shalt  }
0x5e: {  	_ =	shalt  }
0x5f: {  	_ =	shalt  }
0x60: {  	_ =	shalt  }
0x61: {  	_ =	shalt  }
0x62: {  	_ =	shalt  }
0x63: {  	_ =	shalt  }
0x64: {  	_ =	shalt  }
0x65: {  	_ =	shalt  }
0x66: {  	_ =	shalt  }
0x67: {  	_ =	shalt  }
0x68: {  	_ =	shalt  }
0x69: {  	_ =	shalt  }
0x6a: {  	_ =	shalt  }
0x6b: {  	_ =	shalt  }
0x6c: {  	_ =	shalt  }
0x6d: {  	_ =	shalt  }
0x6e: {  	_ =	shalt  }
0x6f: {  	_ =	shalt  }
0x70: {  	_ =	shalt  }
0x71: {  	_ =	shalt  }
0x72: {  	_ =	shalt  }
0x73: {  	_ =	shalt  }
0x74: {  	_ =	shalt  }
0x75: {  	_ =	shalt  }
0x76: {  	_ =	shalt  }
0x77: {  	_ =	shalt  }
0x78: {  	_ =	shalt  }
0x79: {  	_ =	shalt  }
0x7a: {  	_ =	shalt  }
0x7b: {  	_ =	shalt  }
0x7c: {  	_ =	shalt  }
0x7d: {  	_ =	shalt  }
0x7e: {  	_ =	shalt  }
0x7f: {  	_ =	shalt  }
0x80: {  	_ =	shalt  }
0x81: {  	_ =	shalt  }
0x82: {  	_ =	shalt  }
0x83: {  	_ =	shalt  }
0x84: {  	_ =	shalt  }
0x85: {  	_ =	shalt  }
0x86: {  	_ =	shalt  }
0x87: {  	_ =	shalt  }
.Lfunc_end0:
.L_simem_size_0:
called_computation.2_lowered:
.L_overlay_start_0:
0x88: {  	s2 =	sld [smem:$0x3FD9]  }
0x89: {  	s3 =	sld [smem:$0x3FFE];
	_ =	sdelay $0x1  }
0x8a: {  	s1 =	srdreg.scid  }
0x8b: {  	s0 =	sand.u32 $0x1, s1  }
0x8c: {  	s17 =	sshll.u32 s0, $0xA;
	s2 =	sadd.s32 s3, s2  }
0x8d: {  	s2 =	sadd.s32 s2, s17  }
0x8e: {  	[smem:$0x3FBD] =	sst s2  }
0x8f: {  	_ = 	snop  }
0x90: {  	s2 =	sld [smem:$0x3FD0];
	(tm) =	ssettm $0x1  }
0x91: {  	s18 =	sld [smem:$0x3FFB];
	_ =	sdelay $0x3  }
0x92: {  	_ =	strace s18  }
0x93: {  	s3 =	sld [smem:$0x3FFC];
	_ =	sdelay $0x3  }
0x94: {  	_ =	strace s3  }
0x95: {  	s3 =	sld [smem:$0x3FFD];
	_ =	sdelay $0x3  }
0x96: {  	_ =	strace s3  }
0x97: {  	_ =	strace $0x8FFFFFFF  }
0x98: {  	s19 =	sld [smem:$0x3FDB];
	_ =	sdelay $0x1  }
0x99: {  	s4 =	simm.s32 $_scs_section_size  }
0x9a: {  	s5 =	simm.s32 $_size__tile_overlayer_lowered;
	s6 =	simm.s32 $_tile_overlayer_lowered  }
0x9b: {  	s22 =	simm.s32 $0x1BFF;
	s21 =	sshll.u32 s6, $0x1;
	s3 =	sadd.s32 s4, s19  }
0x9c: {  	s7 =	simm.s32 $0x0;
	s20 =	sshll.u32 s5, $0x1;
	s5 =	sadd.s32 s21, s3  }
0x9d: {  	[timem:s7], [sflag:s22] =	dma.local [hbm:s5], s20  }
0x9e: {  	_ =	swait.ge [sflag:s22], s20  }
0x9f: {  	s4 =	ssub.s32 $0x0, s20;
	[sflag:s22] =	ssyncset.done $0x0  }
0xa0: {  	[sflag:s22] =	ssyncadd.s32 s4;
	_ =	sdelay $0x1  }
0xa1: {  	s23 =	simm.s32 $0x1B8B  }
0xa2: {  	_ =	swait.ge [sflag:s23], $0x1  }
0xa3: {  	[sflag:s23] =	ssyncset.done $0x0  }
0xa4: {  	s25 =	simm.s32 $0x1B8E;
	s24 =	sld [smem:$0x3FFE];
	[sflag:s23] =	ssyncadd.s32 $0xFFFFFFFF  }
0xa5: {  	s26 =	simm.s32 $execute0_lowered;
	[smem:$0x3FD2] =	sst s25  }
0xa6: {  	s5 =	sshll.u32 s26, $0x1;
	_ =	strace $0x8000004C;
	[dreg:$0x1] =	wrdreg $0xFFFFFFFF  }
0xa7: {  	s28 =	simm.s32 $_size_execute0_lowered;
	s3 =	sadd.s32 s3, s5;
	[dreg:$0x0] =	wrdreg $0x0  }
0xa8: {  	s5 =	sshll.u32 s28, $0x1;
	[dreg:$0x2] =	wrdreg s3  }
0xa9: {  	[dreg:$0x3] =	wrdreg s5  }
0xaa: {  	[dreg:$0x4] =	wrdreg $0xC0  }
0xab: {  	_ =	task [dreg:s7], $0x5FFFF  }
0xac: {  	[dreg:$0x1] =	wrdreg $0xFFFFFFFF  }
0xad: {  	[dreg:$0x0] =	wrdreg $0x60  }
0xae: {  	[dreg:$0x2] =	wrdreg s24  }
0xaf: {  	[dreg:$0x3] =	wrdreg s2  }
0xb0: {  	[dreg:$0x4] =	wrdreg $0x0  }
0xb1: {  	[dreg:$0x5] =	wrdreg $0x9  }
0xb2: {  	_ =	task.clear_ibuf [dreg:s7], $0x6FFFF;
	_ =	strace $0x9000004C  }
0xb3: {  	s29 =	simm.s32 $0x9;
	_ =	strace $0x8000004E  }
0xb4: {  	_ =	swait.ge [sflag:s29], $0x1  }
0xb5: {  	[sflag:s29] =	ssyncadd.s32 $0xFFFFFFFF  }
0xb6: {  	_ =	strace $0x9000004E  }
0xb7: {  	_ =	sfence  }
0xb8: {  	s30 =	sld [smem:$0x0];
	_ =	sdelay $0x2  }
0xb9: {  	s31 =	sshll.u32 s1, $0xD;
	s1 =	sshrl.u32 s1, $0x2  }
0xba: {  	s3 =	sand.u32 $0x4000, s31;
	s1 =	sadd.s32 s1, s30  }
0xbb: {  	s0 =	sor.u32 s3, s0;
	s1 =	sshll.u32 s1, $0x11  }
0xbc: {  	s0 =	sor.u32 s1, s0  }
0xbd: {  	s0 =	sadd.s32 $0x8F2B, s0  }
0xbe: {  	[sflag:s0] =	ssyncadd.remote.s32 $0x1  }
0xbf: {  	_ =	sfence.sel $0xFFFF  }
0xc0: {  	[dreg:$0x0] =	wrdreg $0xFFFFFFFF;
	(pc) =	sbr.abs _section_cstart, $3  }
0xc1: {  	[dreg:$0x1] =	wrdreg $0xFFFFFFFF  }
0xc2: {  	_ =	task.clear_ibuf [dreg:s7], $0x2FFFF;
	_ =	strace $0x9FFFFFFF  }
0xc3: {  	(tm) =	ssettm $0x7FFFFFFF  }
tec
execute0_lowered:
.L_overlay_start_1:
0x0: {  	(tag) =	ssettag $0x1  }
0x1: {  	s1 =	rddreg [dreg:$0x0]  }
0x2: {  	s0 =	srdreg.scid;
	s3 =	rddreg [dreg:$0x1]  }
0x3: {  	s9 =	stileid.u32;
	s2 =	rddreg [dreg:$0x2];
	s5 =	simm.s32 $0x0  }
0x4: {  	s12 =	simm.s32 $0x14460;
	s13 =	simm.s32 $0x5;
	s14 =	simm.s32 $0x9C40  }
0x5: {  	s15 =	simm.s32 $0xC3A0;
	s16 =	simm.s32 $0xEB00;
	s17 =	simm.s32 $0x50  }
0x6: {  	s18 =	simm.s32 $0x11C60;
	s19 =	simm.s32 $0x11260;
	s20 =	simm.s32 $0x13060  }
0x7: {  	s21 =	simm.s32 $0x11760;
	s22 =	simm.s32 $0x1;
	s23 =	simm.s32 $0x3  }
0x8: {  	s24 =	simm.s32 $0x2;
	s25 =	simm.s32 $0x4;
	s26 =	simm.s32 $0x0  }
0x9: {  	s0 =	sand.u32 $0x1, s0;
	[smem:$0x7FF] =	sst s5;
	s6 =	smul.u32 $0x1388, s9  }
0xa: {  	s5 =	sadd.s32 $0x534600, s1;
	s4 =	sshll.u32 s0, $0x4;
	s8 =	smul.u32 $0x13880, s0  }
0xb: {  	s0 =	ssub.s32 $0x2, s0;
	s4 =	sor.u32 s9, s4;
	s9 =	smul.u32 $0x27100, s9  }
0xc: {  	_ =	strace $0x8000004D;
	s30 =	sshrl.u32 s0, $0x1;
	s7 =	smul.u32 $0x4EC, s4  }
0xd: {  	s4 =	sadd.s32 $0x177000, s1;
	s6 =	sadd.s32 s6, s8;
	s0 =	ssub.s32 s0, s30  }
0xe: {  	s31 =	sshrl.u32 s9, $0x2;
	s11 =	smax.u32 s0, $0x1;
	s10 =	sadd.s32 s7, s1  }
0xf: {  	s1 =	sadd.s32 s6, s1;
	s6 =	sadd.s32 s31, s2;
	s8 =	sadd.s32 $0x2AF800, s10  }
0x10: {  	v0 =	vimm.f32 $0.0e+00;
	s7 =	sadd.s32 s3, s7;
	s9 =	sadd.s32 $0x2B9600, s10;
	s10 =	sadd.s32 $0x3A00, s1  }
.LBB2_1:
0x11: {  	s1 =	simm.s32 $0x100;
	s0 =	simm.s32 $0x0  }
.LBB2_2:
0x12: {  	p0 =	sne.s32 s1, $0x27000;
	[tilespmem:s0+$0x14490] =	vst v0;
	s3 =	smov.u32 s1;
	s1 =	sadd.s32 $0x100, s1  }
.Ltmp0:
0x13: {  	[tilespmem:s0+$0x14480] =	vst v0;
	(pc) =	sbr.rel @p0 .LBB2_2-.Ltmp0, $3  }
0x14: {  	[tilespmem:s0+$0x14460] =	vst v0  }
0x15: {  	[tilespmem:s0+$0x14470] =	vst v0;
	_ =	sdelay $0x1  }
0x16: {  	s0 =	sshra.s32 s3, $0x2  }
0x17: {  	[tilespmem:s0+$0x14490] =	vst v0  }
0x18: {  	[tilespmem:s0+$0x14480] =	vst v0  }
0x19: {  	[tilespmem:s0+$0x14460] =	vst v0  }
0x1a: {  	[tilespmem:s0+$0x14470] =	vst v0  }
0x1b: {  	[spmem:s6] =	stream.linear.scatter [tilespmem:s12], [sflag:$0x5], $0x9C40, $0x38;
	[tilespmem:$0x1E0A0] =	vst v63  }
0x1c: {  	_ =	swait.ge [sflag:s13], $0x9C40  }
0x1d: {  	[sflag:s13] =	ssyncset.done $0x0  }
0x1e: {  	s28 =	simm.s32 $0x0;
	[sflag:s13] =	ssyncadd.s32 $0xFFFF63C0  }
0x1f: {  	[tilespmem:s14], [sflag:$0x5] =	stream.linear.gather [hbm4b:s7+s28], $0x2760, $0x38;
	[tilespmem:$0x1E0A0] =	vst v63  }
0x20: {  	_ =	swait.ge [sflag:s13], $0x2760  }
0x21: {  	[sflag:s13] =	ssyncset.done $0x0  }
0x22: {  	[sflag:s13] =	ssyncadd.s32 $0xFFFFD8A0  }
0x23: {  	[tilespmem:s15], [sflag:$0x5] =	stream.linear.gather [hbm4b:s8+s28], $0x2760, $0x38;
	[tilespmem:$0x1E0A0] =	vst v63  }
0x24: {  	_ =	swait.ge [sflag:s13], $0x2760  }
0x25: {  	[sflag:s13] =	ssyncset.done $0x0  }
0x26: {  	[sflag:s13] =	ssyncadd.s32 $0xFFFFD8A0  }
0x27: {  	[tilespmem:s16], [sflag:$0x5] =	stream.linear.gather [hbm4b:s9+s28], $0x2760, $0x38;
	[tilespmem:$0x1E0A0] =	vst v63  }
0x28: {  	_ =	swait.ge [sflag:s13], $0x2760  }
0x29: {  	[sflag:s13] =	ssyncset.done $0x0  }
0x2a: {  	[sflag:s13] =	ssyncadd.s32 $0xFFFFD8A0  }
0x2b: {  	[bflag:$0x0] =	sbarrier.arrive $0xFFFF  }
0x2c: {  	[tilespmem:s18], [sflag:$0x1] =	stream.indirect.gather [hbm4b:s4+s17], $0x40, s14, s17, $0xb8;
	[tilespmem:$0x1E0A0] =	vst v63  }
0x2d: {  	_ = 	snop  }
0x2e: {  	[tilespmem:s19], [sflag:$0x3] =	stream.indirect.gather [hbm4b:s5+s17], $0x10, s15, s17, $0xb8;
	[tilespmem:$0x1E0A0] =	vst v63  }
.LBB2_4:
0x2f: {  	s0 =	smul.u32 $0xA0, s28;
	_ =	sdelay $0x1  }
0x30: {  	s1 =	sadd.s32 $0x9C90, s0  }
0x31: {  	[tilespmem:s20], [sflag:$0x2] =	stream.indirect.gather [hbm4b:s4+s17], $0x40, s1, s17, $0xb8;
	[tilespmem:$0x1E0A0] =	vst v63  }
0x32: {  	s3 =	sadd.s32 $0xC3F0, s0  }
0x33: {  	[tilespmem:s21], [sflag:$0x4] =	stream.indirect.gather [hbm4b:s5+s17], $0x10, s3, s17, $0xb8;
	[tilespmem:$0x1E0A0] =	vst v63  }
0x34: {  	_ =	swait.ge [sflag:s22], $0x1400  }
0x35: {  	[sflag:s22] =	ssyncset.done $0x0  }
0x36: {  	[sflag:s22] =	ssyncadd.s32 $0xFFFFEC00  }
0x37: {  	_ =	swait.ge [sflag:s23], $0x500  }
0x38: {  	[sflag:s23] =	ssyncset.done $0x0  }
0x39: {  	s30 =	simm.s32 $0x11CE0;
	[sflag:s23] =	ssyncadd.s32 $0xFFFFFB00  }
0x3a: {  	s31 =	simm.s32 $0x11280;
	v1 =	vld [tilespmem:s30+$0xFFFFFFA0]  }
0x3b: {  	v2 =	vld [tilespmem:s31+$0xFFFFFFE0]  }
0x3c: {  	v3 =	vld [tilespmem:s30+$0xFFFFFF90]  }
0x3d: {  	v4 =	vld [tilespmem:s30+$0xFFFFFF80]  }
0x3e: {  	v5 =	vld [tilespmem:s30+$0xFFFFFFB0];
	_ =	sdelay $0x1  }
0x3f: {  	v1 =	vmul.f32 v1, v2  }
0x40: {  	v3 =	vmul.f32 v3, v2  }
0x41: {  	v4 =	vmul.f32 v4, v2;
	[tilespmem:s30+$0xFFFFFFA0] =	vst v1  }
0x42: {  	v1 =	vmul.f32 v5, v2;
	[tilespmem:s30+$0xFFFFFF90] =	vst v3  }
0x43: {  	[tilespmem:s30+$0xFFFFFF80] =	vst v4  }
0x44: {  	[tilespmem:s30+$0xFFFFFFB0] =	vst v1;
	v1 =	vld [tilespmem:s30+$0xFFFFFFC0]  }
0x45: {  	v3 =	vld [tilespmem:s31+$0xFFFFFFF0]  }
0x46: {  	v4 =	vld [tilespmem:s30+$0xFFFFFFE0]  }
0x47: {  	v2 =	vld [tilespmem:s30+$0xFFFFFFD0]  }
0x48: {  	v5 =	vld [tilespmem:s30+$0xFFFFFFF0];
	_ =	sdelay $0x1  }
0x49: {  	v1 =	vmul.f32 v1, v3  }
0x4a: {  	v4 =	vmul.f32 v4, v3  }
0x4b: {  	v2 =	vmul.f32 v2, v3;
	[tilespmem:s30+$0xFFFFFFC0] =	vst v1  }
0x4c: {  	v1 =	vmul.f32 v5, v3;
	[tilespmem:s30+$0xFFFFFFE0] =	vst v4  }
0x4d: {  	[tilespmem:s30+$0xFFFFFFD0] =	vst v2  }
0x4e: {  	[tilespmem:s30+$0xFFFFFFF0] =	vst v1;
	v1 =	vld [tilespmem:s30+$0x0]  }
0x4f: {  	v4 =	vld [tilespmem:s31+$0x0]  }
0x50: {  	v2 =	vld [tilespmem:s30+$0x10]  }
0x51: {  	v3 =	vld [tilespmem:s30+$0x20]  }
0x52: {  	v5 =	vld [tilespmem:s30+$0x30];
	_ =	sdelay $0x1  }
0x53: {  	v1 =	vmul.f32 v1, v4  }
0x54: {  	v6 =	vmul.f32 v2, v4  }
0x55: {  	s29 =	sadd.s32 $0x50, s0;
	v3 =	vmul.f32 v3, v4;
	[tilespmem:s30+$0x0] =	vst v1  }
0x56: {  	s0 =	simm.s32 $0x11280;
	s1 =	simm.s32 $0x0;
	s3 =	simm.s32 $0x11CE0;
	v2 =	vmul.f32 v5, v4;
	[tilespmem:s30+$0x10] =	vst v6;
	v1 =	vld [tilespmem:s30+$0x70]  }
.LBB2_5:
0x57: {  	s1 =	sadd.s32 $0x4, s1;
	[tilespmem:s30+$0x20] =	vst v3;
	v3 =	vld [tilespmem:s30+$0x40];
	s31 =	sadd.s32 $0x40, s31;
	s3 =	sadd.s32 $0x100, s3  }
0x58: {  	p0 =	slt.u32 s1, $0x4C;
	[tilespmem:s30+$0x30] =	vst v2;
	v2 =	vld [tilespmem:s30+$0x50]  }
0x59: {  	v4 =	vld [tilespmem:s0+$0x10];
	s0 =	smov.u32 s31  }
0x5a: {  	v5 =	vld [tilespmem:s30+$0x60];
	_ =	sdelay $0x3  }
0x5b: {  	v3 =	vmul.f32 v3, v4;
	v2 =	vmul.f32 v2, v4  }
0x5c: {  	v1 =	vmul.f32 v1, v4;
	v5 =	vmul.f32 v5, v4  }
0x5d: {  	[tilespmem:s30+$0x40] =	vst v3  }
0x5e: {  	[tilespmem:s30+$0x70] =	vst v1  }
0x5f: {  	v1 =	vld [tilespmem:s3+$0xFFFFFFA0];
	[tilespmem:s30+$0x60] =	vst v5  }
0x60: {  	v3 =	vld [tilespmem:s3+$0xFFFFFF80];
	[tilespmem:s30+$0x50] =	vst v2;
	s30 =	smov.u32 s3  }
0x61: {  	v2 =	vld [tilespmem:s31+$0xFFFFFFE0]  }
0x62: {  	v4 =	vld [tilespmem:s3+$0xFFFFFF90]  }
0x63: {  	v5 =	vld [tilespmem:s3+$0xFFFFFFB0];
	_ =	sdelay $0x2  }
0x64: {  	v3 =	vmul.f32 v3, v2;
	v1 =	vmul.f32 v1, v2  }
0x65: {  	v4 =	vmul.f32 v4, v2  }
0x66: {  	[tilespmem:s3+$0xFFFFFFA0] =	vst v1;
	v1 =	vmul.f32 v5, v2  }
0x67: {  	[tilespmem:s3+$0xFFFFFF90] =	vst v4;
	v2 =	vld [tilespmem:s3+$0xFFFFFFF0]  }
0x68: {  	[tilespmem:s3+$0xFFFFFF80] =	vst v3;
	v3 =	vld [tilespmem:s3+$0xFFFFFFD0]  }
0x69: {  	[tilespmem:s3+$0xFFFFFFB0] =	vst v1;
	v1 =	vld [tilespmem:s3+$0xFFFFFFC0]  }
0x6a: {  	v4 =	vld [tilespmem:s31+$0xFFFFFFF0]  }
0x6b: {  	v5 =	vld [tilespmem:s3+$0xFFFFFFE0];
	_ =	sdelay $0x3  }
0x6c: {  	v1 =	vmul.f32 v1, v4;
	v3 =	vmul.f32 v3, v4  }
0x6d: {  	v2 =	vmul.f32 v2, v4;
	v5 =	vmul.f32 v5, v4  }
0x6e: {  	[tilespmem:s3+$0xFFFFFFC0] =	vst v1  }
0x6f: {  	[tilespmem:s3+$0xFFFFFFE0] =	vst v5;
	v1 =	vld [tilespmem:s3+$0x20]  }
0x70: {  	[tilespmem:s3+$0xFFFFFFD0] =	vst v3;
	v3 =	vld [tilespmem:s3+$0x10]  }
0x71: {  	[tilespmem:s3+$0xFFFFFFF0] =	vst v2;
	v2 =	vld [tilespmem:s3+$0x0]  }
0x72: {  	v4 =	vld [tilespmem:s31+$0x0]  }
0x73: {  	v5 =	vld [tilespmem:s3+$0x30];
	_ =	sdelay $0x2  }
.Ltmp1:
0x74: {  	(pc) =	sbr.rel @p0 .LBB2_5-.Ltmp1, $4  }
0x75: {  	v6 =	vmul.f32 v2, v4;
	v7 =	vmul.f32 v3, v4  }
0x76: {  	v3 =	vmul.f32 v1, v4;
	v2 =	vmul.f32 v5, v4  }
0x77: {  	[tilespmem:s3+$0x0] =	vst v6  }
0x78: {  	[tilespmem:s3+$0x10] =	vst v7;
	v1 =	vld [tilespmem:s3+$0x70]  }
0x79: {  	[tilespmem:s30+$0x20] =	vst v3  }
0x7a: {  	v3 =	vld [tilespmem:s30+$0x40];
	[tilespmem:s30+$0x30] =	vst v2  }
0x7b: {  	v2 =	vld [tilespmem:s0+$0x10];
	_ =	sdelay $0x1  }
0x7c: {  	v4 =	vld [tilespmem:s30+$0x60]  }
0x7d: {  	v5 =	vld [tilespmem:s30+$0x50];
	_ =	sdelay $0x1  }
0x7e: {  	v3 =	vmul.f32 v3, v2  }
0x7f: {  	v1 =	vmul.f32 v1, v2  }
0x80: {  	s3 =	smul.u32 $0x280, s28;
	v4 =	vmul.f32 v4, v2;
	[tilespmem:s30+$0x40] =	vst v3  }
0x81: {  	v2 =	vmul.f32 v5, v2;
	[tilespmem:s30+$0x70] =	vst v1  }
0x82: {  	s1 =	sshll.u32 s28, $0x1;
	s0 =	sshra.s32 s3, $0x2;
	[tilespmem:s30+$0x60] =	vst v4  }
0x83: {  	s1 =	smin.u32 s1, $0x7B;
	s0 =	sadd.s32 $0xEB00, s0;
	[tilespmem:s30+$0x50] =	vst v2  }
0x84: {  	[spmem:s2] =	stream.indirect.scatter.add.f32 [tilespmem:s18], [sflag:$0x5], $0x40, s0, s17, $0xb8;
	[tilespmem:$0x1E0A0] =	vst v63  }
0x85: {  	s0 =	smul.u32 $0x50, s1;
	_ =	swait.ge [sflag:s13], $0x1400  }
0x86: {  	[sflag:s13] =	ssyncset.done $0x0  }
0x87: {  	s3 =	sadd.s32 $0x9CE0, s0;
	[sflag:s13] =	ssyncadd.s32 $0xFFFFEC00  }
0x88: {  	[tilespmem:s18], [sflag:$0x1] =	stream.indirect.gather [hbm4b:s4+s17], $0x40, s3, s17, $0xb8;
	[tilespmem:$0x1E0A0] =	vst v63  }
0x89: {  	s0 =	sadd.s32 $0xC440, s0  }
0x8a: {  	[tilespmem:s19], [sflag:$0x3] =	stream.indirect.gather [hbm4b:s5+s17], $0x10, s0, s17, $0xb8;
	[tilespmem:$0x1E0A0] =	vst v63  }
0x8b: {  	_ =	swait.ge [sflag:s24], $0x1400  }
0x8c: {  	[sflag:s24] =	ssyncset.done $0x0  }
0x8d: {  	[sflag:s24] =	ssyncadd.s32 $0xFFFFEC00  }
0x8e: {  	_ =	swait.ge [sflag:s25], $0x500  }
0x8f: {  	[sflag:s25] =	ssyncset.done $0x0  }
0x90: {  	s30 =	simm.s32 $0x130E0;
	[sflag:s25] =	ssyncadd.s32 $0xFFFFFB00  }
0x91: {  	s31 =	simm.s32 $0x11780;
	v1 =	vld [tilespmem:s30+$0xFFFFFFA0]  }
0x92: {  	v2 =	vld [tilespmem:s31+$0xFFFFFFE0]  }
0x93: {  	v3 =	vld [tilespmem:s30+$0xFFFFFF90]  }
0x94: {  	v4 =	vld [tilespmem:s30+$0xFFFFFF80]  }
0x95: {  	v5 =	vld [tilespmem:s30+$0xFFFFFFB0];
	_ =	sdelay $0x1  }
0x96: {  	v1 =	vmul.f32 v1, v2  }
0x97: {  	v3 =	vmul.f32 v3, v2  }
0x98: {  	v4 =	vmul.f32 v4, v2;
	[tilespmem:s30+$0xFFFFFFA0] =	vst v1  }
0x99: {  	v1 =	vmul.f32 v5, v2;
	[tilespmem:s30+$0xFFFFFF90] =	vst v3  }
0x9a: {  	[tilespmem:s30+$0xFFFFFF80] =	vst v4  }
0x9b: {  	[tilespmem:s30+$0xFFFFFFB0] =	vst v1;
	v1 =	vld [tilespmem:s30+$0xFFFFFFC0]  }
0x9c: {  	v3 =	vld [tilespmem:s31+$0xFFFFFFF0]  }
0x9d: {  	v4 =	vld [tilespmem:s30+$0xFFFFFFE0]  }
0x9e: {  	v2 =	vld [tilespmem:s30+$0xFFFFFFD0]  }
0x9f: {  	v5 =	vld [tilespmem:s30+$0xFFFFFFF0];
	_ =	sdelay $0x1  }
0xa0: {  	v1 =	vmul.f32 v1, v3  }
0xa1: {  	v4 =	vmul.f32 v4, v3  }
0xa2: {  	v2 =	vmul.f32 v2, v3;
	[tilespmem:s30+$0xFFFFFFC0] =	vst v1  }
0xa3: {  	v1 =	vmul.f32 v5, v3;
	[tilespmem:s30+$0xFFFFFFE0] =	vst v4  }
0xa4: {  	[tilespmem:s30+$0xFFFFFFD0] =	vst v2  }
0xa5: {  	[tilespmem:s30+$0xFFFFFFF0] =	vst v1;
	v1 =	vld [tilespmem:s30+$0x0]  }
0xa6: {  	v4 =	vld [tilespmem:s31+$0x0]  }
0xa7: {  	v2 =	vld [tilespmem:s30+$0x10]  }
0xa8: {  	v3 =	vld [tilespmem:s30+$0x20]  }
0xa9: {  	v5 =	vld [tilespmem:s30+$0x30];
	_ =	sdelay $0x1  }
0xaa: {  	v1 =	vmul.f32 v1, v4  }
0xab: {  	v6 =	vmul.f32 v2, v4  }
0xac: {  	v3 =	vmul.f32 v3, v4;
	[tilespmem:s30+$0x0] =	vst v1  }
0xad: {  	s1 =	simm.s32 $0x0;
	s3 =	simm.s32 $0x130E0;
	s0 =	simm.s32 $0x11780;
	v2 =	vmul.f32 v5, v4;
	[tilespmem:s30+$0x10] =	vst v6;
	v1 =	vld [tilespmem:s30+$0x70]  }
.LBB2_7:
0xae: {  	s1 =	sadd.s32 $0x4, s1;
	[tilespmem:s30+$0x20] =	vst v3;
	v3 =	vld [tilespmem:s30+$0x40];
	s31 =	sadd.s32 $0x40, s31;
	s3 =	sadd.s32 $0x100, s3  }
0xaf: {  	p0 =	slt.u32 s1, $0x4C;
	[tilespmem:s30+$0x30] =	vst v2;
	v2 =	vld [tilespmem:s30+$0x50]  }
0xb0: {  	v4 =	vld [tilespmem:s0+$0x10];
	s0 =	smov.u32 s31  }
0xb1: {  	v5 =	vld [tilespmem:s30+$0x60];
	_ =	sdelay $0x3  }
0xb2: {  	v3 =	vmul.f32 v3, v4;
	v2 =	vmul.f32 v2, v4  }
0xb3: {  	v1 =	vmul.f32 v1, v4;
	v5 =	vmul.f32 v5, v4  }
0xb4: {  	[tilespmem:s30+$0x40] =	vst v3  }
0xb5: {  	[tilespmem:s30+$0x70] =	vst v1  }
0xb6: {  	v1 =	vld [tilespmem:s3+$0xFFFFFFA0];
	[tilespmem:s30+$0x60] =	vst v5  }
0xb7: {  	v3 =	vld [tilespmem:s3+$0xFFFFFF80];
	[tilespmem:s30+$0x50] =	vst v2;
	s30 =	smov.u32 s3  }
0xb8: {  	v2 =	vld [tilespmem:s31+$0xFFFFFFE0]  }
0xb9: {  	v4 =	vld [tilespmem:s3+$0xFFFFFF90]  }
0xba: {  	v5 =	vld [tilespmem:s3+$0xFFFFFFB0];
	_ =	sdelay $0x2  }
0xbb: {  	v3 =	vmul.f32 v3, v2;
	v1 =	vmul.f32 v1, v2  }
0xbc: {  	v4 =	vmul.f32 v4, v2  }
0xbd: {  	[tilespmem:s3+$0xFFFFFFA0] =	vst v1;
	v1 =	vmul.f32 v5, v2  }
0xbe: {  	[tilespmem:s3+$0xFFFFFF90] =	vst v4;
	v2 =	vld [tilespmem:s3+$0xFFFFFFF0]  }
0xbf: {  	[tilespmem:s3+$0xFFFFFF80] =	vst v3;
	v3 =	vld [tilespmem:s3+$0xFFFFFFD0]  }
0xc0: {  	[tilespmem:s3+$0xFFFFFFB0] =	vst v1;
	v1 =	vld [tilespmem:s3+$0xFFFFFFC0]  }
0xc1: {  	v4 =	vld [tilespmem:s31+$0xFFFFFFF0]  }
0xc2: {  	v5 =	vld [tilespmem:s3+$0xFFFFFFE0];
	_ =	sdelay $0x3  }
0xc3: {  	v1 =	vmul.f32 v1, v4;
	v3 =	vmul.f32 v3, v4  }
0xc4: {  	v2 =	vmul.f32 v2, v4;
	v5 =	vmul.f32 v5, v4  }
0xc5: {  	[tilespmem:s3+$0xFFFFFFC0] =	vst v1  }
0xc6: {  	[tilespmem:s3+$0xFFFFFFE0] =	vst v5;
	v1 =	vld [tilespmem:s3+$0x20]  }
0xc7: {  	[tilespmem:s3+$0xFFFFFFD0] =	vst v3;
	v3 =	vld [tilespmem:s3+$0x10]  }
0xc8: {  	[tilespmem:s3+$0xFFFFFFF0] =	vst v2;
	v2 =	vld [tilespmem:s3+$0x0]  }
0xc9: {  	v4 =	vld [tilespmem:s31+$0x0]  }
0xca: {  	v5 =	vld [tilespmem:s3+$0x30];
	_ =	sdelay $0x2  }
.Ltmp2:
0xcb: {  	(pc) =	sbr.rel @p0 .LBB2_7-.Ltmp2, $4  }
0xcc: {  	v6 =	vmul.f32 v2, v4;
	v7 =	vmul.f32 v3, v4  }
0xcd: {  	v3 =	vmul.f32 v1, v4;
	v2 =	vmul.f32 v5, v4  }
0xce: {  	[tilespmem:s3+$0x0] =	vst v6  }
0xcf: {  	[tilespmem:s3+$0x10] =	vst v7;
	v1 =	vld [tilespmem:s3+$0x70]  }
0xd0: {  	[tilespmem:s30+$0x20] =	vst v3  }
0xd1: {  	v3 =	vld [tilespmem:s30+$0x40];
	[tilespmem:s30+$0x30] =	vst v2  }
0xd2: {  	v2 =	vld [tilespmem:s0+$0x10];
	_ =	sdelay $0x1  }
0xd3: {  	v4 =	vld [tilespmem:s30+$0x60]  }
0xd4: {  	v5 =	vld [tilespmem:s30+$0x50];
	_ =	sdelay $0x1  }
0xd5: {  	v3 =	vmul.f32 v3, v2  }
0xd6: {  	v1 =	vmul.f32 v1, v2  }
0xd7: {  	v4 =	vmul.f32 v4, v2;
	[tilespmem:s30+$0x40] =	vst v3  }
0xd8: {  	s28 =	sadd.s32 $0x1, s28;
	v2 =	vmul.f32 v5, v2;
	[tilespmem:s30+$0x70] =	vst v1  }
0xd9: {  	p0 =	sne.s32 s28, $0x3F;
	[tilespmem:s30+$0x60] =	vst v4  }
.Ltmp3:
0xda: {  	s31 =	sadd.s32 $0xEB00, s29;
	[tilespmem:s30+$0x50] =	vst v2;
	(pc) =	sbr.rel @p0 .LBB2_4-.Ltmp3, $4  }
0xdb: {  	[spmem:s2] =	stream.indirect.scatter.add.f32 [tilespmem:s20], [sflag:$0x5], $0x40, s31, s17, $0xb8;
	[tilespmem:$0x1E0A0] =	vst v63  }
0xdc: {  	_ =	swait.ge [sflag:s13], $0x1400  }
0xdd: {  	[sflag:s13] =	ssyncset.done $0x0  }
0xde: {  	[sflag:s13] =	ssyncadd.s32 $0xFFFFEC00  }
0xdf: {  	_ =	swait.ge [sflag:s22], $0x1400  }
0xe0: {  	[sflag:s22] =	ssyncset.done $0x0  }
0xe1: {  	[sflag:s22] =	ssyncadd.s32 $0xFFFFEC00  }
0xe2: {  	_ =	swait.ge [sflag:s23], $0x500  }
0xe3: {  	[sflag:s23] =	ssyncset.done $0x0  }
0xe4: {  	[sflag:s23] =	ssyncadd.s32 $0xFFFFFB00  }
0xe5: {  	[bflag:$0x0] =	sbarrier.arrive $0xFFFF  }
0xe6: {  	[tilespmem:s12], [sflag:$0x5] =	stream.linear.gather [spmem:s6], $0x9C40, $0x38;
	[tilespmem:$0x1E0A0] =	vst v63  }
0xe7: {  	s26 =	sadd.s32 $0x1, s26;
	_ =	swait.ge [sflag:s13], $0x9C40  }
0xe8: {  	p0 =	sne.s32 s26, s11;
	[sflag:s13] =	ssyncset.done $0x0  }
.Ltmp4:
0xe9: {  	s0 =	simm.s32 $0x0;
	[sflag:s13] =	ssyncadd.s32 $0xFFFF63C0;
	(pc) =	sbr.rel @p0 .LBB2_1-.Ltmp4, $4  }
0xea: {  	[hbm4b:s10+s0] =	stream.linear.scatter [tilespmem:s12], [sflag:$0x5], $0x9C40, $0x38;
	[tilespmem:$0x1E0A0] =	vst v63  }
0xeb: {  	_ =	swait.ge [sflag:s13], $0x9C40  }
0xec: {  	[sflag:s13] =	ssyncset.done $0x0  }
0xed: {  	[sflag:s13] =	ssyncadd.s32 $0xFFFF63C0  }
0xee: {  	_ =	sfence.sel $0x180000  }
0xef: {  	[bflag:$0x0] =	sbarrier.arrive $0xFFFF  }
0xf0: {  	_ =	strace $0x9000004D  }
0xf1: {  	s0 =	stileid.u32;
	[bflag:$0x2] =	sbarrier.arrive $0xFFFF  }
0xf2: {  	p0 =	sne.s32 s0, $0x0;
	s0 =	rddreg [dreg:$0x3]  }
0xf3: {  	s0 =	sadd.s32 @!p0 $0x100000, s0  }
0xf4: {  	[sflag:s0] =	ssyncadd.tile.s32 @!p0 $0x1;
	_ =	shalt  }
.Lfunc_end2:
_tile_overlayer_lowered:
.L_overlay_start_2:
0xf5: {  	(tag) =	ssettag $0x2  }
0xf6: {  	s0 =	rddreg [dreg:$0x0];
	s2 =	stileid.u32  }
0xf7: {  	s1 =	rddreg [dreg:$0x1];
	p0 =	sne.s32 s2, $0x0  }
0xf8: {  	s3 =	rddreg [dreg:$0x2];
	[bflag:$0x3] =	sbarrier.arrive $0xFFFF;
	s2 =	simm.s32 @!p0 $0x1C05  }
0xf9: {  	[timem:s3], [sflag:s2] =	dma.local @!p0 [hbm:s0], s1  }
0xfa: {  	s0 =	simm.s32 @!p0 $0x5  }
0xfb: {  	_ =	swait.ge @!p0 [sflag:s0], s1  }
0xfc: {  	s1 =	ssub.s32 @!p0 $0x0, s1;
	[sflag:s0] =	ssyncset.done @!p0 $0x0  }
0xfd: {  	[sflag:s0] =	ssyncadd.s32 @!p0 s1  }
0xfe: {  	[bflag:$0x3] =	sbarrier.arrive $0xFFFF  }
0xff: {  	_ =	shalt  }

// kernel: kernel.16.cloned.1.call-start
scs
__scs_entry_jumppad:
0x0: {  	(pc) =	sbr.rel $0x88, $3  }
0x1: {  	(tag) =	ssettag $0x0;
	lr =	simm.s32 $0x1  }
0x2: {  	[smem:$0x3F96] =	sst lr;
	_ =	strace $0xD0000000  }
0x3: {  	_ = 	snop  }
0x4: {  	_ = 	snop  }
0x5: {  	_ = 	snop  }
0x6: {  	_ = 	snop  }
0x7: {  	_ = 	snop  }
__scs_overlays_trampoline_lowered:
0x8: {  	[smem:$0x3FA5] =	sst s0  }
0x9: {  	[smem:$0x3FA6] =	sst s1  }
0xa: {  	[smem:$0x3FA7] =	sst s2  }
0xb: {  	[smem:$0x3FA8] =	sst s3  }
0xc: {  	[smem:$0x3FA9] =	sst s4  }
0xd: {  	[smem:$0x3FAA] =	sst s5  }
0xe: {  	[smem:$0x3FAB] =	sst s6  }
0xf: {  	[smem:$0x3FAC] =	sst s7  }
0x10: {  	[smem:$0x3FAD] =	sst s8  }
0x11: {  	[smem:$0x3FAE] =	sst s9;
	s0 =	simm.s32 @!p0 $0x0  }
0x12: {  	s1 =	sld [smem:$0x3F94];
	s0 =	simm.s32 @p0 $0x1  }
0x13: {  	[smem:$0x3FAF] =	sst s0;
	s0 =	simm.s32 @!p1 $0x0  }
0x14: {  	s2 =	sld [smem:$0x3F93];
	s0 =	simm.s32 @p1 $0x1  }
0x15: {  	[smem:$0x3FB0] =	sst s0;
	s0 =	simm.s32 @!p2 $0x0  }
0x16: {  	s3 =	sld [smem:$0x3FDB];
	s0 =	simm.s32 @p2 $0x1  }
0x17: {  	s4 =	simm.s32 $0x1BF5;
	[smem:$0x3FB2] =	sst s0  }
0x18: {  	s0 =	sld [smem:$0x3F95];
	_ =	swait.ge [sflag:s4], $0x0  }
0x19: {  	s7 =	sld [smem:$0x3F96]  }
0x1a: {  	s8 =	sadd.s32 $0xFFFFE003, lr  }
0x1b: {  	s9 =	sadd.s32 $0xFFFFFEF7, lr;
	s5 =	simm.s32 $0xFFFFFFFF;
	p2 =	slt.u32 s8, $0xFFFFF086  }
0x1c: {  	p1 =	slt.u32 s9, $0xF7A;
	s5 =	simm.s32 @!p2 $0x0  }
0x1d: {  	s5 =	simm.s32 @p1 $0x1;
	p0 =	seq.s32 s7, s2  }
0x1e: {  	s7 =	smul.u32 @!p0 $0xF7A, s2;
	p2 =	seq.s32 @!p0 s5, $0x0  }
0x1f: {  	s9 =	smul.u32 $0xF7A, s1;
	s8 =	simm.s32 @!p0 $0x1BF5;
	p2 =	por !p2, p0  }
0x20: {  	[sflag:s8] =	ssyncset.s32 @!p0 $0xFFFFF086;
	s6 =	sadd.s32 @!p0 s3, s7;
	s7 =	simm.s32 @!p0 $0x108  }
0x21: {  	s3 =	sadd.s32 s3, s9;
	s6 =	sadd.s32 @!p0 $0x88, s6;
	s7 =	simm.s32 @p2 $0x1082  }
0x22: {  	[simem:s7], [sflag:s8] =	dma.local @!p0 [hbm:s6], $0xF7A  }
0x23: {  	s9 =	sor.u32 $0xD0000000, s2;
	s6 =	simm.s32 $0x108;
	_ =	swait.ge @!p0 [sflag:s8], $0x0  }
0x24: {  	s3 =	sadd.s32 $0x88, s3;
	s6 =	simm.s32 @!p1 $0x1082;
	[sflag:s4] =	ssyncset.s32 $0xFFFFF086  }
0x25: {  	[simem:s6], [sflag:s4] =	dma.local [hbm:s3], $0xF7A  }
0x26: {  	[smem:$0x3F96] =	sst s1;
	(tag) =	ssettag s2;
	_ =	strace s9  }
0x27: {  	s1 =	sld [smem:$0x3FA6]  }
0x28: {  	s2 =	sld [smem:$0x3FA7]  }
0x29: {  	s4 =	sld [smem:$0x3FA9]  }
0x2a: {  	p0 =	seq.s32 s5, $0x0;
	s5 =	sld [smem:$0x3FAA]  }
0x2b: {  	s6 =	sld [smem:$0x3FAB]  }
0x2c: {  	s7 =	sld [smem:$0x3FAC]  }
0x2d: {  	s3 =	simm.s32 $0x108;
	s8 =	sld [smem:$0x3FAD]  }
0x2e: {  	s3 =	simm.s32 @!p0 $0x1082;
	s9 =	sld [smem:$0x3FAE]  }
0x2f: {  	lr =	sadd.s32 s0, s3;
	s0 =	sld [smem:$0x3FA5]  }
0x30: {  	s3 =	sld [smem:$0x3FA8]  }
0x31: {  	[smem:$0x3FB1] =	sst s10  }
0x32: {  	s10 =	sld [smem:$0x3FAF];
	_ =	sdelay $0x3  }
0x33: {  	p0 =	seq.s32 s10, $0x1;
	s10 =	sld [smem:$0x3FB1];
	_ =	sdelay $0x3  }
0x34: {  	[smem:$0x3FB1] =	sst s10  }
0x35: {  	s10 =	sld [smem:$0x3FB0];
	_ =	sdelay $0x3  }
0x36: {  	p1 =	seq.s32 s10, $0x1;
	s10 =	sld [smem:$0x3FB1];
	_ =	sdelay $0x3  }
0x37: {  	[smem:$0x3FB1] =	sst s10  }
0x38: {  	s10 =	sld [smem:$0x3FB2]  }
0x39: {  	_ = 	snop;
	(pc) =	sbr.ind lr, $3  }
0x3a: {  	_ = 	snop  }
0x3b: {  	_ = 	snop  }
0x3c: {  	p2 =	seq.s32 s10, $0x1;
	s10 =	sld [smem:$0x3FB1]  }
0x3d: {  	_ =	shalt  }
0x3e: {  	_ =	shalt  }
0x3f: {  	_ =	shalt  }
0x40: {  	_ =	shalt  }
0x41: {  	_ =	shalt  }
0x42: {  	_ =	shalt  }
0x43: {  	_ =	shalt  }
0x44: {  	_ =	shalt  }
0x45: {  	_ =	shalt  }
0x46: {  	_ =	shalt  }
0x47: {  	_ =	shalt  }
0x48: {  	_ =	shalt  }
0x49: {  	_ =	shalt  }
0x4a: {  	_ =	shalt  }
0x4b: {  	_ =	shalt  }
0x4c: {  	_ =	shalt  }
0x4d: {  	_ =	shalt  }
0x4e: {  	_ =	shalt  }
0x4f: {  	_ =	shalt  }
0x50: {  	_ =	shalt  }
0x51: {  	_ =	shalt  }
0x52: {  	_ =	shalt  }
0x53: {  	_ =	shalt  }
0x54: {  	_ =	shalt  }
0x55: {  	_ =	shalt  }
0x56: {  	_ =	shalt  }
0x57: {  	_ =	shalt  }
0x58: {  	_ =	shalt  }
0x59: {  	_ =	shalt  }
0x5a: {  	_ =	shalt  }
0x5b: {  	_ =	shalt  }
0x5c: {  	_ =	shalt  }
0x5d: {  	_ =	shalt  }
0x5e: {  	_ =	shalt  }
0x5f: {  	_ =	shalt  }
0x60: {  	_ =	shalt  }
0x61: {  	_ =	shalt  }
0x62: {  	_ =	shalt  }
0x63: {  	_ =	shalt  }
0x64: {  	_ =	shalt  }
0x65: {  	_ =	shalt  }
0x66: {  	_ =	shalt  }
0x67: {  	_ =	shalt  }
0x68: {  	_ =	shalt  }
0x69: {  	_ =	shalt  }
0x6a: {  	_ =	shalt  }
0x6b: {  	_ =	shalt  }
0x6c: {  	_ =	shalt  }
0x6d: {  	_ =	shalt  }
0x6e: {  	_ =	shalt  }
0x6f: {  	_ =	shalt  }
0x70: {  	_ =	shalt  }
0x71: {  	_ =	shalt  }
0x72: {  	_ =	shalt  }
0x73: {  	_ =	shalt  }
0x74: {  	_ =	shalt  }
0x75: {  	_ =	shalt  }
0x76: {  	_ =	shalt  }
0x77: {  	_ =	shalt  }
0x78: {  	_ =	shalt  }
0x79: {  	_ =	shalt  }
0x7a: {  	_ =	shalt  }
0x7b: {  	_ =	shalt  }
0x7c: {  	_ =	shalt  }
0x7d: {  	_ =	shalt  }
0x7e: {  	_ =	shalt  }
0x7f: {  	_ =	shalt  }
0x80: {  	_ =	shalt  }
0x81: {  	_ =	shalt  }
0x82: {  	_ =	shalt  }
0x83: {  	_ =	shalt  }
0x84: {  	_ =	shalt  }
0x85: {  	_ =	shalt  }
0x86: {  	_ =	shalt  }
0x87: {  	_ =	shalt  }
.Lfunc_end0:
.L_simem_size_0:
called_computation.3_lowered:
.L_overlay_start_0:
0x88: {  	s2 =	sld [smem:$0x3FD9]  }
0x89: {  	s3 =	sld [smem:$0x3FFE];
	_ =	sdelay $0x1  }
0x8a: {  	s1 =	srdreg.scid  }
0x8b: {  	s0 =	sand.u32 $0x1, s1  }
0x8c: {  	s17 =	sshll.u32 s0, $0xA;
	s2 =	sadd.s32 s3, s2  }
0x8d: {  	s2 =	sadd.s32 s2, s17  }
0x8e: {  	[smem:$0x3FBD] =	sst s2  }
0x8f: {  	_ = 	snop  }
0x90: {  	s2 =	sld [smem:$0x3FD0];
	(tm) =	ssettm $0x1  }
0x91: {  	s18 =	sld [smem:$0x3FFB];
	_ =	sdelay $0x3  }
0x92: {  	_ =	strace s18  }
0x93: {  	s3 =	sld [smem:$0x3FFC];
	_ =	sdelay $0x3  }
0x94: {  	_ =	strace s3  }
0x95: {  	s3 =	sld [smem:$0x3FFD];
	_ =	sdelay $0x3  }
0x96: {  	_ =	strace s3  }
0x97: {  	_ =	strace $0x8FFFFFFF  }
0x98: {  	s19 =	sld [smem:$0x3FDB];
	_ =	sdelay $0x1  }
0x99: {  	s4 =	simm.s32 $_scs_section_size  }
0x9a: {  	s5 =	simm.s32 $_size__tile_overlayer_lowered;
	s6 =	simm.s32 $_tile_overlayer_lowered  }
0x9b: {  	s22 =	simm.s32 $0x1BFF;
	s21 =	sshll.u32 s6, $0x1;
	s3 =	sadd.s32 s4, s19  }
0x9c: {  	s7 =	simm.s32 $0x0;
	s20 =	sshll.u32 s5, $0x1;
	s5 =	sadd.s32 s21, s3  }
0x9d: {  	[timem:s7], [sflag:s22] =	dma.local [hbm:s5], s20  }
0x9e: {  	_ =	swait.ge [sflag:s22], s20  }
0x9f: {  	s4 =	ssub.s32 $0x0, s20;
	[sflag:s22] =	ssyncset.done $0x0  }
0xa0: {  	[sflag:s22] =	ssyncadd.s32 s4;
	_ =	sdelay $0x1  }
0xa1: {  	s23 =	simm.s32 $0x1B8B  }
0xa2: {  	_ =	swait.ge [sflag:s23], $0x1  }
0xa3: {  	[sflag:s23] =	ssyncset.done $0x0  }
0xa4: {  	s25 =	simm.s32 $0x1B8E;
	s24 =	sld [smem:$0x3FFE];
	[sflag:s23] =	ssyncadd.s32 $0xFFFFFFFF  }
0xa5: {  	s26 =	simm.s32 $execute0_lowered;
	[smem:$0x3FD2] =	sst s25  }
0xa6: {  	s5 =	sshll.u32 s26, $0x1;
	_ =	strace $0x8000004F;
	[dreg:$0x1] =	wrdreg $0xFFFFFFFF  }
0xa7: {  	s28 =	simm.s32 $_size_execute0_lowered;
	s3 =	sadd.s32 s3, s5;
	[dreg:$0x0] =	wrdreg $0x0  }
0xa8: {  	s5 =	sshll.u32 s28, $0x1;
	[dreg:$0x2] =	wrdreg s3  }
0xa9: {  	[dreg:$0x3] =	wrdreg s5  }
0xaa: {  	[dreg:$0x4] =	wrdreg $0xC0  }
0xab: {  	_ =	task [dreg:s7], $0x5FFFF  }
0xac: {  	[dreg:$0x1] =	wrdreg $0xFFFFFFFF  }
0xad: {  	[dreg:$0x0] =	wrdreg $0x60  }
0xae: {  	[dreg:$0x2] =	wrdreg s24  }
0xaf: {  	[dreg:$0x3] =	wrdreg s2  }
0xb0: {  	[dreg:$0x4] =	wrdreg $0x0  }
0xb1: {  	[dreg:$0x5] =	wrdreg $0x9  }
0xb2: {  	_ =	task.clear_ibuf [dreg:s7], $0x6FFFF;
	_ =	strace $0x9000004F  }
0xb3: {  	s29 =	simm.s32 $0x9;
	_ =	strace $0x80000051  }
0xb4: {  	_ =	swait.ge [sflag:s29], $0x1  }
0xb5: {  	[sflag:s29] =	ssyncadd.s32 $0xFFFFFFFF  }
0xb6: {  	_ =	strace $0x90000051  }
0xb7: {  	_ =	sfence  }
0xb8: {  	s30 =	sld [smem:$0x0];
	_ =	sdelay $0x2  }
0xb9: {  	s31 =	sshll.u32 s1, $0xD;
	s1 =	sshrl.u32 s1, $0x2  }
0xba: {  	s3 =	sand.u32 $0x4000, s31;
	s1 =	sadd.s32 s1, s30  }
0xbb: {  	s0 =	sor.u32 s3, s0;
	s1 =	sshll.u32 s1, $0x11  }
0xbc: {  	s0 =	sor.u32 s1, s0  }
0xbd: {  	s0 =	sadd.s32 $0x8F2B, s0  }
0xbe: {  	[sflag:s0] =	ssyncadd.remote.s32 $0x1  }
0xbf: {  	_ =	sfence.sel $0xFFFF  }
0xc0: {  	[dreg:$0x0] =	wrdreg $0xFFFFFFFF;
	(pc) =	sbr.abs _section_cstart, $3  }
0xc1: {  	[dreg:$0x1] =	wrdreg $0xFFFFFFFF  }
0xc2: {  	_ =	task.clear_ibuf [dreg:s7], $0x2FFFF;
	_ =	strace $0x9FFFFFFF  }
0xc3: {  	(tm) =	ssettm $0x7FFFFFFF  }
tec
execute0_lowered:
.L_overlay_start_1:
0x0: {  	(tag) =	ssettag $0x1  }
0x1: {  	s0 =	rddreg [dreg:$0x0]  }
0x2: {  	s1 =	srdreg.scid;
	s7 =	rddreg [dreg:$0x1]  }
0x3: {  	s2 =	rddreg [dreg:$0x2];
	s10 =	stileid.u32;
	s3 =	simm.s32 $0x0  }
0x4: {  	s12 =	simm.s32 $0xE240;
	s13 =	simm.s32 $0x5;
	s14 =	simm.s32 $0x4E20  }
0x5: {  	s15 =	simm.s32 $0x7580;
	s16 =	simm.s32 $0x9CE0;
	s17 =	simm.s32 $0x50  }
0x6: {  	s18 =	simm.s32 $0xCE40;
	s19 =	simm.s32 $0xC440;
	s20 =	simm.s32 $0xD840  }
0x7: {  	s21 =	simm.s32 $0xC940;
	s22 =	simm.s32 $0x1;
	s23 =	simm.s32 $0x3  }
0x8: {  	s24 =	simm.s32 $0x2;
	s25 =	simm.s32 $0x4;
	s26 =	simm.s32 $0x0  }
0x9: {  	s1 =	sand.u32 $0x1, s1;
	[smem:$0x7FF] =	sst s3;
	s6 =	smul.u32 $0x9C4, s10  }
0xa: {  	s5 =	sadd.s32 $0x534600, s0;
	s4 =	sshll.u32 s1, $0x4;
	s9 =	smul.u32 $0x9C40, s1  }
0xb: {  	s1 =	ssub.s32 $0x2, s1;
	s4 =	sor.u32 s10, s4;
	s10 =	smul.u32 $0x13880, s10  }
0xc: {  	_ =	strace $0x80000050;
	s30 =	sshrl.u32 s1, $0x1;
	s8 =	smul.u32 $0x4EC, s4  }
0xd: {  	s4 =	sadd.s32 $0x115200, s0;
	s6 =	sadd.s32 s6, s9;
	s1 =	ssub.s32 s1, s30  }
0xe: {  	s31 =	sshrl.u32 s10, $0x2;
	s11 =	sadd.s32 s8, s0;
	s0 =	sadd.s32 s6, s0  }
0xf: {  	s6 =	sadd.s32 s31, s2;
	s7 =	sadd.s32 s7, s8;
	s8 =	sadd.s32 $0x2AF800, s11  }
0x10: {  	v0 =	vimm.f32 $0.0e+00;
	s9 =	sadd.s32 $0x2B9600, s11;
	s10 =	sadd.s32 $0x1B1600, s0;
	s11 =	smax.u32 s1, $0x1  }
.LBB2_1:
0x11: {  	s0 =	simm.s32 $0x80;
	s1 =	simm.s32 $0x0  }
.LBB2_2:
0x12: {  	p0 =	sne.s32 s0, $0x13800;
	[tilespmem:s1+$0xE240] =	vst v0;
	s28 =	smov.u32 s0;
	s0 =	sadd.s32 $0x80, s0  }
.Ltmp0:
0x13: {  	[tilespmem:s1+$0xE250] =	vst v0;
	(pc) =	sbr.rel @p0 .LBB2_2-.Ltmp0, $2  }
0x14: {  	_ =	sdelay $0x2  }
0x15: {  	s1 =	sshra.s32 s28, $0x2  }
0x16: {  	[tilespmem:s1+$0xE240] =	vst v0  }
0x17: {  	[tilespmem:s1+$0xE250] =	vst v0  }
0x18: {  	[spmem:s6] =	stream.linear.scatter [tilespmem:s12], [sflag:$0x5], $0x4E20, $0x38;
	[tilespmem:$0x13060] =	vst v63  }
0x19: {  	_ =	swait.ge [sflag:s13], $0x4E20  }
0x1a: {  	[sflag:s13] =	ssyncset.done $0x0  }
0x1b: {  	s28 =	simm.s32 $0x0;
	[sflag:s13] =	ssyncadd.s32 $0xFFFFB1E0  }
0x1c: {  	[tilespmem:s14], [sflag:$0x5] =	stream.linear.gather [hbm4b:s7+s28], $0x2760, $0x38;
	[tilespmem:$0x13060] =	vst v63  }
0x1d: {  	_ =	swait.ge [sflag:s13], $0x2760  }
0x1e: {  	[sflag:s13] =	ssyncset.done $0x0  }
0x1f: {  	[sflag:s13] =	ssyncadd.s32 $0xFFFFD8A0  }
0x20: {  	[tilespmem:s15], [sflag:$0x5] =	stream.linear.gather [hbm4b:s8+s28], $0x2760, $0x38;
	[tilespmem:$0x13060] =	vst v63  }
0x21: {  	_ =	swait.ge [sflag:s13], $0x2760  }
0x22: {  	[sflag:s13] =	ssyncset.done $0x0  }
0x23: {  	[sflag:s13] =	ssyncadd.s32 $0xFFFFD8A0  }
0x24: {  	[tilespmem:s16], [sflag:$0x5] =	stream.linear.gather [hbm4b:s9+s28], $0x2760, $0x38;
	[tilespmem:$0x13060] =	vst v63  }
0x25: {  	_ =	swait.ge [sflag:s13], $0x2760  }
0x26: {  	[sflag:s13] =	ssyncset.done $0x0  }
0x27: {  	[sflag:s13] =	ssyncadd.s32 $0xFFFFD8A0  }
0x28: {  	[bflag:$0x0] =	sbarrier.arrive $0xFFFF  }
0x29: {  	[tilespmem:s18], [sflag:$0x1] =	stream.indirect.gather [hbm4b:s4+s17], $0x20, s14, s17, $0xb8;
	[tilespmem:$0x13060] =	vst v63  }
0x2a: {  	_ = 	snop  }
0x2b: {  	[tilespmem:s19], [sflag:$0x3] =	stream.indirect.gather [hbm4b:s5+s17], $0x10, s15, s17, $0xb8;
	[tilespmem:$0x13060] =	vst v63  }
.LBB2_4:
0x2c: {  	s0 =	smul.u32 $0xA0, s28;
	_ =	sdelay $0x1  }
0x2d: {  	s1 =	sadd.s32 $0x4E70, s0  }
0x2e: {  	[tilespmem:s20], [sflag:$0x2] =	stream.indirect.gather [hbm4b:s4+s17], $0x20, s1, s17, $0xb8;
	[tilespmem:$0x13060] =	vst v63  }
0x2f: {  	s1 =	sadd.s32 $0x75D0, s0  }
0x30: {  	[tilespmem:s21], [sflag:$0x4] =	stream.indirect.gather [hbm4b:s5+s17], $0x10, s1, s17, $0xb8;
	[tilespmem:$0x13060] =	vst v63  }
0x31: {  	_ =	swait.ge [sflag:s22], $0xA00  }
0x32: {  	[sflag:s22] =	ssyncset.done $0x0  }
0x33: {  	[sflag:s22] =	ssyncadd.s32 $0xFFFFF600  }
0x34: {  	_ =	swait.ge [sflag:s23], $0x500  }
0x35: {  	[sflag:s23] =	ssyncset.done $0x0  }
0x36: {  	s30 =	simm.s32 $0xCE80;
	[sflag:s23] =	ssyncadd.s32 $0xFFFFFB00  }
0x37: {  	s31 =	simm.s32 $0xC460;
	v1 =	vld [tilespmem:s30+$0xFFFFFFC0]  }
0x38: {  	v2 =	vld [tilespmem:s31+$0xFFFFFFE0]  }
0x39: {  	v3 =	vld [tilespmem:s30+$0xFFFFFFD0];
	_ =	sdelay $0x3  }
0x3a: {  	v1 =	vmul.f32 v1, v2  }
0x3b: {  	v2 =	vmul.f32 v3, v2  }
0x3c: {  	[tilespmem:s30+$0xFFFFFFC0] =	vst v1  }
0x3d: {  	[tilespmem:s30+$0xFFFFFFD0] =	vst v2;
	v1 =	vld [tilespmem:s30+$0xFFFFFFE0]  }
0x3e: {  	v2 =	vld [tilespmem:s31+$0xFFFFFFF0]  }
0x3f: {  	v3 =	vld [tilespmem:s30+$0xFFFFFFF0];
	_ =	sdelay $0x3  }
0x40: {  	v1 =	vmul.f32 v1, v2  }
0x41: {  	v2 =	vmul.f32 v3, v2  }
0x42: {  	[tilespmem:s30+$0xFFFFFFE0] =	vst v1  }
0x43: {  	v1 =	vld [tilespmem:s30+$0x10];
	[tilespmem:s30+$0xFFFFFFF0] =	vst v2  }
0x44: {  	v2 =	vld [tilespmem:s31+$0x0]  }
0x45: {  	v3 =	vld [tilespmem:s30+$0x0];
	_ =	sdelay $0x3  }
0x46: {  	v1 =	vmul.f32 v1, v2  }
0x47: {  	v2 =	vmul.f32 v3, v2  }
0x48: {  	[tilespmem:s30+$0x10] =	vst v1  }
0x49: {  	[tilespmem:s30+$0x0] =	vst v2;
	v2 =	vld [tilespmem:s30+$0x20]  }
0x4a: {  	v3 =	vld [tilespmem:s31+$0x10]  }
0x4b: {  	v1 =	vld [tilespmem:s30+$0x30];
	_ =	sdelay $0x3  }
0x4c: {  	v2 =	vmul.f32 v2, v3  }
0x4d: {  	v1 =	vmul.f32 v1, v3  }
0x4e: {  	s29 =	sadd.s32 $0x50, s0;
	s0 =	simm.s32 $0x0;
	s1 =	simm.s32 $0xCF00;
	[tilespmem:s30+$0x20] =	vst v2  }
.LBB2_5:
0x4f: {  	v2 =	vld [tilespmem:s1+$0xFFFFFFC0];
	[tilespmem:s30+$0x30] =	vst v1;
	s31 =	sadd.s32 $0x40, s31;
	s30 =	smov.u32 s1  }
0x50: {  	v1 =	vld [tilespmem:s31+$0xFFFFFFE0]  }
0x51: {  	v3 =	vld [tilespmem:s1+$0xFFFFFFD0]  }
0x52: {  	s0 =	sadd.s32 $0x4, s0  }
0x53: {  	p0 =	slt.u32 s0, $0x4C;
	_ =	sdelay $0x1  }
0x54: {  	v2 =	vmul.f32 v2, v1  }
0x55: {  	v1 =	vmul.f32 v3, v1  }
0x56: {  	[tilespmem:s1+$0xFFFFFFC0] =	vst v2  }
0x57: {  	[tilespmem:s1+$0xFFFFFFD0] =	vst v1;
	v1 =	vld [tilespmem:s1+$0xFFFFFFE0]  }
0x58: {  	v2 =	vld [tilespmem:s31+$0xFFFFFFF0]  }
0x59: {  	v3 =	vld [tilespmem:s1+$0xFFFFFFF0];
	_ =	sdelay $0x3  }
0x5a: {  	v1 =	vmul.f32 v1, v2  }
0x5b: {  	v2 =	vmul.f32 v3, v2  }
0x5c: {  	[tilespmem:s1+$0xFFFFFFE0] =	vst v1;
	v1 =	vld [tilespmem:s1+$0x10]  }
0x5d: {  	[tilespmem:s1+$0xFFFFFFF0] =	vst v2;
	v2 =	vld [tilespmem:s1+$0x0]  }
0x5e: {  	v3 =	vld [tilespmem:s31+$0x0];
	_ =	sdelay $0x4  }
0x5f: {  	v2 =	vmul.f32 v2, v3;
	v1 =	vmul.f32 v1, v3;
	_ =	sdelay $0x1  }
0x60: {  	[tilespmem:s1+$0x10] =	vst v1;
	v1 =	vld [tilespmem:s1+$0x30]  }
0x61: {  	[tilespmem:s1+$0x0] =	vst v2;
	v2 =	vld [tilespmem:s1+$0x20]  }
0x62: {  	v3 =	vld [tilespmem:s31+$0x10];
	_ =	sdelay $0x2  }
.Ltmp1:
0x63: {  	(pc) =	sbr.rel @p0 .LBB2_5-.Ltmp1, $3  }
0x64: {  	_ = 	snop  }
0x65: {  	v2 =	vmul.f32 v2, v3;
	v1 =	vmul.f32 v1, v3;
	_ =	sdelay $0x1  }
0x66: {  	s1 =	sadd.s32 $0x80, s1;
	[tilespmem:s30+$0x20] =	vst v2  }
0x67: {  	s0 =	smul.u32 $0x280, s28;
	_ =	sdelay $0x1  }
0x68: {  	s1 =	sshll.u32 s28, $0x1;
	s0 =	sshra.s32 s0, $0x2  }
0x69: {  	[tilespmem:s30+$0x30] =	vst v1;
	s1 =	smin.u32 s1, $0x7B;
	s0 =	sadd.s32 $0x9CE0, s0  }
0x6a: {  	[spmem:s2] =	stream.indirect.scatter.add.f32 [tilespmem:s18], [sflag:$0x5], $0x20, s0, s17, $0xb8;
	[tilespmem:$0x13060] =	vst v63  }
0x6b: {  	s0 =	smul.u32 $0x50, s1;
	_ =	swait.ge [sflag:s13], $0xA00  }
0x6c: {  	[sflag:s13] =	ssyncset.done $0x0  }
0x6d: {  	s1 =	sadd.s32 $0x4EC0, s0;
	[sflag:s13] =	ssyncadd.s32 $0xFFFFF600  }
0x6e: {  	[tilespmem:s18], [sflag:$0x1] =	stream.indirect.gather [hbm4b:s4+s17], $0x20, s1, s17, $0xb8;
	[tilespmem:$0x13060] =	vst v63  }
0x6f: {  	s0 =	sadd.s32 $0x7620, s0  }
0x70: {  	[tilespmem:s19], [sflag:$0x3] =	stream.indirect.gather [hbm4b:s5+s17], $0x10, s0, s17, $0xb8;
	[tilespmem:$0x13060] =	vst v63  }
0x71: {  	_ =	swait.ge [sflag:s24], $0xA00  }
0x72: {  	[sflag:s24] =	ssyncset.done $0x0  }
0x73: {  	[sflag:s24] =	ssyncadd.s32 $0xFFFFF600  }
0x74: {  	_ =	swait.ge [sflag:s25], $0x500  }
0x75: {  	[sflag:s25] =	ssyncset.done $0x0  }
0x76: {  	s30 =	simm.s32 $0xD880;
	[sflag:s25] =	ssyncadd.s32 $0xFFFFFB00  }
0x77: {  	s31 =	simm.s32 $0xC960;
	v1 =	vld [tilespmem:s30+$0xFFFFFFC0]  }
0x78: {  	v2 =	vld [tilespmem:s31+$0xFFFFFFE0]  }
0x79: {  	v3 =	vld [tilespmem:s30+$0xFFFFFFD0];
	_ =	sdelay $0x3  }
0x7a: {  	v1 =	vmul.f32 v1, v2  }
0x7b: {  	v2 =	vmul.f32 v3, v2  }
0x7c: {  	[tilespmem:s30+$0xFFFFFFC0] =	vst v1  }
0x7d: {  	[tilespmem:s30+$0xFFFFFFD0] =	vst v2;
	v1 =	vld [tilespmem:s30+$0xFFFFFFE0]  }
0x7e: {  	v2 =	vld [tilespmem:s31+$0xFFFFFFF0]  }
0x7f: {  	v3 =	vld [tilespmem:s30+$0xFFFFFFF0];
	_ =	sdelay $0x3  }
0x80: {  	v1 =	vmul.f32 v1, v2  }
0x81: {  	v2 =	vmul.f32 v3, v2  }
0x82: {  	[tilespmem:s30+$0xFFFFFFE0] =	vst v1  }
0x83: {  	v1 =	vld [tilespmem:s30+$0x10];
	[tilespmem:s30+$0xFFFFFFF0] =	vst v2  }
0x84: {  	v2 =	vld [tilespmem:s31+$0x0]  }
0x85: {  	v3 =	vld [tilespmem:s30+$0x0];
	_ =	sdelay $0x3  }
0x86: {  	v1 =	vmul.f32 v1, v2  }
0x87: {  	v2 =	vmul.f32 v3, v2  }
0x88: {  	[tilespmem:s30+$0x10] =	vst v1  }
0x89: {  	[tilespmem:s30+$0x0] =	vst v2;
	v2 =	vld [tilespmem:s30+$0x20]  }
0x8a: {  	v3 =	vld [tilespmem:s31+$0x10]  }
0x8b: {  	v1 =	vld [tilespmem:s30+$0x30];
	_ =	sdelay $0x3  }
0x8c: {  	v2 =	vmul.f32 v2, v3  }
0x8d: {  	v1 =	vmul.f32 v1, v3  }
0x8e: {  	s1 =	simm.s32 $0xD900;
	s0 =	simm.s32 $0x0;
	[tilespmem:s30+$0x20] =	vst v2  }
.LBB2_7:
0x8f: {  	v2 =	vld [tilespmem:s1+$0xFFFFFFC0];
	[tilespmem:s30+$0x30] =	vst v1;
	s31 =	sadd.s32 $0x40, s31;
	s30 =	smov.u32 s1  }
0x90: {  	v1 =	vld [tilespmem:s31+$0xFFFFFFE0]  }
0x91: {  	v3 =	vld [tilespmem:s1+$0xFFFFFFD0]  }
0x92: {  	s0 =	sadd.s32 $0x4, s0  }
0x93: {  	p0 =	slt.u32 s0, $0x4C;
	_ =	sdelay $0x1  }
0x94: {  	v2 =	vmul.f32 v2, v1  }
0x95: {  	v1 =	vmul.f32 v3, v1  }
0x96: {  	[tilespmem:s1+$0xFFFFFFC0] =	vst v2  }
0x97: {  	[tilespmem:s1+$0xFFFFFFD0] =	vst v1;
	v1 =	vld [tilespmem:s1+$0xFFFFFFE0]  }
0x98: {  	v2 =	vld [tilespmem:s31+$0xFFFFFFF0]  }
0x99: {  	v3 =	vld [tilespmem:s1+$0xFFFFFFF0];
	_ =	sdelay $0x3  }
0x9a: {  	v1 =	vmul.f32 v1, v2  }
0x9b: {  	v2 =	vmul.f32 v3, v2  }
0x9c: {  	[tilespmem:s1+$0xFFFFFFE0] =	vst v1;
	v1 =	vld [tilespmem:s1+$0x10]  }
0x9d: {  	[tilespmem:s1+$0xFFFFFFF0] =	vst v2;
	v2 =	vld [tilespmem:s1+$0x0]  }
0x9e: {  	v3 =	vld [tilespmem:s31+$0x0];
	_ =	sdelay $0x4  }
0x9f: {  	v2 =	vmul.f32 v2, v3;
	v1 =	vmul.f32 v1, v3;
	_ =	sdelay $0x1  }
0xa0: {  	[tilespmem:s1+$0x10] =	vst v1;
	v1 =	vld [tilespmem:s1+$0x30]  }
0xa1: {  	[tilespmem:s1+$0x0] =	vst v2;
	v2 =	vld [tilespmem:s1+$0x20]  }
0xa2: {  	v3 =	vld [tilespmem:s31+$0x10];
	_ =	sdelay $0x2  }
.Ltmp2:
0xa3: {  	(pc) =	sbr.rel @p0 .LBB2_7-.Ltmp2, $3  }
0xa4: {  	_ = 	snop  }
0xa5: {  	v2 =	vmul.f32 v2, v3;
	v1 =	vmul.f32 v1, v3;
	_ =	sdelay $0x1  }
0xa6: {  	s1 =	sadd.s32 $0x80, s1;
	[tilespmem:s30+$0x20] =	vst v2  }
0xa7: {  	s28 =	sadd.s32 $0x1, s28  }
0xa8: {  	p0 =	sne.s32 s28, $0x3F  }
.Ltmp3:
0xa9: {  	[tilespmem:s30+$0x30] =	vst v1;
	s0 =	sadd.s32 $0x9CE0, s29;
	(pc) =	sbr.rel @p0 .LBB2_4-.Ltmp3, $4  }
0xaa: {  	[spmem:s2] =	stream.indirect.scatter.add.f32 [tilespmem:s20], [sflag:$0x5], $0x20, s0, s17, $0xb8;
	[tilespmem:$0x13060] =	vst v63  }
0xab: {  	_ =	swait.ge [sflag:s13], $0xA00  }
0xac: {  	[sflag:s13] =	ssyncset.done $0x0  }
0xad: {  	[sflag:s13] =	ssyncadd.s32 $0xFFFFF600  }
0xae: {  	_ =	swait.ge [sflag:s22], $0xA00  }
0xaf: {  	[sflag:s22] =	ssyncset.done $0x0  }
0xb0: {  	[sflag:s22] =	ssyncadd.s32 $0xFFFFF600  }
0xb1: {  	_ =	swait.ge [sflag:s23], $0x500  }
0xb2: {  	[sflag:s23] =	ssyncset.done $0x0  }
0xb3: {  	[sflag:s23] =	ssyncadd.s32 $0xFFFFFB00  }
0xb4: {  	[bflag:$0x0] =	sbarrier.arrive $0xFFFF  }
0xb5: {  	[tilespmem:s12], [sflag:$0x5] =	stream.linear.gather [spmem:s6], $0x4E20, $0x38;
	[tilespmem:$0x13060] =	vst v63  }
0xb6: {  	s26 =	sadd.s32 $0x1, s26;
	_ =	swait.ge [sflag:s13], $0x4E20  }
0xb7: {  	p0 =	sne.s32 s26, s11;
	[sflag:s13] =	ssyncset.done $0x0  }
.Ltmp4:
0xb8: {  	[sflag:s13] =	ssyncadd.s32 $0xFFFFB1E0;
	(pc) =	sbr.rel @p0 .LBB2_1-.Ltmp4, $4  }
0xb9: {  	[hbm4b:s10+s3] =	stream.linear.scatter [tilespmem:s12], [sflag:$0x5], $0x4E20, $0x38;
	[tilespmem:$0x13060] =	vst v63  }
0xba: {  	_ =	swait.ge [sflag:s13], $0x4E20  }
0xbb: {  	[sflag:s13] =	ssyncset.done $0x0  }
0xbc: {  	[sflag:s13] =	ssyncadd.s32 $0xFFFFB1E0  }
0xbd: {  	_ =	sfence.sel $0x180000  }
0xbe: {  	[bflag:$0x0] =	sbarrier.arrive $0xFFFF  }
0xbf: {  	_ =	strace $0x90000050  }
0xc0: {  	s0 =	stileid.u32;
	[bflag:$0x2] =	sbarrier.arrive $0xFFFF  }
0xc1: {  	p0 =	sne.s32 s0, $0x0;
	s0 =	rddreg [dreg:$0x3]  }
0xc2: {  	s0 =	sadd.s32 @!p0 $0x100000, s0  }
0xc3: {  	[sflag:s0] =	ssyncadd.tile.s32 @!p0 $0x1;
	_ =	shalt  }
.Lfunc_end2:
_tile_overlayer_lowered:
.L_overlay_start_2:
0xc4: {  	(tag) =	ssettag $0x2  }
0xc5: {  	s0 =	rddreg [dreg:$0x0];
	s2 =	stileid.u32  }
0xc6: {  	s1 =	rddreg [dreg:$0x1];
	p0 =	sne.s32 s2, $0x0  }
0xc7: {  	s3 =	rddreg [dreg:$0x2];
	[bflag:$0x3] =	sbarrier.arrive $0xFFFF;
	s2 =	simm.s32 @!p0 $0x1C05  }
0xc8: {  	[timem:s3], [sflag:s2] =	dma.local @!p0 [hbm:s0], s1  }
0xc9: {  	s0 =	simm.s32 @!p0 $0x5  }
0xca: {  	_ =	swait.ge @!p0 [sflag:s0], s1  }
0xcb: {  	s1 =	ssub.s32 @!p0 $0x0, s1;
	[sflag:s0] =	ssyncset.done @!p0 $0x0  }
0xcc: {  	[sflag:s0] =	ssyncadd.s32 @!p0 s1  }
0xcd: {  	[bflag:$0x3] =	sbarrier.arrive $0xFFFF  }
0xce: {  	_ =	shalt  }

// kernel: sparse-core-data-format-call.cloned.1.call-start
scs
called_computation_lowered:
.L_overlay_start_0:
0x0: {  	s2 =	sld [smem:$0x3FD9]  }
0x1: {  	s3 =	sld [smem:$0x3FFE];
	_ =	sdelay $0x1  }
0x2: {  	s1 =	srdreg.scid  }
0x3: {  	s0 =	sand.u32 $0x1, s1  }
0x4: {  	s18 =	sshll.u32 s0, $0xA;
	s2 =	sadd.s32 s3, s2  }
0x5: {  	s2 =	sadd.s32 s2, s18  }
0x6: {  	[smem:$0x3FBD] =	sst s2  }
0x7: {  	_ = 	snop  }
0x8: {  	(tm) =	ssettm $0x1  }
0x9: {  	s19 =	sld [smem:$0x3FFB];
	_ =	sdelay $0x3  }
0xa: {  	_ =	strace s19  }
0xb: {  	s2 =	sld [smem:$0x3FFC];
	_ =	sdelay $0x3  }
0xc: {  	_ =	strace s2  }
0xd: {  	s2 =	sld [smem:$0x3FFD];
	_ =	sdelay $0x3  }
0xe: {  	_ =	strace s2  }
0xf: {  	_ =	strace $0x8FFFFFFF  }
0x10: {  	s20 =	sld [smem:$0x3FDB];
	_ =	sdelay $0x1  }
0x11: {  	s21 =	simm.s32 $_scs_section_size  }
0x12: {  	s4 =	simm.s32 $_size__tile_overlayer_lowered;
	s5 =	simm.s32 $_tile_overlayer_lowered  }
0x13: {  	s6 =	simm.s32 $0x1BFF;
	s22 =	sshll.u32 s5, $0x1;
	s3 =	sadd.s32 s21, s20  }
0x14: {  	s23 =	simm.s32 $0x0;
	s4 =	sshll.u32 s4, $0x1;
	s5 =	sadd.s32 s22, s3  }
0x15: {  	[timem:s23], [sflag:s6] =	dma.local [hbm:s5], s4  }
0x16: {  	_ =	swait.ge [sflag:s6], s4  }
0x17: {  	s4 =	ssub.s32 $0x0, s4;
	[sflag:s6] =	ssyncset.done $0x0  }
0x18: {  	[sflag:s6] =	ssyncadd.s32 s4;
	_ =	sdelay $0x1  }
0x19: {  	s24 =	simm.s32 $0x1B8B  }
0x1a: {  	_ =	swait.ge [sflag:s24], $0x1  }
0x1b: {  	[sflag:s24] =	ssyncset.done $0x0  }
0x1c: {  	[sflag:s24] =	ssyncadd.s32 $0xFFFFFFFF  }
0x1d: {  	s4 =	sld [smem:$0x0]  }
0x1e: {  	s5 =	sand.u32 $0xFFFFFFFE, s1  }
0x1f: {  	p0 =	sne.s32 s1, s5  }
0x20: {  	s5 =	sshll.u32 @p0 s5, $0xE  }
0x21: {  	s5 =	sadd.s32 @p0 $0x11B8D, s5;
	s6 =	sshll.u32 @p0 s4, $0x11  }
0x22: {  	s5 =	sor.u32 @p0 s6, s5  }
0x23: {  	[sflag:s5] =	ssyncadd.remote.s32 @p0 $0x1;
	_ =	sdelay $0x1  }
0x24: {  	s5 =	simm.s32 @p0 $0x1B8D  }
0x25: {  	_ =	swait.eq @p0 [sflag:s5], $0x1  }
0x26: {  	[sflag:s5] =	ssyncadd.s32 @p0 $0xFFFFFFFF  }
0x27: {  	s6 =	sshll.u32 @!p0 s1, $0xE  }
0x28: {  	s6 =	sor.u32 @!p0 $0x4000, s6;
	s5 =	simm.s32 @!p0 $0x1B8D  }
0x29: {  	s4 =	sshll.u32 @!p0 s4, $0x11;
	s6 =	sadd.s32 @!p0 $0x11B8D, s6;
	_ =	swait.eq @!p0 [sflag:s5], $0x1  }
0x2a: {  	s4 =	sor.u32 @!p0 s4, s6;
	[sflag:s5] =	ssyncadd.s32 @!p0 $0xFFFFFFFF  }
0x2b: {  	s26 =	simm.s32 $0x1B8E;
	s25 =	sld [smem:$0x3FFE];
	[sflag:s4] =	ssyncadd.remote.s32 @!p0 $0x1  }
0x2c: {  	s27 =	simm.s32 $execute0_lowered;
	[smem:$0x3FD2] =	sst s26  }
0x2d: {  	s5 =	sshll.u32 s27, $0x1;
	_ =	strace $0x80000049;
	[dreg:$0x1] =	wrdreg $0xFFFFFFFF  }
0x2e: {  	s28 =	simm.s32 $_size_execute0_lowered;
	s3 =	sadd.s32 s3, s5;
	[dreg:$0x0] =	wrdreg $0x0  }
0x2f: {  	s5 =	sshll.u32 s28, $0x1;
	[dreg:$0x2] =	wrdreg s3  }
0x30: {  	[dreg:$0x3] =	wrdreg s5  }
0x31: {  	[dreg:$0x4] =	wrdreg $0xC0  }
0x32: {  	_ =	task [dreg:s23], $0x5FFFF  }
0x33: {  	[dreg:$0x1] =	wrdreg $0xFFFFFFFF  }
0x34: {  	[dreg:$0x0] =	wrdreg $0x60  }
0x35: {  	[dreg:$0x2] =	wrdreg s25  }
0x36: {  	[dreg:$0x3] =	wrdreg $0x9  }
0x37: {  	_ =	task.clear_ibuf [dreg:s23], $0x4FFFF;
	_ =	strace $0x90000049  }
0x38: {  	s29 =	simm.s32 $0x9;
	_ =	strace $0x8000004B  }
0x39: {  	_ =	swait.ge [sflag:s29], $0x1  }
0x3a: {  	[sflag:s29] =	ssyncadd.s32 $0xFFFFFFFF  }
0x3b: {  	_ =	strace $0x9000004B  }
0x3c: {  	_ =	sfence  }
0x3d: {  	s30 =	sld [smem:$0x0];
	_ =	sdelay $0x2  }
0x3e: {  	s31 =	sshll.u32 s1, $0xD;
	s1 =	sshrl.u32 s1, $0x2  }
0x3f: {  	s4 =	sand.u32 $0x4000, s31;
	s1 =	sadd.s32 s1, s30  }
0x40: {  	s0 =	sor.u32 s4, s0;
	s1 =	sshll.u32 s1, $0x11  }
0x41: {  	s0 =	sor.u32 s1, s0  }
0x42: {  	s0 =	sadd.s32 $0x8F2B, s0  }
0x43: {  	[sflag:s0] =	ssyncadd.remote.s32 $0x1  }
0x44: {  	_ =	sfence.sel $0xFFFF  }
0x45: {  	[dreg:$0x0] =	wrdreg $0xFFFFFFFF;
	(pc) =	sbr.abs _section_cstart, $3  }
0x46: {  	[dreg:$0x1] =	wrdreg $0xFFFFFFFF  }
0x47: {  	_ =	task.clear_ibuf [dreg:s23], $0x2FFFF;
	_ =	strace $0x9FFFFFFF  }
0x48: {  	(tm) =	ssettm $0x7FFFFFFF  }
0x49: {  	_ =	shalt  }
tec
execute0_lowered:
.L_overlay_start_1:
0x0: {  	(tag) =	ssettag $0x1  }
0x1: {  	s0 =	srdreg.scid  }
0x2: {  	s1 =	sshll.u32 s0, $0x4  }
0x3: {  	s4 =	rddreg [dreg:$0x0];
	s0 =	stileid.u32;
	s1 =	sand.u32 $0x10, s1  }
0x4: {  	s7 =	simm.s32 $0x1;
	s8 =	simm.s32 $0x2;
	s1 =	sor.u32 s0, s1  }
0x5: {  	s9 =	simm.s32 $0x0;
	s12 =	simm.s32 $0x0;
	s2 =	sshll.u32 s1, $0x1  }
0x6: {  	s11 =	simm.s32 $0x0;
	s3 =	sadd.s32 $0x17600, s4;
	s6 =	ssub.s32 $0x4E2, s2  }
.Ltmp0:
0x7: {  	s4 =	sadd.s32 $0x177000, s4;
	s5 =	sand.u32 $0x3E, s6;
	(pc) =	sbr.rel .LBB1_1-.Ltmp0, $4  }
0x8: {  	s1 =	rddreg [dreg:$0x1];
	_ =	strace $0x8000004A;
	p0 =	sne.s32 s5, $0x0  }
0x9: {  	s6 =	sshrl.u32 s6, $0x6;
	s5 =	simm.s32 $0x1;
	s7 =	simm.s32 @!p0 $0x0  }
0xa: {  	s10 =	smov.u32 s2;
	[sflag:s5] =	ssyncpa.u1 $0x0;
	s6 =	sadd.s32 s7, s6  }
0xb: {  	[sflag:s8] =	ssyncpa.u1 $0x0;
	s8 =	simm.s32 $0x0;
	s7 =	sadd.s32 $0x1, s6  }
.LBB1_9:
0xc: {  	s14 =	sadd.s32 $0x40, s10  }
0xd: {  	p1 =	sgt.s32 s14, $0x4E1  }
0xe: {  	s14 =	smov.u32 @p1 s2;
	p1 =	sne.s32 s11, s7  }
.Ltmp1:
0xf: {  	p0 =	slt.u32 s11, $0x2;
	(pc) =	sbr.rel @!p1 .LBB1_10-.Ltmp1, $4  }
0x10: {  	s13 =	simm.s32 @!p0 $0x2  }
0x11: {  	s15 =	sadd.s32 $0x1, s11;
	_ =	swait.ge @!p0 [sflag:s13], $0x4000  }
0x12: {  	s12 =	smov.u32 s10;
	s9 =	sadd.s32 $0x4000, s9;
	[sflag:s13] =	ssyncset.done @!p0 $0x0  }
0x13: {  	s11 =	smov.u32 s15;
	s10 =	smov.u32 s14;
	[sflag:s13] =	ssyncadd.s32 @!p0 $0xFFFFC000  }
.LBB1_1:
0x14: {  	p0 =	sge.u32 s11, s6  }
0x15: {  	s13 =	sxor.u32 @!p0 $0xFFFFFFFF, s11  }
0x16: {  	s31 =	sadd.s32 $0xFFFFFFFF, s11;
	s14 =	sshll.u32 @!p0 s10, $0xA;
	s13 =	sshll.u32 @!p0 s13, $0xE  }
0x17: {  	s15 =	simm.s32 @!p0 $0x0;
	s14 =	sadd.s32 @!p0 s3, s14;
	s13 =	sand.u32 @!p0 $0x4000, s13  }
0x18: {  	[tilespmem:s13], [sflag:$0x1] =	stream.linear.gather @!p0 [hbm4b:s14+s15], $0x4000, $0x38;
	[tilespmem:$0x10000] =	vst v63  }
0x19: {  	p0 =	sge.u32 s31, s6  }
.Ltmp2:
0x1a: {  	_ = 	snop;
	(pc) =	sbr.rel @p0 .LBB1_9-.Ltmp2, $1  }
0x1b: {  	_ =	sdelay $0x3  }
0x1c: {  	s13 =	sshll.u32 s9, $0x2  }
0x1d: {  	_ =	swait.ge [sflag:s5], $0x4000;
	s14 =	sshll.u32 s11, $0xE;
	s16 =	simm.s32 $0x0  }
0x1e: {  	p1 =	por $0x1, $0x1;
	s13 =	sand.u32 $0x10000, s13;
	[sflag:s5] =	ssyncset.done $0x0  }
0x1f: {  	s14 =	sand.u32 $0x4000, s14;
	s15 =	sshrl.u32 s13, $0x2;
	[sflag:s5] =	ssyncadd.s32 $0xFFFFC000  }
0x20: {  	s13 =	sor.u32 $0x8000, s14;
	s14 =	sadd.s32 $0x8040, s15;
	s15 =	sadd.s32 $0x40, s15  }
.LBB1_3:
0x21: {  	s16 =	sshll.u32 s16, $0x2  }
0x22: {  	p0 =	por p1, p1;
	s17 =	sshra.s32 s16, $0x2  }
0x23: {  	s18 =	simm.s32 $0x0;
	s16 =	sadd.s32 s17, s14;
	s17 =	sadd.s32 s17, s15  }
.LBB1_4:
0x24: {  	v0 =	vmov s17;
	_ =	sdelay $0x3  }
0x25: {  	s20 =	simm.s32 $0x0  }
0x26: {  	v6 =	vld.idx.msk [tilespmem:v0+s20+$0x30 ss:$0x1], $0xffff  }
0x27: {  	v7 =	vld.idx.msk [tilespmem:v0+s20+$0xFFFFFFC0 ss:$0x1], $0xffff  }
0x28: {  	v5 =	vld.idx.msk [tilespmem:v0+s20+$0xFFFFFFD0 ss:$0x1], $0xffff  }
0x29: {  	v4 =	vld.idx.msk [tilespmem:v0+s20+$0xFFFFFFE0 ss:$0x1], $0xffff  }
0x2a: {  	v3 =	vld.idx.msk [tilespmem:v0+s20+$0xFFFFFFF0 ss:$0x1], $0xffff  }
0x2b: {  	v1 =	vld.idx.msk [tilespmem:v0+s20+$0x0 ss:$0x1], $0xffff  }
0x2c: {  	v2 =	vld.idx.msk [tilespmem:v0+s20+$0x10 ss:$0x1], $0xffff;
	[tilespmem:s16+$0x30] =	vst v6  }
0x2d: {  	s19 =	simm.s32 $0x80;
	s21 =	simm.s32 $0x400;
	[tilespmem:s16+$0xFFFFFFC0] =	vst v7;
	v6 =	vld.idx.msk [tilespmem:v0+s20+$0x20 ss:$0x1], $0xffff;
	s20 =	smov.u32 s16  }
.LBB1_5:
0x2e: {  	p1 =	sne.s32 s21, $0xE00;
	v7 =	vld.idx.msk [tilespmem:v0+s19+$0x30 ss:$0x1], $0xffff;
	[tilespmem:s20+$0xFFFFFFD0] =	vst v5  }
0x2f: {  	v8 =	vld.idx.msk [tilespmem:v0+s19+$0xFFFFFFC0 ss:$0x1], $0xffff;
	[tilespmem:s20+$0xFFFFFFE0] =	vst v4  }
0x30: {  	v5 =	vld.idx.msk [tilespmem:v0+s19+$0xFFFFFFD0 ss:$0x1], $0xffff;
	[tilespmem:s20+$0xFFFFFFF0] =	vst v3  }
.Ltmp3:
0x31: {  	v4 =	vld.idx.msk [tilespmem:v0+s19+$0xFFFFFFE0 ss:$0x1], $0xffff;
	[tilespmem:s20+$0x0] =	vst v1;
	(pc) =	sbr.rel @p1 .LBB1_5-.Ltmp3, $4  }
0x32: {  	v3 =	vld.idx.msk [tilespmem:v0+s19+$0xFFFFFFF0 ss:$0x1], $0xffff;
	[tilespmem:s20+$0x10] =	vst v2  }
0x33: {  	v1 =	vld.idx.msk [tilespmem:v0+s19+$0x0 ss:$0x1], $0xffff;
	[tilespmem:s20+$0x20] =	vst v6;
	s20 =	sadd.s32 $0x400, s20  }
0x34: {  	v2 =	vld.idx.msk [tilespmem:v0+s19+$0x10 ss:$0x1], $0xffff;
	[tilespmem:s20+$0x30] =	vst v7  }
0x35: {  	[tilespmem:s20+$0xFFFFFFC0] =	vst v8;
	v6 =	vld.idx.msk [tilespmem:v0+s19+$0x20 ss:$0x1], $0xffff;
	s19 =	sshra.s32 s21, $0x2;
	s21 =	sadd.s32 $0x200, s21  }
0x36: {  	_ =	sdelay $0x2  }
0x37: {  	[tilespmem:s20+$0xFFFFFFD0] =	vst v5  }
0x38: {  	v56 =	vld.idx.msk [tilespmem:v0+s19+$0x30 ss:$0x1], $0xffff;
	[tilespmem:s20+$0xFFFFFFE0] =	vst v4  }
0x39: {  	v57 =	vld.idx.msk [tilespmem:v0+s19+$0xFFFFFFC0 ss:$0x1], $0xffff;
	[tilespmem:s20+$0xFFFFFFF0] =	vst v3  }
0x3a: {  	v58 =	vld.idx.msk [tilespmem:v0+s19+$0xFFFFFFD0 ss:$0x1], $0xffff;
	[tilespmem:s20+$0x0] =	vst v1  }
0x3b: {  	v59 =	vld.idx.msk [tilespmem:v0+s19+$0xFFFFFFE0 ss:$0x1], $0xffff;
	[tilespmem:s20+$0x10] =	vst v2  }
0x3c: {  	v60 =	vld.idx.msk [tilespmem:v0+s19+$0xFFFFFFF0 ss:$0x1], $0xffff;
	s31 =	sadd.s32 $0x400, s20;
	[tilespmem:s20+$0x20] =	vst v6  }
0x3d: {  	v61 =	vld.idx.msk [tilespmem:v0+s19+$0x0 ss:$0x1], $0xffff;
	[tilespmem:s31+$0x30] =	vst v56  }
0x3e: {  	v62 =	vld.idx.msk [tilespmem:v0+s19+$0x10 ss:$0x1], $0xffff;
	s18 =	sadd.s32 $0x1, s18;
	[tilespmem:s31+$0xFFFFFFC0] =	vst v57  }
0x3f: {  	v63 =	vld.idx.msk [tilespmem:v0+s19+$0x20 ss:$0x1], $0xffff;
	p1 =	sne.s32 s18, $0x8;
	[tilespmem:s31+$0xFFFFFFD0] =	vst v58  }
.Ltmp4:
0x40: {  	[tilespmem:s31+$0xFFFFFFE0] =	vst v59;
	(pc) =	sbr.rel @p1 .LBB1_4-.Ltmp4, $4  }
0x41: {  	[tilespmem:s31+$0xFFFFFFF0] =	vst v60  }
0x42: {  	[tilespmem:s31+$0x0] =	vst v61  }
0x43: {  	[tilespmem:s31+$0x10] =	vst v62  }
0x44: {  	s16 =	sadd.s32 $0x80, s16;
	s17 =	sadd.s32 $0x400, s17;
	[tilespmem:s31+$0x20] =	vst v63  }
.Ltmp5:
0x45: {  	(pc) =	sbr.rel @p0 .LBB1_3-.Ltmp5, $2  }
0x46: {  	_ =	sdelay $0x2  }
0x47: {  	s16 =	simm.s32 $0x2000;
	p1 =	por $0x0, $0x0  }
.Ltmp6:
0x48: {  	(pc) =	sbr.rel .LBB1_9-.Ltmp6, $4  }
0x49: {  	_ = 	snop  }
0x4a: {  	s12 =	sshll.u32 s12, $0xA  }
0x4b: {  	s12 =	sadd.s32 s4, s12  }
0x4c: {  	[hbm4b:s12+s8] =	stream.linear.scatter [tilespmem:s13], [sflag:$0x2], $0x4000, $0x38;
	[tilespmem:$0x10000] =	vst v63  }
.LBB1_10:
0x4d: {  	_ =	sfence.sel $0x180000  }
0x4e: {  	s2 =	simm.s32 $0x1;
	[bflag:$0x0] =	sbarrier.arrive $0xFFFF  }
0x4f: {  	s31 =	simm.s32 $0x2;
	[sflag:s2] =	ssyncpa.u1 $0x1  }
0x50: {  	[sflag:s31] =	ssyncpa.u1 $0x1  }
0x51: {  	p0 =	sne.s32 s0, $0x0;
	_ =	strace $0x9000004A  }
0x52: {  	s0 =	sadd.s32 @!p0 $0x100000, s1;
	[bflag:$0x2] =	sbarrier.arrive $0xFFFF  }
0x53: {  	[sflag:s0] =	ssyncadd.tile.s32 @!p0 $0x1;
	_ =	shalt  }
.Lfunc_end1:
_tile_overlayer_lowered:
.L_overlay_start_2:
0x54: {  	(tag) =	ssettag $0x2  }
0x55: {  	s0 =	rddreg [dreg:$0x0];
	s2 =	stileid.u32  }
0x56: {  	s1 =	rddreg [dreg:$0x1];
	p0 =	sne.s32 s2, $0x0  }
0x57: {  	s3 =	rddreg [dreg:$0x2];
	[bflag:$0x3] =	sbarrier.arrive $0xFFFF;
	s2 =	simm.s32 @!p0 $0x1C01  }
0x58: {  	[timem:s3], [sflag:s2] =	dma.local @!p0 [hbm:s0], s1  }
0x59: {  	s0 =	simm.s32 @!p0 $0x1  }
0x5a: {  	_ =	swait.ge @!p0 [sflag:s0], s1  }
0x5b: {  	s1 =	ssub.s32 @!p0 $0x0, s1;
	[sflag:s0] =	ssyncset.done @!p0 $0x0  }
0x5c: {  	[sflag:s0] =	ssyncadd.s32 @!p0 s1  }
0x5d: {  	[bflag:$0x3] =	sbarrier.arrive $0xFFFF  }
0x5e: {  	_ =	shalt  }

</sc_bundles>
